<compile_context>
chip_gen: v7x
topology: tpu7x:2x2x1
jax: 0.10.2.dev20260603
libtpu: 0.0.44.dev20260713+nightly
codegen_flags: <defaults>
</compile_context>

<pallas_src>
import functools

import jax
import jax.numpy as jnp
from jax import lax
from jax.experimental import pallas as pl
from jax.experimental.pallas import tpu as pltpu
from jax.experimental.pallas import tpu_sc as plsc

N_NODES = 10000
N_EDGES = 320000
D_FEAT = 128
N_HID1 = 128
N_HID2 = 64
N_TYPES = 86
N_TYPES_PAD = 96
N_PAIRS = 100000

NC = 2
NS = 16
NW = NC * NS
ECHUNK = 125
PCHUNK = 120
P_CHUNKS_W = 27
N_PAIRS_PAD = NW * P_CHUNKS_W * PCHUNK

E_ROWS_T = N_EDGES // ECHUNK // NS
E_ROWS_W = N_EDGES // ECHUNK // NW
P_ROWS_W = P_CHUNKS_W
NT_A = 624
NT_TAIL = N_NODES - NT_A * (NS - 1)

_mesh = plsc.VectorSubcoreMesh(core_axis_name="c", subcore_axis_name="s")
_sc_params = pltpu.CompilerParams(use_tc_tiling_on_sc=False)


def _worker_id():
  c = lax.axis_index("c")
  s = lax.axis_index("s")
  return c, s, c * NS + s


def _copy_node_rows(src, dst, s):
  @pl.when(s < NS - 1)
  def _():
    o = pl.multiple_of(s * NT_A, 8)
    pltpu.sync_copy(src.at[pl.ds(o, NT_A)], dst.at[pl.ds(o, NT_A)])
  @pl.when(s == NS - 1)
  def _():
    o = NT_A * (NS - 1)
    pltpu.sync_copy(src.at[pl.ds(o, NT_TAIL)], dst.at[pl.ds(o, NT_TAIL)])


@functools.partial(
    pl.kernel,
    out_type=jax.ShapeDtypeStruct((NC, N_NODES, 16), jnp.float32),
    mesh=_mesh,
    scratch_types=[
        pltpu.VMEM((E_ROWS_W, ECHUNK), jnp.int32),
        pltpu.VMEM((ECHUNK, 16), jnp.float32),
        pltpu.VMEM_SHARED((N_NODES, 16), jnp.float32),
    ],
    compiler_params=_sc_params,
)
def _sc_degree(dst_hbm, ones_hbm, zeros_hbm, out_hbm, idx_v, ones_v, acc):
  c, s, wid = _worker_id()
  _copy_node_rows(zeros_hbm, acc, s)
  pltpu.sync_copy(ones_hbm, ones_v)
  pltpu.sync_copy(dst_hbm.at[wid], idx_v)
  plsc.subcore_barrier()

  def body(j, _):
    pltpu.sync_copy(ones_v, acc.at[idx_v.at[j]], add=True)
    return ()
  lax.fori_loop(0, E_ROWS_W, body, ())

  plsc.subcore_barrier()
  _copy_node_rows(acc, out_hbm.at[c], s)


def _make_sc_segsum(d):
  @functools.partial(
      pl.kernel,
      out_type=(jax.ShapeDtypeStruct((N_NODES, d), jnp.float32),
                jax.ShapeDtypeStruct((N_NODES, d), jnp.float32)),
      mesh=_mesh,
      scratch_types=[
          pltpu.VMEM((E_ROWS_T, ECHUNK), jnp.int32),
          pltpu.VMEM((E_ROWS_T, ECHUNK), jnp.int32),
          pltpu.VMEM((ECHUNK, d), jnp.float32),
          pltpu.VMEM((ECHUNK, d), jnp.float32),
          pltpu.VMEM((ECHUNK, d), jnp.float32),
          pltpu.VMEM((ECHUNK, d), jnp.float32),
          pltpu.VMEM_SHARED((N_NODES, d), jnp.float32),
          pltpu.SemaphoreType.DMA,
          pltpu.SemaphoreType.DMA,
          pltpu.SemaphoreType.DMA,
          pltpu.SemaphoreType.DMA,
          pltpu.SemaphoreType.DMA,
          pltpu.SemaphoreType.DMA,
          pltpu.SemaphoreType.DMA,
          pltpu.SemaphoreType.DMA,
      ],
      compiler_params=_sc_params,
  )
  def segsum(ga_hbm, gb_hbm, src_hbm, dst_hbm, zeros_hbm, outa_hbm, outb_hbm,
             src_v, dst_v, buf0, buf1, buf2, buf3, acc,
             gs0, gs1, gs2, gs3, ss0, ss1, ss2, ss3):
    c, s, wid = _worker_id()
    bufs = (buf0, buf1, buf2, buf3)
    gsems = (gs0, gs1, gs2, gs3)
    ssems = (ss0, ss1, ss2, ss3)
    _copy_node_rows(zeros_hbm, acc, s)
    pltpu.sync_copy(src_hbm.at[s], src_v)
    pltpu.sync_copy(dst_hbm.at[s], dst_v)
    plsc.subcore_barrier()

    def run(g_hbm):
      for b in range(3):
        pltpu.async_copy(g_hbm.at[src_v.at[b]], bufs[b], gsems[b])

      def body(k, _):
        for b in range(4):
          j = 4 * k + b
          b3 = (b + 3) % 4
          pltpu.make_async_copy(g_hbm.at[src_v.at[j]], bufs[b],
                                gsems[b]).wait()
          pltpu.async_copy(bufs[b], acc.at[dst_v.at[j]], ssems[b], add=True)
          @pl.when(j + 3 < E_ROWS_T)
          def _():
            @pl.when(j >= 1)
            def _():
              pltpu.make_async_copy(bufs[b3], acc.at[dst_v.at[j - 1]],
                                    ssems[b3]).wait()
            pltpu.async_copy(g_hbm.at[src_v.at[j + 3]], bufs[b3], gsems[b3])
        return ()
      lax.fori_loop(0, E_ROWS_T // 4, body, ())
      for b in range(4):
        j = E_ROWS_T - 4 + b
        pltpu.make_async_copy(bufs[b], acc.at[dst_v.at[j]], ssems[b]).wait()

    @pl.when(c == 0)
    def _():
      run(ga_hbm)
    @pl.when(c == 1)
    def _():
      run(gb_hbm)

    plsc.subcore_barrier()
    @pl.when(c == 0)
    def _():
      _copy_node_rows(acc, outa_hbm, s)
    @pl.when(c == 1)
    def _():
      _copy_node_rows(acc, outb_hbm, s)
  return segsum


_sc_segsum_64 = _make_sc_segsum(D_FEAT // 2)
_sc_segsum_32 = _make_sc_segsum(N_HID2 // 2)


@functools.partial(
    pl.kernel,
    out_type=jax.ShapeDtypeStruct((N_PAIRS_PAD, 128), jnp.float32),
    mesh=_mesh,
    scratch_types=[
        pltpu.VMEM((P_ROWS_W, PCHUNK), jnp.int32),
        pltpu.VMEM((P_ROWS_W, PCHUNK), jnp.int32),
        pltpu.VMEM((PCHUNK, 128), jnp.float32),
        pltpu.VMEM((PCHUNK, 128), jnp.float32),
        pltpu.VMEM((PCHUNK, 128), jnp.float32),
        pltpu.VMEM((PCHUNK, 128), jnp.float32),
        pltpu.VMEM((PCHUNK, 128), jnp.float32),
        pltpu.VMEM((PCHUNK, 128), jnp.float32),
        pltpu.SemaphoreType.DMA,
        pltpu.SemaphoreType.DMA,
        pltpu.SemaphoreType.DMA,
        pltpu.SemaphoreType.DMA,
        pltpu.SemaphoreType.DMA,
        pltpu.SemaphoreType.DMA,
    ],
)
def _sc_pairs(p1_hbm, p2_hbm, d1_hbm, d2_hbm, out_hbm,
              i1_v, i2_v, r1a, r2a, r1b, r2b, oba, obb,
              g1a, g2a, g1b, g2b, wsa, wsb):
  c, s, wid = _worker_id()
  pltpu.sync_copy(d1_hbm.at[wid], i1_v)
  pltpu.sync_copy(d2_hbm.at[wid], i2_v)
  base = wid * (P_ROWS_W * PCHUNK)

  def orows(j):
    return pl.ds(pl.multiple_of(base + j * PCHUNK, 8), PCHUNK)

  def gather(j, r1, r2, g1, g2):
    pltpu.async_copy(p1_hbm.at[i1_v.at[j]], r1, g1)
    pltpu.async_copy(p2_hbm.at[i2_v.at[j]], r2, g2)

  def slot(j, r1, r2, g1, g2, ob, ws, r1n, r2n, g1n, g2n):
    pltpu.make_async_copy(p1_hbm.at[i1_v.at[j]], r1, g1).wait()
    pltpu.make_async_copy(p2_hbm.at[i2_v.at[j]], r2, g2).wait()
    @pl.when(j + 1 < P_ROWS_W)
    def _():
      gather(j + 1, r1n, r2n, g1n, g2n)
    @pl.when(j >= 2)
    def _():
      pltpu.make_async_copy(ob, out_hbm.at[orows(j - 2)], ws).wait()

    def crow(r, _):
      for cc in range(N_TYPES_PAD // 16):
        a = r1[r, pl.ds(cc * 16, 16)]
        b = r2[r, pl.ds(cc * 16, 16)]
        z = a + b
        ob[r, pl.ds(cc * 16, 16)] = 1.0 / (1.0 + jnp.exp(-z))
      return ()
    lax.fori_loop(0, PCHUNK, crow, ())
    pltpu.async_copy(ob, out_hbm.at[orows(j)], ws)

  gather(0, r1a, r2a, g1a, g2a)

  def body(k, _):
    j0 = 2 * k
    slot(j0, r1a, r2a, g1a, g2a, oba, wsa, r1b, r2b, g1b, g2b)
    slot(j0 + 1, r1b, r2b, g1b, g2b, obb, wsb, r1a, r2a, g1a, g2a)
    return ()
  lax.fori_loop(0, P_ROWS_W // 2, body, ())
  slot(P_ROWS_W - 1, r1a, r2a, g1a, g2a, oba, wsa, r1b, r2b, g1b, g2b)
  pltpu.make_async_copy(obb, out_hbm.at[orows(P_ROWS_W - 2)], wsb).wait()
  pltpu.make_async_copy(oba, out_hbm.at[orows(P_ROWS_W - 1)], wsa).wait()


_BLK = 1000
_GRID = N_NODES // _BLK
_H = D_FEAT // 2
_Q = N_HID2 // 2


def _tc1_body(x_ref, w1_ref, p0_ref, p1_ref, ga_ref, gb_ref, dinv_ref):
  deg = 1.0 + p0_ref[:, 0:1] + p1_ref[:, 0:1]
  dinv = lax.rsqrt(deg)
  h = jnp.dot(x_ref[...], w1_ref[...], preferred_element_type=jnp.float32)
  g = h * dinv
  ga_ref[...] = g[:, :_H]
  gb_ref[...] = g[:, _H:]
  dinv_ref[...] = jnp.broadcast_to(dinv, (_BLK, D_FEAT))


def _tc2_body(sa_ref, sb_ref, ga_ref, gb_ref, dinv_ref, b1_ref, w2_ref,
              g2a_ref, g2b_ref):
  s = jnp.concatenate([sa_ref[...], sb_ref[...]], axis=1)
  g = jnp.concatenate([ga_ref[...], gb_ref[...]], axis=1)
  pre = dinv_ref[...] * (s + g) + b1_ref[...]
  h1 = jnp.maximum(pre, 0.0)
  g2 = jnp.dot(h1, w2_ref[...], preferred_element_type=jnp.float32)
  g2 = g2 * dinv_ref[:, :N_HID2]
  g2a_ref[...] = g2[:, :_Q]
  g2b_ref[...] = g2[:, _Q:]


def _tc3_body(sa_ref, sb_ref, g2a_ref, g2b_ref, dinv_ref, b2_ref,
              wf1_ref, wf2_ref, bf_ref, o1_ref, o2_ref):
  s = jnp.concatenate([sa_ref[...], sb_ref[...]], axis=1)
  g = jnp.concatenate([g2a_ref[...], g2b_ref[...]], axis=1)
  pre = dinv_ref[:, :N_HID2] * (s + g) + b2_ref[...]
  h2 = jnp.maximum(pre, 0.0)
  o1_ref[...] = jnp.dot(h2, wf1_ref[...],
                        preferred_element_type=jnp.float32) + bf_ref[...]
  o2_ref[...] = jnp.dot(h2, wf2_ref[...], preferred_element_type=jnp.float32)


def _row_spec(d):
  return pl.BlockSpec((_BLK, d), lambda i: (i, 0))


def _full_spec(r, d):
  return pl.BlockSpec((r, d), lambda i: (0, 0))


_tc1 = pl.pallas_call(
    _tc1_body,
    grid=(_GRID,),
    in_specs=[_row_spec(D_FEAT), _full_spec(D_FEAT, N_HID1),
              _row_spec(16), _row_spec(16)],
    out_specs=[_row_spec(_H), _row_spec(_H), _row_spec(D_FEAT)],
    out_shape=[jax.ShapeDtypeStruct((N_NODES, _H), jnp.float32),
               jax.ShapeDtypeStruct((N_NODES, _H), jnp.float32),
               jax.ShapeDtypeStruct((N_NODES, D_FEAT), jnp.float32)],
)

_tc2 = pl.pallas_call(
    _tc2_body,
    grid=(_GRID,),
    in_specs=[_row_spec(_H), _row_spec(_H), _row_spec(_H), _row_spec(_H),
              _row_spec(D_FEAT), _full_spec(1, N_HID1),
              _full_spec(N_HID1, N_HID2)],
    out_specs=[_row_spec(_Q), _row_spec(_Q)],
    out_shape=[jax.ShapeDtypeStruct((N_NODES, _Q), jnp.float32),
               jax.ShapeDtypeStruct((N_NODES, _Q), jnp.float32)],
)

_tc3 = pl.pallas_call(
    _tc3_body,
    grid=(_GRID,),
    in_specs=[_row_spec(_Q), _row_spec(_Q), _row_spec(_Q), _row_spec(_Q),
              _row_spec(D_FEAT),
              _full_spec(1, N_HID2),
              _full_spec(N_HID2, 128), _full_spec(N_HID2, 128),
              _full_spec(1, 128)],
    out_specs=[_row_spec(128), _row_spec(128)],
    out_shape=[jax.ShapeDtypeStruct((N_NODES, 128), jnp.float32),
               jax.ShapeDtypeStruct((N_NODES, 128), jnp.float32)],
)


@jax.jit
def kernel(x, W1, b1, W2, b2, Wf, bf, edge_index, drug1_idx, drug2_idx):
  dst_w = edge_index[1].reshape(NW, E_ROWS_W, ECHUNK)
  src_t = edge_index[0].reshape(NS, E_ROWS_T, ECHUNK)
  dst_t = edge_index[1].reshape(NS, E_ROWS_T, ECHUNK)
  npad = N_PAIRS_PAD - N_PAIRS
  d1_3d = jnp.pad(drug1_idx, (0, npad), mode="wrap").reshape(NW, P_ROWS_W, PCHUNK)
  d2_3d = jnp.pad(drug2_idx, (0, npad), mode="wrap").reshape(NW, P_ROWS_W, PCHUNK)

  ones16 = jnp.ones((ECHUNK, 16), jnp.float32)
  zeros16 = jnp.zeros((N_NODES, 16), jnp.float32)
  zeros_h = jnp.zeros((N_NODES, _H), jnp.float32)
  zeros_q = jnp.zeros((N_NODES, _Q), jnp.float32)

  wf1 = jnp.zeros((N_HID2, 128), jnp.float32).at[:, :N_TYPES].set(Wf[:N_HID2])
  wf2 = jnp.zeros((N_HID2, 128), jnp.float32).at[:, :N_TYPES].set(Wf[N_HID2:])
  bfp = jnp.zeros((1, 128), jnp.float32).at[0, :N_TYPES].set(bf)

  degp = _sc_degree(dst_w, ones16, zeros16)
  ga, gb, dinvb = _tc1(x, W1, degp[0], degp[1])
  s1a, s1b = _sc_segsum_64(ga, gb, src_t, dst_t, zeros_h)
  g2a, g2b = _tc2(s1a, s1b, ga, gb, dinvb, b1.reshape(1, N_HID1), W2)
  s2a, s2b = _sc_segsum_32(g2a, g2b, src_t, dst_t, zeros_q)
  p1, p2 = _tc3(s2a, s2b, g2a, g2b, dinvb, b2.reshape(1, N_HID2), wf1, wf2, bfp)
  out = _sc_pairs(p1, p2, d1_3d, d2_3d)
  return out[:N_PAIRS, :N_TYPES]

# --- scband reference (transcript-rebuilt; emitter-appended) ---
"""Pipeline reference for scband-ddipredictor-10273561772323 (READ-ONLY COPY).

The authoritative reference and input builder live on the scoring server;
editing this copy changes nothing except your own understanding.
"""

import jax, jax.numpy as jnp
import numpy as np

NUM_NODES = 10000
NUM_EDGES = 320000
D_FEAT = 128
HID1 = 128
HID2 = 64
NUM_TYPES = 86
NUM_PAIRS = 100000


def gcn_conv(x, src, dst, W, b, num_nodes):
    # GCNConv: h = D^{-1/2} (A + I) D^{-1/2} X W + b
    h = x @ W
    loop = jnp.arange(num_nodes, dtype=src.dtype)
    src2 = jnp.concatenate([src, loop])
    dst2 = jnp.concatenate([dst, loop])
    ones = jnp.ones(src2.shape[0], dtype=h.dtype)
    deg = jax.ops.segment_sum(ones, dst2, num_segments=num_nodes)
    dinv = jnp.where(deg > 0, jax.lax.rsqrt(deg), 0.0)
    norm = dinv[src2] * dinv[dst2]
    msg = h[src2] * norm[:, None]
    out = jax.ops.segment_sum(msg, dst2, num_segments=num_nodes)
    return out + b


def setup_inputs(seed: int = 0) -> dict:
    key = jax.random.key(seed)
    ks = jax.random.split(key, 10)
    x = jax.random.normal(ks[0], (NUM_NODES, D_FEAT), dtype=jnp.float32)
    edge_index = jax.random.randint(ks[1], (2, NUM_EDGES), 0, NUM_NODES, dtype=jnp.int64 if jax.config.jax_enable_x64 else jnp.int32).astype(jnp.int32)
    drug1_idx = jax.random.randint(ks[2], (NUM_PAIRS,), 0, NUM_NODES).astype(jnp.int32)
    drug2_idx = jax.random.randint(ks[3], (NUM_PAIRS,), 0, NUM_NODES).astype(jnp.int32)
    # glorot-style params
    W1 = jax.random.normal(ks[4], (D_FEAT, HID1), dtype=jnp.float32) * (1.0 / np.sqrt(D_FEAT))
    b1 = jnp.zeros((HID1,), dtype=jnp.float32)
    W2 = jax.random.normal(ks[5], (HID1, HID2), dtype=jnp.float32) * (1.0 / np.sqrt(HID1))
    b2 = jnp.zeros((HID2,), dtype=jnp.float32)
    Wf = jax.random.normal(ks[6], (HID2 * 2, NUM_TYPES), dtype=jnp.float32) * (1.0 / np.sqrt(HID2 * 2))
    bf = jnp.zeros((NUM_TYPES,), dtype=jnp.float32)
    return {"x": x, "W1": W1, "b1": b1, "W2": W2, "b2": b2, "Wf": Wf, "bf": bf,
            "edge_index": edge_index, "drug1_idx": drug1_idx, "drug2_idx": drug2_idx}


def reference(x, W1, b1, W2, b2, Wf, bf, edge_index, drug1_idx, drug2_idx):
    src = edge_index[0]
    dst = edge_index[1]
    h = jax.nn.relu(gcn_conv(x, src, dst, W1, b1, NUM_NODES))
    # dropout p=0.3 is identity in eval mode
    h = jax.nn.relu(gcn_conv(h, src, dst, W2, b2, NUM_NODES))
    d1 = h[drug1_idx]
    d2 = h[drug2_idx]
    combined = jnp.concatenate([d1, d2], axis=1)
    return jax.nn.sigmoid(combined @ Wf + bf)

if __name__ == "__main__":
    import jax
    _d = setup_inputs()
    print(jax.jit(kernel)(*tuple(_d.values())))

</pallas_src>

<mosaic_0001>
#map = affine_map<(d0, d1) -> (0, 0)>
#map1 = affine_map<(d0, d1) -> (0, 0, 0)>
module attributes {stable_mosaic.version = 14 : i64} {
  func.func @segsum(%arg0: i32, %arg1: i32, %arg2: memref<10000x32xf32, #tpu.memory_space<hbm>>, %arg3: memref<10000x32xf32, #tpu.memory_space<hbm>>, %arg4: memref<16x160x125xi32, #tpu.memory_space<hbm>>, %arg5: memref<16x160x125xi32, #tpu.memory_space<hbm>>, %arg6: memref<10000x32xf32, #tpu.memory_space<hbm>>, %arg7: memref<10000x32xf32, #tpu.memory_space<hbm>>, %arg8: memref<10000x32xf32, #tpu.memory_space<hbm>>, %arg9: memref<160x125xi32, #tpu.memory_space<vmem>>, %arg10: memref<160x125xi32, #tpu.memory_space<vmem>>, %arg11: memref<125x32xf32, #tpu.memory_space<vmem>>, %arg12: memref<125x32xf32, #tpu.memory_space<vmem>>, %arg13: memref<125x32xf32, #tpu.memory_space<vmem>>, %arg14: memref<125x32xf32, #tpu.memory_space<vmem>>, %arg15: memref<10000x32xf32, #tpu.memory_space<vmem_shared>>, %arg16: memref<!tpu.dma_semaphore, #tpu.memory_space<semaphore_mem>>, %arg17: memref<!tpu.dma_semaphore, #tpu.memory_space<semaphore_mem>>, %arg18: memref<!tpu.dma_semaphore, #tpu.memory_space<semaphore_mem>>, %arg19: memref<!tpu.dma_semaphore, #tpu.memory_space<semaphore_mem>>, %arg20: memref<!tpu.dma_semaphore, #tpu.memory_space<semaphore_mem>>, %arg21: memref<!tpu.dma_semaphore, #tpu.memory_space<semaphore_mem>>, %arg22: memref<!tpu.dma_semaphore, #tpu.memory_space<semaphore_mem>>, %arg23: memref<!tpu.dma_semaphore, #tpu.memory_space<semaphore_mem>>) attributes {dimension_semantics = [#tpu.dimension_semantics<core_parallel>, #tpu.dimension_semantics<subcore_parallel>], iteration_bounds = array<i64: 2, 16>, scalar_prefetch = 0 : i64, scratch_operands = 15 : i64, tpu.core_type = #tpu.core_type<sc_vector_subcore>, window_params = [{transform_indices = #map}, {transform_indices = #map}, {transform_indices = #map1}, {transform_indices = #map1}, {transform_indices = #map}, {transform_indices = #map}, {transform_indices = #map}]} {
    %mul3A = arith.constant 16 : i32
    %mul3A_0 = arith.muli %arg0, %mul3A : i32
    %add3A = arith.addi %mul3A_0, %arg1 : i32
    %lt3A = arith.constant 15 : i32
    %lt3A_1 = arith.cmpi slt, %arg1, %lt3A : i32
    %convert_element_type3A = arith.extui %lt3A_1 : i1 to i32
    %cond3A = arith.constant 0 : i32
    %cond3A_2 = arith.cmpi ne, %convert_element_type3A, %cond3A : i32
    scf.if %cond3A_2 {
      %mul3A_28 = arith.constant 624 : i32
      %mul3A_29 = arith.muli %arg1, %mul3A_28 : i32
      %multiple_of3A = tpu.assume_multiple %mul3A_29, 8 : i32
      "tpu.region"() ({
        %run_scoped3A = tpu.sem_alloc : memref<!tpu.dma_semaphore, #tpu.memory_space<semaphore_mem>>
        %dma_start3A = arith.constant 0 : i32
        %dma_start3A_30 = tpu.memref_slice %arg15[%multiple_of3A, %dma_start3A] : memref<10000x32xf32, #tpu.memory_space<vmem_shared>> -> memref<624x32xf32, #tpu.memory_space<vmem_shared>>
        %dma_start3A_31 = arith.constant 0 : i32
        %dma_start3A_32 = tpu.memref_slice %arg6[%multiple_of3A, %dma_start3A_31] : memref<10000x32xf32, #tpu.memory_space<hbm>> -> memref<624x32xf32, #tpu.memory_space<hbm>>
        tpu.enqueue_dma source(%dma_start3A_32 : memref<624x32xf32, #tpu.memory_space<hbm>>) target(%dma_start3A_30 : memref<624x32xf32, #tpu.memory_space<vmem_shared>>) target_semaphore(%run_scoped3A : memref<!tpu.dma_semaphore, #tpu.memory_space<semaphore_mem>>)
        %dma_wait3A = arith.constant 0 : i32
        %dma_wait3A_33 = tpu.memref_slice %arg15[%multiple_of3A, %dma_wait3A] : memref<10000x32xf32, #tpu.memory_space<vmem_shared>> -> memref<624x32xf32, #tpu.memory_space<vmem_shared>>
        %dma_wait3A_34 = arith.constant 0 : i32
        %dma_wait3A_35 = tpu.memref_slice %arg6[%multiple_of3A, %dma_wait3A_34] : memref<10000x32xf32, #tpu.memory_space<hbm>> -> memref<624x32xf32, #tpu.memory_space<hbm>>
        tpu.wait_dma2 semaphore(%run_scoped3A : memref<!tpu.dma_semaphore, #tpu.memory_space<semaphore_mem>>) src(%dma_wait3A_35 : memref<624x32xf32, #tpu.memory_space<hbm>>) dst(%dma_wait3A_33 : memref<624x32xf32, #tpu.memory_space<vmem_shared>>)
        tpu.yield
      }) : () -> ()
    } else {
    }
    %eq3A = arith.constant 15 : i32
    %eq3A_3 = arith.cmpi eq, %arg1, %eq3A : i32
    %convert_element_type3A_4 = arith.extui %eq3A_3 : i1 to i32
    %cond3A_5 = arith.constant 0 : i32
    %cond3A_6 = arith.cmpi ne, %convert_element_type3A_4, %cond3A_5 : i32
    scf.if %cond3A_6 {
      "tpu.region"() ({
        %run_scoped3A = tpu.sem_alloc : memref<!tpu.dma_semaphore, #tpu.memory_space<semaphore_mem>>
        %dma_start3A = arith.constant 9360 : i32
        %dma_start3A_28 = arith.constant 0 : i32
        %dma_start3A_29 = tpu.memref_slice %arg15[%dma_start3A, %dma_start3A_28] : memref<10000x32xf32, #tpu.memory_space<vmem_shared>> -> memref<640x32xf32, #tpu.memory_space<vmem_shared>>
        %dma_start3A_30 = arith.constant 9360 : i32
        %dma_start3A_31 = arith.constant 0 : i32
        %dma_start3A_32 = tpu.memref_slice %arg6[%dma_start3A_30, %dma_start3A_31] : memref<10000x32xf32, #tpu.memory_space<hbm>> -> memref<640x32xf32, #tpu.memory_space<hbm>>
        tpu.enqueue_dma source(%dma_start3A_32 : memref<640x32xf32, #tpu.memory_space<hbm>>) target(%dma_start3A_29 : memref<640x32xf32, #tpu.memory_space<vmem_shared>>) target_semaphore(%run_scoped3A : memref<!tpu.dma_semaphore, #tpu.memory_space<semaphore_mem>>)
        %dma_wait3A = arith.constant 9360 : i32
        %dma_wait3A_33 = arith.constant 0 : i32
        %dma_wait3A_34 = tpu.memref_slice %arg15[%dma_wait3A, %dma_wait3A_33] : memref<10000x32xf32, #tpu.memory_space<vmem_shared>> -> memref<640x32xf32, #tpu.memory_space<vmem_shared>>
        %dma_wait3A_35 = arith.constant 9360 : i32
        %dma_wait3A_36 = arith.constant 0 : i32
        %dma_wait3A_37 = tpu.memref_slice %arg6[%dma_wait3A_35, %dma_wait3A_36] : memref<10000x32xf32, #tpu.memory_space<hbm>> -> memref<640x32xf32, #tpu.memory_space<hbm>>
        tpu.wait_dma2 semaphore(%run_scoped3A : memref<!tpu.dma_semaphore, #tpu.memory_space<semaphore_mem>>) src(%dma_wait3A_37 : memref<640x32xf32, #tpu.memory_space<hbm>>) dst(%dma_wait3A_34 : memref<640x32xf32, #tpu.memory_space<vmem_shared>>)
        tpu.yield
      }) : () -> ()
    } else {
    }
    "tpu.region"() ({
      %run_scoped3A = tpu.sem_alloc : memref<!tpu.dma_semaphore, #tpu.memory_space<semaphore_mem>>
      %dma_start3A = arith.constant 0 : i32
      %dma_start3A_28 = arith.constant 0 : i32
      %dma_start3A_29 = tpu.memref_slice %arg4[%arg1, %dma_start3A, %dma_start3A_28] : memref<16x160x125xi32, #tpu.memory_space<hbm>> -> memref<1x160x125xi32, #tpu.memory_space<hbm>>
      %dma_start3A_30 = tpu.memref_squeeze %dma_start3A_29 : memref<1x160x125xi32, #tpu.memory_space<hbm>> -> memref<160x125xi32, #tpu.memory_space<hbm>>
      %dma_start3A_31 = arith.constant 0 : i32
      %dma_start3A_32 = arith.constant 0 : i32
      %dma_start3A_33 = tpu.memref_slice %arg4[%arg1, %dma_start3A_31, %dma_start3A_32] : memref<16x160x125xi32, #tpu.memory_space<hbm>> -> memref<1x160x125xi32, #tpu.memory_space<hbm>>
      %dma_start3A_34 = tpu.memref_squeeze %dma_start3A_33 : memref<1x160x125xi32, #tpu.memory_space<hbm>> -> memref<160x125xi32, #tpu.memory_space<hbm>>
      tpu.enqueue_dma source(%dma_start3A_34 : memref<160x125xi32, #tpu.memory_space<hbm>>) target(%arg9 : memref<160x125xi32, #tpu.memory_space<vmem>>) target_semaphore(%run_scoped3A : memref<!tpu.dma_semaphore, #tpu.memory_space<semaphore_mem>>)
      %dma_wait3A = arith.constant 0 : i32
      %dma_wait3A_35 = arith.constant 0 : i32
      %dma_wait3A_36 = tpu.memref_slice %arg4[%arg1, %dma_wait3A, %dma_wait3A_35] : memref<16x160x125xi32, #tpu.memory_space<hbm>> -> memref<1x160x125xi32, #tpu.memory_space<hbm>>
      %dma_wait3A_37 = tpu.memref_squeeze %dma_wait3A_36 : memref<1x160x125xi32, #tpu.memory_space<hbm>> -> memref<160x125xi32, #tpu.memory_space<hbm>>
      %dma_wait3A_38 = arith.constant 0 : i32
      %dma_wait3A_39 = arith.constant 0 : i32
      %dma_wait3A_40 = tpu.memref_slice %arg4[%arg1, %dma_wait3A_38, %dma_wait3A_39] : memref<16x160x125xi32, #tpu.memory_space<hbm>> -> memref<1x160x125xi32, #tpu.memory_space<hbm>>
      %dma_wait3A_41 = tpu.memref_squeeze %dma_wait3A_40 : memref<1x160x125xi32, #tpu.memory_space<hbm>> -> memref<160x125xi32, #tpu.memory_space<hbm>>
      tpu.wait_dma2 semaphore(%run_scoped3A : memref<!tpu.dma_semaphore, #tpu.memory_space<semaphore_mem>>) src(%dma_wait3A_41 : memref<160x125xi32, #tpu.memory_space<hbm>>) dst(%arg9 : memref<160x125xi32, #tpu.memory_space<vmem>>)
      tpu.yield
    }) : () -> ()
    "tpu.region"() ({
      %run_scoped3A = tpu.sem_alloc : memref<!tpu.dma_semaphore, #tpu.memory_space<semaphore_mem>>
      %dma_start3A = arith.constant 0 : i32
      %dma_start3A_28 = arith.constant 0 : i32
      %dma_start3A_29 = tpu.memref_slice %arg5[%arg1, %dma_start3A, %dma_start3A_28] : memref<16x160x125xi32, #tpu.memory_space<hbm>> -> memref<1x160x125xi32, #tpu.memory_space<hbm>>
      %dma_start3A_30 = tpu.memref_squeeze %dma_start3A_29 : memref<1x160x125xi32, #tpu.memory_space<hbm>> -> memref<160x125xi32, #tpu.memory_space<hbm>>
      %dma_start3A_31 = arith.constant 0 : i32
      %dma_start3A_32 = arith.constant 0 : i32
      %dma_start3A_33 = tpu.memref_slice %arg5[%arg1, %dma_start3A_31, %dma_start3A_32] : memref<16x160x125xi32, #tpu.memory_space<hbm>> -> memref<1x160x125xi32, #tpu.memory_space<hbm>>
      %dma_start3A_34 = tpu.memref_squeeze %dma_start3A_33 : memref<1x160x125xi32, #tpu.memory_space<hbm>> -> memref<160x125xi32, #tpu.memory_space<hbm>>
      tpu.enqueue_dma source(%dma_start3A_34 : memref<160x125xi32, #tpu.memory_space<hbm>>) target(%arg10 : memref<160x125xi32, #tpu.memory_space<vmem>>) target_semaphore(%run_scoped3A : memref<!tpu.dma_semaphore, #tpu.memory_space<semaphore_mem>>)
      %dma_wait3A = arith.constant 0 : i32
      %dma_wait3A_35 = arith.constant 0 : i32
      %dma_wait3A_36 = tpu.memref_slice %arg5[%arg1, %dma_wait3A, %dma_wait3A_35] : memref<16x160x125xi32, #tpu.memory_space<hbm>> -> memref<1x160x125xi32, #tpu.memory_space<hbm>>
      %dma_wait3A_37 = tpu.memref_squeeze %dma_wait3A_36 : memref<1x160x125xi32, #tpu.memory_space<hbm>> -> memref<160x125xi32, #tpu.memory_space<hbm>>
      %dma_wait3A_38 = arith.constant 0 : i32
      %dma_wait3A_39 = arith.constant 0 : i32
      %dma_wait3A_40 = tpu.memref_slice %arg5[%arg1, %dma_wait3A_38, %dma_wait3A_39] : memref<16x160x125xi32, #tpu.memory_space<hbm>> -> memref<1x160x125xi32, #tpu.memory_space<hbm>>
      %dma_wait3A_41 = tpu.memref_squeeze %dma_wait3A_40 : memref<1x160x125xi32, #tpu.memory_space<hbm>> -> memref<160x125xi32, #tpu.memory_space<hbm>>
      tpu.wait_dma2 semaphore(%run_scoped3A : memref<!tpu.dma_semaphore, #tpu.memory_space<semaphore_mem>>) src(%dma_wait3A_41 : memref<160x125xi32, #tpu.memory_space<hbm>>) dst(%arg10 : memref<160x125xi32, #tpu.memory_space<vmem>>)
      tpu.yield
    }) : () -> ()
    %barrier3A = arith.constant 0 : index
    tpu.barrier barrier_id(%barrier3A)
    %eq3A_7 = arith.constant 0 : i32
    %eq3A_8 = arith.cmpi eq, %arg0, %eq3A_7 : i32
    %convert_element_type3A_9 = arith.extui %eq3A_8 : i1 to i32
    %cond3A_10 = arith.constant 0 : i32
    %cond3A_11 = arith.cmpi ne, %convert_element_type3A_9, %cond3A_10 : i32
    scf.if %cond3A_11 {
      %dma_start3A = arith.constant 0 : i32
      %dma_start3A_28 = arith.constant 0 : i32
      %dma_start3A_29 = tpu.memref_slice %arg9[%dma_start3A, %dma_start3A_28] : memref<160x125xi32, #tpu.memory_space<vmem>> -> memref<1x125xi32, #tpu.memory_space<vmem>>
      %dma_start3A_30 = tpu.memref_squeeze %dma_start3A_29 : memref<1x125xi32, #tpu.memory_space<vmem>> -> memref<125xi32, #tpu.memory_space<vmem>>
      %dma_start3A_31 = arith.constant 0 : i32
      %dma_start3A_32 = arith.constant 0 : i32
      %dma_start3A_33 = tpu.memref_slice %arg2[%dma_start3A_31, %dma_start3A_32] : memref<10000x32xf32, #tpu.memory_space<hbm>> -> memref<10000x32xf32, #tpu.memory_space<hbm>>
      tpu.enqueue_indirect_dma source(%dma_start3A_33 : memref<10000x32xf32, #tpu.memory_space<hbm>>) target(%arg11 : memref<125x32xf32, #tpu.memory_space<vmem>>) offsets(%dma_start3A_30 : memref<125xi32, #tpu.memory_space<vmem>>) semaphore(%arg16 : memref<!tpu.dma_semaphore, #tpu.memory_space<semaphore_mem>>)
      %dma_start3A_34 = arith.constant 1 : i32
      %dma_start3A_35 = arith.constant 0 : i32
      %dma_start3A_36 = tpu.memref_slice %arg9[%dma_start3A_34, %dma_start3A_35] : memref<160x125xi32, #tpu.memory_space<vmem>> -> memref<1x125xi32, #tpu.memory_space<vmem>>
      %dma_start3A_37 = tpu.memref_squeeze %dma_start3A_36 : memref<1x125xi32, #tpu.memory_space<vmem>> -> memref<125xi32, #tpu.memory_space<vmem>>
      %dma_start3A_38 = arith.constant 0 : i32
      %dma_start3A_39 = arith.constant 0 : i32
      %dma_start3A_40 = tpu.memref_slice %arg2[%dma_start3A_38, %dma_start3A_39] : memref<10000x32xf32, #tpu.memory_space<hbm>> -> memref<10000x32xf32, #tpu.memory_space<hbm>>
      tpu.enqueue_indirect_dma source(%dma_start3A_40 : memref<10000x32xf32, #tpu.memory_space<hbm>>) target(%arg12 : memref<125x32xf32, #tpu.memory_space<vmem>>) offsets(%dma_start3A_37 : memref<125xi32, #tpu.memory_space<vmem>>) semaphore(%arg17 : memref<!tpu.dma_semaphore, #tpu.memory_space<semaphore_mem>>)
      %dma_start3A_41 = arith.constant 2 : i32
      %dma_start3A_42 = arith.constant 0 : i32
      %dma_start3A_43 = tpu.memref_slice %arg9[%dma_start3A_41, %dma_start3A_42] : memref<160x125xi32, #tpu.memory_space<vmem>> -> memref<1x125xi32, #tpu.memory_space<vmem>>
      %dma_start3A_44 = tpu.memref_squeeze %dma_start3A_43 : memref<1x125xi32, #tpu.memory_space<vmem>> -> memref<125xi32, #tpu.memory_space<vmem>>
      %dma_start3A_45 = arith.constant 0 : i32
      %dma_start3A_46 = arith.constant 0 : i32
      %dma_start3A_47 = tpu.memref_slice %arg2[%dma_start3A_45, %dma_start3A_46] : memref<10000x32xf32, #tpu.memory_space<hbm>> -> memref<10000x32xf32, #tpu.memory_space<hbm>>
      tpu.enqueue_indirect_dma source(%dma_start3A_47 : memref<10000x32xf32, #tpu.memory_space<hbm>>) target(%arg13 : memref<125x32xf32, #tpu.memory_space<vmem>>) offsets(%dma_start3A_44 : memref<125xi32, #tpu.memory_space<vmem>>) semaphore(%arg18 : memref<!tpu.dma_semaphore, #tpu.memory_space<semaphore_mem>>)
      %scan3A = arith.constant 0 : i32
      %scan3A_48 = arith.constant 40 : i32
      %scan3A_49 = arith.addi %scan3A, %scan3A_48 : i32
      %scan3A_50 = arith.constant 1 : i32
      scf.for %scan3A_79 = %scan3A to %scan3A_49 step %scan3A_50  : i32 {
        %mul3A_80 = arith.constant 4 : i32
        %mul3A_81 = arith.muli %mul3A_80, %scan3A_79 : i32
        %add3A_82 = arith.constant 0 : i32
        %add3A_83 = arith.addi %mul3A_81, %add3A_82 : i32
        %dma_wait3A_84 = arith.constant 0 : i32
        %dma_wait3A_85 = tpu.memref_slice %arg9[%add3A_83, %dma_wait3A_84] : memref<160x125xi32, #tpu.memory_space<vmem>> -> memref<1x125xi32, #tpu.memory_space<vmem>>
        %dma_wait3A_86 = tpu.memref_squeeze %dma_wait3A_85 : memref<1x125xi32, #tpu.memory_space<vmem>> -> memref<125xi32, #tpu.memory_space<vmem>>
        %dma_wait3A_87 = arith.constant 0 : i32
        %dma_wait3A_88 = arith.constant 0 : i32
        %dma_wait3A_89 = tpu.memref_slice %arg2[%dma_wait3A_87, %dma_wait3A_88] : memref<10000x32xf32, #tpu.memory_space<hbm>> -> memref<10000x32xf32, #tpu.memory_space<hbm>>
        tpu.wait_indirect_dma semaphore(%arg16 : memref<!tpu.dma_semaphore, #tpu.memory_space<semaphore_mem>>) src(%dma_wait3A_89 : memref<10000x32xf32, #tpu.memory_space<hbm>>) dst(%arg11 : memref<125x32xf32, #tpu.memory_space<vmem>>)
        %dma_start3A_90 = arith.constant 0 : i32
        %dma_start3A_91 = tpu.memref_slice %arg10[%add3A_83, %dma_start3A_90] : memref<160x125xi32, #tpu.memory_space<vmem>> -> memref<1x125xi32, #tpu.memory_space<vmem>>
        %dma_start3A_92 = tpu.memref_squeeze %dma_start3A_91 : memref<1x125xi32, #tpu.memory_space<vmem>> -> memref<125xi32, #tpu.memory_space<vmem>>
        %dma_start3A_93 = arith.constant 0 : i32
        %dma_start3A_94 = arith.constant 0 : i32
        %dma_start3A_95 = tpu.memref_slice %arg15[%dma_start3A_93, %dma_start3A_94] : memref<10000x32xf32, #tpu.memory_space<vmem_shared>> -> memref<10000x32xf32, #tpu.memory_space<vmem_shared>>
        tpu.enqueue_indirect_dma source(%arg11 : memref<125x32xf32, #tpu.memory_space<vmem>>) target(%dma_start3A_95 : memref<10000x32xf32, #tpu.memory_space<vmem_shared>>) offsets(%dma_start3A_92 : memref<125xi32, #tpu.memory_space<vmem>>) semaphore(%arg20 : memref<!tpu.dma_semaphore, #tpu.memory_space<semaphore_mem>>) {add = true}
        %add3A_96 = arith.constant 3 : i32
        %add3A_97 = arith.addi %add3A_83, %add3A_96 : i32
        %lt3A_98 = arith.constant 160 : i32
        %lt3A_99 = arith.cmpi slt, %add3A_97, %lt3A_98 : i32
        %convert_element_type3A_100 = arith.extui %lt3A_99 : i1 to i32
        %cond3A_101 = arith.constant 0 : i32
        %cond3A_102 = arith.cmpi ne, %convert_element_type3A_100, %cond3A_101 : i32
        scf.if %cond3A_102 {
          %ge3A = arith.constant 1 : i32
          %ge3A_172 = arith.cmpi sge, %add3A_83, %ge3A : i32
          %convert_element_type3A_173 = arith.extui %ge3A_172 : i1 to i32
          %cond3A_174 = arith.constant 0 : i32
          %cond3A_175 = arith.cmpi ne, %convert_element_type3A_173, %cond3A_174 : i32
          scf.if %cond3A_175 {
            %sub3A = arith.constant 1 : i32
            %sub3A_184 = arith.subi %add3A_83, %sub3A : i32
            %dma_wait3A_185 = arith.constant 0 : i32
            %dma_wait3A_186 = tpu.memref_slice %arg10[%sub3A_184, %dma_wait3A_185] : memref<160x125xi32, #tpu.memory_space<vmem>> -> memref<1x125xi32, #tpu.memory_space<vmem>>
            %dma_wait3A_187 = tpu.memref_squeeze %dma_wait3A_186 : memref<1x125xi32, #tpu.memory_space<vmem>> -> memref<125xi32, #tpu.memory_space<vmem>>
            %dma_wait3A_188 = arith.constant 0 : i32
            %dma_wait3A_189 = arith.constant 0 : i32
            %dma_wait3A_190 = tpu.memref_slice %arg15[%dma_wait3A_188, %dma_wait3A_189] : memref<10000x32xf32, #tpu.memory_space<vmem_shared>> -> memref<10000x32xf32, #tpu.memory_space<vmem_shared>>
            tpu.wait_indirect_dma semaphore(%arg23 : memref<!tpu.dma_semaphore, #tpu.memory_space<semaphore_mem>>) src(%arg14 : memref<125x32xf32, #tpu.memory_space<vmem>>) dst(%dma_wait3A_190 : memref<10000x32xf32, #tpu.memory_space<vmem_shared>>)
          } else {
          }
          %add3A_176 = arith.constant 3 : i32
          %add3A_177 = arith.addi %add3A_83, %add3A_176 : i32
          %dma_start3A_178 = arith.constant 0 : i32
          %dma_start3A_179 = tpu.memref_slice %arg9[%add3A_177, %dma_start3A_178] : memref<160x125xi32, #tpu.memory_space<vmem>> -> memref<1x125xi32, #tpu.memory_space<vmem>>
          %dma_start3A_180 = tpu.memref_squeeze %dma_start3A_179 : memref<1x125xi32, #tpu.memory_space<vmem>> -> memref<125xi32, #tpu.memory_space<vmem>>
          %dma_start3A_181 = arith.constant 0 : i32
          %dma_start3A_182 = arith.constant 0 : i32
          %dma_start3A_183 = tpu.memref_slice %arg2[%dma_start3A_181, %dma_start3A_182] : memref<10000x32xf32, #tpu.memory_space<hbm>> -> memref<10000x32xf32, #tpu.memory_space<hbm>>
          tpu.enqueue_indirect_dma source(%dma_start3A_183 : memref<10000x32xf32, #tpu.memory_space<hbm>>) target(%arg14 : memref<125x32xf32, #tpu.memory_space<vmem>>) offsets(%dma_start3A_180 : memref<125xi32, #tpu.memory_space<vmem>>) semaphore(%arg19 : memref<!tpu.dma_semaphore, #tpu.memory_space<semaphore_mem>>)
        } else {
        }
        %mul3A_103 = arith.constant 4 : i32
        %mul3A_104 = arith.muli %mul3A_103, %scan3A_79 : i32
        %add3A_105 = arith.constant 1 : i32
        %add3A_106 = arith.addi %mul3A_104, %add3A_105 : i32
        %dma_wait3A_107 = arith.constant 0 : i32
        %dma_wait3A_108 = tpu.memref_slice %arg9[%add3A_106, %dma_wait3A_107] : memref<160x125xi32, #tpu.memory_space<vmem>> -> memref<1x125xi32, #tpu.memory_space<vmem>>
        %dma_wait3A_109 = tpu.memref_squeeze %dma_wait3A_108 : memref<1x125xi32, #tpu.memory_space<vmem>> -> memref<125xi32, #tpu.memory_space<vmem>>
        %dma_wait3A_110 = arith.constant 0 : i32
        %dma_wait3A_111 = arith.constant 0 : i32
        %dma_wait3A_112 = tpu.memref_slice %arg2[%dma_wait3A_110, %dma_wait3A_111] : memref<10000x32xf32, #tpu.memory_space<hbm>> -> memref<10000x32xf32, #tpu.memory_space<hbm>>
        tpu.wait_indirect_dma semaphore(%arg17 : memref<!tpu.dma_semaphore, #tpu.memory_space<semaphore_mem>>) src(%dma_wait3A_112 : memref<10000x32xf32, #tpu.memory_space<hbm>>) dst(%arg12 : memref<125x32xf32, #tpu.memory_space<vmem>>)
        %dma_start3A_113 = arith.constant 0 : i32
        %dma_start3A_114 = tpu.memref_slice %arg10[%add3A_106, %dma_start3A_113] : memref<160x125xi32, #tpu.memory_space<vmem>> -> memref<1x125xi32, #tpu.memory_space<vmem>>
        %dma_start3A_115 = tpu.memref_squeeze %dma_start3A_114 : memref<1x125xi32, #tpu.memory_space<vmem>> -> memref<125xi32, #tpu.memory_space<vmem>>
        %dma_start3A_116 = arith.constant 0 : i32
        %dma_start3A_117 = arith.constant 0 : i32
        %dma_start3A_118 = tpu.memref_slice %arg15[%dma_start3A_116, %dma_start3A_117] : memref<10000x32xf32, #tpu.memory_space<vmem_shared>> -> memref<10000x32xf32, #tpu.memory_space<vmem_shared>>
        tpu.enqueue_indirect_dma source(%arg12 : memref<125x32xf32, #tpu.memory_space<vmem>>) target(%dma_start3A_118 : memref<10000x32xf32, #tpu.memory_space<vmem_shared>>) offsets(%dma_start3A_115 : memref<125xi32, #tpu.memory_space<vmem>>) semaphore(%arg21 : memref<!tpu.dma_semaphore, #tpu.memory_space<semaphore_mem>>) {add = true}
        %add3A_119 = arith.constant 3 : i32
        %add3A_120 = arith.addi %add3A_106, %add3A_119 : i32
        %lt3A_121 = arith.constant 160 : i32
        %lt3A_122 = arith.cmpi slt, %add3A_120, %lt3A_121 : i32
        %convert_element_type3A_123 = arith.extui %lt3A_122 : i1 to i32
        %cond3A_124 = arith.constant 0 : i32
        %cond3A_125 = arith.cmpi ne, %convert_element_type3A_123, %cond3A_124 : i32
        scf.if %cond3A_125 {
          %ge3A = arith.constant 1 : i32
          %ge3A_172 = arith.cmpi sge, %add3A_106, %ge3A : i32
          %convert_element_type3A_173 = arith.extui %ge3A_172 : i1 to i32
          %cond3A_174 = arith.constant 0 : i32
          %cond3A_175 = arith.cmpi ne, %convert_element_type3A_173, %cond3A_174 : i32
          scf.if %cond3A_175 {
            %sub3A = arith.constant 1 : i32
            %sub3A_184 = arith.subi %add3A_106, %sub3A : i32
            %dma_wait3A_185 = arith.constant 0 : i32
            %dma_wait3A_186 = tpu.memref_slice %arg10[%sub3A_184, %dma_wait3A_185] : memref<160x125xi32, #tpu.memory_space<vmem>> -> memref<1x125xi32, #tpu.memory_space<vmem>>
            %dma_wait3A_187 = tpu.memref_squeeze %dma_wait3A_186 : memref<1x125xi32, #tpu.memory_space<vmem>> -> memref<125xi32, #tpu.memory_space<vmem>>
            %dma_wait3A_188 = arith.constant 0 : i32
            %dma_wait3A_189 = arith.constant 0 : i32
            %dma_wait3A_190 = tpu.memref_slice %arg15[%dma_wait3A_188, %dma_wait3A_189] : memref<10000x32xf32, #tpu.memory_space<vmem_shared>> -> memref<10000x32xf32, #tpu.memory_space<vmem_shared>>
            tpu.wait_indirect_dma semaphore(%arg20 : memref<!tpu.dma_semaphore, #tpu.memory_space<semaphore_mem>>) src(%arg11 : memref<125x32xf32, #tpu.memory_space<vmem>>) dst(%dma_wait3A_190 : memref<10000x32xf32, #tpu.memory_space<vmem_shared>>)
          } else {
          }
          %add3A_176 = arith.constant 3 : i32
          %add3A_177 = arith.addi %add3A_106, %add3A_176 : i32
          %dma_start3A_178 = arith.constant 0 : i32
          %dma_start3A_179 = tpu.memref_slice %arg9[%add3A_177, %dma_start3A_178] : memref<160x125xi32, #tpu.memory_space<vmem>> -> memref<1x125xi32, #tpu.memory_space<vmem>>
          %dma_start3A_180 = tpu.memref_squeeze %dma_start3A_179 : memref<1x125xi32, #tpu.memory_space<vmem>> -> memref<125xi32, #tpu.memory_space<vmem>>
          %dma_start3A_181 = arith.constant 0 : i32
          %dma_start3A_182 = arith.constant 0 : i32
          %dma_start3A_183 = tpu.memref_slice %arg2[%dma_start3A_181, %dma_start3A_182] : memref<10000x32xf32, #tpu.memory_space<hbm>> -> memref<10000x32xf32, #tpu.memory_space<hbm>>
          tpu.enqueue_indirect_dma source(%dma_start3A_183 : memref<10000x32xf32, #tpu.memory_space<hbm>>) target(%arg11 : memref<125x32xf32, #tpu.memory_space<vmem>>) offsets(%dma_start3A_180 : memref<125xi32, #tpu.memory_space<vmem>>) semaphore(%arg16 : memref<!tpu.dma_semaphore, #tpu.memory_space<semaphore_mem>>)
        } else {
        }
        %mul3A_126 = arith.constant 4 : i32
        %mul3A_127 = arith.muli %mul3A_126, %scan3A_79 : i32
        %add3A_128 = arith.constant 2 : i32
        %add3A_129 = arith.addi %mul3A_127, %add3A_128 : i32
        %dma_wait3A_130 = arith.constant 0 : i32
        %dma_wait3A_131 = tpu.memref_slice %arg9[%add3A_129, %dma_wait3A_130] : memref<160x125xi32, #tpu.memory_space<vmem>> -> memref<1x125xi32, #tpu.memory_space<vmem>>
        %dma_wait3A_132 = tpu.memref_squeeze %dma_wait3A_131 : memref<1x125xi32, #tpu.memory_space<vmem>> -> memref<125xi32, #tpu.memory_space<vmem>>
        %dma_wait3A_133 = arith.constant 0 : i32
        %dma_wait3A_134 = arith.constant 0 : i32
        %dma_wait3A_135 = tpu.memref_slice %arg2[%dma_wait3A_133, %dma_wait3A_134] : memref<10000x32xf32, #tpu.memory_space<hbm>> -> memref<10000x32xf32, #tpu.memory_space<hbm>>
        tpu.wait_indirect_dma semaphore(%arg18 : memref<!tpu.dma_semaphore, #tpu.memory_space<semaphore_mem>>) src(%dma_wait3A_135 : memref<10000x32xf32, #tpu.memory_space<hbm>>) dst(%arg13 : memref<125x32xf32, #tpu.memory_space<vmem>>)
        %dma_start3A_136 = arith.constant 0 : i32
        %dma_start3A_137 = tpu.memref_slice %arg10[%add3A_129, %dma_start3A_136] : memref<160x125xi32, #tpu.memory_space<vmem>> -> memref<1x125xi32, #tpu.memory_space<vmem>>
        %dma_start3A_138 = tpu.memref_squeeze %dma_start3A_137 : memref<1x125xi32, #tpu.memory_space<vmem>> -> memref<125xi32, #tpu.memory_space<vmem>>
        %dma_start3A_139 = arith.constant 0 : i32
        %dma_start3A_140 = arith.constant 0 : i32
        %dma_start3A_141 = tpu.memref_slice %arg15[%dma_start3A_139, %dma_start3A_140] : memref<10000x32xf32, #tpu.memory_space<vmem_shared>> -> memref<10000x32xf32, #tpu.memory_space<vmem_shared>>
        tpu.enqueue_indirect_dma source(%arg13 : memref<125x32xf32, #tpu.memory_space<vmem>>) target(%dma_start3A_141 : memref<10000x32xf32, #tpu.memory_space<vmem_shared>>) offsets(%dma_start3A_138 : memref<125xi32, #tpu.memory_space<vmem>>) semaphore(%arg22 : memref<!tpu.dma_semaphore, #tpu.memory_space<semaphore_mem>>) {add = true}
        %add3A_142 = arith.constant 3 : i32
        %add3A_143 = arith.addi %add3A_129, %add3A_142 : i32
        %lt3A_144 = arith.constant 160 : i32
        %lt3A_145 = arith.cmpi slt, %add3A_143, %lt3A_144 : i32
        %convert_element_type3A_146 = arith.extui %lt3A_145 : i1 to i32
        %cond3A_147 = arith.constant 0 : i32
        %cond3A_148 = arith.cmpi ne, %convert_element_type3A_146, %cond3A_147 : i32
        scf.if %cond3A_148 {
          %ge3A = arith.constant 1 : i32
          %ge3A_172 = arith.cmpi sge, %add3A_129, %ge3A : i32
          %convert_element_type3A_173 = arith.extui %ge3A_172 : i1 to i32
          %cond3A_174 = arith.constant 0 : i32
          %cond3A_175 = arith.cmpi ne, %convert_element_type3A_173, %cond3A_174 : i32
          scf.if %cond3A_175 {
            %sub3A = arith.constant 1 : i32
            %sub3A_184 = arith.subi %add3A_129, %sub3A : i32
            %dma_wait3A_185 = arith.constant 0 : i32
            %dma_wait3A_186 = tpu.memref_slice %arg10[%sub3A_184, %dma_wait3A_185] : memref<160x125xi32, #tpu.memory_space<vmem>> -> memref<1x125xi32, #tpu.memory_space<vmem>>
            %dma_wait3A_187 = tpu.memref_squeeze %dma_wait3A_186 : memref<1x125xi32, #tpu.memory_space<vmem>> -> memref<125xi32, #tpu.memory_space<vmem>>
            %dma_wait3A_188 = arith.constant 0 : i32
            %dma_wait3A_189 = arith.constant 0 : i32
            %dma_wait3A_190 = tpu.memref_slice %arg15[%dma_wait3A_188, %dma_wait3A_189] : memref<10000x32xf32, #tpu.memory_space<vmem_shared>> -> memref<10000x32xf32, #tpu.memory_space<vmem_shared>>
            tpu.wait_indirect_dma semaphore(%arg21 : memref<!tpu.dma_semaphore, #tpu.memory_space<semaphore_mem>>) src(%arg12 : memref<125x32xf32, #tpu.memory_space<vmem>>) dst(%dma_wait3A_190 : memref<10000x32xf32, #tpu.memory_space<vmem_shared>>)
          } else {
          }
          %add3A_176 = arith.constant 3 : i32
          %add3A_177 = arith.addi %add3A_129, %add3A_176 : i32
          %dma_start3A_178 = arith.constant 0 : i32
          %dma_start3A_179 = tpu.memref_slice %arg9[%add3A_177, %dma_start3A_178] : memref<160x125xi32, #tpu.memory_space<vmem>> -> memref<1x125xi32, #tpu.memory_space<vmem>>
          %dma_start3A_180 = tpu.memref_squeeze %dma_start3A_179 : memref<1x125xi32, #tpu.memory_space<vmem>> -> memref<125xi32, #tpu.memory_space<vmem>>
          %dma_start3A_181 = arith.constant 0 : i32
          %dma_start3A_182 = arith.constant 0 : i32
          %dma_start3A_183 = tpu.memref_slice %arg2[%dma_start3A_181, %dma_start3A_182] : memref<10000x32xf32, #tpu.memory_space<hbm>> -> memref<10000x32xf32, #tpu.memory_space<hbm>>
          tpu.enqueue_indirect_dma source(%dma_start3A_183 : memref<10000x32xf32, #tpu.memory_space<hbm>>) target(%arg12 : memref<125x32xf32, #tpu.memory_space<vmem>>) offsets(%dma_start3A_180 : memref<125xi32, #tpu.memory_space<vmem>>) semaphore(%arg17 : memref<!tpu.dma_semaphore, #tpu.memory_space<semaphore_mem>>)
        } else {
        }
        %mul3A_149 = arith.constant 4 : i32
        %mul3A_150 = arith.muli %mul3A_149, %scan3A_79 : i32
        %add3A_151 = arith.constant 3 : i32
        %add3A_152 = arith.addi %mul3A_150, %add3A_151 : i32
        %dma_wait3A_153 = arith.constant 0 : i32
        %dma_wait3A_154 = tpu.memref_slice %arg9[%add3A_152, %dma_wait3A_153] : memref<160x125xi32, #tpu.memory_space<vmem>> -> memref<1x125xi32, #tpu.memory_space<vmem>>
        %dma_wait3A_155 = tpu.memref_squeeze %dma_wait3A_154 : memref<1x125xi32, #tpu.memory_space<vmem>> -> memref<125xi32, #tpu.memory_space<vmem>>
        %dma_wait3A_156 = arith.constant 0 : i32
        %dma_wait3A_157 = arith.constant 0 : i32
        %dma_wait3A_158 = tpu.memref_slice %arg2[%dma_wait3A_156, %dma_wait3A_157] : memref<10000x32xf32, #tpu.memory_space<hbm>> -> memref<10000x32xf32, #tpu.memory_space<hbm>>
        tpu.wait_indirect_dma semaphore(%arg19 : memref<!tpu.dma_semaphore, #tpu.memory_space<semaphore_mem>>) src(%dma_wait3A_158 : memref<10000x32xf32, #tpu.memory_space<hbm>>) dst(%arg14 : memref<125x32xf32, #tpu.memory_space<vmem>>)
        %dma_start3A_159 = arith.constant 0 : i32
        %dma_start3A_160 = tpu.memref_slice %arg10[%add3A_152, %dma_start3A_159] : memref<160x125xi32, #tpu.memory_space<vmem>> -> memref<1x125xi32, #tpu.memory_space<vmem>>
        %dma_start3A_161 = tpu.memref_squeeze %dma_start3A_160 : memref<1x125xi32, #tpu.memory_space<vmem>> -> memref<125xi32, #tpu.memory_space<vmem>>
        %dma_start3A_162 = arith.constant 0 : i32
        %dma_start3A_163 = arith.constant 0 : i32
        %dma_start3A_164 = tpu.memref_slice %arg15[%dma_start3A_162, %dma_start3A_163] : memref<10000x32xf32, #tpu.memory_space<vmem_shared>> -> memref<10000x32xf32, #tpu.memory_space<vmem_shared>>
        tpu.enqueue_indirect_dma source(%arg14 : memref<125x32xf32, #tpu.memory_space<vmem>>) target(%dma_start3A_164 : memref<10000x32xf32, #tpu.memory_space<vmem_shared>>) offsets(%dma_start3A_161 : memref<125xi32, #tpu.memory_space<vmem>>) semaphore(%arg23 : memref<!tpu.dma_semaphore, #tpu.memory_space<semaphore_mem>>) {add = true}
        %add3A_165 = arith.constant 3 : i32
        %add3A_166 = arith.addi %add3A_152, %add3A_165 : i32
        %lt3A_167 = arith.constant 160 : i32
        %lt3A_168 = arith.cmpi slt, %add3A_166, %lt3A_167 : i32
        %convert_element_type3A_169 = arith.extui %lt3A_168 : i1 to i32
        %cond3A_170 = arith.constant 0 : i32
        %cond3A_171 = arith.cmpi ne, %convert_element_type3A_169, %cond3A_170 : i32
        scf.if %cond3A_171 {
          %ge3A = arith.constant 1 : i32
          %ge3A_172 = arith.cmpi sge, %add3A_152, %ge3A : i32
          %convert_element_type3A_173 = arith.extui %ge3A_172 : i1 to i32
          %cond3A_174 = arith.constant 0 : i32
          %cond3A_175 = arith.cmpi ne, %convert_element_type3A_173, %cond3A_174 : i32
          scf.if %cond3A_175 {
            %sub3A = arith.constant 1 : i32
            %sub3A_184 = arith.subi %add3A_152, %sub3A : i32
            %dma_wait3A_185 = arith.constant 0 : i32
            %dma_wait3A_186 = tpu.memref_slice %arg10[%sub3A_184, %dma_wait3A_185] : memref<160x125xi32, #tpu.memory_space<vmem>> -> memref<1x125xi32, #tpu.memory_space<vmem>>
            %dma_wait3A_187 = tpu.memref_squeeze %dma_wait3A_186 : memref<1x125xi32, #tpu.memory_space<vmem>> -> memref<125xi32, #tpu.memory_space<vmem>>
            %dma_wait3A_188 = arith.constant 0 : i32
            %dma_wait3A_189 = arith.constant 0 : i32
            %dma_wait3A_190 = tpu.memref_slice %arg15[%dma_wait3A_188, %dma_wait3A_189] : memref<10000x32xf32, #tpu.memory_space<vmem_shared>> -> memref<10000x32xf32, #tpu.memory_space<vmem_shared>>
            tpu.wait_indirect_dma semaphore(%arg22 : memref<!tpu.dma_semaphore, #tpu.memory_space<semaphore_mem>>) src(%arg13 : memref<125x32xf32, #tpu.memory_space<vmem>>) dst(%dma_wait3A_190 : memref<10000x32xf32, #tpu.memory_space<vmem_shared>>)
          } else {
          }
          %add3A_176 = arith.constant 3 : i32
          %add3A_177 = arith.addi %add3A_152, %add3A_176 : i32
          %dma_start3A_178 = arith.constant 0 : i32
          %dma_start3A_179 = tpu.memref_slice %arg9[%add3A_177, %dma_start3A_178] : memref<160x125xi32, #tpu.memory_space<vmem>> -> memref<1x125xi32, #tpu.memory_space<vmem>>
          %dma_start3A_180 = tpu.memref_squeeze %dma_start3A_179 : memref<1x125xi32, #tpu.memory_space<vmem>> -> memref<125xi32, #tpu.memory_space<vmem>>
          %dma_start3A_181 = arith.constant 0 : i32
          %dma_start3A_182 = arith.constant 0 : i32
          %dma_start3A_183 = tpu.memref_slice %arg2[%dma_start3A_181, %dma_start3A_182] : memref<10000x32xf32, #tpu.memory_space<hbm>> -> memref<10000x32xf32, #tpu.memory_space<hbm>>
          tpu.enqueue_indirect_dma source(%dma_start3A_183 : memref<10000x32xf32, #tpu.memory_space<hbm>>) target(%arg13 : memref<125x32xf32, #tpu.memory_space<vmem>>) offsets(%dma_start3A_180 : memref<125xi32, #tpu.memory_space<vmem>>) semaphore(%arg18 : memref<!tpu.dma_semaphore, #tpu.memory_space<semaphore_mem>>)
        } else {
        }
      }
      %scan3A_51 = arith.constant 40 : i32
      %dma_wait3A = arith.constant 156 : i32
      %dma_wait3A_52 = arith.constant 0 : i32
      %dma_wait3A_53 = tpu.memref_slice %arg10[%dma_wait3A, %dma_wait3A_52] : memref<160x125xi32, #tpu.memory_space<vmem>> -> memref<1x125xi32, #tpu.memory_space<vmem>>
      %dma_wait3A_54 = tpu.memref_squeeze %dma_wait3A_53 : memref<1x125xi32, #tpu.memory_space<vmem>> -> memref<125xi32, #tpu.memory_space<vmem>>
      %dma_wait3A_55 = arith.constant 0 : i32
      %dma_wait3A_56 = arith.constant 0 : i32
      %dma_wait3A_57 = tpu.memref_slice %arg15[%dma_wait3A_55, %dma_wait3A_56] : memref<10000x32xf32, #tpu.memory_space<vmem_shared>> -> memref<10000x32xf32, #tpu.memory_space<vmem_shared>>
      tpu.wait_indirect_dma semaphore(%arg20 : memref<!tpu.dma_semaphore, #tpu.memory_space<semaphore_mem>>) src(%arg11 : memref<125x32xf32, #tpu.memory_space<vmem>>) dst(%dma_wait3A_57 : memref<10000x32xf32, #tpu.memory_space<vmem_shared>>)
      %dma_wait3A_58 = arith.constant 157 : i32
      %dma_wait3A_59 = arith.constant 0 : i32
      %dma_wait3A_60 = tpu.memref_slice %arg10[%dma_wait3A_58, %dma_wait3A_59] : memref<160x125xi32, #tpu.memory_space<vmem>> -> memref<1x125xi32, #tpu.memory_space<vmem>>
      %dma_wait3A_61 = tpu.memref_squeeze %dma_wait3A_60 : memref<1x125xi32, #tpu.memory_space<vmem>> -> memref<125xi32, #tpu.memory_space<vmem>>
      %dma_wait3A_62 = arith.constant 0 : i32
      %dma_wait3A_63 = arith.constant 0 : i32
      %dma_wait3A_64 = tpu.memref_slice %arg15[%dma_wait3A_62, %dma_wait3A_63] : memref<10000x32xf32, #tpu.memory_space<vmem_shared>> -> memref<10000x32xf32, #tpu.memory_space<vmem_shared>>
      tpu.wait_indirect_dma semaphore(%arg21 : memref<!tpu.dma_semaphore, #tpu.memory_space<semaphore_mem>>) src(%arg12 : memref<125x32xf32, #tpu.memory_space<vmem>>) dst(%dma_wait3A_64 : memref<10000x32xf32, #tpu.memory_space<vmem_shared>>)
      %dma_wait3A_65 = arith.constant 158 : i32
      %dma_wait3A_66 = arith.constant 0 : i32
      %dma_wait3A_67 = tpu.memref_slice %arg10[%dma_wait3A_65, %dma_wait3A_66] : memref<160x125xi32, #tpu.memory_space<vmem>> -> memref<1x125xi32, #tpu.memory_space<vmem>>
      %dma_wait3A_68 = tpu.memref_squeeze %dma_wait3A_67 : memref<1x125xi32, #tpu.memory_space<vmem>> -> memref<125xi32, #tpu.memory_space<vmem>>
      %dma_wait3A_69 = arith.constant 0 : i32
      %dma_wait3A_70 = arith.constant 0 : i32
      %dma_wait3A_71 = tpu.memref_slice %arg15[%dma_wait3A_69, %dma_wait3A_70] : memref<10000x32xf32, #tpu.memory_space<vmem_shared>> -> memref<10000x32xf32, #tpu.memory_space<vmem_shared>>
      tpu.wait_indirect_dma semaphore(%arg22 : memref<!tpu.dma_semaphore, #tpu.memory_space<semaphore_mem>>) src(%arg13 : memref<125x32xf32, #tpu.memory_space<vmem>>) dst(%dma_wait3A_71 : memref<10000x32xf32, #tpu.memory_space<vmem_shared>>)
      %dma_wait3A_72 = arith.constant 159 : i32
      %dma_wait3A_73 = arith.constant 0 : i32
      %dma_wait3A_74 = tpu.memref_slice %arg10[%dma_wait3A_72, %dma_wait3A_73] : memref<160x125xi32, #tpu.memory_space<vmem>> -> memref<1x125xi32, #tpu.memory_space<vmem>>
      %dma_wait3A_75 = tpu.memref_squeeze %dma_wait3A_74 : memref<1x125xi32, #tpu.memory_space<vmem>> -> memref<125xi32, #tpu.memory_space<vmem>>
      %dma_wait3A_76 = arith.constant 0 : i32
      %dma_wait3A_77 = arith.constant 0 : i32
      %dma_wait3A_78 = tpu.memref_slice %arg15[%dma_wait3A_76, %dma_wait3A_77] : memref<10000x32xf32, #tpu.memory_space<vmem_shared>> -> memref<10000x32xf32, #tpu.memory_space<vmem_shared>>
      tpu.wait_indirect_dma semaphore(%arg23 : memref<!tpu.dma_semaphore, #tpu.memory_space<semaphore_mem>>) src(%arg14 : memref<125x32xf32, #tpu.memory_space<vmem>>) dst(%dma_wait3A_78 : memref<10000x32xf32, #tpu.memory_space<vmem_shared>>)
    } else {
    }
    %eq3A_12 = arith.constant 1 : i32
    %eq3A_13 = arith.cmpi eq, %arg0, %eq3A_12 : i32
    %convert_element_type3A_14 = arith.extui %eq3A_13 : i1 to i32
    %cond3A_15 = arith.constant 0 : i32
    %cond3A_16 = arith.cmpi ne, %convert_element_type3A_14, %cond3A_15 : i32
    scf.if %cond3A_16 {
      %dma_start3A = arith.constant 0 : i32
      %dma_start3A_28 = arith.constant 0 : i32
      %dma_start3A_29 = tpu.memref_slice %arg9[%dma_start3A, %dma_start3A_28] : memref<160x125xi32, #tpu.memory_space<vmem>> -> memref<1x125xi32, #tpu.memory_space<vmem>>
      %dma_start3A_30 = tpu.memref_squeeze %dma_start3A_29 : memref<1x125xi32, #tpu.memory_space<vmem>> -> memref<125xi32, #tpu.memory_space<vmem>>
      %dma_start3A_31 = arith.constant 0 : i32
      %dma_start3A_32 = arith.constant 0 : i32
      %dma_start3A_33 = tpu.memref_slice %arg3[%dma_start3A_31, %dma_start3A_32] : memref<10000x32xf32, #tpu.memory_space<hbm>> -> memref<10000x32xf32, #tpu.memory_space<hbm>>
      tpu.enqueue_indirect_dma source(%dma_start3A_33 : memref<10000x32xf32, #tpu.memory_space<hbm>>) target(%arg11 : memref<125x32xf32, #tpu.memory_space<vmem>>) offsets(%dma_start3A_30 : memref<125xi32, #tpu.memory_space<vmem>>) semaphore(%arg16 : memref<!tpu.dma_semaphore, #tpu.memory_space<semaphore_mem>>)
      %dma_start3A_34 = arith.constant 1 : i32
      %dma_start3A_35 = arith.constant 0 : i32
      %dma_start3A_36 = tpu.memref_slice %arg9[%dma_start3A_34, %dma_start3A_35] : memref<160x125xi32, #tpu.memory_space<vmem>> -> memref<1x125xi32, #tpu.memory_space<vmem>>
      %dma_start3A_37 = tpu.memref_squeeze %dma_start3A_36 : memref<1x125xi32, #tpu.memory_space<vmem>> -> memref<125xi32, #tpu.memory_space<vmem>>
      %dma_start3A_38 = arith.constant 0 : i32
      %dma_start3A_39 = arith.constant 0 : i32
      %dma_start3A_40 = tpu.memref_slice %arg3[%dma_start3A_38, %dma_start3A_39] : memref<10000x32xf32, #tpu.memory_space<hbm>> -> memref<10000x32xf32, #tpu.memory_space<hbm>>
      tpu.enqueue_indirect_dma source(%dma_start3A_40 : memref<10000x32xf32, #tpu.memory_space<hbm>>) target(%arg12 : memref<125x32xf32, #tpu.memory_space<vmem>>) offsets(%dma_start3A_37 : memref<125xi32, #tpu.memory_space<vmem>>) semaphore(%arg17 : memref<!tpu.dma_semaphore, #tpu.memory_space<semaphore_mem>>)
      %dma_start3A_41 = arith.constant 2 : i32
      %dma_start3A_42 = arith.constant 0 : i32
      %dma_start3A_43 = tpu.memref_slice %arg9[%dma_start3A_41, %dma_start3A_42] : memref<160x125xi32, #tpu.memory_space<vmem>> -> memref<1x125xi32, #tpu.memory_space<vmem>>
      %dma_start3A_44 = tpu.memref_squeeze %dma_start3A_43 : memref<1x125xi32, #tpu.memory_space<vmem>> -> memref<125xi32, #tpu.memory_space<vmem>>
      %dma_start3A_45 = arith.constant 0 : i32
      %dma_start3A_46 = arith.constant 0 : i32
      %dma_start3A_47 = tpu.memref_slice %arg3[%dma_start3A_45, %dma_start3A_46] : memref<10000x32xf32, #tpu.memory_space<hbm>> -> memref<10000x32xf32, #tpu.memory_space<hbm>>
      tpu.enqueue_indirect_dma source(%dma_start3A_47 : memref<10000x32xf32, #tpu.memory_space<hbm>>) target(%arg13 : memref<125x32xf32, #tpu.memory_space<vmem>>) offsets(%dma_start3A_44 : memref<125xi32, #tpu.memory_space<vmem>>) semaphore(%arg18 : memref<!tpu.dma_semaphore, #tpu.memory_space<semaphore_mem>>)
      %scan3A = arith.constant 0 : i32
      %scan3A_48 = arith.constant 40 : i32
      %scan3A_49 = arith.addi %scan3A, %scan3A_48 : i32
      %scan3A_50 = arith.constant 1 : i32
      scf.for %scan3A_79 = %scan3A to %scan3A_49 step %scan3A_50  : i32 {
        %mul3A_80 = arith.constant 4 : i32
        %mul3A_81 = arith.muli %mul3A_80, %scan3A_79 : i32
        %add3A_82 = arith.constant 0 : i32
        %add3A_83 = arith.addi %mul3A_81, %add3A_82 : i32
        %dma_wait3A_84 = arith.constant 0 : i32
        %dma_wait3A_85 = tpu.memref_slice %arg9[%add3A_83, %dma_wait3A_84] : memref<160x125xi32, #tpu.memory_space<vmem>> -> memref<1x125xi32, #tpu.memory_space<vmem>>
        %dma_wait3A_86 = tpu.memref_squeeze %dma_wait3A_85 : memref<1x125xi32, #tpu.memory_space<vmem>> -> memref<125xi32, #tpu.memory_space<vmem>>
        %dma_wait3A_87 = arith.constant 0 : i32
        %dma_wait3A_88 = arith.constant 0 : i32
        %dma_wait3A_89 = tpu.memref_slice %arg3[%dma_wait3A_87, %dma_wait3A_88] : memref<10000x32xf32, #tpu.memory_space<hbm>> -> memref<10000x32xf32, #tpu.memory_space<hbm>>
        tpu.wait_indirect_dma semaphore(%arg16 : memref<!tpu.dma_semaphore, #tpu.memory_space<semaphore_mem>>) src(%dma_wait3A_89 : memref<10000x32xf32, #tpu.memory_space<hbm>>) dst(%arg11 : memref<125x32xf32, #tpu.memory_space<vmem>>)
        %dma_start3A_90 = arith.constant 0 : i32
        %dma_start3A_91 = tpu.memref_slice %arg10[%add3A_83, %dma_start3A_90] : memref<160x125xi32, #tpu.memory_space<vmem>> -> memref<1x125xi32, #tpu.memory_space<vmem>>
        %dma_start3A_92 = tpu.memref_squeeze %dma_start3A_91 : memref<1x125xi32, #tpu.memory_space<vmem>> -> memref<125xi32, #tpu.memory_space<vmem>>
        %dma_start3A_93 = arith.constant 0 : i32
        %dma_start3A_94 = arith.constant 0 : i32
        %dma_start3A_95 = tpu.memref_slice %arg15[%dma_start3A_93, %dma_start3A_94] : memref<10000x32xf32, #tpu.memory_space<vmem_shared>> -> memref<10000x32xf32, #tpu.memory_space<vmem_shared>>
        tpu.enqueue_indirect_dma source(%arg11 : memref<125x32xf32, #tpu.memory_space<vmem>>) target(%dma_start3A_95 : memref<10000x32xf32, #tpu.memory_space<vmem_shared>>) offsets(%dma_start3A_92 : memref<125xi32, #tpu.memory_space<vmem>>) semaphore(%arg20 : memref<!tpu.dma_semaphore, #tpu.memory_space<semaphore_mem>>) {add = true}
        %add3A_96 = arith.constant 3 : i32
        %add3A_97 = arith.addi %add3A_83, %add3A_96 : i32
        %lt3A_98 = arith.constant 160 : i32
        %lt3A_99 = arith.cmpi slt, %add3A_97, %lt3A_98 : i32
        %convert_element_type3A_100 = arith.extui %lt3A_99 : i1 to i32
        %cond3A_101 = arith.constant 0 : i32
        %cond3A_102 = arith.cmpi ne, %convert_element_type3A_100, %cond3A_101 : i32
        scf.if %cond3A_102 {
          %ge3A = arith.constant 1 : i32
          %ge3A_172 = arith.cmpi sge, %add3A_83, %ge3A : i32
          %convert_element_type3A_173 = arith.extui %ge3A_172 : i1 to i32
          %cond3A_174 = arith.constant 0 : i32
          %cond3A_175 = arith.cmpi ne, %convert_element_type3A_173, %cond3A_174 : i32
          scf.if %cond3A_175 {
            %sub3A = arith.constant 1 : i32
            %sub3A_184 = arith.subi %add3A_83, %sub3A : i32
            %dma_wait3A_185 = arith.constant 0 : i32
            %dma_wait3A_186 = tpu.memref_slice %arg10[%sub3A_184, %dma_wait3A_185] : memref<160x125xi32, #tpu.memory_space<vmem>> -> memref<1x125xi32, #tpu.memory_space<vmem>>
            %dma_wait3A_187 = tpu.memref_squeeze %dma_wait3A_186 : memref<1x125xi32, #tpu.memory_space<vmem>> -> memref<125xi32, #tpu.memory_space<vmem>>
            %dma_wait3A_188 = arith.constant 0 : i32
            %dma_wait3A_189 = arith.constant 0 : i32
            %dma_wait3A_190 = tpu.memref_slice %arg15[%dma_wait3A_188, %dma_wait3A_189] : memref<10000x32xf32, #tpu.memory_space<vmem_shared>> -> memref<10000x32xf32, #tpu.memory_space<vmem_shared>>
            tpu.wait_indirect_dma semaphore(%arg23 : memref<!tpu.dma_semaphore, #tpu.memory_space<semaphore_mem>>) src(%arg14 : memref<125x32xf32, #tpu.memory_space<vmem>>) dst(%dma_wait3A_190 : memref<10000x32xf32, #tpu.memory_space<vmem_shared>>)
          } else {
          }
          %add3A_176 = arith.constant 3 : i32
          %add3A_177 = arith.addi %add3A_83, %add3A_176 : i32
          %dma_start3A_178 = arith.constant 0 : i32
          %dma_start3A_179 = tpu.memref_slice %arg9[%add3A_177, %dma_start3A_178] : memref<160x125xi32, #tpu.memory_space<vmem>> -> memref<1x125xi32, #tpu.memory_space<vmem>>
          %dma_start3A_180 = tpu.memref_squeeze %dma_start3A_179 : memref<1x125xi32, #tpu.memory_space<vmem>> -> memref<125xi32, #tpu.memory_space<vmem>>
          %dma_start3A_181 = arith.constant 0 : i32
          %dma_start3A_182 = arith.constant 0 : i32
          %dma_start3A_183 = tpu.memref_slice %arg3[%dma_start3A_181, %dma_start3A_182] : memref<10000x32xf32, #tpu.memory_space<hbm>> -> memref<10000x32xf32, #tpu.memory_space<hbm>>
          tpu.enqueue_indirect_dma source(%dma_start3A_183 : memref<10000x32xf32, #tpu.memory_space<hbm>>) target(%arg14 : memref<125x32xf32, #tpu.memory_space<vmem>>) offsets(%dma_start3A_180 : memref<125xi32, #tpu.memory_space<vmem>>) semaphore(%arg19 : memref<!tpu.dma_semaphore, #tpu.memory_space<semaphore_mem>>)
        } else {
        }
        %mul3A_103 = arith.constant 4 : i32
        %mul3A_104 = arith.muli %mul3A_103, %scan3A_79 : i32
        %add3A_105 = arith.constant 1 : i32
        %add3A_106 = arith.addi %mul3A_104, %add3A_105 : i32
        %dma_wait3A_107 = arith.constant 0 : i32
        %dma_wait3A_108 = tpu.memref_slice %arg9[%add3A_106, %dma_wait3A_107] : memref<160x125xi32, #tpu.memory_space<vmem>> -> memref<1x125xi32, #tpu.memory_space<vmem>>
        %dma_wait3A_109 = tpu.memref_squeeze %dma_wait3A_108 : memref<1x125xi32, #tpu.memory_space<vmem>> -> memref<125xi32, #tpu.memory_space<vmem>>
        %dma_wait3A_110 = arith.constant 0 : i32
        %dma_wait3A_111 = arith.constant 0 : i32
        %dma_wait3A_112 = tpu.memref_slice %arg3[%dma_wait3A_110, %dma_wait3A_111] : memref<10000x32xf32, #tpu.memory_space<hbm>> -> memref<10000x32xf32, #tpu.memory_space<hbm>>
        tpu.wait_indirect_dma semaphore(%arg17 : memref<!tpu.dma_semaphore, #tpu.memory_space<semaphore_mem>>) src(%dma_wait3A_112 : memref<10000x32xf32, #tpu.memory_space<hbm>>) dst(%arg12 : memref<125x32xf32, #tpu.memory_space<vmem>>)
        %dma_start3A_113 = arith.constant 0 : i32
        %dma_start3A_114 = tpu.memref_slice %arg10[%add3A_106, %dma_start3A_113] : memref<160x125xi32, #tpu.memory_space<vmem>> -> memref<1x125xi32, #tpu.memory_space<vmem>>
        %dma_start3A_115 = tpu.memref_squeeze %dma_start3A_114 : memref<1x125xi32, #tpu.memory_space<vmem>> -> memref<125xi32, #tpu.memory_space<vmem>>
        %dma_start3A_116 = arith.constant 0 : i32
        %dma_start3A_117 = arith.constant 0 : i32
        %dma_start3A_118 = tpu.memref_slice %arg15[%dma_start3A_116, %dma_start3A_117] : memref<10000x32xf32, #tpu.memory_space<vmem_shared>> -> memref<10000x32xf32, #tpu.memory_space<vmem_shared>>
        tpu.enqueue_indirect_dma source(%arg12 : memref<125x32xf32, #tpu.memory_space<vmem>>) target(%dma_start3A_118 : memref<10000x32xf32, #tpu.memory_space<vmem_shared>>) offsets(%dma_start3A_115 : memref<125xi32, #tpu.memory_space<vmem>>) semaphore(%arg21 : memref<!tpu.dma_semaphore, #tpu.memory_space<semaphore_mem>>) {add = true}
        %add3A_119 = arith.constant 3 : i32
        %add3A_120 = arith.addi %add3A_106, %add3A_119 : i32
        %lt3A_121 = arith.constant 160 : i32
        %lt3A_122 = arith.cmpi slt, %add3A_120, %lt3A_121 : i32
        %convert_element_type3A_123 = arith.extui %lt3A_122 : i1 to i32
        %cond3A_124 = arith.constant 0 : i32
        %cond3A_125 = arith.cmpi ne, %convert_element_type3A_123, %cond3A_124 : i32
        scf.if %cond3A_125 {
          %ge3A = arith.constant 1 : i32
          %ge3A_172 = arith.cmpi sge, %add3A_106, %ge3A : i32
          %convert_element_type3A_173 = arith.extui %ge3A_172 : i1 to i32
          %cond3A_174 = arith.constant 0 : i32
          %cond3A_175 = arith.cmpi ne, %convert_element_type3A_173, %cond3A_174 : i32
          scf.if %cond3A_175 {
            %sub3A = arith.constant 1 : i32
            %sub3A_184 = arith.subi %add3A_106, %sub3A : i32
            %dma_wait3A_185 = arith.constant 0 : i32
            %dma_wait3A_186 = tpu.memref_slice %arg10[%sub3A_184, %dma_wait3A_185] : memref<160x125xi32, #tpu.memory_space<vmem>> -> memref<1x125xi32, #tpu.memory_space<vmem>>
            %dma_wait3A_187 = tpu.memref_squeeze %dma_wait3A_186 : memref<1x125xi32, #tpu.memory_space<vmem>> -> memref<125xi32, #tpu.memory_space<vmem>>
            %dma_wait3A_188 = arith.constant 0 : i32
            %dma_wait3A_189 = arith.constant 0 : i32
            %dma_wait3A_190 = tpu.memref_slice %arg15[%dma_wait3A_188, %dma_wait3A_189] : memref<10000x32xf32, #tpu.memory_space<vmem_shared>> -> memref<10000x32xf32, #tpu.memory_space<vmem_shared>>
            tpu.wait_indirect_dma semaphore(%arg20 : memref<!tpu.dma_semaphore, #tpu.memory_space<semaphore_mem>>) src(%arg11 : memref<125x32xf32, #tpu.memory_space<vmem>>) dst(%dma_wait3A_190 : memref<10000x32xf32, #tpu.memory_space<vmem_shared>>)
          } else {
          }
          %add3A_176 = arith.constant 3 : i32
          %add3A_177 = arith.addi %add3A_106, %add3A_176 : i32
          %dma_start3A_178 = arith.constant 0 : i32
          %dma_start3A_179 = tpu.memref_slice %arg9[%add3A_177, %dma_start3A_178] : memref<160x125xi32, #tpu.memory_space<vmem>> -> memref<1x125xi32, #tpu.memory_space<vmem>>
          %dma_start3A_180 = tpu.memref_squeeze %dma_start3A_179 : memref<1x125xi32, #tpu.memory_space<vmem>> -> memref<125xi32, #tpu.memory_space<vmem>>
          %dma_start3A_181 = arith.constant 0 : i32
          %dma_start3A_182 = arith.constant 0 : i32
          %dma_start3A_183 = tpu.memref_slice %arg3[%dma_start3A_181, %dma_start3A_182] : memref<10000x32xf32, #tpu.memory_space<hbm>> -> memref<10000x32xf32, #tpu.memory_space<hbm>>
          tpu.enqueue_indirect_dma source(%dma_start3A_183 : memref<10000x32xf32, #tpu.memory_space<hbm>>) target(%arg11 : memref<125x32xf32, #tpu.memory_space<vmem>>) offsets(%dma_start3A_180 : memref<125xi32, #tpu.memory_space<vmem>>) semaphore(%arg16 : memref<!tpu.dma_semaphore, #tpu.memory_space<semaphore_mem>>)
        } else {
        }
        %mul3A_126 = arith.constant 4 : i32
        %mul3A_127 = arith.muli %mul3A_126, %scan3A_79 : i32
        %add3A_128 = arith.constant 2 : i32
        %add3A_129 = arith.addi %mul3A_127, %add3A_128 : i32
        %dma_wait3A_130 = arith.constant 0 : i32
        %dma_wait3A_131 = tpu.memref_slice %arg9[%add3A_129, %dma_wait3A_130] : memref<160x125xi32, #tpu.memory_space<vmem>> -> memref<1x125xi32, #tpu.memory_space<vmem>>
        %dma_wait3A_132 = tpu.memref_squeeze %dma_wait3A_131 : memref<1x125xi32, #tpu.memory_space<vmem>> -> memref<125xi32, #tpu.memory_space<vmem>>
        %dma_wait3A_133 = arith.constant 0 : i32
        %dma_wait3A_134 = arith.constant 0 : i32
        %dma_wait3A_135 = tpu.memref_slice %arg3[%dma_wait3A_133, %dma_wait3A_134] : memref<10000x32xf32, #tpu.memory_space<hbm>> -> memref<10000x32xf32, #tpu.memory_space<hbm>>
        tpu.wait_indirect_dma semaphore(%arg18 : memref<!tpu.dma_semaphore, #tpu.memory_space<semaphore_mem>>) src(%dma_wait3A_135 : memref<10000x32xf32, #tpu.memory_space<hbm>>) dst(%arg13 : memref<125x32xf32, #tpu.memory_space<vmem>>)
        %dma_start3A_136 = arith.constant 0 : i32
        %dma_start3A_137 = tpu.memref_slice %arg10[%add3A_129, %dma_start3A_136] : memref<160x125xi32, #tpu.memory_space<vmem>> -> memref<1x125xi32, #tpu.memory_space<vmem>>
        %dma_start3A_138 = tpu.memref_squeeze %dma_start3A_137 : memref<1x125xi32, #tpu.memory_space<vmem>> -> memref<125xi32, #tpu.memory_space<vmem>>
        %dma_start3A_139 = arith.constant 0 : i32
        %dma_start3A_140 = arith.constant 0 : i32
        %dma_start3A_141 = tpu.memref_slice %arg15[%dma_start3A_139, %dma_start3A_140] : memref<10000x32xf32, #tpu.memory_space<vmem_shared>> -> memref<10000x32xf32, #tpu.memory_space<vmem_shared>>
        tpu.enqueue_indirect_dma source(%arg13 : memref<125x32xf32, #tpu.memory_space<vmem>>) target(%dma_start3A_141 : memref<10000x32xf32, #tpu.memory_space<vmem_shared>>) offsets(%dma_start3A_138 : memref<125xi32, #tpu.memory_space<vmem>>) semaphore(%arg22 : memref<!tpu.dma_semaphore, #tpu.memory_space<semaphore_mem>>) {add = true}
        %add3A_142 = arith.constant 3 : i32
        %add3A_143 = arith.addi %add3A_129, %add3A_142 : i32
        %lt3A_144 = arith.constant 160 : i32
        %lt3A_145 = arith.cmpi slt, %add3A_143, %lt3A_144 : i32
        %convert_element_type3A_146 = arith.extui %lt3A_145 : i1 to i32
        %cond3A_147 = arith.constant 0 : i32
        %cond3A_148 = arith.cmpi ne, %convert_element_type3A_146, %cond3A_147 : i32
        scf.if %cond3A_148 {
          %ge3A = arith.constant 1 : i32
          %ge3A_172 = arith.cmpi sge, %add3A_129, %ge3A : i32
          %convert_element_type3A_173 = arith.extui %ge3A_172 : i1 to i32
          %cond3A_174 = arith.constant 0 : i32
          %cond3A_175 = arith.cmpi ne, %convert_element_type3A_173, %cond3A_174 : i32
          scf.if %cond3A_175 {
            %sub3A = arith.constant 1 : i32
            %sub3A_184 = arith.subi %add3A_129, %sub3A : i32
            %dma_wait3A_185 = arith.constant 0 : i32
            %dma_wait3A_186 = tpu.memref_slice %arg10[%sub3A_184, %dma_wait3A_185] : memref<160x125xi32, #tpu.memory_space<vmem>> -> memref<1x125xi32, #tpu.memory_space<vmem>>
            %dma_wait3A_187 = tpu.memref_squeeze %dma_wait3A_186 : memref<1x125xi32, #tpu.memory_space<vmem>> -> memref<125xi32, #tpu.memory_space<vmem>>
            %dma_wait3A_188 = arith.constant 0 : i32
            %dma_wait3A_189 = arith.constant 0 : i32
            %dma_wait3A_190 = tpu.memref_slice %arg15[%dma_wait3A_188, %dma_wait3A_189] : memref<10000x32xf32, #tpu.memory_space<vmem_shared>> -> memref<10000x32xf32, #tpu.memory_space<vmem_shared>>
            tpu.wait_indirect_dma semaphore(%arg21 : memref<!tpu.dma_semaphore, #tpu.memory_space<semaphore_mem>>) src(%arg12 : memref<125x32xf32, #tpu.memory_space<vmem>>) dst(%dma_wait3A_190 : memref<10000x32xf32, #tpu.memory_space<vmem_shared>>)
          } else {
          }
          %add3A_176 = arith.constant 3 : i32
          %add3A_177 = arith.addi %add3A_129, %add3A_176 : i32
          %dma_start3A_178 = arith.constant 0 : i32
          %dma_start3A_179 = tpu.memref_slice %arg9[%add3A_177, %dma_start3A_178] : memref<160x125xi32, #tpu.memory_space<vmem>> -> memref<1x125xi32, #tpu.memory_space<vmem>>
          %dma_start3A_180 = tpu.memref_squeeze %dma_start3A_179 : memref<1x125xi32, #tpu.memory_space<vmem>> -> memref<125xi32, #tpu.memory_space<vmem>>
          %dma_start3A_181 = arith.constant 0 : i32
          %dma_start3A_182 = arith.constant 0 : i32
          %dma_start3A_183 = tpu.memref_slice %arg3[%dma_start3A_181, %dma_start3A_182] : memref<10000x32xf32, #tpu.memory_space<hbm>> -> memref<10000x32xf32, #tpu.memory_space<hbm>>
          tpu.enqueue_indirect_dma source(%dma_start3A_183 : memref<10000x32xf32, #tpu.memory_space<hbm>>) target(%arg12 : memref<125x32xf32, #tpu.memory_space<vmem>>) offsets(%dma_start3A_180 : memref<125xi32, #tpu.memory_space<vmem>>) semaphore(%arg17 : memref<!tpu.dma_semaphore, #tpu.memory_space<semaphore_mem>>)
        } else {
        }
        %mul3A_149 = arith.constant 4 : i32
        %mul3A_150 = arith.muli %mul3A_149, %scan3A_79 : i32
        %add3A_151 = arith.constant 3 : i32
        %add3A_152 = arith.addi %mul3A_150, %add3A_151 : i32
        %dma_wait3A_153 = arith.constant 0 : i32
        %dma_wait3A_154 = tpu.memref_slice %arg9[%add3A_152, %dma_wait3A_153] : memref<160x125xi32, #tpu.memory_space<vmem>> -> memref<1x125xi32, #tpu.memory_space<vmem>>
        %dma_wait3A_155 = tpu.memref_squeeze %dma_wait3A_154 : memref<1x125xi32, #tpu.memory_space<vmem>> -> memref<125xi32, #tpu.memory_space<vmem>>
        %dma_wait3A_156 = arith.constant 0 : i32
        %dma_wait3A_157 = arith.constant 0 : i32
        %dma_wait3A_158 = tpu.memref_slice %arg3[%dma_wait3A_156, %dma_wait3A_157] : memref<10000x32xf32, #tpu.memory_space<hbm>> -> memref<10000x32xf32, #tpu.memory_space<hbm>>
        tpu.wait_indirect_dma semaphore(%arg19 : memref<!tpu.dma_semaphore, #tpu.memory_space<semaphore_mem>>) src(%dma_wait3A_158 : memref<10000x32xf32, #tpu.memory_space<hbm>>) dst(%arg14 : memref<125x32xf32, #tpu.memory_space<vmem>>)
        %dma_start3A_159 = arith.constant 0 : i32
        %dma_start3A_160 = tpu.memref_slice %arg10[%add3A_152, %dma_start3A_159] : memref<160x125xi32, #tpu.memory_space<vmem>> -> memref<1x125xi32, #tpu.memory_space<vmem>>
        %dma_start3A_161 = tpu.memref_squeeze %dma_start3A_160 : memref<1x125xi32, #tpu.memory_space<vmem>> -> memref<125xi32, #tpu.memory_space<vmem>>
        %dma_start3A_162 = arith.constant 0 : i32
        %dma_start3A_163 = arith.constant 0 : i32
        %dma_start3A_164 = tpu.memref_slice %arg15[%dma_start3A_162, %dma_start3A_163] : memref<10000x32xf32, #tpu.memory_space<vmem_shared>> -> memref<10000x32xf32, #tpu.memory_space<vmem_shared>>
        tpu.enqueue_indirect_dma source(%arg14 : memref<125x32xf32, #tpu.memory_space<vmem>>) target(%dma_start3A_164 : memref<10000x32xf32, #tpu.memory_space<vmem_shared>>) offsets(%dma_start3A_161 : memref<125xi32, #tpu.memory_space<vmem>>) semaphore(%arg23 : memref<!tpu.dma_semaphore, #tpu.memory_space<semaphore_mem>>) {add = true}
        %add3A_165 = arith.constant 3 : i32
        %add3A_166 = arith.addi %add3A_152, %add3A_165 : i32
        %lt3A_167 = arith.constant 160 : i32
        %lt3A_168 = arith.cmpi slt, %add3A_166, %lt3A_167 : i32
        %convert_element_type3A_169 = arith.extui %lt3A_168 : i1 to i32
        %cond3A_170 = arith.constant 0 : i32
        %cond3A_171 = arith.cmpi ne, %convert_element_type3A_169, %cond3A_170 : i32
        scf.if %cond3A_171 {
          %ge3A = arith.constant 1 : i32
          %ge3A_172 = arith.cmpi sge, %add3A_152, %ge3A : i32
          %convert_element_type3A_173 = arith.extui %ge3A_172 : i1 to i32
          %cond3A_174 = arith.constant 0 : i32
          %cond3A_175 = arith.cmpi ne, %convert_element_type3A_173, %cond3A_174 : i32
          scf.if %cond3A_175 {
            %sub3A = arith.constant 1 : i32
            %sub3A_184 = arith.subi %add3A_152, %sub3A : i32
            %dma_wait3A_185 = arith.constant 0 : i32
            %dma_wait3A_186 = tpu.memref_slice %arg10[%sub3A_184, %dma_wait3A_185] : memref<160x125xi32, #tpu.memory_space<vmem>> -> memref<1x125xi32, #tpu.memory_space<vmem>>
            %dma_wait3A_187 = tpu.memref_squeeze %dma_wait3A_186 : memref<1x125xi32, #tpu.memory_space<vmem>> -> memref<125xi32, #tpu.memory_space<vmem>>
            %dma_wait3A_188 = arith.constant 0 : i32
            %dma_wait3A_189 = arith.constant 0 : i32
            %dma_wait3A_190 = tpu.memref_slice %arg15[%dma_wait3A_188, %dma_wait3A_189] : memref<10000x32xf32, #tpu.memory_space<vmem_shared>> -> memref<10000x32xf32, #tpu.memory_space<vmem_shared>>
            tpu.wait_indirect_dma semaphore(%arg22 : memref<!tpu.dma_semaphore, #tpu.memory_space<semaphore_mem>>) src(%arg13 : memref<125x32xf32, #tpu.memory_space<vmem>>) dst(%dma_wait3A_190 : memref<10000x32xf32, #tpu.memory_space<vmem_shared>>)
          } else {
          }
          %add3A_176 = arith.constant 3 : i32
          %add3A_177 = arith.addi %add3A_152, %add3A_176 : i32
          %dma_start3A_178 = arith.constant 0 : i32
          %dma_start3A_179 = tpu.memref_slice %arg9[%add3A_177, %dma_start3A_178] : memref<160x125xi32, #tpu.memory_space<vmem>> -> memref<1x125xi32, #tpu.memory_space<vmem>>
          %dma_start3A_180 = tpu.memref_squeeze %dma_start3A_179 : memref<1x125xi32, #tpu.memory_space<vmem>> -> memref<125xi32, #tpu.memory_space<vmem>>
          %dma_start3A_181 = arith.constant 0 : i32
          %dma_start3A_182 = arith.constant 0 : i32
          %dma_start3A_183 = tpu.memref_slice %arg3[%dma_start3A_181, %dma_start3A_182] : memref<10000x32xf32, #tpu.memory_space<hbm>> -> memref<10000x32xf32, #tpu.memory_space<hbm>>
          tpu.enqueue_indirect_dma source(%dma_start3A_183 : memref<10000x32xf32, #tpu.memory_space<hbm>>) target(%arg13 : memref<125x32xf32, #tpu.memory_space<vmem>>) offsets(%dma_start3A_180 : memref<125xi32, #tpu.memory_space<vmem>>) semaphore(%arg18 : memref<!tpu.dma_semaphore, #tpu.memory_space<semaphore_mem>>)
        } else {
        }
      }
      %scan3A_51 = arith.constant 40 : i32
      %dma_wait3A = arith.constant 156 : i32
      %dma_wait3A_52 = arith.constant 0 : i32
      %dma_wait3A_53 = tpu.memref_slice %arg10[%dma_wait3A, %dma_wait3A_52] : memref<160x125xi32, #tpu.memory_space<vmem>> -> memref<1x125xi32, #tpu.memory_space<vmem>>
      %dma_wait3A_54 = tpu.memref_squeeze %dma_wait3A_53 : memref<1x125xi32, #tpu.memory_space<vmem>> -> memref<125xi32, #tpu.memory_space<vmem>>
      %dma_wait3A_55 = arith.constant 0 : i32
      %dma_wait3A_56 = arith.constant 0 : i32
      %dma_wait3A_57 = tpu.memref_slice %arg15[%dma_wait3A_55, %dma_wait3A_56] : memref<10000x32xf32, #tpu.memory_space<vmem_shared>> -> memref<10000x32xf32, #tpu.memory_space<vmem_shared>>
      tpu.wait_indirect_dma semaphore(%arg20 : memref<!tpu.dma_semaphore, #tpu.memory_space<semaphore_mem>>) src(%arg11 : memref<125x32xf32, #tpu.memory_space<vmem>>) dst(%dma_wait3A_57 : memref<10000x32xf32, #tpu.memory_space<vmem_shared>>)
      %dma_wait3A_58 = arith.constant 157 : i32
      %dma_wait3A_59 = arith.constant 0 : i32
      %dma_wait3A_60 = tpu.memref_slice %arg10[%dma_wait3A_58, %dma_wait3A_59] : memref<160x125xi32, #tpu.memory_space<vmem>> -> memref<1x125xi32, #tpu.memory_space<vmem>>
      %dma_wait3A_61 = tpu.memref_squeeze %dma_wait3A_60 : memref<1x125xi32, #tpu.memory_space<vmem>> -> memref<125xi32, #tpu.memory_space<vmem>>
      %dma_wait3A_62 = arith.constant 0 : i32
      %dma_wait3A_63 = arith.constant 0 : i32
      %dma_wait3A_64 = tpu.memref_slice %arg15[%dma_wait3A_62, %dma_wait3A_63] : memref<10000x32xf32, #tpu.memory_space<vmem_shared>> -> memref<10000x32xf32, #tpu.memory_space<vmem_shared>>
      tpu.wait_indirect_dma semaphore(%arg21 : memref<!tpu.dma_semaphore, #tpu.memory_space<semaphore_mem>>) src(%arg12 : memref<125x32xf32, #tpu.memory_space<vmem>>) dst(%dma_wait3A_64 : memref<10000x32xf32, #tpu.memory_space<vmem_shared>>)
      %dma_wait3A_65 = arith.constant 158 : i32
      %dma_wait3A_66 = arith.constant 0 : i32
      %dma_wait3A_67 = tpu.memref_slice %arg10[%dma_wait3A_65, %dma_wait3A_66] : memref<160x125xi32, #tpu.memory_space<vmem>> -> memref<1x125xi32, #tpu.memory_space<vmem>>
      %dma_wait3A_68 = tpu.memref_squeeze %dma_wait3A_67 : memref<1x125xi32, #tpu.memory_space<vmem>> -> memref<125xi32, #tpu.memory_space<vmem>>
      %dma_wait3A_69 = arith.constant 0 : i32
      %dma_wait3A_70 = arith.constant 0 : i32
      %dma_wait3A_71 = tpu.memref_slice %arg15[%dma_wait3A_69, %dma_wait3A_70] : memref<10000x32xf32, #tpu.memory_space<vmem_shared>> -> memref<10000x32xf32, #tpu.memory_space<vmem_shared>>
      tpu.wait_indirect_dma semaphore(%arg22 : memref<!tpu.dma_semaphore, #tpu.memory_space<semaphore_mem>>) src(%arg13 : memref<125x32xf32, #tpu.memory_space<vmem>>) dst(%dma_wait3A_71 : memref<10000x32xf32, #tpu.memory_space<vmem_shared>>)
      %dma_wait3A_72 = arith.constant 159 : i32
      %dma_wait3A_73 = arith.constant 0 : i32
      %dma_wait3A_74 = tpu.memref_slice %arg10[%dma_wait3A_72, %dma_wait3A_73] : memref<160x125xi32, #tpu.memory_space<vmem>> -> memref<1x125xi32, #tpu.memory_space<vmem>>
      %dma_wait3A_75 = tpu.memref_squeeze %dma_wait3A_74 : memref<1x125xi32, #tpu.memory_space<vmem>> -> memref<125xi32, #tpu.memory_space<vmem>>
      %dma_wait3A_76 = arith.constant 0 : i32
      %dma_wait3A_77 = arith.constant 0 : i32
      %dma_wait3A_78 = tpu.memref_slice %arg15[%dma_wait3A_76, %dma_wait3A_77] : memref<10000x32xf32, #tpu.memory_space<vmem_shared>> -> memref<10000x32xf32, #tpu.memory_space<vmem_shared>>
      tpu.wait_indirect_dma semaphore(%arg23 : memref<!tpu.dma_semaphore, #tpu.memory_space<semaphore_mem>>) src(%arg14 : memref<125x32xf32, #tpu.memory_space<vmem>>) dst(%dma_wait3A_78 : memref<10000x32xf32, #tpu.memory_space<vmem_shared>>)
    } else {
    }
    %barrier3A_17 = arith.constant 0 : index
    tpu.barrier barrier_id(%barrier3A_17)
    %eq3A_18 = arith.constant 0 : i32
    %eq3A_19 = arith.cmpi eq, %arg0, %eq3A_18 : i32
    %convert_element_type3A_20 = arith.extui %eq3A_19 : i1 to i32
    %cond3A_21 = arith.constant 0 : i32
    %cond3A_22 = arith.cmpi ne, %convert_element_type3A_20, %cond3A_21 : i32
    scf.if %cond3A_22 {
      %lt3A_28 = arith.constant 15 : i32
      %lt3A_29 = arith.cmpi slt, %arg1, %lt3A_28 : i32
      %convert_element_type3A_30 = arith.extui %lt3A_29 : i1 to i32
      %cond3A_31 = arith.constant 0 : i32
      %cond3A_32 = arith.cmpi ne, %convert_element_type3A_30, %cond3A_31 : i32
      scf.if %cond3A_32 {
        %mul3A_38 = arith.constant 624 : i32
        %mul3A_39 = arith.muli %arg1, %mul3A_38 : i32
        %multiple_of3A = tpu.assume_multiple %mul3A_39, 8 : i32
        "tpu.region"() ({
          %run_scoped3A = tpu.sem_alloc : memref<!tpu.dma_semaphore, #tpu.memory_space<semaphore_mem>>
          %dma_start3A = arith.constant 0 : i32
          %dma_start3A_40 = tpu.memref_slice %arg7[%multiple_of3A, %dma_start3A] : memref<10000x32xf32, #tpu.memory_space<hbm>> -> memref<624x32xf32, #tpu.memory_space<hbm>>
          %dma_start3A_41 = arith.constant 0 : i32
          %dma_start3A_42 = tpu.memref_slice %arg15[%multiple_of3A, %dma_start3A_41] : memref<10000x32xf32, #tpu.memory_space<vmem_shared>> -> memref<624x32xf32, #tpu.memory_space<vmem_shared>>
          tpu.enqueue_dma source(%dma_start3A_42 : memref<624x32xf32, #tpu.memory_space<vmem_shared>>) target(%dma_start3A_40 : memref<624x32xf32, #tpu.memory_space<hbm>>) target_semaphore(%run_scoped3A : memref<!tpu.dma_semaphore, #tpu.memory_space<semaphore_mem>>)
          %dma_wait3A = arith.constant 0 : i32
          %dma_wait3A_43 = tpu.memref_slice %arg7[%multiple_of3A, %dma_wait3A] : memref<10000x32xf32, #tpu.memory_space<hbm>> -> memref<624x32xf32, #tpu.memory_space<hbm>>
          %dma_wait3A_44 = arith.constant 0 : i32
          %dma_wait3A_45 = tpu.memref_slice %arg15[%multiple_of3A, %dma_wait3A_44] : memref<10000x32xf32, #tpu.memory_space<vmem_shared>> -> memref<624x32xf32, #tpu.memory_space<vmem_shared>>
          tpu.wait_dma2 semaphore(%run_scoped3A : memref<!tpu.dma_semaphore, #tpu.memory_space<semaphore_mem>>) src(%dma_wait3A_45 : memref<624x32xf32, #tpu.memory_space<vmem_shared>>) dst(%dma_wait3A_43 : memref<624x32xf32, #tpu.memory_space<hbm>>)
          tpu.yield
        }) : () -> ()
      } else {
      }
      %eq3A_33 = arith.constant 15 : i32
      %eq3A_34 = arith.cmpi eq, %arg1, %eq3A_33 : i32
      %convert_element_type3A_35 = arith.extui %eq3A_34 : i1 to i32
      %cond3A_36 = arith.constant 0 : i32
      %cond3A_37 = arith.cmpi ne, %convert_element_type3A_35, %cond3A_36 : i32
      scf.if %cond3A_37 {
        "tpu.region"() ({
          %run_scoped3A = tpu.sem_alloc : memref<!tpu.dma_semaphore, #tpu.memory_space<semaphore_mem>>
          %dma_start3A = arith.constant 9360 : i32
          %dma_start3A_38 = arith.constant 0 : i32
          %dma_start3A_39 = tpu.memref_slice %arg7[%dma_start3A, %dma_start3A_38] : memref<10000x32xf32, #tpu.memory_space<hbm>> -> memref<640x32xf32, #tpu.memory_space<hbm>>
          %dma_start3A_40 = arith.constant 9360 : i32
          %dma_start3A_41 = arith.constant 0 : i32
          %dma_start3A_42 = tpu.memref_slice %arg15[%dma_start3A_40, %dma_start3A_41] : memref<10000x32xf32, #tpu.memory_space<vmem_shared>> -> memref<640x32xf32, #tpu.memory_space<vmem_shared>>
          tpu.enqueue_dma source(%dma_start3A_42 : memref<640x32xf32, #tpu.memory_space<vmem_shared>>) target(%dma_start3A_39 : memref<640x32xf32, #tpu.memory_space<hbm>>) target_semaphore(%run_scoped3A : memref<!tpu.dma_semaphore, #tpu.memory_space<semaphore_mem>>)
          %dma_wait3A = arith.constant 9360 : i32
          %dma_wait3A_43 = arith.constant 0 : i32
          %dma_wait3A_44 = tpu.memref_slice %arg7[%dma_wait3A, %dma_wait3A_43] : memref<10000x32xf32, #tpu.memory_space<hbm>> -> memref<640x32xf32, #tpu.memory_space<hbm>>
          %dma_wait3A_45 = arith.constant 9360 : i32
          %dma_wait3A_46 = arith.constant 0 : i32
          %dma_wait3A_47 = tpu.memref_slice %arg15[%dma_wait3A_45, %dma_wait3A_46] : memref<10000x32xf32, #tpu.memory_space<vmem_shared>> -> memref<640x32xf32, #tpu.memory_space<vmem_shared>>
          tpu.wait_dma2 semaphore(%run_scoped3A : memref<!tpu.dma_semaphore, #tpu.memory_space<semaphore_mem>>) src(%dma_wait3A_47 : memref<640x32xf32, #tpu.memory_space<vmem_shared>>) dst(%dma_wait3A_44 : memref<640x32xf32, #tpu.memory_space<hbm>>)
          tpu.yield
        }) : () -> ()
      } else {
      }
    } else {
    }
    %eq3A_23 = arith.constant 1 : i32
    %eq3A_24 = arith.cmpi eq, %arg0, %eq3A_23 : i32
    %convert_element_type3A_25 = arith.extui %eq3A_24 : i1 to i32
    %cond3A_26 = arith.constant 0 : i32
    %cond3A_27 = arith.cmpi ne, %convert_element_type3A_25, %cond3A_26 : i32
    scf.if %cond3A_27 {
      %lt3A_28 = arith.constant 15 : i32
      %lt3A_29 = arith.cmpi slt, %arg1, %lt3A_28 : i32
      %convert_element_type3A_30 = arith.extui %lt3A_29 : i1 to i32
      %cond3A_31 = arith.constant 0 : i32
      %cond3A_32 = arith.cmpi ne, %convert_element_type3A_30, %cond3A_31 : i32
      scf.if %cond3A_32 {
        %mul3A_38 = arith.constant 624 : i32
        %mul3A_39 = arith.muli %arg1, %mul3A_38 : i32
        %multiple_of3A = tpu.assume_multiple %mul3A_39, 8 : i32
        "tpu.region"() ({
          %run_scoped3A = tpu.sem_alloc : memref<!tpu.dma_semaphore, #tpu.memory_space<semaphore_mem>>
          %dma_start3A = arith.constant 0 : i32
          %dma_start3A_40 = tpu.memref_slice %arg8[%multiple_of3A, %dma_start3A] : memref<10000x32xf32, #tpu.memory_space<hbm>> -> memref<624x32xf32, #tpu.memory_space<hbm>>
          %dma_start3A_41 = arith.constant 0 : i32
          %dma_start3A_42 = tpu.memref_slice %arg15[%multiple_of3A, %dma_start3A_41] : memref<10000x32xf32, #tpu.memory_space<vmem_shared>> -> memref<624x32xf32, #tpu.memory_space<vmem_shared>>
          tpu.enqueue_dma source(%dma_start3A_42 : memref<624x32xf32, #tpu.memory_space<vmem_shared>>) target(%dma_start3A_40 : memref<624x32xf32, #tpu.memory_space<hbm>>) target_semaphore(%run_scoped3A : memref<!tpu.dma_semaphore, #tpu.memory_space<semaphore_mem>>)
          %dma_wait3A = arith.constant 0 : i32
          %dma_wait3A_43 = tpu.memref_slice %arg8[%multiple_of3A, %dma_wait3A] : memref<10000x32xf32, #tpu.memory_space<hbm>> -> memref<624x32xf32, #tpu.memory_space<hbm>>
          %dma_wait3A_44 = arith.constant 0 : i32
          %dma_wait3A_45 = tpu.memref_slice %arg15[%multiple_of3A, %dma_wait3A_44] : memref<10000x32xf32, #tpu.memory_space<vmem_shared>> -> memref<624x32xf32, #tpu.memory_space<vmem_shared>>
          tpu.wait_dma2 semaphore(%run_scoped3A : memref<!tpu.dma_semaphore, #tpu.memory_space<semaphore_mem>>) src(%dma_wait3A_45 : memref<624x32xf32, #tpu.memory_space<vmem_shared>>) dst(%dma_wait3A_43 : memref<624x32xf32, #tpu.memory_space<hbm>>)
          tpu.yield
        }) : () -> ()
      } else {
      }
      %eq3A_33 = arith.constant 15 : i32
      %eq3A_34 = arith.cmpi eq, %arg1, %eq3A_33 : i32
      %convert_element_type3A_35 = arith.extui %eq3A_34 : i1 to i32
      %cond3A_36 = arith.constant 0 : i32
      %cond3A_37 = arith.cmpi ne, %convert_element_type3A_35, %cond3A_36 : i32
      scf.if %cond3A_37 {
        "tpu.region"() ({
          %run_scoped3A = tpu.sem_alloc : memref<!tpu.dma_semaphore, #tpu.memory_space<semaphore_mem>>
          %dma_start3A = arith.constant 9360 : i32
          %dma_start3A_38 = arith.constant 0 : i32
          %dma_start3A_39 = tpu.memref_slice %arg8[%dma_start3A, %dma_start3A_38] : memref<10000x32xf32, #tpu.memory_space<hbm>> -> memref<640x32xf32, #tpu.memory_space<hbm>>
          %dma_start3A_40 = arith.constant 9360 : i32
          %dma_start3A_41 = arith.constant 0 : i32
          %dma_start3A_42 = tpu.memref_slice %arg15[%dma_start3A_40, %dma_start3A_41] : memref<10000x32xf32, #tpu.memory_space<vmem_shared>> -> memref<640x32xf32, #tpu.memory_space<vmem_shared>>
          tpu.enqueue_dma source(%dma_start3A_42 : memref<640x32xf32, #tpu.memory_space<vmem_shared>>) target(%dma_start3A_39 : memref<640x32xf32, #tpu.memory_space<hbm>>) target_semaphore(%run_scoped3A : memref<!tpu.dma_semaphore, #tpu.memory_space<semaphore_mem>>)
          %dma_wait3A = arith.constant 9360 : i32
          %dma_wait3A_43 = arith.constant 0 : i32
          %dma_wait3A_44 = tpu.memref_slice %arg8[%dma_wait3A, %dma_wait3A_43] : memref<10000x32xf32, #tpu.memory_space<hbm>> -> memref<640x32xf32, #tpu.memory_space<hbm>>
          %dma_wait3A_45 = arith.constant 9360 : i32
          %dma_wait3A_46 = arith.constant 0 : i32
          %dma_wait3A_47 = tpu.memref_slice %arg15[%dma_wait3A_45, %dma_wait3A_46] : memref<10000x32xf32, #tpu.memory_space<vmem_shared>> -> memref<640x32xf32, #tpu.memory_space<vmem_shared>>
          tpu.wait_dma2 semaphore(%run_scoped3A : memref<!tpu.dma_semaphore, #tpu.memory_space<semaphore_mem>>) src(%dma_wait3A_47 : memref<640x32xf32, #tpu.memory_space<vmem_shared>>) dst(%dma_wait3A_44 : memref<640x32xf32, #tpu.memory_space<hbm>>)
          tpu.yield
        }) : () -> ()
      } else {
      }
    } else {
    }
    return
  }
}

#map = affine_map<(d0, d1) -> (0, 0, 0)>
#map1 = affine_map<(d0, d1) -> (0, 0)>
module attributes {stable_mosaic.version = 14 : i64} {
  func.func @_sc_degree(%arg0: i32, %arg1: i32, %arg2: memref<32x80x125xi32, #tpu.memory_space<hbm>>, %arg3: memref<125x16xf32, #tpu.memory_space<hbm>>, %arg4: memref<10000x16xf32, #tpu.memory_space<hbm>>, %arg5: memref<2x10000x16xf32, #tpu.memory_space<hbm>>, %arg6: memref<80x125xi32, #tpu.memory_space<vmem>>, %arg7: memref<125x16xf32, #tpu.memory_space<vmem>>, %arg8: memref<10000x16xf32, #tpu.memory_space<vmem_shared>>) attributes {dimension_semantics = [#tpu.dimension_semantics<core_parallel>, #tpu.dimension_semantics<subcore_parallel>], iteration_bounds = array<i64: 2, 16>, scalar_prefetch = 0 : i64, scratch_operands = 3 : i64, tpu.core_type = #tpu.core_type<sc_vector_subcore>, window_params = [{transform_indices = #map}, {transform_indices = #map1}, {transform_indices = #map1}, {transform_indices = #map}]} {
    %mul3A = arith.constant 16 : i32
    %mul3A_0 = arith.muli %arg0, %mul3A : i32
    %add3A = arith.addi %mul3A_0, %arg1 : i32
    %lt3A = arith.constant 15 : i32
    %lt3A_1 = arith.cmpi slt, %arg1, %lt3A : i32
    %convert_element_type3A = arith.extui %lt3A_1 : i1 to i32
    %cond3A = arith.constant 0 : i32
    %cond3A_2 = arith.cmpi ne, %convert_element_type3A, %cond3A : i32
    scf.if %cond3A_2 {
      %mul3A_22 = arith.constant 624 : i32
      %mul3A_23 = arith.muli %arg1, %mul3A_22 : i32
      %multiple_of3A = tpu.assume_multiple %mul3A_23, 8 : i32
      "tpu.region"() ({
        %run_scoped3A = tpu.sem_alloc : memref<!tpu.dma_semaphore, #tpu.memory_space<semaphore_mem>>
        %dma_start3A = arith.constant 0 : i32
        %dma_start3A_24 = tpu.memref_slice %arg8[%multiple_of3A, %dma_start3A] : memref<10000x16xf32, #tpu.memory_space<vmem_shared>> -> memref<624x16xf32, #tpu.memory_space<vmem_shared>>
        %dma_start3A_25 = arith.constant 0 : i32
        %dma_start3A_26 = tpu.memref_slice %arg4[%multiple_of3A, %dma_start3A_25] : memref<10000x16xf32, #tpu.memory_space<hbm>> -> memref<624x16xf32, #tpu.memory_space<hbm>>
        tpu.enqueue_dma source(%dma_start3A_26 : memref<624x16xf32, #tpu.memory_space<hbm>>) target(%dma_start3A_24 : memref<624x16xf32, #tpu.memory_space<vmem_shared>>) target_semaphore(%run_scoped3A : memref<!tpu.dma_semaphore, #tpu.memory_space<semaphore_mem>>)
        %dma_wait3A = arith.constant 0 : i32
        %dma_wait3A_27 = tpu.memref_slice %arg8[%multiple_of3A, %dma_wait3A] : memref<10000x16xf32, #tpu.memory_space<vmem_shared>> -> memref<624x16xf32, #tpu.memory_space<vmem_shared>>
        %dma_wait3A_28 = arith.constant 0 : i32
        %dma_wait3A_29 = tpu.memref_slice %arg4[%multiple_of3A, %dma_wait3A_28] : memref<10000x16xf32, #tpu.memory_space<hbm>> -> memref<624x16xf32, #tpu.memory_space<hbm>>
        tpu.wait_dma2 semaphore(%run_scoped3A : memref<!tpu.dma_semaphore, #tpu.memory_space<semaphore_mem>>) src(%dma_wait3A_29 : memref<624x16xf32, #tpu.memory_space<hbm>>) dst(%dma_wait3A_27 : memref<624x16xf32, #tpu.memory_space<vmem_shared>>)
        tpu.yield
      }) : () -> ()
    } else {
    }
    %eq3A = arith.constant 15 : i32
    %eq3A_3 = arith.cmpi eq, %arg1, %eq3A : i32
    %convert_element_type3A_4 = arith.extui %eq3A_3 : i1 to i32
    %cond3A_5 = arith.constant 0 : i32
    %cond3A_6 = arith.cmpi ne, %convert_element_type3A_4, %cond3A_5 : i32
    scf.if %cond3A_6 {
      "tpu.region"() ({
        %run_scoped3A = tpu.sem_alloc : memref<!tpu.dma_semaphore, #tpu.memory_space<semaphore_mem>>
        %dma_start3A = arith.constant 9360 : i32
        %dma_start3A_22 = arith.constant 0 : i32
        %dma_start3A_23 = tpu.memref_slice %arg8[%dma_start3A, %dma_start3A_22] : memref<10000x16xf32, #tpu.memory_space<vmem_shared>> -> memref<640x16xf32, #tpu.memory_space<vmem_shared>>
        %dma_start3A_24 = arith.constant 9360 : i32
        %dma_start3A_25 = arith.constant 0 : i32
        %dma_start3A_26 = tpu.memref_slice %arg4[%dma_start3A_24, %dma_start3A_25] : memref<10000x16xf32, #tpu.memory_space<hbm>> -> memref<640x16xf32, #tpu.memory_space<hbm>>
        tpu.enqueue_dma source(%dma_start3A_26 : memref<640x16xf32, #tpu.memory_space<hbm>>) target(%dma_start3A_23 : memref<640x16xf32, #tpu.memory_space<vmem_shared>>) target_semaphore(%run_scoped3A : memref<!tpu.dma_semaphore, #tpu.memory_space<semaphore_mem>>)
        %dma_wait3A = arith.constant 9360 : i32
        %dma_wait3A_27 = arith.constant 0 : i32
        %dma_wait3A_28 = tpu.memref_slice %arg8[%dma_wait3A, %dma_wait3A_27] : memref<10000x16xf32, #tpu.memory_space<vmem_shared>> -> memref<640x16xf32, #tpu.memory_space<vmem_shared>>
        %dma_wait3A_29 = arith.constant 9360 : i32
        %dma_wait3A_30 = arith.constant 0 : i32
        %dma_wait3A_31 = tpu.memref_slice %arg4[%dma_wait3A_29, %dma_wait3A_30] : memref<10000x16xf32, #tpu.memory_space<hbm>> -> memref<640x16xf32, #tpu.memory_space<hbm>>
        tpu.wait_dma2 semaphore(%run_scoped3A : memref<!tpu.dma_semaphore, #tpu.memory_space<semaphore_mem>>) src(%dma_wait3A_31 : memref<640x16xf32, #tpu.memory_space<hbm>>) dst(%dma_wait3A_28 : memref<640x16xf32, #tpu.memory_space<vmem_shared>>)
        tpu.yield
      }) : () -> ()
    } else {
    }
    "tpu.region"() ({
      %run_scoped3A = tpu.sem_alloc : memref<!tpu.dma_semaphore, #tpu.memory_space<semaphore_mem>>
      tpu.enqueue_dma source(%arg3 : memref<125x16xf32, #tpu.memory_space<hbm>>) target(%arg7 : memref<125x16xf32, #tpu.memory_space<vmem>>) target_semaphore(%run_scoped3A : memref<!tpu.dma_semaphore, #tpu.memory_space<semaphore_mem>>)
      tpu.wait_dma2 semaphore(%run_scoped3A : memref<!tpu.dma_semaphore, #tpu.memory_space<semaphore_mem>>) src(%arg3 : memref<125x16xf32, #tpu.memory_space<hbm>>) dst(%arg7 : memref<125x16xf32, #tpu.memory_space<vmem>>)
      tpu.yield
    }) : () -> ()
    "tpu.region"() ({
      %run_scoped3A = tpu.sem_alloc : memref<!tpu.dma_semaphore, #tpu.memory_space<semaphore_mem>>
      %dma_start3A = arith.constant 0 : i32
      %dma_start3A_22 = arith.constant 0 : i32
      %dma_start3A_23 = tpu.memref_slice %arg2[%add3A, %dma_start3A, %dma_start3A_22] : memref<32x80x125xi32, #tpu.memory_space<hbm>> -> memref<1x80x125xi32, #tpu.memory_space<hbm>>
      %dma_start3A_24 = tpu.memref_squeeze %dma_start3A_23 : memref<1x80x125xi32, #tpu.memory_space<hbm>> -> memref<80x125xi32, #tpu.memory_space<hbm>>
      %dma_start3A_25 = arith.constant 0 : i32
      %dma_start3A_26 = arith.constant 0 : i32
      %dma_start3A_27 = tpu.memref_slice %arg2[%add3A, %dma_start3A_25, %dma_start3A_26] : memref<32x80x125xi32, #tpu.memory_space<hbm>> -> memref<1x80x125xi32, #tpu.memory_space<hbm>>
      %dma_start3A_28 = tpu.memref_squeeze %dma_start3A_27 : memref<1x80x125xi32, #tpu.memory_space<hbm>> -> memref<80x125xi32, #tpu.memory_space<hbm>>
      tpu.enqueue_dma source(%dma_start3A_28 : memref<80x125xi32, #tpu.memory_space<hbm>>) target(%arg6 : memref<80x125xi32, #tpu.memory_space<vmem>>) target_semaphore(%run_scoped3A : memref<!tpu.dma_semaphore, #tpu.memory_space<semaphore_mem>>)
      %dma_wait3A = arith.constant 0 : i32
      %dma_wait3A_29 = arith.constant 0 : i32
      %dma_wait3A_30 = tpu.memref_slice %arg2[%add3A, %dma_wait3A, %dma_wait3A_29] : memref<32x80x125xi32, #tpu.memory_space<hbm>> -> memref<1x80x125xi32, #tpu.memory_space<hbm>>
      %dma_wait3A_31 = tpu.memref_squeeze %dma_wait3A_30 : memref<1x80x125xi32, #tpu.memory_space<hbm>> -> memref<80x125xi32, #tpu.memory_space<hbm>>
      %dma_wait3A_32 = arith.constant 0 : i32
      %dma_wait3A_33 = arith.constant 0 : i32
      %dma_wait3A_34 = tpu.memref_slice %arg2[%add3A, %dma_wait3A_32, %dma_wait3A_33] : memref<32x80x125xi32, #tpu.memory_space<hbm>> -> memref<1x80x125xi32, #tpu.memory_space<hbm>>
      %dma_wait3A_35 = tpu.memref_squeeze %dma_wait3A_34 : memref<1x80x125xi32, #tpu.memory_space<hbm>> -> memref<80x125xi32, #tpu.memory_space<hbm>>
      tpu.wait_dma2 semaphore(%run_scoped3A : memref<!tpu.dma_semaphore, #tpu.memory_space<semaphore_mem>>) src(%dma_wait3A_35 : memref<80x125xi32, #tpu.memory_space<hbm>>) dst(%arg6 : memref<80x125xi32, #tpu.memory_space<vmem>>)
      tpu.yield
    }) : () -> ()
    %barrier3A = arith.constant 0 : index
    tpu.barrier barrier_id(%barrier3A)
    %scan3A = arith.constant 0 : i32
    %scan3A_7 = arith.constant 80 : i32
    %scan3A_8 = arith.addi %scan3A, %scan3A_7 : i32
    %scan3A_9 = arith.constant 1 : i32
    scf.for %scan3A_22 = %scan3A to %scan3A_8 step %scan3A_9  : i32 {
      "tpu.region"() ({
        %run_scoped3A = tpu.sem_alloc : memref<!tpu.dma_semaphore, #tpu.memory_space<semaphore_mem>>
        %dma_start3A = arith.constant 0 : i32
        %dma_start3A_23 = tpu.memref_slice %arg6[%scan3A_22, %dma_start3A] : memref<80x125xi32, #tpu.memory_space<vmem>> -> memref<1x125xi32, #tpu.memory_space<vmem>>
        %dma_start3A_24 = tpu.memref_squeeze %dma_start3A_23 : memref<1x125xi32, #tpu.memory_space<vmem>> -> memref<125xi32, #tpu.memory_space<vmem>>
        %dma_start3A_25 = arith.constant 0 : i32
        %dma_start3A_26 = arith.constant 0 : i32
        %dma_start3A_27 = tpu.memref_slice %arg8[%dma_start3A_25, %dma_start3A_26] : memref<10000x16xf32, #tpu.memory_space<vmem_shared>> -> memref<10000x16xf32, #tpu.memory_space<vmem_shared>>
        tpu.enqueue_indirect_dma source(%arg7 : memref<125x16xf32, #tpu.memory_space<vmem>>) target(%dma_start3A_27 : memref<10000x16xf32, #tpu.memory_space<vmem_shared>>) offsets(%dma_start3A_24 : memref<125xi32, #tpu.memory_space<vmem>>) semaphore(%run_scoped3A : memref<!tpu.dma_semaphore, #tpu.memory_space<semaphore_mem>>) {add = true}
        %dma_wait3A = arith.constant 0 : i32
        %dma_wait3A_28 = tpu.memref_slice %arg6[%scan3A_22, %dma_wait3A] : memref<80x125xi32, #tpu.memory_space<vmem>> -> memref<1x125xi32, #tpu.memory_space<vmem>>
        %dma_wait3A_29 = tpu.memref_squeeze %dma_wait3A_28 : memref<1x125xi32, #tpu.memory_space<vmem>> -> memref<125xi32, #tpu.memory_space<vmem>>
        %dma_wait3A_30 = arith.constant 0 : i32
        %dma_wait3A_31 = arith.constant 0 : i32
        %dma_wait3A_32 = tpu.memref_slice %arg8[%dma_wait3A_30, %dma_wait3A_31] : memref<10000x16xf32, #tpu.memory_space<vmem_shared>> -> memref<10000x16xf32, #tpu.memory_space<vmem_shared>>
        tpu.wait_indirect_dma semaphore(%run_scoped3A : memref<!tpu.dma_semaphore, #tpu.memory_space<semaphore_mem>>) src(%arg7 : memref<125x16xf32, #tpu.memory_space<vmem>>) dst(%dma_wait3A_32 : memref<10000x16xf32, #tpu.memory_space<vmem_shared>>)
        tpu.yield
      }) : () -> ()
    }
    %scan3A_10 = arith.constant 80 : i32
    %barrier3A_11 = arith.constant 0 : index
    tpu.barrier barrier_id(%barrier3A_11)
    %lt3A_12 = arith.constant 15 : i32
    %lt3A_13 = arith.cmpi slt, %arg1, %lt3A_12 : i32
    %convert_element_type3A_14 = arith.extui %lt3A_13 : i1 to i32
    %cond3A_15 = arith.constant 0 : i32
    %cond3A_16 = arith.cmpi ne, %convert_element_type3A_14, %cond3A_15 : i32
    scf.if %cond3A_16 {
      %mul3A_22 = arith.constant 624 : i32
      %mul3A_23 = arith.muli %arg1, %mul3A_22 : i32
      %multiple_of3A = tpu.assume_multiple %mul3A_23, 8 : i32
      "tpu.region"() ({
        %run_scoped3A = tpu.sem_alloc : memref<!tpu.dma_semaphore, #tpu.memory_space<semaphore_mem>>
        %dma_start3A = arith.constant 0 : i32
        %dma_start3A_24 = arith.constant 0 : i32
        %dma_start3A_25 = tpu.memref_slice %arg5[%arg0, %dma_start3A, %dma_start3A_24] : memref<2x10000x16xf32, #tpu.memory_space<hbm>> -> memref<1x10000x16xf32, #tpu.memory_space<hbm>>
        %dma_start3A_26 = tpu.memref_squeeze %dma_start3A_25 : memref<1x10000x16xf32, #tpu.memory_space<hbm>> -> memref<10000x16xf32, #tpu.memory_space<hbm>>
        %dma_start3A_27 = arith.constant 0 : i32
        %dma_start3A_28 = tpu.memref_slice %dma_start3A_26[%multiple_of3A, %dma_start3A_27] : memref<10000x16xf32, #tpu.memory_space<hbm>> -> memref<624x16xf32, #tpu.memory_space<hbm>>
        %dma_start3A_29 = arith.constant 0 : i32
        %dma_start3A_30 = tpu.memref_slice %arg8[%multiple_of3A, %dma_start3A_29] : memref<10000x16xf32, #tpu.memory_space<vmem_shared>> -> memref<624x16xf32, #tpu.memory_space<vmem_shared>>
        tpu.enqueue_dma source(%dma_start3A_30 : memref<624x16xf32, #tpu.memory_space<vmem_shared>>) target(%dma_start3A_28 : memref<624x16xf32, #tpu.memory_space<hbm>>) target_semaphore(%run_scoped3A : memref<!tpu.dma_semaphore, #tpu.memory_space<semaphore_mem>>)
        %dma_wait3A = arith.constant 0 : i32
        %dma_wait3A_31 = arith.constant 0 : i32
        %dma_wait3A_32 = tpu.memref_slice %arg5[%arg0, %dma_wait3A, %dma_wait3A_31] : memref<2x10000x16xf32, #tpu.memory_space<hbm>> -> memref<1x10000x16xf32, #tpu.memory_space<hbm>>
        %dma_wait3A_33 = tpu.memref_squeeze %dma_wait3A_32 : memref<1x10000x16xf32, #tpu.memory_space<hbm>> -> memref<10000x16xf32, #tpu.memory_space<hbm>>
        %dma_wait3A_34 = arith.constant 0 : i32
        %dma_wait3A_35 = tpu.memref_slice %dma_wait3A_33[%multiple_of3A, %dma_wait3A_34] : memref<10000x16xf32, #tpu.memory_space<hbm>> -> memref<624x16xf32, #tpu.memory_space<hbm>>
        %dma_wait3A_36 = arith.constant 0 : i32
        %dma_wait3A_37 = tpu.memref_slice %arg8[%multiple_of3A, %dma_wait3A_36] : memref<10000x16xf32, #tpu.memory_space<vmem_shared>> -> memref<624x16xf32, #tpu.memory_space<vmem_shared>>
        tpu.wait_dma2 semaphore(%run_scoped3A : memref<!tpu.dma_semaphore, #tpu.memory_space<semaphore_mem>>) src(%dma_wait3A_37 : memref<624x16xf32, #tpu.memory_space<vmem_shared>>) dst(%dma_wait3A_35 : memref<624x16xf32, #tpu.memory_space<hbm>>)
        tpu.yield
      }) : () -> ()
    } else {
    }
    %eq3A_17 = arith.constant 15 : i32
    %eq3A_18 = arith.cmpi eq, %arg1, %eq3A_17 : i32
    %convert_element_type3A_19 = arith.extui %eq3A_18 : i1 to i32
    %cond3A_20 = arith.constant 0 : i32
    %cond3A_21 = arith.cmpi ne, %convert_element_type3A_19, %cond3A_20 : i32
    scf.if %cond3A_21 {
      "tpu.region"() ({
        %run_scoped3A = tpu.sem_alloc : memref<!tpu.dma_semaphore, #tpu.memory_space<semaphore_mem>>
        %dma_start3A = arith.constant 0 : i32
        %dma_start3A_22 = arith.constant 0 : i32
        %dma_start3A_23 = tpu.memref_slice %arg5[%arg0, %dma_start3A, %dma_start3A_22] : memref<2x10000x16xf32, #tpu.memory_space<hbm>> -> memref<1x10000x16xf32, #tpu.memory_space<hbm>>
        %dma_start3A_24 = tpu.memref_squeeze %dma_start3A_23 : memref<1x10000x16xf32, #tpu.memory_space<hbm>> -> memref<10000x16xf32, #tpu.memory_space<hbm>>
        %dma_start3A_25 = arith.constant 9360 : i32
        %dma_start3A_26 = arith.constant 0 : i32
        %dma_start3A_27 = tpu.memref_slice %dma_start3A_24[%dma_start3A_25, %dma_start3A_26] : memref<10000x16xf32, #tpu.memory_space<hbm>> -> memref<640x16xf32, #tpu.memory_space<hbm>>
        %dma_start3A_28 = arith.constant 9360 : i32
        %dma_start3A_29 = arith.constant 0 : i32
        %dma_start3A_30 = tpu.memref_slice %arg8[%dma_start3A_28, %dma_start3A_29] : memref<10000x16xf32, #tpu.memory_space<vmem_shared>> -> memref<640x16xf32, #tpu.memory_space<vmem_shared>>
        tpu.enqueue_dma source(%dma_start3A_30 : memref<640x16xf32, #tpu.memory_space<vmem_shared>>) target(%dma_start3A_27 : memref<640x16xf32, #tpu.memory_space<hbm>>) target_semaphore(%run_scoped3A : memref<!tpu.dma_semaphore, #tpu.memory_space<semaphore_mem>>)
        %dma_wait3A = arith.constant 0 : i32
        %dma_wait3A_31 = arith.constant 0 : i32
        %dma_wait3A_32 = tpu.memref_slice %arg5[%arg0, %dma_wait3A, %dma_wait3A_31] : memref<2x10000x16xf32, #tpu.memory_space<hbm>> -> memref<1x10000x16xf32, #tpu.memory_space<hbm>>
        %dma_wait3A_33 = tpu.memref_squeeze %dma_wait3A_32 : memref<1x10000x16xf32, #tpu.memory_space<hbm>> -> memref<10000x16xf32, #tpu.memory_space<hbm>>
        %dma_wait3A_34 = arith.constant 9360 : i32
        %dma_wait3A_35 = arith.constant 0 : i32
        %dma_wait3A_36 = tpu.memref_slice %dma_wait3A_33[%dma_wait3A_34, %dma_wait3A_35] : memref<10000x16xf32, #tpu.memory_space<hbm>> -> memref<640x16xf32, #tpu.memory_space<hbm>>
        %dma_wait3A_37 = arith.constant 9360 : i32
        %dma_wait3A_38 = arith.constant 0 : i32
        %dma_wait3A_39 = tpu.memref_slice %arg8[%dma_wait3A_37, %dma_wait3A_38] : memref<10000x16xf32, #tpu.memory_space<vmem_shared>> -> memref<640x16xf32, #tpu.memory_space<vmem_shared>>
        tpu.wait_dma2 semaphore(%run_scoped3A : memref<!tpu.dma_semaphore, #tpu.memory_space<semaphore_mem>>) src(%dma_wait3A_39 : memref<640x16xf32, #tpu.memory_space<vmem_shared>>) dst(%dma_wait3A_36 : memref<640x16xf32, #tpu.memory_space<hbm>>)
        tpu.yield
      }) : () -> ()
    } else {
    }
    return
  }
}

#map = affine_map<(d0, d1) -> (0, 0)>
#map1 = affine_map<(d0, d1) -> (0, 0, 0)>
module attributes {stable_mosaic.version = 14 : i64} {
  func.func @_sc_pairs(%arg0: i32, %arg1: i32, %arg2: memref<10000x128xf32, #tpu.memory_space<hbm>>, %arg3: memref<10000x128xf32, #tpu.memory_space<hbm>>, %arg4: memref<32x27x120xi32, #tpu.memory_space<hbm>>, %arg5: memref<32x27x120xi32, #tpu.memory_space<hbm>>, %arg6: memref<103680x128xf32, #tpu.memory_space<hbm>>, %arg7: memref<27x120xi32, #tpu.memory_space<vmem>>, %arg8: memref<27x120xi32, #tpu.memory_space<vmem>>, %arg9: memref<120x128xf32, #tpu.memory_space<vmem>>, %arg10: memref<120x128xf32, #tpu.memory_space<vmem>>, %arg11: memref<120x128xf32, #tpu.memory_space<vmem>>, %arg12: memref<120x128xf32, #tpu.memory_space<vmem>>, %arg13: memref<120x128xf32, #tpu.memory_space<vmem>>, %arg14: memref<120x128xf32, #tpu.memory_space<vmem>>, %arg15: memref<!tpu.dma_semaphore, #tpu.memory_space<semaphore_mem>>, %arg16: memref<!tpu.dma_semaphore, #tpu.memory_space<semaphore_mem>>, %arg17: memref<!tpu.dma_semaphore, #tpu.memory_space<semaphore_mem>>, %arg18: memref<!tpu.dma_semaphore, #tpu.memory_space<semaphore_mem>>, %arg19: memref<!tpu.dma_semaphore, #tpu.memory_space<semaphore_mem>>, %arg20: memref<!tpu.dma_semaphore, #tpu.memory_space<semaphore_mem>>) attributes {dimension_semantics = [#tpu.dimension_semantics<core_parallel>, #tpu.dimension_semantics<subcore_parallel>], iteration_bounds = array<i64: 2, 16>, scalar_prefetch = 0 : i64, scratch_operands = 14 : i64, tpu.core_type = #tpu.core_type<sc_vector_subcore>, window_params = [{transform_indices = #map}, {transform_indices = #map}, {transform_indices = #map1}, {transform_indices = #map1}, {transform_indices = #map}]} {
    %mul3A = arith.constant 16 : i32
    %mul3A_0 = arith.muli %arg0, %mul3A : i32
    %add3A = arith.addi %mul3A_0, %arg1 : i32
    "tpu.region"() ({
      %run_scoped3A = tpu.sem_alloc : memref<!tpu.dma_semaphore, #tpu.memory_space<semaphore_mem>>
      %dma_start3A_65 = arith.constant 0 : i32
      %dma_start3A_66 = arith.constant 0 : i32
      %dma_start3A_67 = tpu.memref_slice %arg4[%add3A, %dma_start3A_65, %dma_start3A_66] : memref<32x27x120xi32, #tpu.memory_space<hbm>> -> memref<1x27x120xi32, #tpu.memory_space<hbm>>
      %dma_start3A_68 = tpu.memref_squeeze %dma_start3A_67 : memref<1x27x120xi32, #tpu.memory_space<hbm>> -> memref<27x120xi32, #tpu.memory_space<hbm>>
      %dma_start3A_69 = arith.constant 0 : i32
      %dma_start3A_70 = arith.constant 0 : i32
      %dma_start3A_71 = tpu.memref_slice %arg4[%add3A, %dma_start3A_69, %dma_start3A_70] : memref<32x27x120xi32, #tpu.memory_space<hbm>> -> memref<1x27x120xi32, #tpu.memory_space<hbm>>
      %dma_start3A_72 = tpu.memref_squeeze %dma_start3A_71 : memref<1x27x120xi32, #tpu.memory_space<hbm>> -> memref<27x120xi32, #tpu.memory_space<hbm>>
      tpu.enqueue_dma source(%dma_start3A_72 : memref<27x120xi32, #tpu.memory_space<hbm>>) target(%arg7 : memref<27x120xi32, #tpu.memory_space<vmem>>) target_semaphore(%run_scoped3A : memref<!tpu.dma_semaphore, #tpu.memory_space<semaphore_mem>>)
      %dma_wait3A_73 = arith.constant 0 : i32
      %dma_wait3A_74 = arith.constant 0 : i32
      %dma_wait3A_75 = tpu.memref_slice %arg4[%add3A, %dma_wait3A_73, %dma_wait3A_74] : memref<32x27x120xi32, #tpu.memory_space<hbm>> -> memref<1x27x120xi32, #tpu.memory_space<hbm>>
      %dma_wait3A_76 = tpu.memref_squeeze %dma_wait3A_75 : memref<1x27x120xi32, #tpu.memory_space<hbm>> -> memref<27x120xi32, #tpu.memory_space<hbm>>
      %dma_wait3A_77 = arith.constant 0 : i32
      %dma_wait3A_78 = arith.constant 0 : i32
      %dma_wait3A_79 = tpu.memref_slice %arg4[%add3A, %dma_wait3A_77, %dma_wait3A_78] : memref<32x27x120xi32, #tpu.memory_space<hbm>> -> memref<1x27x120xi32, #tpu.memory_space<hbm>>
      %dma_wait3A_80 = tpu.memref_squeeze %dma_wait3A_79 : memref<1x27x120xi32, #tpu.memory_space<hbm>> -> memref<27x120xi32, #tpu.memory_space<hbm>>
      tpu.wait_dma2 semaphore(%run_scoped3A : memref<!tpu.dma_semaphore, #tpu.memory_space<semaphore_mem>>) src(%dma_wait3A_80 : memref<27x120xi32, #tpu.memory_space<hbm>>) dst(%arg7 : memref<27x120xi32, #tpu.memory_space<vmem>>)
      tpu.yield
    }) : () -> ()
    "tpu.region"() ({
      %run_scoped3A = tpu.sem_alloc : memref<!tpu.dma_semaphore, #tpu.memory_space<semaphore_mem>>
      %dma_start3A_65 = arith.constant 0 : i32
      %dma_start3A_66 = arith.constant 0 : i32
      %dma_start3A_67 = tpu.memref_slice %arg5[%add3A, %dma_start3A_65, %dma_start3A_66] : memref<32x27x120xi32, #tpu.memory_space<hbm>> -> memref<1x27x120xi32, #tpu.memory_space<hbm>>
      %dma_start3A_68 = tpu.memref_squeeze %dma_start3A_67 : memref<1x27x120xi32, #tpu.memory_space<hbm>> -> memref<27x120xi32, #tpu.memory_space<hbm>>
      %dma_start3A_69 = arith.constant 0 : i32
      %dma_start3A_70 = arith.constant 0 : i32
      %dma_start3A_71 = tpu.memref_slice %arg5[%add3A, %dma_start3A_69, %dma_start3A_70] : memref<32x27x120xi32, #tpu.memory_space<hbm>> -> memref<1x27x120xi32, #tpu.memory_space<hbm>>
      %dma_start3A_72 = tpu.memref_squeeze %dma_start3A_71 : memref<1x27x120xi32, #tpu.memory_space<hbm>> -> memref<27x120xi32, #tpu.memory_space<hbm>>
      tpu.enqueue_dma source(%dma_start3A_72 : memref<27x120xi32, #tpu.memory_space<hbm>>) target(%arg8 : memref<27x120xi32, #tpu.memory_space<vmem>>) target_semaphore(%run_scoped3A : memref<!tpu.dma_semaphore, #tpu.memory_space<semaphore_mem>>)
      %dma_wait3A_73 = arith.constant 0 : i32
      %dma_wait3A_74 = arith.constant 0 : i32
      %dma_wait3A_75 = tpu.memref_slice %arg5[%add3A, %dma_wait3A_73, %dma_wait3A_74] : memref<32x27x120xi32, #tpu.memory_space<hbm>> -> memref<1x27x120xi32, #tpu.memory_space<hbm>>
      %dma_wait3A_76 = tpu.memref_squeeze %dma_wait3A_75 : memref<1x27x120xi32, #tpu.memory_space<hbm>> -> memref<27x120xi32, #tpu.memory_space<hbm>>
      %dma_wait3A_77 = arith.constant 0 : i32
      %dma_wait3A_78 = arith.constant 0 : i32
      %dma_wait3A_79 = tpu.memref_slice %arg5[%add3A, %dma_wait3A_77, %dma_wait3A_78] : memref<32x27x120xi32, #tpu.memory_space<hbm>> -> memref<1x27x120xi32, #tpu.memory_space<hbm>>
      %dma_wait3A_80 = tpu.memref_squeeze %dma_wait3A_79 : memref<1x27x120xi32, #tpu.memory_space<hbm>> -> memref<27x120xi32, #tpu.memory_space<hbm>>
      tpu.wait_dma2 semaphore(%run_scoped3A : memref<!tpu.dma_semaphore, #tpu.memory_space<semaphore_mem>>) src(%dma_wait3A_80 : memref<27x120xi32, #tpu.memory_space<hbm>>) dst(%arg8 : memref<27x120xi32, #tpu.memory_space<vmem>>)
      tpu.yield
    }) : () -> ()
    %mul3A_1 = arith.constant 3240 : i32
    %mul3A_2 = arith.muli %add3A, %mul3A_1 : i32
    %dma_start3A = arith.constant 0 : i32
    %dma_start3A_3 = arith.constant 0 : i32
    %dma_start3A_4 = tpu.memref_slice %arg7[%dma_start3A, %dma_start3A_3] : memref<27x120xi32, #tpu.memory_space<vmem>> -> memref<1x120xi32, #tpu.memory_space<vmem>>
    %dma_start3A_5 = tpu.memref_squeeze %dma_start3A_4 : memref<1x120xi32, #tpu.memory_space<vmem>> -> memref<120xi32, #tpu.memory_space<vmem>>
    %dma_start3A_6 = arith.constant 0 : i32
    %dma_start3A_7 = arith.constant 0 : i32
    %dma_start3A_8 = tpu.memref_slice %arg2[%dma_start3A_6, %dma_start3A_7] : memref<10000x128xf32, #tpu.memory_space<hbm>> -> memref<10000x128xf32, #tpu.memory_space<hbm>>
    tpu.enqueue_indirect_dma source(%dma_start3A_8 : memref<10000x128xf32, #tpu.memory_space<hbm>>) target(%arg9 : memref<120x128xf32, #tpu.memory_space<vmem>>) offsets(%dma_start3A_5 : memref<120xi32, #tpu.memory_space<vmem>>) semaphore(%arg15 : memref<!tpu.dma_semaphore, #tpu.memory_space<semaphore_mem>>)
    %dma_start3A_9 = arith.constant 0 : i32
    %dma_start3A_10 = arith.constant 0 : i32
    %dma_start3A_11 = tpu.memref_slice %arg8[%dma_start3A_9, %dma_start3A_10] : memref<27x120xi32, #tpu.memory_space<vmem>> -> memref<1x120xi32, #tpu.memory_space<vmem>>
    %dma_start3A_12 = tpu.memref_squeeze %dma_start3A_11 : memref<1x120xi32, #tpu.memory_space<vmem>> -> memref<120xi32, #tpu.memory_space<vmem>>
    %dma_start3A_13 = arith.constant 0 : i32
    %dma_start3A_14 = arith.constant 0 : i32
    %dma_start3A_15 = tpu.memref_slice %arg3[%dma_start3A_13, %dma_start3A_14] : memref<10000x128xf32, #tpu.memory_space<hbm>> -> memref<10000x128xf32, #tpu.memory_space<hbm>>
    tpu.enqueue_indirect_dma source(%dma_start3A_15 : memref<10000x128xf32, #tpu.memory_space<hbm>>) target(%arg10 : memref<120x128xf32, #tpu.memory_space<vmem>>) offsets(%dma_start3A_12 : memref<120xi32, #tpu.memory_space<vmem>>) semaphore(%arg16 : memref<!tpu.dma_semaphore, #tpu.memory_space<semaphore_mem>>)
    %scan3A = arith.constant 0 : i32
    %scan3A_16 = arith.constant 13 : i32
    %scan3A_17 = arith.addi %scan3A, %scan3A_16 : i32
    %scan3A_18 = arith.constant 1 : i32
    scf.for %scan3A_65 = %scan3A to %scan3A_17 step %scan3A_18  : i32 {
      %mul3A_66 = arith.constant 2 : i32
      %mul3A_67 = arith.muli %mul3A_66, %scan3A_65 : i32
      %dma_wait3A_68 = arith.constant 0 : i32
      %dma_wait3A_69 = tpu.memref_slice %arg7[%mul3A_67, %dma_wait3A_68] : memref<27x120xi32, #tpu.memory_space<vmem>> -> memref<1x120xi32, #tpu.memory_space<vmem>>
      %dma_wait3A_70 = tpu.memref_squeeze %dma_wait3A_69 : memref<1x120xi32, #tpu.memory_space<vmem>> -> memref<120xi32, #tpu.memory_space<vmem>>
      %dma_wait3A_71 = arith.constant 0 : i32
      %dma_wait3A_72 = arith.constant 0 : i32
      %dma_wait3A_73 = tpu.memref_slice %arg2[%dma_wait3A_71, %dma_wait3A_72] : memref<10000x128xf32, #tpu.memory_space<hbm>> -> memref<10000x128xf32, #tpu.memory_space<hbm>>
      tpu.wait_indirect_dma semaphore(%arg15 : memref<!tpu.dma_semaphore, #tpu.memory_space<semaphore_mem>>) src(%dma_wait3A_73 : memref<10000x128xf32, #tpu.memory_space<hbm>>) dst(%arg9 : memref<120x128xf32, #tpu.memory_space<vmem>>)
      %dma_wait3A_74 = arith.constant 0 : i32
      %dma_wait3A_75 = tpu.memref_slice %arg8[%mul3A_67, %dma_wait3A_74] : memref<27x120xi32, #tpu.memory_space<vmem>> -> memref<1x120xi32, #tpu.memory_space<vmem>>
      %dma_wait3A_76 = tpu.memref_squeeze %dma_wait3A_75 : memref<1x120xi32, #tpu.memory_space<vmem>> -> memref<120xi32, #tpu.memory_space<vmem>>
      %dma_wait3A_77 = arith.constant 0 : i32
      %dma_wait3A_78 = arith.constant 0 : i32
      %dma_wait3A_79 = tpu.memref_slice %arg3[%dma_wait3A_77, %dma_wait3A_78] : memref<10000x128xf32, #tpu.memory_space<hbm>> -> memref<10000x128xf32, #tpu.memory_space<hbm>>
      tpu.wait_indirect_dma semaphore(%arg16 : memref<!tpu.dma_semaphore, #tpu.memory_space<semaphore_mem>>) src(%dma_wait3A_79 : memref<10000x128xf32, #tpu.memory_space<hbm>>) dst(%arg10 : memref<120x128xf32, #tpu.memory_space<vmem>>)
      %add3A_80 = arith.constant 1 : i32
      %add3A_81 = arith.addi %mul3A_67, %add3A_80 : i32
      %lt3A = arith.constant 27 : i32
      %lt3A_82 = arith.cmpi slt, %add3A_81, %lt3A : i32
      %convert_element_type3A = arith.extui %lt3A_82 : i1 to i32
      %cond3A = arith.constant 0 : i32
      %cond3A_83 = arith.cmpi ne, %convert_element_type3A, %cond3A : i32
      scf.if %cond3A_83 {
        %add3A_140 = arith.constant 1 : i32
        %add3A_141 = arith.addi %mul3A_67, %add3A_140 : i32
        %dma_start3A_142 = arith.constant 0 : i32
        %dma_start3A_143 = tpu.memref_slice %arg7[%add3A_141, %dma_start3A_142] : memref<27x120xi32, #tpu.memory_space<vmem>> -> memref<1x120xi32, #tpu.memory_space<vmem>>
        %dma_start3A_144 = tpu.memref_squeeze %dma_start3A_143 : memref<1x120xi32, #tpu.memory_space<vmem>> -> memref<120xi32, #tpu.memory_space<vmem>>
        %dma_start3A_145 = arith.constant 0 : i32
        %dma_start3A_146 = arith.constant 0 : i32
        %dma_start3A_147 = tpu.memref_slice %arg2[%dma_start3A_145, %dma_start3A_146] : memref<10000x128xf32, #tpu.memory_space<hbm>> -> memref<10000x128xf32, #tpu.memory_space<hbm>>
        tpu.enqueue_indirect_dma source(%dma_start3A_147 : memref<10000x128xf32, #tpu.memory_space<hbm>>) target(%arg11 : memref<120x128xf32, #tpu.memory_space<vmem>>) offsets(%dma_start3A_144 : memref<120xi32, #tpu.memory_space<vmem>>) semaphore(%arg17 : memref<!tpu.dma_semaphore, #tpu.memory_space<semaphore_mem>>)
        %dma_start3A_148 = arith.constant 0 : i32
        %dma_start3A_149 = tpu.memref_slice %arg8[%add3A_141, %dma_start3A_148] : memref<27x120xi32, #tpu.memory_space<vmem>> -> memref<1x120xi32, #tpu.memory_space<vmem>>
        %dma_start3A_150 = tpu.memref_squeeze %dma_start3A_149 : memref<1x120xi32, #tpu.memory_space<vmem>> -> memref<120xi32, #tpu.memory_space<vmem>>
        %dma_start3A_151 = arith.constant 0 : i32
        %dma_start3A_152 = arith.constant 0 : i32
        %dma_start3A_153 = tpu.memref_slice %arg3[%dma_start3A_151, %dma_start3A_152] : memref<10000x128xf32, #tpu.memory_space<hbm>> -> memref<10000x128xf32, #tpu.memory_space<hbm>>
        tpu.enqueue_indirect_dma source(%dma_start3A_153 : memref<10000x128xf32, #tpu.memory_space<hbm>>) target(%arg12 : memref<120x128xf32, #tpu.memory_space<vmem>>) offsets(%dma_start3A_150 : memref<120xi32, #tpu.memory_space<vmem>>) semaphore(%arg18 : memref<!tpu.dma_semaphore, #tpu.memory_space<semaphore_mem>>)
      } else {
      }
      %ge3A = arith.constant 2 : i32
      %ge3A_84 = arith.cmpi sge, %mul3A_67, %ge3A : i32
      %convert_element_type3A_85 = arith.extui %ge3A_84 : i1 to i32
      %cond3A_86 = arith.constant 0 : i32
      %cond3A_87 = arith.cmpi ne, %convert_element_type3A_85, %cond3A_86 : i32
      scf.if %cond3A_87 {
        %sub3A = arith.constant 2 : i32
        %sub3A_140 = arith.subi %mul3A_67, %sub3A : i32
        %mul3A_141 = arith.constant 120 : i32
        %mul3A_142 = arith.muli %sub3A_140, %mul3A_141 : i32
        %add3A_143 = arith.addi %mul3A_2, %mul3A_142 : i32
        %multiple_of3A_144 = tpu.assume_multiple %add3A_143, 8 : i32
        %dma_wait3A_145 = arith.constant 0 : i32
        %dma_wait3A_146 = tpu.memref_slice %arg6[%multiple_of3A_144, %dma_wait3A_145] : memref<103680x128xf32, #tpu.memory_space<hbm>> -> memref<120x128xf32, #tpu.memory_space<hbm>>
        %dma_wait3A_147 = arith.constant 0 : i32
        %dma_wait3A_148 = tpu.memref_slice %arg6[%multiple_of3A_144, %dma_wait3A_147] : memref<103680x128xf32, #tpu.memory_space<hbm>> -> memref<120x128xf32, #tpu.memory_space<hbm>>
        tpu.wait_dma2 semaphore(%arg19 : memref<!tpu.dma_semaphore, #tpu.memory_space<semaphore_mem>>) src(%arg13 : memref<120x128xf32, #tpu.memory_space<vmem>>) dst(%dma_wait3A_148 : memref<120x128xf32, #tpu.memory_space<hbm>>)
      } else {
      }
      %scan3A_88 = arith.constant 0 : i32
      %scan3A_89 = arith.constant 120 : i32
      %scan3A_90 = arith.addi %scan3A_88, %scan3A_89 : i32
      %scan3A_91 = arith.constant 1 : i32
      scf.for %scan3A_140 = %scan3A_88 to %scan3A_90 step %scan3A_91  : i32 {
        %get3A = arith.index_cast %scan3A_140 : i32 to index
        %get3A_141 = arith.constant 0 : index
        %get3A_142 = tpu.vector_load %arg9[%get3A, %get3A_141] {strides = array<i32>} : memref<120x128xf32, #tpu.memory_space<vmem>>, vector<1x16xf32>,
        %get3A_143 = vector.shape_cast %get3A_142 : vector<1x16xf32> to vector<16xf32>
        %get3A_144 = arith.index_cast %scan3A_140 : i32 to index
        %get3A_145 = arith.constant 0 : index
        %get3A_146 = tpu.vector_load %arg10[%get3A_144, %get3A_145] {strides = array<i32>} : memref<120x128xf32, #tpu.memory_space<vmem>>, vector<1x16xf32>,
        %get3A_147 = vector.shape_cast %get3A_146 : vector<1x16xf32> to vector<16xf32>
        %add3A_148 = arith.addf %get3A_143, %get3A_147 : vector<16xf32>
        %neg3A = arith.constant 0.000000e+00 : f32
        %neg3A_149 = vector.broadcast %neg3A : f32 to vector<16xf32>
        %neg3A_150 = arith.subf %neg3A_149, %add3A_148 : vector<16xf32>
        %exp3A = math.exp %neg3A_150 : vector<16xf32>
        %add3A_151 = arith.constant 1.000000e+00 : f32
        %add3A_152 = vector.broadcast %add3A_151 : f32 to vector<16xf32>
        %add3A_153 = arith.addf %add3A_152, %exp3A : vector<16xf32>
        %div3A = arith.constant 1.000000e+00 : f32
        %div3A_154 = vector.broadcast %div3A : f32 to vector<16xf32>
        %div3A_155 = arith.divf %div3A_154, %add3A_153 : vector<16xf32>
        %swap3A = arith.index_cast %scan3A_140 : i32 to index
        %swap3A_156 = arith.constant 0 : index
        %swap3A_157 = tpu.vector_load %arg13[%swap3A, %swap3A_156] {strides = array<i32>} : memref<120x128xf32, #tpu.memory_space<vmem>>, vector<1x16xf32>,
        %swap3A_158 = vector.shape_cast %swap3A_157 : vector<1x16xf32> to vector<16xf32>
        %swap3A_159 = vector.shape_cast %div3A_155 : vector<16xf32> to vector<1x16xf32>
        tpu.vector_store %arg13[%swap3A, %swap3A_156], %swap3A_159 {strides = array<i32>} : memref<120x128xf32, #tpu.memory_space<vmem>>, vector<1x16xf32>,
        %get3A_160 = arith.index_cast %scan3A_140 : i32 to index
        %get3A_161 = arith.constant 16 : index
        %get3A_162 = tpu.vector_load %arg9[%get3A_160, %get3A_161] {strides = array<i32>} : memref<120x128xf32, #tpu.memory_space<vmem>>, vector<1x16xf32>,
        %get3A_163 = vector.shape_cast %get3A_162 : vector<1x16xf32> to vector<16xf32>
        %get3A_164 = arith.index_cast %scan3A_140 : i32 to index
        %get3A_165 = arith.constant 16 : index
        %get3A_166 = tpu.vector_load %arg10[%get3A_164, %get3A_165] {strides = array<i32>} : memref<120x128xf32, #tpu.memory_space<vmem>>, vector<1x16xf32>,
        %get3A_167 = vector.shape_cast %get3A_166 : vector<1x16xf32> to vector<16xf32>
        %add3A_168 = arith.addf %get3A_163, %get3A_167 : vector<16xf32>
        %neg3A_169 = arith.constant 0.000000e+00 : f32
        %neg3A_170 = vector.broadcast %neg3A_169 : f32 to vector<16xf32>
        %neg3A_171 = arith.subf %neg3A_170, %add3A_168 : vector<16xf32>
        %exp3A_172 = math.exp %neg3A_171 : vector<16xf32>
        %add3A_173 = arith.constant 1.000000e+00 : f32
        %add3A_174 = vector.broadcast %add3A_173 : f32 to vector<16xf32>
        %add3A_175 = arith.addf %add3A_174, %exp3A_172 : vector<16xf32>
        %div3A_176 = arith.constant 1.000000e+00 : f32
        %div3A_177 = vector.broadcast %div3A_176 : f32 to vector<16xf32>
        %div3A_178 = arith.divf %div3A_177, %add3A_175 : vector<16xf32>
        %swap3A_179 = arith.index_cast %scan3A_140 : i32 to index
        %swap3A_180 = arith.constant 16 : index
        %swap3A_181 = tpu.vector_load %arg13[%swap3A_179, %swap3A_180] {strides = array<i32>} : memref<120x128xf32, #tpu.memory_space<vmem>>, vector<1x16xf32>,
        %swap3A_182 = vector.shape_cast %swap3A_181 : vector<1x16xf32> to vector<16xf32>
        %swap3A_183 = vector.shape_cast %div3A_178 : vector<16xf32> to vector<1x16xf32>
        tpu.vector_store %arg13[%swap3A_179, %swap3A_180], %swap3A_183 {strides = array<i32>} : memref<120x128xf32, #tpu.memory_space<vmem>>, vector<1x16xf32>,
        %get3A_184 = arith.index_cast %scan3A_140 : i32 to index
        %get3A_185 = arith.constant 32 : index
        %get3A_186 = tpu.vector_load %arg9[%get3A_184, %get3A_185] {strides = array<i32>} : memref<120x128xf32, #tpu.memory_space<vmem>>, vector<1x16xf32>,
        %get3A_187 = vector.shape_cast %get3A_186 : vector<1x16xf32> to vector<16xf32>
        %get3A_188 = arith.index_cast %scan3A_140 : i32 to index
        %get3A_189 = arith.constant 32 : index
        %get3A_190 = tpu.vector_load %arg10[%get3A_188, %get3A_189] {strides = array<i32>} : memref<120x128xf32, #tpu.memory_space<vmem>>, vector<1x16xf32>,
        %get3A_191 = vector.shape_cast %get3A_190 : vector<1x16xf32> to vector<16xf32>
        %add3A_192 = arith.addf %get3A_187, %get3A_191 : vector<16xf32>
        %neg3A_193 = arith.constant 0.000000e+00 : f32
        %neg3A_194 = vector.broadcast %neg3A_193 : f32 to vector<16xf32>
        %neg3A_195 = arith.subf %neg3A_194, %add3A_192 : vector<16xf32>
        %exp3A_196 = math.exp %neg3A_195 : vector<16xf32>
        %add3A_197 = arith.constant 1.000000e+00 : f32
        %add3A_198 = vector.broadcast %add3A_197 : f32 to vector<16xf32>
        %add3A_199 = arith.addf %add3A_198, %exp3A_196 : vector<16xf32>
        %div3A_200 = arith.constant 1.000000e+00 : f32
        %div3A_201 = vector.broadcast %div3A_200 : f32 to vector<16xf32>
        %div3A_202 = arith.divf %div3A_201, %add3A_199 : vector<16xf32>
        %swap3A_203 = arith.index_cast %scan3A_140 : i32 to index
        %swap3A_204 = arith.constant 32 : index
        %swap3A_205 = tpu.vector_load %arg13[%swap3A_203, %swap3A_204] {strides = array<i32>} : memref<120x128xf32, #tpu.memory_space<vmem>>, vector<1x16xf32>,
        %swap3A_206 = vector.shape_cast %swap3A_205 : vector<1x16xf32> to vector<16xf32>
        %swap3A_207 = vector.shape_cast %div3A_202 : vector<16xf32> to vector<1x16xf32>
        tpu.vector_store %arg13[%swap3A_203, %swap3A_204], %swap3A_207 {strides = array<i32>} : memref<120x128xf32, #tpu.memory_space<vmem>>, vector<1x16xf32>,
        %get3A_208 = arith.index_cast %scan3A_140 : i32 to index
        %get3A_209 = arith.constant 48 : index
        %get3A_210 = tpu.vector_load %arg9[%get3A_208, %get3A_209] {strides = array<i32>} : memref<120x128xf32, #tpu.memory_space<vmem>>, vector<1x16xf32>,
        %get3A_211 = vector.shape_cast %get3A_210 : vector<1x16xf32> to vector<16xf32>
        %get3A_212 = arith.index_cast %scan3A_140 : i32 to index
        %get3A_213 = arith.constant 48 : index
        %get3A_214 = tpu.vector_load %arg10[%get3A_212, %get3A_213] {strides = array<i32>} : memref<120x128xf32, #tpu.memory_space<vmem>>, vector<1x16xf32>,
        %get3A_215 = vector.shape_cast %get3A_214 : vector<1x16xf32> to vector<16xf32>
        %add3A_216 = arith.addf %get3A_211, %get3A_215 : vector<16xf32>
        %neg3A_217 = arith.constant 0.000000e+00 : f32
        %neg3A_218 = vector.broadcast %neg3A_217 : f32 to vector<16xf32>
        %neg3A_219 = arith.subf %neg3A_218, %add3A_216 : vector<16xf32>
        %exp3A_220 = math.exp %neg3A_219 : vector<16xf32>
        %add3A_221 = arith.constant 1.000000e+00 : f32
        %add3A_222 = vector.broadcast %add3A_221 : f32 to vector<16xf32>
        %add3A_223 = arith.addf %add3A_222, %exp3A_220 : vector<16xf32>
        %div3A_224 = arith.constant 1.000000e+00 : f32
        %div3A_225 = vector.broadcast %div3A_224 : f32 to vector<16xf32>
        %div3A_226 = arith.divf %div3A_225, %add3A_223 : vector<16xf32>
        %swap3A_227 = arith.index_cast %scan3A_140 : i32 to index
        %swap3A_228 = arith.constant 48 : index
        %swap3A_229 = tpu.vector_load %arg13[%swap3A_227, %swap3A_228] {strides = array<i32>} : memref<120x128xf32, #tpu.memory_space<vmem>>, vector<1x16xf32>,
        %swap3A_230 = vector.shape_cast %swap3A_229 : vector<1x16xf32> to vector<16xf32>
        %swap3A_231 = vector.shape_cast %div3A_226 : vector<16xf32> to vector<1x16xf32>
        tpu.vector_store %arg13[%swap3A_227, %swap3A_228], %swap3A_231 {strides = array<i32>} : memref<120x128xf32, #tpu.memory_space<vmem>>, vector<1x16xf32>,
        %get3A_232 = arith.index_cast %scan3A_140 : i32 to index
        %get3A_233 = arith.constant 64 : index
        %get3A_234 = tpu.vector_load %arg9[%get3A_232, %get3A_233] {strides = array<i32>} : memref<120x128xf32, #tpu.memory_space<vmem>>, vector<1x16xf32>,
        %get3A_235 = vector.shape_cast %get3A_234 : vector<1x16xf32> to vector<16xf32>
        %get3A_236 = arith.index_cast %scan3A_140 : i32 to index
        %get3A_237 = arith.constant 64 : index
        %get3A_238 = tpu.vector_load %arg10[%get3A_236, %get3A_237] {strides = array<i32>} : memref<120x128xf32, #tpu.memory_space<vmem>>, vector<1x16xf32>,
        %get3A_239 = vector.shape_cast %get3A_238 : vector<1x16xf32> to vector<16xf32>
        %add3A_240 = arith.addf %get3A_235, %get3A_239 : vector<16xf32>
        %neg3A_241 = arith.constant 0.000000e+00 : f32
        %neg3A_242 = vector.broadcast %neg3A_241 : f32 to vector<16xf32>
        %neg3A_243 = arith.subf %neg3A_242, %add3A_240 : vector<16xf32>
        %exp3A_244 = math.exp %neg3A_243 : vector<16xf32>
        %add3A_245 = arith.constant 1.000000e+00 : f32
        %add3A_246 = vector.broadcast %add3A_245 : f32 to vector<16xf32>
        %add3A_247 = arith.addf %add3A_246, %exp3A_244 : vector<16xf32>
        %div3A_248 = arith.constant 1.000000e+00 : f32
        %div3A_249 = vector.broadcast %div3A_248 : f32 to vector<16xf32>
        %div3A_250 = arith.divf %div3A_249, %add3A_247 : vector<16xf32>
        %swap3A_251 = arith.index_cast %scan3A_140 : i32 to index
        %swap3A_252 = arith.constant 64 : index
        %swap3A_253 = tpu.vector_load %arg13[%swap3A_251, %swap3A_252] {strides = array<i32>} : memref<120x128xf32, #tpu.memory_space<vmem>>, vector<1x16xf32>,
        %swap3A_254 = vector.shape_cast %swap3A_253 : vector<1x16xf32> to vector<16xf32>
        %swap3A_255 = vector.shape_cast %div3A_250 : vector<16xf32> to vector<1x16xf32>
        tpu.vector_store %arg13[%swap3A_251, %swap3A_252], %swap3A_255 {strides = array<i32>} : memref<120x128xf32, #tpu.memory_space<vmem>>, vector<1x16xf32>,
        %get3A_256 = arith.index_cast %scan3A_140 : i32 to index
        %get3A_257 = arith.constant 80 : index
        %get3A_258 = tpu.vector_load %arg9[%get3A_256, %get3A_257] {strides = array<i32>} : memref<120x128xf32, #tpu.memory_space<vmem>>, vector<1x16xf32>,
        %get3A_259 = vector.shape_cast %get3A_258 : vector<1x16xf32> to vector<16xf32>
        %get3A_260 = arith.index_cast %scan3A_140 : i32 to index
        %get3A_261 = arith.constant 80 : index
        %get3A_262 = tpu.vector_load %arg10[%get3A_260, %get3A_261] {strides = array<i32>} : memref<120x128xf32, #tpu.memory_space<vmem>>, vector<1x16xf32>,
        %get3A_263 = vector.shape_cast %get3A_262 : vector<1x16xf32> to vector<16xf32>
        %add3A_264 = arith.addf %get3A_259, %get3A_263 : vector<16xf32>
        %neg3A_265 = arith.constant 0.000000e+00 : f32
        %neg3A_266 = vector.broadcast %neg3A_265 : f32 to vector<16xf32>
        %neg3A_267 = arith.subf %neg3A_266, %add3A_264 : vector<16xf32>
        %exp3A_268 = math.exp %neg3A_267 : vector<16xf32>
        %add3A_269 = arith.constant 1.000000e+00 : f32
        %add3A_270 = vector.broadcast %add3A_269 : f32 to vector<16xf32>
        %add3A_271 = arith.addf %add3A_270, %exp3A_268 : vector<16xf32>
        %div3A_272 = arith.constant 1.000000e+00 : f32
        %div3A_273 = vector.broadcast %div3A_272 : f32 to vector<16xf32>
        %div3A_274 = arith.divf %div3A_273, %add3A_271 : vector<16xf32>
        %swap3A_275 = arith.index_cast %scan3A_140 : i32 to index
        %swap3A_276 = arith.constant 80 : index
        %swap3A_277 = tpu.vector_load %arg13[%swap3A_275, %swap3A_276] {strides = array<i32>} : memref<120x128xf32, #tpu.memory_space<vmem>>, vector<1x16xf32>,
        %swap3A_278 = vector.shape_cast %swap3A_277 : vector<1x16xf32> to vector<16xf32>
        %swap3A_279 = vector.shape_cast %div3A_274 : vector<16xf32> to vector<1x16xf32>
        tpu.vector_store %arg13[%swap3A_275, %swap3A_276], %swap3A_279 {strides = array<i32>} : memref<120x128xf32, #tpu.memory_space<vmem>>, vector<1x16xf32>,
      }
      %scan3A_92 = arith.constant 120 : i32
      %mul3A_93 = arith.constant 120 : i32
      %mul3A_94 = arith.muli %mul3A_67, %mul3A_93 : i32
      %add3A_95 = arith.addi %mul3A_2, %mul3A_94 : i32
      %multiple_of3A_96 = tpu.assume_multiple %add3A_95, 8 : i32
      %dma_start3A_97 = arith.constant 0 : i32
      %dma_start3A_98 = tpu.memref_slice %arg6[%multiple_of3A_96, %dma_start3A_97] : memref<103680x128xf32, #tpu.memory_space<hbm>> -> memref<120x128xf32, #tpu.memory_space<hbm>>
      %dma_start3A_99 = arith.constant 0 : i32
      %dma_start3A_100 = tpu.memref_slice %arg6[%multiple_of3A_96, %dma_start3A_99] : memref<103680x128xf32, #tpu.memory_space<hbm>> -> memref<120x128xf32, #tpu.memory_space<hbm>>
      tpu.enqueue_dma source(%arg13 : memref<120x128xf32, #tpu.memory_space<vmem>>) target(%dma_start3A_100 : memref<120x128xf32, #tpu.memory_space<hbm>>) target_semaphore(%arg19 : memref<!tpu.dma_semaphore, #tpu.memory_space<semaphore_mem>>)
      %add3A_101 = arith.constant 1 : i32
      %add3A_102 = arith.addi %mul3A_67, %add3A_101 : i32
      %dma_wait3A_103 = arith.constant 0 : i32
      %dma_wait3A_104 = tpu.memref_slice %arg7[%add3A_102, %dma_wait3A_103] : memref<27x120xi32, #tpu.memory_space<vmem>> -> memref<1x120xi32, #tpu.memory_space<vmem>>
      %dma_wait3A_105 = tpu.memref_squeeze %dma_wait3A_104 : memref<1x120xi32, #tpu.memory_space<vmem>> -> memref<120xi32, #tpu.memory_space<vmem>>
      %dma_wait3A_106 = arith.constant 0 : i32
      %dma_wait3A_107 = arith.constant 0 : i32
      %dma_wait3A_108 = tpu.memref_slice %arg2[%dma_wait3A_106, %dma_wait3A_107] : memref<10000x128xf32, #tpu.memory_space<hbm>> -> memref<10000x128xf32, #tpu.memory_space<hbm>>
      tpu.wait_indirect_dma semaphore(%arg17 : memref<!tpu.dma_semaphore, #tpu.memory_space<semaphore_mem>>) src(%dma_wait3A_108 : memref<10000x128xf32, #tpu.memory_space<hbm>>) dst(%arg11 : memref<120x128xf32, #tpu.memory_space<vmem>>)
      %dma_wait3A_109 = arith.constant 0 : i32
      %dma_wait3A_110 = tpu.memref_slice %arg8[%add3A_102, %dma_wait3A_109] : memref<27x120xi32, #tpu.memory_space<vmem>> -> memref<1x120xi32, #tpu.memory_space<vmem>>
      %dma_wait3A_111 = tpu.memref_squeeze %dma_wait3A_110 : memref<1x120xi32, #tpu.memory_space<vmem>> -> memref<120xi32, #tpu.memory_space<vmem>>
      %dma_wait3A_112 = arith.constant 0 : i32
      %dma_wait3A_113 = arith.constant 0 : i32
      %dma_wait3A_114 = tpu.memref_slice %arg3[%dma_wait3A_112, %dma_wait3A_113] : memref<10000x128xf32, #tpu.memory_space<hbm>> -> memref<10000x128xf32, #tpu.memory_space<hbm>>
      tpu.wait_indirect_dma semaphore(%arg18 : memref<!tpu.dma_semaphore, #tpu.memory_space<semaphore_mem>>) src(%dma_wait3A_114 : memref<10000x128xf32, #tpu.memory_space<hbm>>) dst(%arg12 : memref<120x128xf32, #tpu.memory_space<vmem>>)
      %add3A_115 = arith.constant 1 : i32
      %add3A_116 = arith.addi %add3A_102, %add3A_115 : i32
      %lt3A_117 = arith.constant 27 : i32
      %lt3A_118 = arith.cmpi slt, %add3A_116, %lt3A_117 : i32
      %convert_element_type3A_119 = arith.extui %lt3A_118 : i1 to i32
      %cond3A_120 = arith.constant 0 : i32
      %cond3A_121 = arith.cmpi ne, %convert_element_type3A_119, %cond3A_120 : i32
      scf.if %cond3A_121 {
        %add3A_140 = arith.constant 1 : i32
        %add3A_141 = arith.addi %add3A_102, %add3A_140 : i32
        %dma_start3A_142 = arith.constant 0 : i32
        %dma_start3A_143 = tpu.memref_slice %arg7[%add3A_141, %dma_start3A_142] : memref<27x120xi32, #tpu.memory_space<vmem>> -> memref<1x120xi32, #tpu.memory_space<vmem>>
        %dma_start3A_144 = tpu.memref_squeeze %dma_start3A_143 : memref<1x120xi32, #tpu.memory_space<vmem>> -> memref<120xi32, #tpu.memory_space<vmem>>
        %dma_start3A_145 = arith.constant 0 : i32
        %dma_start3A_146 = arith.constant 0 : i32
        %dma_start3A_147 = tpu.memref_slice %arg2[%dma_start3A_145, %dma_start3A_146] : memref<10000x128xf32, #tpu.memory_space<hbm>> -> memref<10000x128xf32, #tpu.memory_space<hbm>>
        tpu.enqueue_indirect_dma source(%dma_start3A_147 : memref<10000x128xf32, #tpu.memory_space<hbm>>) target(%arg9 : memref<120x128xf32, #tpu.memory_space<vmem>>) offsets(%dma_start3A_144 : memref<120xi32, #tpu.memory_space<vmem>>) semaphore(%arg15 : memref<!tpu.dma_semaphore, #tpu.memory_space<semaphore_mem>>)
        %dma_start3A_148 = arith.constant 0 : i32
        %dma_start3A_149 = tpu.memref_slice %arg8[%add3A_141, %dma_start3A_148] : memref<27x120xi32, #tpu.memory_space<vmem>> -> memref<1x120xi32, #tpu.memory_space<vmem>>
        %dma_start3A_150 = tpu.memref_squeeze %dma_start3A_149 : memref<1x120xi32, #tpu.memory_space<vmem>> -> memref<120xi32, #tpu.memory_space<vmem>>
        %dma_start3A_151 = arith.constant 0 : i32
        %dma_start3A_152 = arith.constant 0 : i32
        %dma_start3A_153 = tpu.memref_slice %arg3[%dma_start3A_151, %dma_start3A_152] : memref<10000x128xf32, #tpu.memory_space<hbm>> -> memref<10000x128xf32, #tpu.memory_space<hbm>>
        tpu.enqueue_indirect_dma source(%dma_start3A_153 : memref<10000x128xf32, #tpu.memory_space<hbm>>) target(%arg10 : memref<120x128xf32, #tpu.memory_space<vmem>>) offsets(%dma_start3A_150 : memref<120xi32, #tpu.memory_space<vmem>>) semaphore(%arg16 : memref<!tpu.dma_semaphore, #tpu.memory_space<semaphore_mem>>)
      } else {
      }
      %ge3A_122 = arith.constant 2 : i32
      %ge3A_123 = arith.cmpi sge, %add3A_102, %ge3A_122 : i32
      %convert_element_type3A_124 = arith.extui %ge3A_123 : i1 to i32
      %cond3A_125 = arith.constant 0 : i32
      %cond3A_126 = arith.cmpi ne, %convert_element_type3A_124, %cond3A_125 : i32
      scf.if %cond3A_126 {
        %sub3A = arith.constant 2 : i32
        %sub3A_140 = arith.subi %add3A_102, %sub3A : i32
        %mul3A_141 = arith.constant 120 : i32
        %mul3A_142 = arith.muli %sub3A_140, %mul3A_141 : i32
        %add3A_143 = arith.addi %mul3A_2, %mul3A_142 : i32
        %multiple_of3A_144 = tpu.assume_multiple %add3A_143, 8 : i32
        %dma_wait3A_145 = arith.constant 0 : i32
        %dma_wait3A_146 = tpu.memref_slice %arg6[%multiple_of3A_144, %dma_wait3A_145] : memref<103680x128xf32, #tpu.memory_space<hbm>> -> memref<120x128xf32, #tpu.memory_space<hbm>>
        %dma_wait3A_147 = arith.constant 0 : i32
        %dma_wait3A_148 = tpu.memref_slice %arg6[%multiple_of3A_144, %dma_wait3A_147] : memref<103680x128xf32, #tpu.memory_space<hbm>> -> memref<120x128xf32, #tpu.memory_space<hbm>>
        tpu.wait_dma2 semaphore(%arg20 : memref<!tpu.dma_semaphore, #tpu.memory_space<semaphore_mem>>) src(%arg14 : memref<120x128xf32, #tpu.memory_space<vmem>>) dst(%dma_wait3A_148 : memref<120x128xf32, #tpu.memory_space<hbm>>)
      } else {
      }
      %scan3A_127 = arith.constant 0 : i32
      %scan3A_128 = arith.constant 120 : i32
      %scan3A_129 = arith.addi %scan3A_127, %scan3A_128 : i32
      %scan3A_130 = arith.constant 1 : i32
      scf.for %scan3A_140 = %scan3A_127 to %scan3A_129 step %scan3A_130  : i32 {
        %get3A = arith.index_cast %scan3A_140 : i32 to index
        %get3A_141 = arith.constant 0 : index
        %get3A_142 = tpu.vector_load %arg11[%get3A, %get3A_141] {strides = array<i32>} : memref<120x128xf32, #tpu.memory_space<vmem>>, vector<1x16xf32>,
        %get3A_143 = vector.shape_cast %get3A_142 : vector<1x16xf32> to vector<16xf32>
        %get3A_144 = arith.index_cast %scan3A_140 : i32 to index
        %get3A_145 = arith.constant 0 : index
        %get3A_146 = tpu.vector_load %arg12[%get3A_144, %get3A_145] {strides = array<i32>} : memref<120x128xf32, #tpu.memory_space<vmem>>, vector<1x16xf32>,
        %get3A_147 = vector.shape_cast %get3A_146 : vector<1x16xf32> to vector<16xf32>
        %add3A_148 = arith.addf %get3A_143, %get3A_147 : vector<16xf32>
        %neg3A = arith.constant 0.000000e+00 : f32
        %neg3A_149 = vector.broadcast %neg3A : f32 to vector<16xf32>
        %neg3A_150 = arith.subf %neg3A_149, %add3A_148 : vector<16xf32>
        %exp3A = math.exp %neg3A_150 : vector<16xf32>
        %add3A_151 = arith.constant 1.000000e+00 : f32
        %add3A_152 = vector.broadcast %add3A_151 : f32 to vector<16xf32>
        %add3A_153 = arith.addf %add3A_152, %exp3A : vector<16xf32>
        %div3A = arith.constant 1.000000e+00 : f32
        %div3A_154 = vector.broadcast %div3A : f32 to vector<16xf32>
        %div3A_155 = arith.divf %div3A_154, %add3A_153 : vector<16xf32>
        %swap3A = arith.index_cast %scan3A_140 : i32 to index
        %swap3A_156 = arith.constant 0 : index
        %swap3A_157 = tpu.vector_load %arg14[%swap3A, %swap3A_156] {strides = array<i32>} : memref<120x128xf32, #tpu.memory_space<vmem>>, vector<1x16xf32>,
        %swap3A_158 = vector.shape_cast %swap3A_157 : vector<1x16xf32> to vector<16xf32>
        %swap3A_159 = vector.shape_cast %div3A_155 : vector<16xf32> to vector<1x16xf32>
        tpu.vector_store %arg14[%swap3A, %swap3A_156], %swap3A_159 {strides = array<i32>} : memref<120x128xf32, #tpu.memory_space<vmem>>, vector<1x16xf32>,
        %get3A_160 = arith.index_cast %scan3A_140 : i32 to index
        %get3A_161 = arith.constant 16 : index
        %get3A_162 = tpu.vector_load %arg11[%get3A_160, %get3A_161] {strides = array<i32>} : memref<120x128xf32, #tpu.memory_space<vmem>>, vector<1x16xf32>,
        %get3A_163 = vector.shape_cast %get3A_162 : vector<1x16xf32> to vector<16xf32>
        %get3A_164 = arith.index_cast %scan3A_140 : i32 to index
        %get3A_165 = arith.constant 16 : index
        %get3A_166 = tpu.vector_load %arg12[%get3A_164, %get3A_165] {strides = array<i32>} : memref<120x128xf32, #tpu.memory_space<vmem>>, vector<1x16xf32>,
        %get3A_167 = vector.shape_cast %get3A_166 : vector<1x16xf32> to vector<16xf32>
        %add3A_168 = arith.addf %get3A_163, %get3A_167 : vector<16xf32>
        %neg3A_169 = arith.constant 0.000000e+00 : f32
        %neg3A_170 = vector.broadcast %neg3A_169 : f32 to vector<16xf32>
        %neg3A_171 = arith.subf %neg3A_170, %add3A_168 : vector<16xf32>
        %exp3A_172 = math.exp %neg3A_171 : vector<16xf32>
        %add3A_173 = arith.constant 1.000000e+00 : f32
        %add3A_174 = vector.broadcast %add3A_173 : f32 to vector<16xf32>
        %add3A_175 = arith.addf %add3A_174, %exp3A_172 : vector<16xf32>
        %div3A_176 = arith.constant 1.000000e+00 : f32
        %div3A_177 = vector.broadcast %div3A_176 : f32 to vector<16xf32>
        %div3A_178 = arith.divf %div3A_177, %add3A_175 : vector<16xf32>
        %swap3A_179 = arith.index_cast %scan3A_140 : i32 to index
        %swap3A_180 = arith.constant 16 : index
        %swap3A_181 = tpu.vector_load %arg14[%swap3A_179, %swap3A_180] {strides = array<i32>} : memref<120x128xf32, #tpu.memory_space<vmem>>, vector<1x16xf32>,
        %swap3A_182 = vector.shape_cast %swap3A_181 : vector<1x16xf32> to vector<16xf32>
        %swap3A_183 = vector.shape_cast %div3A_178 : vector<16xf32> to vector<1x16xf32>
        tpu.vector_store %arg14[%swap3A_179, %swap3A_180], %swap3A_183 {strides = array<i32>} : memref<120x128xf32, #tpu.memory_space<vmem>>, vector<1x16xf32>,
        %get3A_184 = arith.index_cast %scan3A_140 : i32 to index
        %get3A_185 = arith.constant 32 : index
        %get3A_186 = tpu.vector_load %arg11[%get3A_184, %get3A_185] {strides = array<i32>} : memref<120x128xf32, #tpu.memory_space<vmem>>, vector<1x16xf32>,
        %get3A_187 = vector.shape_cast %get3A_186 : vector<1x16xf32> to vector<16xf32>
        %get3A_188 = arith.index_cast %scan3A_140 : i32 to index
        %get3A_189 = arith.constant 32 : index
        %get3A_190 = tpu.vector_load %arg12[%get3A_188, %get3A_189] {strides = array<i32>} : memref<120x128xf32, #tpu.memory_space<vmem>>, vector<1x16xf32>,
        %get3A_191 = vector.shape_cast %get3A_190 : vector<1x16xf32> to vector<16xf32>
        %add3A_192 = arith.addf %get3A_187, %get3A_191 : vector<16xf32>
        %neg3A_193 = arith.constant 0.000000e+00 : f32
        %neg3A_194 = vector.broadcast %neg3A_193 : f32 to vector<16xf32>
        %neg3A_195 = arith.subf %neg3A_194, %add3A_192 : vector<16xf32>
        %exp3A_196 = math.exp %neg3A_195 : vector<16xf32>
        %add3A_197 = arith.constant 1.000000e+00 : f32
        %add3A_198 = vector.broadcast %add3A_197 : f32 to vector<16xf32>
        %add3A_199 = arith.addf %add3A_198, %exp3A_196 : vector<16xf32>
        %div3A_200 = arith.constant 1.000000e+00 : f32
        %div3A_201 = vector.broadcast %div3A_200 : f32 to vector<16xf32>
        %div3A_202 = arith.divf %div3A_201, %add3A_199 : vector<16xf32>
        %swap3A_203 = arith.index_cast %scan3A_140 : i32 to index
        %swap3A_204 = arith.constant 32 : index
        %swap3A_205 = tpu.vector_load %arg14[%swap3A_203, %swap3A_204] {strides = array<i32>} : memref<120x128xf32, #tpu.memory_space<vmem>>, vector<1x16xf32>,
        %swap3A_206 = vector.shape_cast %swap3A_205 : vector<1x16xf32> to vector<16xf32>
        %swap3A_207 = vector.shape_cast %div3A_202 : vector<16xf32> to vector<1x16xf32>
        tpu.vector_store %arg14[%swap3A_203, %swap3A_204], %swap3A_207 {strides = array<i32>} : memref<120x128xf32, #tpu.memory_space<vmem>>, vector<1x16xf32>,
        %get3A_208 = arith.index_cast %scan3A_140 : i32 to index
        %get3A_209 = arith.constant 48 : index
        %get3A_210 = tpu.vector_load %arg11[%get3A_208, %get3A_209] {strides = array<i32>} : memref<120x128xf32, #tpu.memory_space<vmem>>, vector<1x16xf32>,
        %get3A_211 = vector.shape_cast %get3A_210 : vector<1x16xf32> to vector<16xf32>
        %get3A_212 = arith.index_cast %scan3A_140 : i32 to index
        %get3A_213 = arith.constant 48 : index
        %get3A_214 = tpu.vector_load %arg12[%get3A_212, %get3A_213] {strides = array<i32>} : memref<120x128xf32, #tpu.memory_space<vmem>>, vector<1x16xf32>,
        %get3A_215 = vector.shape_cast %get3A_214 : vector<1x16xf32> to vector<16xf32>
        %add3A_216 = arith.addf %get3A_211, %get3A_215 : vector<16xf32>
        %neg3A_217 = arith.constant 0.000000e+00 : f32
        %neg3A_218 = vector.broadcast %neg3A_217 : f32 to vector<16xf32>
        %neg3A_219 = arith.subf %neg3A_218, %add3A_216 : vector<16xf32>
        %exp3A_220 = math.exp %neg3A_219 : vector<16xf32>
        %add3A_221 = arith.constant 1.000000e+00 : f32
        %add3A_222 = vector.broadcast %add3A_221 : f32 to vector<16xf32>
        %add3A_223 = arith.addf %add3A_222, %exp3A_220 : vector<16xf32>
        %div3A_224 = arith.constant 1.000000e+00 : f32
        %div3A_225 = vector.broadcast %div3A_224 : f32 to vector<16xf32>
        %div3A_226 = arith.divf %div3A_225, %add3A_223 : vector<16xf32>
        %swap3A_227 = arith.index_cast %scan3A_140 : i32 to index
        %swap3A_228 = arith.constant 48 : index
        %swap3A_229 = tpu.vector_load %arg14[%swap3A_227, %swap3A_228] {strides = array<i32>} : memref<120x128xf32, #tpu.memory_space<vmem>>, vector<1x16xf32>,
        %swap3A_230 = vector.shape_cast %swap3A_229 : vector<1x16xf32> to vector<16xf32>
        %swap3A_231 = vector.shape_cast %div3A_226 : vector<16xf32> to vector<1x16xf32>
        tpu.vector_store %arg14[%swap3A_227, %swap3A_228], %swap3A_231 {strides = array<i32>} : memref<120x128xf32, #tpu.memory_space<vmem>>, vector<1x16xf32>,
        %get3A_232 = arith.index_cast %scan3A_140 : i32 to index
        %get3A_233 = arith.constant 64 : index
        %get3A_234 = tpu.vector_load %arg11[%get3A_232, %get3A_233] {strides = array<i32>} : memref<120x128xf32, #tpu.memory_space<vmem>>, vector<1x16xf32>,
        %get3A_235 = vector.shape_cast %get3A_234 : vector<1x16xf32> to vector<16xf32>
        %get3A_236 = arith.index_cast %scan3A_140 : i32 to index
        %get3A_237 = arith.constant 64 : index
        %get3A_238 = tpu.vector_load %arg12[%get3A_236, %get3A_237] {strides = array<i32>} : memref<120x128xf32, #tpu.memory_space<vmem>>, vector<1x16xf32>,
        %get3A_239 = vector.shape_cast %get3A_238 : vector<1x16xf32> to vector<16xf32>
        %add3A_240 = arith.addf %get3A_235, %get3A_239 : vector<16xf32>
        %neg3A_241 = arith.constant 0.000000e+00 : f32
        %neg3A_242 = vector.broadcast %neg3A_241 : f32 to vector<16xf32>
        %neg3A_243 = arith.subf %neg3A_242, %add3A_240 : vector<16xf32>
        %exp3A_244 = math.exp %neg3A_243 : vector<16xf32>
        %add3A_245 = arith.constant 1.000000e+00 : f32
        %add3A_246 = vector.broadcast %add3A_245 : f32 to vector<16xf32>
        %add3A_247 = arith.addf %add3A_246, %exp3A_244 : vector<16xf32>
        %div3A_248 = arith.constant 1.000000e+00 : f32
        %div3A_249 = vector.broadcast %div3A_248 : f32 to vector<16xf32>
        %div3A_250 = arith.divf %div3A_249, %add3A_247 : vector<16xf32>
        %swap3A_251 = arith.index_cast %scan3A_140 : i32 to index
        %swap3A_252 = arith.constant 64 : index
        %swap3A_253 = tpu.vector_load %arg14[%swap3A_251, %swap3A_252] {strides = array<i32>} : memref<120x128xf32, #tpu.memory_space<vmem>>, vector<1x16xf32>,
        %swap3A_254 = vector.shape_cast %swap3A_253 : vector<1x16xf32> to vector<16xf32>
        %swap3A_255 = vector.shape_cast %div3A_250 : vector<16xf32> to vector<1x16xf32>
        tpu.vector_store %arg14[%swap3A_251, %swap3A_252], %swap3A_255 {strides = array<i32>} : memref<120x128xf32, #tpu.memory_space<vmem>>, vector<1x16xf32>,
        %get3A_256 = arith.index_cast %scan3A_140 : i32 to index
        %get3A_257 = arith.constant 80 : index
        %get3A_258 = tpu.vector_load %arg11[%get3A_256, %get3A_257] {strides = array<i32>} : memref<120x128xf32, #tpu.memory_space<vmem>>, vector<1x16xf32>,
        %get3A_259 = vector.shape_cast %get3A_258 : vector<1x16xf32> to vector<16xf32>
        %get3A_260 = arith.index_cast %scan3A_140 : i32 to index
        %get3A_261 = arith.constant 80 : index
        %get3A_262 = tpu.vector_load %arg12[%get3A_260, %get3A_261] {strides = array<i32>} : memref<120x128xf32, #tpu.memory_space<vmem>>, vector<1x16xf32>,
        %get3A_263 = vector.shape_cast %get3A_262 : vector<1x16xf32> to vector<16xf32>
        %add3A_264 = arith.addf %get3A_259, %get3A_263 : vector<16xf32>
        %neg3A_265 = arith.constant 0.000000e+00 : f32
        %neg3A_266 = vector.broadcast %neg3A_265 : f32 to vector<16xf32>
        %neg3A_267 = arith.subf %neg3A_266, %add3A_264 : vector<16xf32>
        %exp3A_268 = math.exp %neg3A_267 : vector<16xf32>
        %add3A_269 = arith.constant 1.000000e+00 : f32
        %add3A_270 = vector.broadcast %add3A_269 : f32 to vector<16xf32>
        %add3A_271 = arith.addf %add3A_270, %exp3A_268 : vector<16xf32>
        %div3A_272 = arith.constant 1.000000e+00 : f32
        %div3A_273 = vector.broadcast %div3A_272 : f32 to vector<16xf32>
        %div3A_274 = arith.divf %div3A_273, %add3A_271 : vector<16xf32>
        %swap3A_275 = arith.index_cast %scan3A_140 : i32 to index
        %swap3A_276 = arith.constant 80 : index
        %swap3A_277 = tpu.vector_load %arg14[%swap3A_275, %swap3A_276] {strides = array<i32>} : memref<120x128xf32, #tpu.memory_space<vmem>>, vector<1x16xf32>,
        %swap3A_278 = vector.shape_cast %swap3A_277 : vector<1x16xf32> to vector<16xf32>
        %swap3A_279 = vector.shape_cast %div3A_274 : vector<16xf32> to vector<1x16xf32>
        tpu.vector_store %arg14[%swap3A_275, %swap3A_276], %swap3A_279 {strides = array<i32>} : memref<120x128xf32, #tpu.memory_space<vmem>>, vector<1x16xf32>,
      }
      %scan3A_131 = arith.constant 120 : i32
      %mul3A_132 = arith.constant 120 : i32
      %mul3A_133 = arith.muli %add3A_102, %mul3A_132 : i32
      %add3A_134 = arith.addi %mul3A_2, %mul3A_133 : i32
      %multiple_of3A_135 = tpu.assume_multiple %add3A_134, 8 : i32
      %dma_start3A_136 = arith.constant 0 : i32
      %dma_start3A_137 = tpu.memref_slice %arg6[%multiple_of3A_135, %dma_start3A_136] : memref<103680x128xf32, #tpu.memory_space<hbm>> -> memref<120x128xf32, #tpu.memory_space<hbm>>
      %dma_start3A_138 = arith.constant 0 : i32
      %dma_start3A_139 = tpu.memref_slice %arg6[%multiple_of3A_135, %dma_start3A_138] : memref<103680x128xf32, #tpu.memory_space<hbm>> -> memref<120x128xf32, #tpu.memory_space<hbm>>
      tpu.enqueue_dma source(%arg14 : memref<120x128xf32, #tpu.memory_space<vmem>>) target(%dma_start3A_139 : memref<120x128xf32, #tpu.memory_space<hbm>>) target_semaphore(%arg20 : memref<!tpu.dma_semaphore, #tpu.memory_space<semaphore_mem>>)
    }
    %scan3A_19 = arith.constant 13 : i32
    %dma_wait3A = arith.constant 26 : i32
    %dma_wait3A_20 = arith.constant 0 : i32
    %dma_wait3A_21 = tpu.memref_slice %arg7[%dma_wait3A, %dma_wait3A_20] : memref<27x120xi32, #tpu.memory_space<vmem>> -> memref<1x120xi32, #tpu.memory_space<vmem>>
    %dma_wait3A_22 = tpu.memref_squeeze %dma_wait3A_21 : memref<1x120xi32, #tpu.memory_space<vmem>> -> memref<120xi32, #tpu.memory_space<vmem>>
    %dma_wait3A_23 = arith.constant 0 : i32
    %dma_wait3A_24 = arith.constant 0 : i32
    %dma_wait3A_25 = tpu.memref_slice %arg2[%dma_wait3A_23, %dma_wait3A_24] : memref<10000x128xf32, #tpu.memory_space<hbm>> -> memref<10000x128xf32, #tpu.memory_space<hbm>>
    tpu.wait_indirect_dma semaphore(%arg15 : memref<!tpu.dma_semaphore, #tpu.memory_space<semaphore_mem>>) src(%dma_wait3A_25 : memref<10000x128xf32, #tpu.memory_space<hbm>>) dst(%arg9 : memref<120x128xf32, #tpu.memory_space<vmem>>)
    %dma_wait3A_26 = arith.constant 26 : i32
    %dma_wait3A_27 = arith.constant 0 : i32
    %dma_wait3A_28 = tpu.memref_slice %arg8[%dma_wait3A_26, %dma_wait3A_27] : memref<27x120xi32, #tpu.memory_space<vmem>> -> memref<1x120xi32, #tpu.memory_space<vmem>>
    %dma_wait3A_29 = tpu.memref_squeeze %dma_wait3A_28 : memref<1x120xi32, #tpu.memory_space<vmem>> -> memref<120xi32, #tpu.memory_space<vmem>>
    %dma_wait3A_30 = arith.constant 0 : i32
    %dma_wait3A_31 = arith.constant 0 : i32
    %dma_wait3A_32 = tpu.memref_slice %arg3[%dma_wait3A_30, %dma_wait3A_31] : memref<10000x128xf32, #tpu.memory_space<hbm>> -> memref<10000x128xf32, #tpu.memory_space<hbm>>
    tpu.wait_indirect_dma semaphore(%arg16 : memref<!tpu.dma_semaphore, #tpu.memory_space<semaphore_mem>>) src(%dma_wait3A_32 : memref<10000x128xf32, #tpu.memory_space<hbm>>) dst(%arg10 : memref<120x128xf32, #tpu.memory_space<vmem>>)
    %add3A_33 = arith.constant 2880 : i32
    %add3A_34 = arith.addi %mul3A_2, %add3A_33 : i32
    %multiple_of3A = tpu.assume_multiple %add3A_34, 8 : i32
    %dma_wait3A_35 = arith.constant 0 : i32
    %dma_wait3A_36 = tpu.memref_slice %arg6[%multiple_of3A, %dma_wait3A_35] : memref<103680x128xf32, #tpu.memory_space<hbm>> -> memref<120x128xf32, #tpu.memory_space<hbm>>
    %dma_wait3A_37 = arith.constant 0 : i32
    %dma_wait3A_38 = tpu.memref_slice %arg6[%multiple_of3A, %dma_wait3A_37] : memref<103680x128xf32, #tpu.memory_space<hbm>> -> memref<120x128xf32, #tpu.memory_space<hbm>>
    tpu.wait_dma2 semaphore(%arg19 : memref<!tpu.dma_semaphore, #tpu.memory_space<semaphore_mem>>) src(%arg13 : memref<120x128xf32, #tpu.memory_space<vmem>>) dst(%dma_wait3A_38 : memref<120x128xf32, #tpu.memory_space<hbm>>)
    %scan3A_39 = arith.constant 0 : i32
    %scan3A_40 = arith.constant 120 : i32
    %scan3A_41 = arith.addi %scan3A_39, %scan3A_40 : i32
    %scan3A_42 = arith.constant 1 : i32
    scf.for %scan3A_65 = %scan3A_39 to %scan3A_41 step %scan3A_42  : i32 {
      %get3A = arith.index_cast %scan3A_65 : i32 to index
      %get3A_66 = arith.constant 0 : index
      %get3A_67 = tpu.vector_load %arg9[%get3A, %get3A_66] {strides = array<i32>} : memref<120x128xf32, #tpu.memory_space<vmem>>, vector<1x16xf32>,
      %get3A_68 = vector.shape_cast %get3A_67 : vector<1x16xf32> to vector<16xf32>
      %get3A_69 = arith.index_cast %scan3A_65 : i32 to index
      %get3A_70 = arith.constant 0 : index
      %get3A_71 = tpu.vector_load %arg10[%get3A_69, %get3A_70] {strides = array<i32>} : memref<120x128xf32, #tpu.memory_space<vmem>>, vector<1x16xf32>,
      %get3A_72 = vector.shape_cast %get3A_71 : vector<1x16xf32> to vector<16xf32>
      %add3A_73 = arith.addf %get3A_68, %get3A_72 : vector<16xf32>
      %neg3A = arith.constant 0.000000e+00 : f32
      %neg3A_74 = vector.broadcast %neg3A : f32 to vector<16xf32>
      %neg3A_75 = arith.subf %neg3A_74, %add3A_73 : vector<16xf32>
      %exp3A = math.exp %neg3A_75 : vector<16xf32>
      %add3A_76 = arith.constant 1.000000e+00 : f32
      %add3A_77 = vector.broadcast %add3A_76 : f32 to vector<16xf32>
      %add3A_78 = arith.addf %add3A_77, %exp3A : vector<16xf32>
      %div3A = arith.constant 1.000000e+00 : f32
      %div3A_79 = vector.broadcast %div3A : f32 to vector<16xf32>
      %div3A_80 = arith.divf %div3A_79, %add3A_78 : vector<16xf32>
      %swap3A = arith.index_cast %scan3A_65 : i32 to index
      %swap3A_81 = arith.constant 0 : index
      %swap3A_82 = tpu.vector_load %arg13[%swap3A, %swap3A_81] {strides = array<i32>} : memref<120x128xf32, #tpu.memory_space<vmem>>, vector<1x16xf32>,
      %swap3A_83 = vector.shape_cast %swap3A_82 : vector<1x16xf32> to vector<16xf32>
      %swap3A_84 = vector.shape_cast %div3A_80 : vector<16xf32> to vector<1x16xf32>
      tpu.vector_store %arg13[%swap3A, %swap3A_81], %swap3A_84 {strides = array<i32>} : memref<120x128xf32, #tpu.memory_space<vmem>>, vector<1x16xf32>,
      %get3A_85 = arith.index_cast %scan3A_65 : i32 to index
      %get3A_86 = arith.constant 16 : index
      %get3A_87 = tpu.vector_load %arg9[%get3A_85, %get3A_86] {strides = array<i32>} : memref<120x128xf32, #tpu.memory_space<vmem>>, vector<1x16xf32>,
      %get3A_88 = vector.shape_cast %get3A_87 : vector<1x16xf32> to vector<16xf32>
      %get3A_89 = arith.index_cast %scan3A_65 : i32 to index
      %get3A_90 = arith.constant 16 : index
      %get3A_91 = tpu.vector_load %arg10[%get3A_89, %get3A_90] {strides = array<i32>} : memref<120x128xf32, #tpu.memory_space<vmem>>, vector<1x16xf32>,
      %get3A_92 = vector.shape_cast %get3A_91 : vector<1x16xf32> to vector<16xf32>
      %add3A_93 = arith.addf %get3A_88, %get3A_92 : vector<16xf32>
      %neg3A_94 = arith.constant 0.000000e+00 : f32
      %neg3A_95 = vector.broadcast %neg3A_94 : f32 to vector<16xf32>
      %neg3A_96 = arith.subf %neg3A_95, %add3A_93 : vector<16xf32>
      %exp3A_97 = math.exp %neg3A_96 : vector<16xf32>
      %add3A_98 = arith.constant 1.000000e+00 : f32
      %add3A_99 = vector.broadcast %add3A_98 : f32 to vector<16xf32>
      %add3A_100 = arith.addf %add3A_99, %exp3A_97 : vector<16xf32>
      %div3A_101 = arith.constant 1.000000e+00 : f32
      %div3A_102 = vector.broadcast %div3A_101 : f32 to vector<16xf32>
      %div3A_103 = arith.divf %div3A_102, %add3A_100 : vector<16xf32>
      %swap3A_104 = arith.index_cast %scan3A_65 : i32 to index
      %swap3A_105 = arith.constant 16 : index
      %swap3A_106 = tpu.vector_load %arg13[%swap3A_104, %swap3A_105] {strides = array<i32>} : memref<120x128xf32, #tpu.memory_space<vmem>>, vector<1x16xf32>,
      %swap3A_107 = vector.shape_cast %swap3A_106 : vector<1x16xf32> to vector<16xf32>
      %swap3A_108 = vector.shape_cast %div3A_103 : vector<16xf32> to vector<1x16xf32>
      tpu.vector_store %arg13[%swap3A_104, %swap3A_105], %swap3A_108 {strides = array<i32>} : memref<120x128xf32, #tpu.memory_space<vmem>>, vector<1x16xf32>,
      %get3A_109 = arith.index_cast %scan3A_65 : i32 to index
      %get3A_110 = arith.constant 32 : index
      %get3A_111 = tpu.vector_load %arg9[%get3A_109, %get3A_110] {strides = array<i32>} : memref<120x128xf32, #tpu.memory_space<vmem>>, vector<1x16xf32>,
      %get3A_112 = vector.shape_cast %get3A_111 : vector<1x16xf32> to vector<16xf32>
      %get3A_113 = arith.index_cast %scan3A_65 : i32 to index
      %get3A_114 = arith.constant 32 : index
      %get3A_115 = tpu.vector_load %arg10[%get3A_113, %get3A_114] {strides = array<i32>} : memref<120x128xf32, #tpu.memory_space<vmem>>, vector<1x16xf32>,
      %get3A_116 = vector.shape_cast %get3A_115 : vector<1x16xf32> to vector<16xf32>
      %add3A_117 = arith.addf %get3A_112, %get3A_116 : vector<16xf32>
      %neg3A_118 = arith.constant 0.000000e+00 : f32
      %neg3A_119 = vector.broadcast %neg3A_118 : f32 to vector<16xf32>
      %neg3A_120 = arith.subf %neg3A_119, %add3A_117 : vector<16xf32>
      %exp3A_121 = math.exp %neg3A_120 : vector<16xf32>
      %add3A_122 = arith.constant 1.000000e+00 : f32
      %add3A_123 = vector.broadcast %add3A_122 : f32 to vector<16xf32>
      %add3A_124 = arith.addf %add3A_123, %exp3A_121 : vector<16xf32>
      %div3A_125 = arith.constant 1.000000e+00 : f32
      %div3A_126 = vector.broadcast %div3A_125 : f32 to vector<16xf32>
      %div3A_127 = arith.divf %div3A_126, %add3A_124 : vector<16xf32>
      %swap3A_128 = arith.index_cast %scan3A_65 : i32 to index
      %swap3A_129 = arith.constant 32 : index
      %swap3A_130 = tpu.vector_load %arg13[%swap3A_128, %swap3A_129] {strides = array<i32>} : memref<120x128xf32, #tpu.memory_space<vmem>>, vector<1x16xf32>,
      %swap3A_131 = vector.shape_cast %swap3A_130 : vector<1x16xf32> to vector<16xf32>
      %swap3A_132 = vector.shape_cast %div3A_127 : vector<16xf32> to vector<1x16xf32>
      tpu.vector_store %arg13[%swap3A_128, %swap3A_129], %swap3A_132 {strides = array<i32>} : memref<120x128xf32, #tpu.memory_space<vmem>>, vector<1x16xf32>,
      %get3A_133 = arith.index_cast %scan3A_65 : i32 to index
      %get3A_134 = arith.constant 48 : index
      %get3A_135 = tpu.vector_load %arg9[%get3A_133, %get3A_134] {strides = array<i32>} : memref<120x128xf32, #tpu.memory_space<vmem>>, vector<1x16xf32>,
      %get3A_136 = vector.shape_cast %get3A_135 : vector<1x16xf32> to vector<16xf32>
      %get3A_137 = arith.index_cast %scan3A_65 : i32 to index
      %get3A_138 = arith.constant 48 : index
      %get3A_139 = tpu.vector_load %arg10[%get3A_137, %get3A_138] {strides = array<i32>} : memref<120x128xf32, #tpu.memory_space<vmem>>, vector<1x16xf32>,
      %get3A_140 = vector.shape_cast %get3A_139 : vector<1x16xf32> to vector<16xf32>
      %add3A_141 = arith.addf %get3A_136, %get3A_140 : vector<16xf32>
      %neg3A_142 = arith.constant 0.000000e+00 : f32
      %neg3A_143 = vector.broadcast %neg3A_142 : f32 to vector<16xf32>
      %neg3A_144 = arith.subf %neg3A_143, %add3A_141 : vector<16xf32>
      %exp3A_145 = math.exp %neg3A_144 : vector<16xf32>
      %add3A_146 = arith.constant 1.000000e+00 : f32
      %add3A_147 = vector.broadcast %add3A_146 : f32 to vector<16xf32>
      %add3A_148 = arith.addf %add3A_147, %exp3A_145 : vector<16xf32>
      %div3A_149 = arith.constant 1.000000e+00 : f32
      %div3A_150 = vector.broadcast %div3A_149 : f32 to vector<16xf32>
      %div3A_151 = arith.divf %div3A_150, %add3A_148 : vector<16xf32>
      %swap3A_152 = arith.index_cast %scan3A_65 : i32 to index
      %swap3A_153 = arith.constant 48 : index
      %swap3A_154 = tpu.vector_load %arg13[%swap3A_152, %swap3A_153] {strides = array<i32>} : memref<120x128xf32, #tpu.memory_space<vmem>>, vector<1x16xf32>,
      %swap3A_155 = vector.shape_cast %swap3A_154 : vector<1x16xf32> to vector<16xf32>
      %swap3A_156 = vector.shape_cast %div3A_151 : vector<16xf32> to vector<1x16xf32>
      tpu.vector_store %arg13[%swap3A_152, %swap3A_153], %swap3A_156 {strides = array<i32>} : memref<120x128xf32, #tpu.memory_space<vmem>>, vector<1x16xf32>,
      %get3A_157 = arith.index_cast %scan3A_65 : i32 to index
      %get3A_158 = arith.constant 64 : index
      %get3A_159 = tpu.vector_load %arg9[%get3A_157, %get3A_158] {strides = array<i32>} : memref<120x128xf32, #tpu.memory_space<vmem>>, vector<1x16xf32>,
      %get3A_160 = vector.shape_cast %get3A_159 : vector<1x16xf32> to vector<16xf32>
      %get3A_161 = arith.index_cast %scan3A_65 : i32 to index
      %get3A_162 = arith.constant 64 : index
      %get3A_163 = tpu.vector_load %arg10[%get3A_161, %get3A_162] {strides = array<i32>} : memref<120x128xf32, #tpu.memory_space<vmem>>, vector<1x16xf32>,
      %get3A_164 = vector.shape_cast %get3A_163 : vector<1x16xf32> to vector<16xf32>
      %add3A_165 = arith.addf %get3A_160, %get3A_164 : vector<16xf32>
      %neg3A_166 = arith.constant 0.000000e+00 : f32
      %neg3A_167 = vector.broadcast %neg3A_166 : f32 to vector<16xf32>
      %neg3A_168 = arith.subf %neg3A_167, %add3A_165 : vector<16xf32>
      %exp3A_169 = math.exp %neg3A_168 : vector<16xf32>
      %add3A_170 = arith.constant 1.000000e+00 : f32
      %add3A_171 = vector.broadcast %add3A_170 : f32 to vector<16xf32>
      %add3A_172 = arith.addf %add3A_171, %exp3A_169 : vector<16xf32>
      %div3A_173 = arith.constant 1.000000e+00 : f32
      %div3A_174 = vector.broadcast %div3A_173 : f32 to vector<16xf32>
      %div3A_175 = arith.divf %div3A_174, %add3A_172 : vector<16xf32>
      %swap3A_176 = arith.index_cast %scan3A_65 : i32 to index
      %swap3A_177 = arith.constant 64 : index
      %swap3A_178 = tpu.vector_load %arg13[%swap3A_176, %swap3A_177] {strides = array<i32>} : memref<120x128xf32, #tpu.memory_space<vmem>>, vector<1x16xf32>,
      %swap3A_179 = vector.shape_cast %swap3A_178 : vector<1x16xf32> to vector<16xf32>
      %swap3A_180 = vector.shape_cast %div3A_175 : vector<16xf32> to vector<1x16xf32>
      tpu.vector_store %arg13[%swap3A_176, %swap3A_177], %swap3A_180 {strides = array<i32>} : memref<120x128xf32, #tpu.memory_space<vmem>>, vector<1x16xf32>,
      %get3A_181 = arith.index_cast %scan3A_65 : i32 to index
      %get3A_182 = arith.constant 80 : index
      %get3A_183 = tpu.vector_load %arg9[%get3A_181, %get3A_182] {strides = array<i32>} : memref<120x128xf32, #tpu.memory_space<vmem>>, vector<1x16xf32>,
      %get3A_184 = vector.shape_cast %get3A_183 : vector<1x16xf32> to vector<16xf32>
      %get3A_185 = arith.index_cast %scan3A_65 : i32 to index
      %get3A_186 = arith.constant 80 : index
      %get3A_187 = tpu.vector_load %arg10[%get3A_185, %get3A_186] {strides = array<i32>} : memref<120x128xf32, #tpu.memory_space<vmem>>, vector<1x16xf32>,
      %get3A_188 = vector.shape_cast %get3A_187 : vector<1x16xf32> to vector<16xf32>
      %add3A_189 = arith.addf %get3A_184, %get3A_188 : vector<16xf32>
      %neg3A_190 = arith.constant 0.000000e+00 : f32
      %neg3A_191 = vector.broadcast %neg3A_190 : f32 to vector<16xf32>
      %neg3A_192 = arith.subf %neg3A_191, %add3A_189 : vector<16xf32>
      %exp3A_193 = math.exp %neg3A_192 : vector<16xf32>
      %add3A_194 = arith.constant 1.000000e+00 : f32
      %add3A_195 = vector.broadcast %add3A_194 : f32 to vector<16xf32>
      %add3A_196 = arith.addf %add3A_195, %exp3A_193 : vector<16xf32>
      %div3A_197 = arith.constant 1.000000e+00 : f32
      %div3A_198 = vector.broadcast %div3A_197 : f32 to vector<16xf32>
      %div3A_199 = arith.divf %div3A_198, %add3A_196 : vector<16xf32>
      %swap3A_200 = arith.index_cast %scan3A_65 : i32 to index
      %swap3A_201 = arith.constant 80 : index
      %swap3A_202 = tpu.vector_load %arg13[%swap3A_200, %swap3A_201] {strides = array<i32>} : memref<120x128xf32, #tpu.memory_space<vmem>>, vector<1x16xf32>,
      %swap3A_203 = vector.shape_cast %swap3A_202 : vector<1x16xf32> to vector<16xf32>
      %swap3A_204 = vector.shape_cast %div3A_199 : vector<16xf32> to vector<1x16xf32>
      tpu.vector_store %arg13[%swap3A_200, %swap3A_201], %swap3A_204 {strides = array<i32>} : memref<120x128xf32, #tpu.memory_space<vmem>>, vector<1x16xf32>,
    }
    %scan3A_43 = arith.constant 120 : i32
    %add3A_44 = arith.constant 3120 : i32
    %add3A_45 = arith.addi %mul3A_2, %add3A_44 : i32
    %multiple_of3A_46 = tpu.assume_multiple %add3A_45, 8 : i32
    %dma_start3A_47 = arith.constant 0 : i32
    %dma_start3A_48 = tpu.memref_slice %arg6[%multiple_of3A_46, %dma_start3A_47] : memref<103680x128xf32, #tpu.memory_space<hbm>> -> memref<120x128xf32, #tpu.memory_space<hbm>>
    %dma_start3A_49 = arith.constant 0 : i32
    %dma_start3A_50 = tpu.memref_slice %arg6[%multiple_of3A_46, %dma_start3A_49] : memref<103680x128xf32, #tpu.memory_space<hbm>> -> memref<120x128xf32, #tpu.memory_space<hbm>>
    tpu.enqueue_dma source(%arg13 : memref<120x128xf32, #tpu.memory_space<vmem>>) target(%dma_start3A_50 : memref<120x128xf32, #tpu.memory_space<hbm>>) target_semaphore(%arg19 : memref<!tpu.dma_semaphore, #tpu.memory_space<semaphore_mem>>)
    %add3A_51 = arith.constant 3000 : i32
    %add3A_52 = arith.addi %mul3A_2, %add3A_51 : i32
    %multiple_of3A_53 = tpu.assume_multiple %add3A_52, 8 : i32
    %dma_wait3A_54 = arith.constant 0 : i32
    %dma_wait3A_55 = tpu.memref_slice %arg6[%multiple_of3A_53, %dma_wait3A_54] : memref<103680x128xf32, #tpu.memory_space<hbm>> -> memref<120x128xf32, #tpu.memory_space<hbm>>
    %dma_wait3A_56 = arith.constant 0 : i32
    %dma_wait3A_57 = tpu.memref_slice %arg6[%multiple_of3A_53, %dma_wait3A_56] : memref<103680x128xf32, #tpu.memory_space<hbm>> -> memref<120x128xf32, #tpu.memory_space<hbm>>
    tpu.wait_dma2 semaphore(%arg20 : memref<!tpu.dma_semaphore, #tpu.memory_space<semaphore_mem>>) src(%arg14 : memref<120x128xf32, #tpu.memory_space<vmem>>) dst(%dma_wait3A_57 : memref<120x128xf32, #tpu.memory_space<hbm>>)
    %add3A_58 = arith.constant 3120 : i32
    %add3A_59 = arith.addi %mul3A_2, %add3A_58 : i32
    %multiple_of3A_60 = tpu.assume_multiple %add3A_59, 8 : i32
    %dma_wait3A_61 = arith.constant 0 : i32
    %dma_wait3A_62 = tpu.memref_slice %arg6[%multiple_of3A_60, %dma_wait3A_61] : memref<103680x128xf32, #tpu.memory_space<hbm>> -> memref<120x128xf32, #tpu.memory_space<hbm>>
    %dma_wait3A_63 = arith.constant 0 : i32
    %dma_wait3A_64 = tpu.memref_slice %arg6[%multiple_of3A_60, %dma_wait3A_63] : memref<103680x128xf32, #tpu.memory_space<hbm>> -> memref<120x128xf32, #tpu.memory_space<hbm>>
    tpu.wait_dma2 semaphore(%arg19 : memref<!tpu.dma_semaphore, #tpu.memory_space<semaphore_mem>>) src(%arg13 : memref<120x128xf32, #tpu.memory_space<vmem>>) dst(%dma_wait3A_64 : memref<120x128xf32, #tpu.memory_space<hbm>>)
    return
  }
}

#map = affine_map<(d0, d1) -> (0, 0)>
#map1 = affine_map<(d0, d1) -> (0, 0, 0)>
module attributes {stable_mosaic.version = 14 : i64} {
  func.func @segsum(%arg0: i32, %arg1: i32, %arg2: memref<10000x64xf32, #tpu.memory_space<hbm>>, %arg3: memref<10000x64xf32, #tpu.memory_space<hbm>>, %arg4: memref<16x160x125xi32, #tpu.memory_space<hbm>>, %arg5: memref<16x160x125xi32, #tpu.memory_space<hbm>>, %arg6: memref<10000x64xf32, #tpu.memory_space<hbm>>, %arg7: memref<10000x64xf32, #tpu.memory_space<hbm>>, %arg8: memref<10000x64xf32, #tpu.memory_space<hbm>>, %arg9: memref<160x125xi32, #tpu.memory_space<vmem>>, %arg10: memref<160x125xi32, #tpu.memory_space<vmem>>, %arg11: memref<125x64xf32, #tpu.memory_space<vmem>>, %arg12: memref<125x64xf32, #tpu.memory_space<vmem>>, %arg13: memref<125x64xf32, #tpu.memory_space<vmem>>, %arg14: memref<125x64xf32, #tpu.memory_space<vmem>>, %arg15: memref<10000x64xf32, #tpu.memory_space<vmem_shared>>, %arg16: memref<!tpu.dma_semaphore, #tpu.memory_space<semaphore_mem>>, %arg17: memref<!tpu.dma_semaphore, #tpu.memory_space<semaphore_mem>>, %arg18: memref<!tpu.dma_semaphore, #tpu.memory_space<semaphore_mem>>, %arg19: memref<!tpu.dma_semaphore, #tpu.memory_space<semaphore_mem>>, %arg20: memref<!tpu.dma_semaphore, #tpu.memory_space<semaphore_mem>>, %arg21: memref<!tpu.dma_semaphore, #tpu.memory_space<semaphore_mem>>, %arg22: memref<!tpu.dma_semaphore, #tpu.memory_space<semaphore_mem>>, %arg23: memref<!tpu.dma_semaphore, #tpu.memory_space<semaphore_mem>>) attributes {dimension_semantics = [#tpu.dimension_semantics<core_parallel>, #tpu.dimension_semantics<subcore_parallel>], iteration_bounds = array<i64: 2, 16>, scalar_prefetch = 0 : i64, scratch_operands = 15 : i64, tpu.core_type = #tpu.core_type<sc_vector_subcore>, window_params = [{transform_indices = #map}, {transform_indices = #map}, {transform_indices = #map1}, {transform_indices = #map1}, {transform_indices = #map}, {transform_indices = #map}, {transform_indices = #map}]} {
    %mul3A = arith.constant 16 : i32
    %mul3A_0 = arith.muli %arg0, %mul3A : i32
    %add3A = arith.addi %mul3A_0, %arg1 : i32
    %lt3A = arith.constant 15 : i32
    %lt3A_1 = arith.cmpi slt, %arg1, %lt3A : i32
    %convert_element_type3A = arith.extui %lt3A_1 : i1 to i32
    %cond3A = arith.constant 0 : i32
    %cond3A_2 = arith.cmpi ne, %convert_element_type3A, %cond3A : i32
    scf.if %cond3A_2 {
      %mul3A_28 = arith.constant 624 : i32
      %mul3A_29 = arith.muli %arg1, %mul3A_28 : i32
      %multiple_of3A = tpu.assume_multiple %mul3A_29, 8 : i32
      "tpu.region"() ({
        %run_scoped3A = tpu.sem_alloc : memref<!tpu.dma_semaphore, #tpu.memory_space<semaphore_mem>>
        %dma_start3A = arith.constant 0 : i32
        %dma_start3A_30 = tpu.memref_slice %arg15[%multiple_of3A, %dma_start3A] : memref<10000x64xf32, #tpu.memory_space<vmem_shared>> -> memref<624x64xf32, #tpu.memory_space<vmem_shared>>
        %dma_start3A_31 = arith.constant 0 : i32
        %dma_start3A_32 = tpu.memref_slice %arg6[%multiple_of3A, %dma_start3A_31] : memref<10000x64xf32, #tpu.memory_space<hbm>> -> memref<624x64xf32, #tpu.memory_space<hbm>>
        tpu.enqueue_dma source(%dma_start3A_32 : memref<624x64xf32, #tpu.memory_space<hbm>>) target(%dma_start3A_30 : memref<624x64xf32, #tpu.memory_space<vmem_shared>>) target_semaphore(%run_scoped3A : memref<!tpu.dma_semaphore, #tpu.memory_space<semaphore_mem>>)
        %dma_wait3A = arith.constant 0 : i32
        %dma_wait3A_33 = tpu.memref_slice %arg15[%multiple_of3A, %dma_wait3A] : memref<10000x64xf32, #tpu.memory_space<vmem_shared>> -> memref<624x64xf32, #tpu.memory_space<vmem_shared>>
        %dma_wait3A_34 = arith.constant 0 : i32
        %dma_wait3A_35 = tpu.memref_slice %arg6[%multiple_of3A, %dma_wait3A_34] : memref<10000x64xf32, #tpu.memory_space<hbm>> -> memref<624x64xf32, #tpu.memory_space<hbm>>
        tpu.wait_dma2 semaphore(%run_scoped3A : memref<!tpu.dma_semaphore, #tpu.memory_space<semaphore_mem>>) src(%dma_wait3A_35 : memref<624x64xf32, #tpu.memory_space<hbm>>) dst(%dma_wait3A_33 : memref<624x64xf32, #tpu.memory_space<vmem_shared>>)
        tpu.yield
      }) : () -> ()
    } else {
    }
    %eq3A = arith.constant 15 : i32
    %eq3A_3 = arith.cmpi eq, %arg1, %eq3A : i32
    %convert_element_type3A_4 = arith.extui %eq3A_3 : i1 to i32
    %cond3A_5 = arith.constant 0 : i32
    %cond3A_6 = arith.cmpi ne, %convert_element_type3A_4, %cond3A_5 : i32
    scf.if %cond3A_6 {
      "tpu.region"() ({
        %run_scoped3A = tpu.sem_alloc : memref<!tpu.dma_semaphore, #tpu.memory_space<semaphore_mem>>
        %dma_start3A = arith.constant 9360 : i32
        %dma_start3A_28 = arith.constant 0 : i32
        %dma_start3A_29 = tpu.memref_slice %arg15[%dma_start3A, %dma_start3A_28] : memref<10000x64xf32, #tpu.memory_space<vmem_shared>> -> memref<640x64xf32, #tpu.memory_space<vmem_shared>>
        %dma_start3A_30 = arith.constant 9360 : i32
        %dma_start3A_31 = arith.constant 0 : i32
        %dma_start3A_32 = tpu.memref_slice %arg6[%dma_start3A_30, %dma_start3A_31] : memref<10000x64xf32, #tpu.memory_space<hbm>> -> memref<640x64xf32, #tpu.memory_space<hbm>>
        tpu.enqueue_dma source(%dma_start3A_32 : memref<640x64xf32, #tpu.memory_space<hbm>>) target(%dma_start3A_29 : memref<640x64xf32, #tpu.memory_space<vmem_shared>>) target_semaphore(%run_scoped3A : memref<!tpu.dma_semaphore, #tpu.memory_space<semaphore_mem>>)
        %dma_wait3A = arith.constant 9360 : i32
        %dma_wait3A_33 = arith.constant 0 : i32
        %dma_wait3A_34 = tpu.memref_slice %arg15[%dma_wait3A, %dma_wait3A_33] : memref<10000x64xf32, #tpu.memory_space<vmem_shared>> -> memref<640x64xf32, #tpu.memory_space<vmem_shared>>
        %dma_wait3A_35 = arith.constant 9360 : i32
        %dma_wait3A_36 = arith.constant 0 : i32
        %dma_wait3A_37 = tpu.memref_slice %arg6[%dma_wait3A_35, %dma_wait3A_36] : memref<10000x64xf32, #tpu.memory_space<hbm>> -> memref<640x64xf32, #tpu.memory_space<hbm>>
        tpu.wait_dma2 semaphore(%run_scoped3A : memref<!tpu.dma_semaphore, #tpu.memory_space<semaphore_mem>>) src(%dma_wait3A_37 : memref<640x64xf32, #tpu.memory_space<hbm>>) dst(%dma_wait3A_34 : memref<640x64xf32, #tpu.memory_space<vmem_shared>>)
        tpu.yield
      }) : () -> ()
    } else {
    }
    "tpu.region"() ({
      %run_scoped3A = tpu.sem_alloc : memref<!tpu.dma_semaphore, #tpu.memory_space<semaphore_mem>>
      %dma_start3A = arith.constant 0 : i32
      %dma_start3A_28 = arith.constant 0 : i32
      %dma_start3A_29 = tpu.memref_slice %arg4[%arg1, %dma_start3A, %dma_start3A_28] : memref<16x160x125xi32, #tpu.memory_space<hbm>> -> memref<1x160x125xi32, #tpu.memory_space<hbm>>
      %dma_start3A_30 = tpu.memref_squeeze %dma_start3A_29 : memref<1x160x125xi32, #tpu.memory_space<hbm>> -> memref<160x125xi32, #tpu.memory_space<hbm>>
      %dma_start3A_31 = arith.constant 0 : i32
      %dma_start3A_32 = arith.constant 0 : i32
      %dma_start3A_33 = tpu.memref_slice %arg4[%arg1, %dma_start3A_31, %dma_start3A_32] : memref<16x160x125xi32, #tpu.memory_space<hbm>> -> memref<1x160x125xi32, #tpu.memory_space<hbm>>
      %dma_start3A_34 = tpu.memref_squeeze %dma_start3A_33 : memref<1x160x125xi32, #tpu.memory_space<hbm>> -> memref<160x125xi32, #tpu.memory_space<hbm>>
      tpu.enqueue_dma source(%dma_start3A_34 : memref<160x125xi32, #tpu.memory_space<hbm>>) target(%arg9 : memref<160x125xi32, #tpu.memory_space<vmem>>) target_semaphore(%run_scoped3A : memref<!tpu.dma_semaphore, #tpu.memory_space<semaphore_mem>>)
      %dma_wait3A = arith.constant 0 : i32
      %dma_wait3A_35 = arith.constant 0 : i32
      %dma_wait3A_36 = tpu.memref_slice %arg4[%arg1, %dma_wait3A, %dma_wait3A_35] : memref<16x160x125xi32, #tpu.memory_space<hbm>> -> memref<1x160x125xi32, #tpu.memory_space<hbm>>
      %dma_wait3A_37 = tpu.memref_squeeze %dma_wait3A_36 : memref<1x160x125xi32, #tpu.memory_space<hbm>> -> memref<160x125xi32, #tpu.memory_space<hbm>>
      %dma_wait3A_38 = arith.constant 0 : i32
      %dma_wait3A_39 = arith.constant 0 : i32
      %dma_wait3A_40 = tpu.memref_slice %arg4[%arg1, %dma_wait3A_38, %dma_wait3A_39] : memref<16x160x125xi32, #tpu.memory_space<hbm>> -> memref<1x160x125xi32, #tpu.memory_space<hbm>>
      %dma_wait3A_41 = tpu.memref_squeeze %dma_wait3A_40 : memref<1x160x125xi32, #tpu.memory_space<hbm>> -> memref<160x125xi32, #tpu.memory_space<hbm>>
      tpu.wait_dma2 semaphore(%run_scoped3A : memref<!tpu.dma_semaphore, #tpu.memory_space<semaphore_mem>>) src(%dma_wait3A_41 : memref<160x125xi32, #tpu.memory_space<hbm>>) dst(%arg9 : memref<160x125xi32, #tpu.memory_space<vmem>>)
      tpu.yield
    }) : () -> ()
    "tpu.region"() ({
      %run_scoped3A = tpu.sem_alloc : memref<!tpu.dma_semaphore, #tpu.memory_space<semaphore_mem>>
      %dma_start3A = arith.constant 0 : i32
      %dma_start3A_28 = arith.constant 0 : i32
      %dma_start3A_29 = tpu.memref_slice %arg5[%arg1, %dma_start3A, %dma_start3A_28] : memref<16x160x125xi32, #tpu.memory_space<hbm>> -> memref<1x160x125xi32, #tpu.memory_space<hbm>>
      %dma_start3A_30 = tpu.memref_squeeze %dma_start3A_29 : memref<1x160x125xi32, #tpu.memory_space<hbm>> -> memref<160x125xi32, #tpu.memory_space<hbm>>
      %dma_start3A_31 = arith.constant 0 : i32
      %dma_start3A_32 = arith.constant 0 : i32
      %dma_start3A_33 = tpu.memref_slice %arg5[%arg1, %dma_start3A_31, %dma_start3A_32] : memref<16x160x125xi32, #tpu.memory_space<hbm>> -> memref<1x160x125xi32, #tpu.memory_space<hbm>>
      %dma_start3A_34 = tpu.memref_squeeze %dma_start3A_33 : memref<1x160x125xi32, #tpu.memory_space<hbm>> -> memref<160x125xi32, #tpu.memory_space<hbm>>
      tpu.enqueue_dma source(%dma_start3A_34 : memref<160x125xi32, #tpu.memory_space<hbm>>) target(%arg10 : memref<160x125xi32, #tpu.memory_space<vmem>>) target_semaphore(%run_scoped3A : memref<!tpu.dma_semaphore, #tpu.memory_space<semaphore_mem>>)
      %dma_wait3A = arith.constant 0 : i32
      %dma_wait3A_35 = arith.constant 0 : i32
      %dma_wait3A_36 = tpu.memref_slice %arg5[%arg1, %dma_wait3A, %dma_wait3A_35] : memref<16x160x125xi32, #tpu.memory_space<hbm>> -> memref<1x160x125xi32, #tpu.memory_space<hbm>>
      %dma_wait3A_37 = tpu.memref_squeeze %dma_wait3A_36 : memref<1x160x125xi32, #tpu.memory_space<hbm>> -> memref<160x125xi32, #tpu.memory_space<hbm>>
      %dma_wait3A_38 = arith.constant 0 : i32
      %dma_wait3A_39 = arith.constant 0 : i32
      %dma_wait3A_40 = tpu.memref_slice %arg5[%arg1, %dma_wait3A_38, %dma_wait3A_39] : memref<16x160x125xi32, #tpu.memory_space<hbm>> -> memref<1x160x125xi32, #tpu.memory_space<hbm>>
      %dma_wait3A_41 = tpu.memref_squeeze %dma_wait3A_40 : memref<1x160x125xi32, #tpu.memory_space<hbm>> -> memref<160x125xi32, #tpu.memory_space<hbm>>
      tpu.wait_dma2 semaphore(%run_scoped3A : memref<!tpu.dma_semaphore, #tpu.memory_space<semaphore_mem>>) src(%dma_wait3A_41 : memref<160x125xi32, #tpu.memory_space<hbm>>) dst(%arg10 : memref<160x125xi32, #tpu.memory_space<vmem>>)
      tpu.yield
    }) : () -> ()
    %barrier3A = arith.constant 0 : index
    tpu.barrier barrier_id(%barrier3A)
    %eq3A_7 = arith.constant 0 : i32
    %eq3A_8 = arith.cmpi eq, %arg0, %eq3A_7 : i32
    %convert_element_type3A_9 = arith.extui %eq3A_8 : i1 to i32
    %cond3A_10 = arith.constant 0 : i32
    %cond3A_11 = arith.cmpi ne, %convert_element_type3A_9, %cond3A_10 : i32
    scf.if %cond3A_11 {
      %dma_start3A = arith.constant 0 : i32
      %dma_start3A_28 = arith.constant 0 : i32
      %dma_start3A_29 = tpu.memref_slice %arg9[%dma_start3A, %dma_start3A_28] : memref<160x125xi32, #tpu.memory_space<vmem>> -> memref<1x125xi32, #tpu.memory_space<vmem>>
      %dma_start3A_30 = tpu.memref_squeeze %dma_start3A_29 : memref<1x125xi32, #tpu.memory_space<vmem>> -> memref<125xi32, #tpu.memory_space<vmem>>
      %dma_start3A_31 = arith.constant 0 : i32
      %dma_start3A_32 = arith.constant 0 : i32
      %dma_start3A_33 = tpu.memref_slice %arg2[%dma_start3A_31, %dma_start3A_32] : memref<10000x64xf32, #tpu.memory_space<hbm>> -> memref<10000x64xf32, #tpu.memory_space<hbm>>
      tpu.enqueue_indirect_dma source(%dma_start3A_33 : memref<10000x64xf32, #tpu.memory_space<hbm>>) target(%arg11 : memref<125x64xf32, #tpu.memory_space<vmem>>) offsets(%dma_start3A_30 : memref<125xi32, #tpu.memory_space<vmem>>) semaphore(%arg16 : memref<!tpu.dma_semaphore, #tpu.memory_space<semaphore_mem>>)
      %dma_start3A_34 = arith.constant 1 : i32
      %dma_start3A_35 = arith.constant 0 : i32
      %dma_start3A_36 = tpu.memref_slice %arg9[%dma_start3A_34, %dma_start3A_35] : memref<160x125xi32, #tpu.memory_space<vmem>> -> memref<1x125xi32, #tpu.memory_space<vmem>>
      %dma_start3A_37 = tpu.memref_squeeze %dma_start3A_36 : memref<1x125xi32, #tpu.memory_space<vmem>> -> memref<125xi32, #tpu.memory_space<vmem>>
      %dma_start3A_38 = arith.constant 0 : i32
      %dma_start3A_39 = arith.constant 0 : i32
      %dma_start3A_40 = tpu.memref_slice %arg2[%dma_start3A_38, %dma_start3A_39] : memref<10000x64xf32, #tpu.memory_space<hbm>> -> memref<10000x64xf32, #tpu.memory_space<hbm>>
      tpu.enqueue_indirect_dma source(%dma_start3A_40 : memref<10000x64xf32, #tpu.memory_space<hbm>>) target(%arg12 : memref<125x64xf32, #tpu.memory_space<vmem>>) offsets(%dma_start3A_37 : memref<125xi32, #tpu.memory_space<vmem>>) semaphore(%arg17 : memref<!tpu.dma_semaphore, #tpu.memory_space<semaphore_mem>>)
      %dma_start3A_41 = arith.constant 2 : i32
      %dma_start3A_42 = arith.constant 0 : i32
      %dma_start3A_43 = tpu.memref_slice %arg9[%dma_start3A_41, %dma_start3A_42] : memref<160x125xi32, #tpu.memory_space<vmem>> -> memref<1x125xi32, #tpu.memory_space<vmem>>
      %dma_start3A_44 = tpu.memref_squeeze %dma_start3A_43 : memref<1x125xi32, #tpu.memory_space<vmem>> -> memref<125xi32, #tpu.memory_space<vmem>>
      %dma_start3A_45 = arith.constant 0 : i32
      %dma_start3A_46 = arith.constant 0 : i32
      %dma_start3A_47 = tpu.memref_slice %arg2[%dma_start3A_45, %dma_start3A_46] : memref<10000x64xf32, #tpu.memory_space<hbm>> -> memref<10000x64xf32, #tpu.memory_space<hbm>>
      tpu.enqueue_indirect_dma source(%dma_start3A_47 : memref<10000x64xf32, #tpu.memory_space<hbm>>) target(%arg13 : memref<125x64xf32, #tpu.memory_space<vmem>>) offsets(%dma_start3A_44 : memref<125xi32, #tpu.memory_space<vmem>>) semaphore(%arg18 : memref<!tpu.dma_semaphore, #tpu.memory_space<semaphore_mem>>)
      %scan3A = arith.constant 0 : i32
      %scan3A_48 = arith.constant 40 : i32
      %scan3A_49 = arith.addi %scan3A, %scan3A_48 : i32
      %scan3A_50 = arith.constant 1 : i32
      scf.for %scan3A_79 = %scan3A to %scan3A_49 step %scan3A_50  : i32 {
        %mul3A_80 = arith.constant 4 : i32
        %mul3A_81 = arith.muli %mul3A_80, %scan3A_79 : i32
        %add3A_82 = arith.constant 0 : i32
        %add3A_83 = arith.addi %mul3A_81, %add3A_82 : i32
        %dma_wait3A_84 = arith.constant 0 : i32
        %dma_wait3A_85 = tpu.memref_slice %arg9[%add3A_83, %dma_wait3A_84] : memref<160x125xi32, #tpu.memory_space<vmem>> -> memref<1x125xi32, #tpu.memory_space<vmem>>
        %dma_wait3A_86 = tpu.memref_squeeze %dma_wait3A_85 : memref<1x125xi32, #tpu.memory_space<vmem>> -> memref<125xi32, #tpu.memory_space<vmem>>
        %dma_wait3A_87 = arith.constant 0 : i32
        %dma_wait3A_88 = arith.constant 0 : i32
        %dma_wait3A_89 = tpu.memref_slice %arg2[%dma_wait3A_87, %dma_wait3A_88] : memref<10000x64xf32, #tpu.memory_space<hbm>> -> memref<10000x64xf32, #tpu.memory_space<hbm>>
        tpu.wait_indirect_dma semaphore(%arg16 : memref<!tpu.dma_semaphore, #tpu.memory_space<semaphore_mem>>) src(%dma_wait3A_89 : memref<10000x64xf32, #tpu.memory_space<hbm>>) dst(%arg11 : memref<125x64xf32, #tpu.memory_space<vmem>>)
        %dma_start3A_90 = arith.constant 0 : i32
        %dma_start3A_91 = tpu.memref_slice %arg10[%add3A_83, %dma_start3A_90] : memref<160x125xi32, #tpu.memory_space<vmem>> -> memref<1x125xi32, #tpu.memory_space<vmem>>
        %dma_start3A_92 = tpu.memref_squeeze %dma_start3A_91 : memref<1x125xi32, #tpu.memory_space<vmem>> -> memref<125xi32, #tpu.memory_space<vmem>>
        %dma_start3A_93 = arith.constant 0 : i32
        %dma_start3A_94 = arith.constant 0 : i32
        %dma_start3A_95 = tpu.memref_slice %arg15[%dma_start3A_93, %dma_start3A_94] : memref<10000x64xf32, #tpu.memory_space<vmem_shared>> -> memref<10000x64xf32, #tpu.memory_space<vmem_shared>>
        tpu.enqueue_indirect_dma source(%arg11 : memref<125x64xf32, #tpu.memory_space<vmem>>) target(%dma_start3A_95 : memref<10000x64xf32, #tpu.memory_space<vmem_shared>>) offsets(%dma_start3A_92 : memref<125xi32, #tpu.memory_space<vmem>>) semaphore(%arg20 : memref<!tpu.dma_semaphore, #tpu.memory_space<semaphore_mem>>) {add = true}
        %add3A_96 = arith.constant 3 : i32
        %add3A_97 = arith.addi %add3A_83, %add3A_96 : i32
        %lt3A_98 = arith.constant 160 : i32
        %lt3A_99 = arith.cmpi slt, %add3A_97, %lt3A_98 : i32
        %convert_element_type3A_100 = arith.extui %lt3A_99 : i1 to i32
        %cond3A_101 = arith.constant 0 : i32
        %cond3A_102 = arith.cmpi ne, %convert_element_type3A_100, %cond3A_101 : i32
        scf.if %cond3A_102 {
          %ge3A = arith.constant 1 : i32
          %ge3A_172 = arith.cmpi sge, %add3A_83, %ge3A : i32
          %convert_element_type3A_173 = arith.extui %ge3A_172 : i1 to i32
          %cond3A_174 = arith.constant 0 : i32
          %cond3A_175 = arith.cmpi ne, %convert_element_type3A_173, %cond3A_174 : i32
          scf.if %cond3A_175 {
            %sub3A = arith.constant 1 : i32
            %sub3A_184 = arith.subi %add3A_83, %sub3A : i32
            %dma_wait3A_185 = arith.constant 0 : i32
            %dma_wait3A_186 = tpu.memref_slice %arg10[%sub3A_184, %dma_wait3A_185] : memref<160x125xi32, #tpu.memory_space<vmem>> -> memref<1x125xi32, #tpu.memory_space<vmem>>
            %dma_wait3A_187 = tpu.memref_squeeze %dma_wait3A_186 : memref<1x125xi32, #tpu.memory_space<vmem>> -> memref<125xi32, #tpu.memory_space<vmem>>
            %dma_wait3A_188 = arith.constant 0 : i32
            %dma_wait3A_189 = arith.constant 0 : i32
            %dma_wait3A_190 = tpu.memref_slice %arg15[%dma_wait3A_188, %dma_wait3A_189] : memref<10000x64xf32, #tpu.memory_space<vmem_shared>> -> memref<10000x64xf32, #tpu.memory_space<vmem_shared>>
            tpu.wait_indirect_dma semaphore(%arg23 : memref<!tpu.dma_semaphore, #tpu.memory_space<semaphore_mem>>) src(%arg14 : memref<125x64xf32, #tpu.memory_space<vmem>>) dst(%dma_wait3A_190 : memref<10000x64xf32, #tpu.memory_space<vmem_shared>>)
          } else {
          }
          %add3A_176 = arith.constant 3 : i32
          %add3A_177 = arith.addi %add3A_83, %add3A_176 : i32
          %dma_start3A_178 = arith.constant 0 : i32
          %dma_start3A_179 = tpu.memref_slice %arg9[%add3A_177, %dma_start3A_178] : memref<160x125xi32, #tpu.memory_space<vmem>> -> memref<1x125xi32, #tpu.memory_space<vmem>>
          %dma_start3A_180 = tpu.memref_squeeze %dma_start3A_179 : memref<1x125xi32, #tpu.memory_space<vmem>> -> memref<125xi32, #tpu.memory_space<vmem>>
          %dma_start3A_181 = arith.constant 0 : i32
          %dma_start3A_182 = arith.constant 0 : i32
          %dma_start3A_183 = tpu.memref_slice %arg2[%dma_start3A_181, %dma_start3A_182] : memref<10000x64xf32, #tpu.memory_space<hbm>> -> memref<10000x64xf32, #tpu.memory_space<hbm>>
          tpu.enqueue_indirect_dma source(%dma_start3A_183 : memref<10000x64xf32, #tpu.memory_space<hbm>>) target(%arg14 : memref<125x64xf32, #tpu.memory_space<vmem>>) offsets(%dma_start3A_180 : memref<125xi32, #tpu.memory_space<vmem>>) semaphore(%arg19 : memref<!tpu.dma_semaphore, #tpu.memory_space<semaphore_mem>>)
        } else {
        }
        %mul3A_103 = arith.constant 4 : i32
        %mul3A_104 = arith.muli %mul3A_103, %scan3A_79 : i32
        %add3A_105 = arith.constant 1 : i32
        %add3A_106 = arith.addi %mul3A_104, %add3A_105 : i32
        %dma_wait3A_107 = arith.constant 0 : i32
        %dma_wait3A_108 = tpu.memref_slice %arg9[%add3A_106, %dma_wait3A_107] : memref<160x125xi32, #tpu.memory_space<vmem>> -> memref<1x125xi32, #tpu.memory_space<vmem>>
        %dma_wait3A_109 = tpu.memref_squeeze %dma_wait3A_108 : memref<1x125xi32, #tpu.memory_space<vmem>> -> memref<125xi32, #tpu.memory_space<vmem>>
        %dma_wait3A_110 = arith.constant 0 : i32
        %dma_wait3A_111 = arith.constant 0 : i32
        %dma_wait3A_112 = tpu.memref_slice %arg2[%dma_wait3A_110, %dma_wait3A_111] : memref<10000x64xf32, #tpu.memory_space<hbm>> -> memref<10000x64xf32, #tpu.memory_space<hbm>>
        tpu.wait_indirect_dma semaphore(%arg17 : memref<!tpu.dma_semaphore, #tpu.memory_space<semaphore_mem>>) src(%dma_wait3A_112 : memref<10000x64xf32, #tpu.memory_space<hbm>>) dst(%arg12 : memref<125x64xf32, #tpu.memory_space<vmem>>)
        %dma_start3A_113 = arith.constant 0 : i32
        %dma_start3A_114 = tpu.memref_slice %arg10[%add3A_106, %dma_start3A_113] : memref<160x125xi32, #tpu.memory_space<vmem>> -> memref<1x125xi32, #tpu.memory_space<vmem>>
        %dma_start3A_115 = tpu.memref_squeeze %dma_start3A_114 : memref<1x125xi32, #tpu.memory_space<vmem>> -> memref<125xi32, #tpu.memory_space<vmem>>
        %dma_start3A_116 = arith.constant 0 : i32
        %dma_start3A_117 = arith.constant 0 : i32
        %dma_start3A_118 = tpu.memref_slice %arg15[%dma_start3A_116, %dma_start3A_117] : memref<10000x64xf32, #tpu.memory_space<vmem_shared>> -> memref<10000x64xf32, #tpu.memory_space<vmem_shared>>
        tpu.enqueue_indirect_dma source(%arg12 : memref<125x64xf32, #tpu.memory_space<vmem>>) target(%dma_start3A_118 : memref<10000x64xf32, #tpu.memory_space<vmem_shared>>) offsets(%dma_start3A_115 : memref<125xi32, #tpu.memory_space<vmem>>) semaphore(%arg21 : memref<!tpu.dma_semaphore, #tpu.memory_space<semaphore_mem>>) {add = true}
        %add3A_119 = arith.constant 3 : i32
        %add3A_120 = arith.addi %add3A_106, %add3A_119 : i32
        %lt3A_121 = arith.constant 160 : i32
        %lt3A_122 = arith.cmpi slt, %add3A_120, %lt3A_121 : i32
        %convert_element_type3A_123 = arith.extui %lt3A_122 : i1 to i32
        %cond3A_124 = arith.constant 0 : i32
        %cond3A_125 = arith.cmpi ne, %convert_element_type3A_123, %cond3A_124 : i32
        scf.if %cond3A_125 {
          %ge3A = arith.constant 1 : i32
          %ge3A_172 = arith.cmpi sge, %add3A_106, %ge3A : i32
          %convert_element_type3A_173 = arith.extui %ge3A_172 : i1 to i32
          %cond3A_174 = arith.constant 0 : i32
          %cond3A_175 = arith.cmpi ne, %convert_element_type3A_173, %cond3A_174 : i32
          scf.if %cond3A_175 {
            %sub3A = arith.constant 1 : i32
            %sub3A_184 = arith.subi %add3A_106, %sub3A : i32
            %dma_wait3A_185 = arith.constant 0 : i32
            %dma_wait3A_186 = tpu.memref_slice %arg10[%sub3A_184, %dma_wait3A_185] : memref<160x125xi32, #tpu.memory_space<vmem>> -> memref<1x125xi32, #tpu.memory_space<vmem>>
            %dma_wait3A_187 = tpu.memref_squeeze %dma_wait3A_186 : memref<1x125xi32, #tpu.memory_space<vmem>> -> memref<125xi32, #tpu.memory_space<vmem>>
            %dma_wait3A_188 = arith.constant 0 : i32
            %dma_wait3A_189 = arith.constant 0 : i32
            %dma_wait3A_190 = tpu.memref_slice %arg15[%dma_wait3A_188, %dma_wait3A_189] : memref<10000x64xf32, #tpu.memory_space<vmem_shared>> -> memref<10000x64xf32, #tpu.memory_space<vmem_shared>>
            tpu.wait_indirect_dma semaphore(%arg20 : memref<!tpu.dma_semaphore, #tpu.memory_space<semaphore_mem>>) src(%arg11 : memref<125x64xf32, #tpu.memory_space<vmem>>) dst(%dma_wait3A_190 : memref<10000x64xf32, #tpu.memory_space<vmem_shared>>)
          } else {
          }
          %add3A_176 = arith.constant 3 : i32
          %add3A_177 = arith.addi %add3A_106, %add3A_176 : i32
          %dma_start3A_178 = arith.constant 0 : i32
          %dma_start3A_179 = tpu.memref_slice %arg9[%add3A_177, %dma_start3A_178] : memref<160x125xi32, #tpu.memory_space<vmem>> -> memref<1x125xi32, #tpu.memory_space<vmem>>
          %dma_start3A_180 = tpu.memref_squeeze %dma_start3A_179 : memref<1x125xi32, #tpu.memory_space<vmem>> -> memref<125xi32, #tpu.memory_space<vmem>>
          %dma_start3A_181 = arith.constant 0 : i32
          %dma_start3A_182 = arith.constant 0 : i32
          %dma_start3A_183 = tpu.memref_slice %arg2[%dma_start3A_181, %dma_start3A_182] : memref<10000x64xf32, #tpu.memory_space<hbm>> -> memref<10000x64xf32, #tpu.memory_space<hbm>>
          tpu.enqueue_indirect_dma source(%dma_start3A_183 : memref<10000x64xf32, #tpu.memory_space<hbm>>) target(%arg11 : memref<125x64xf32, #tpu.memory_space<vmem>>) offsets(%dma_start3A_180 : memref<125xi32, #tpu.memory_space<vmem>>) semaphore(%arg16 : memref<!tpu.dma_semaphore, #tpu.memory_space<semaphore_mem>>)
        } else {
        }
        %mul3A_126 = arith.constant 4 : i32
        %mul3A_127 = arith.muli %mul3A_126, %scan3A_79 : i32
        %add3A_128 = arith.constant 2 : i32
        %add3A_129 = arith.addi %mul3A_127, %add3A_128 : i32
        %dma_wait3A_130 = arith.constant 0 : i32
        %dma_wait3A_131 = tpu.memref_slice %arg9[%add3A_129, %dma_wait3A_130] : memref<160x125xi32, #tpu.memory_space<vmem>> -> memref<1x125xi32, #tpu.memory_space<vmem>>
        %dma_wait3A_132 = tpu.memref_squeeze %dma_wait3A_131 : memref<1x125xi32, #tpu.memory_space<vmem>> -> memref<125xi32, #tpu.memory_space<vmem>>
        %dma_wait3A_133 = arith.constant 0 : i32
        %dma_wait3A_134 = arith.constant 0 : i32
        %dma_wait3A_135 = tpu.memref_slice %arg2[%dma_wait3A_133, %dma_wait3A_134] : memref<10000x64xf32, #tpu.memory_space<hbm>> -> memref<10000x64xf32, #tpu.memory_space<hbm>>
        tpu.wait_indirect_dma semaphore(%arg18 : memref<!tpu.dma_semaphore, #tpu.memory_space<semaphore_mem>>) src(%dma_wait3A_135 : memref<10000x64xf32, #tpu.memory_space<hbm>>) dst(%arg13 : memref<125x64xf32, #tpu.memory_space<vmem>>)
        %dma_start3A_136 = arith.constant 0 : i32
        %dma_start3A_137 = tpu.memref_slice %arg10[%add3A_129, %dma_start3A_136] : memref<160x125xi32, #tpu.memory_space<vmem>> -> memref<1x125xi32, #tpu.memory_space<vmem>>
        %dma_start3A_138 = tpu.memref_squeeze %dma_start3A_137 : memref<1x125xi32, #tpu.memory_space<vmem>> -> memref<125xi32, #tpu.memory_space<vmem>>
        %dma_start3A_139 = arith.constant 0 : i32
        %dma_start3A_140 = arith.constant 0 : i32
        %dma_start3A_141 = tpu.memref_slice %arg15[%dma_start3A_139, %dma_start3A_140] : memref<10000x64xf32, #tpu.memory_space<vmem_shared>> -> memref<10000x64xf32, #tpu.memory_space<vmem_shared>>
        tpu.enqueue_indirect_dma source(%arg13 : memref<125x64xf32, #tpu.memory_space<vmem>>) target(%dma_start3A_141 : memref<10000x64xf32, #tpu.memory_space<vmem_shared>>) offsets(%dma_start3A_138 : memref<125xi32, #tpu.memory_space<vmem>>) semaphore(%arg22 : memref<!tpu.dma_semaphore, #tpu.memory_space<semaphore_mem>>) {add = true}
        %add3A_142 = arith.constant 3 : i32
        %add3A_143 = arith.addi %add3A_129, %add3A_142 : i32
        %lt3A_144 = arith.constant 160 : i32
        %lt3A_145 = arith.cmpi slt, %add3A_143, %lt3A_144 : i32
        %convert_element_type3A_146 = arith.extui %lt3A_145 : i1 to i32
        %cond3A_147 = arith.constant 0 : i32
        %cond3A_148 = arith.cmpi ne, %convert_element_type3A_146, %cond3A_147 : i32
        scf.if %cond3A_148 {
          %ge3A = arith.constant 1 : i32
          %ge3A_172 = arith.cmpi sge, %add3A_129, %ge3A : i32
          %convert_element_type3A_173 = arith.extui %ge3A_172 : i1 to i32
          %cond3A_174 = arith.constant 0 : i32
          %cond3A_175 = arith.cmpi ne, %convert_element_type3A_173, %cond3A_174 : i32
          scf.if %cond3A_175 {
            %sub3A = arith.constant 1 : i32
            %sub3A_184 = arith.subi %add3A_129, %sub3A : i32
            %dma_wait3A_185 = arith.constant 0 : i32
            %dma_wait3A_186 = tpu.memref_slice %arg10[%sub3A_184, %dma_wait3A_185] : memref<160x125xi32, #tpu.memory_space<vmem>> -> memref<1x125xi32, #tpu.memory_space<vmem>>
            %dma_wait3A_187 = tpu.memref_squeeze %dma_wait3A_186 : memref<1x125xi32, #tpu.memory_space<vmem>> -> memref<125xi32, #tpu.memory_space<vmem>>
            %dma_wait3A_188 = arith.constant 0 : i32
            %dma_wait3A_189 = arith.constant 0 : i32
            %dma_wait3A_190 = tpu.memref_slice %arg15[%dma_wait3A_188, %dma_wait3A_189] : memref<10000x64xf32, #tpu.memory_space<vmem_shared>> -> memref<10000x64xf32, #tpu.memory_space<vmem_shared>>
            tpu.wait_indirect_dma semaphore(%arg21 : memref<!tpu.dma_semaphore, #tpu.memory_space<semaphore_mem>>) src(%arg12 : memref<125x64xf32, #tpu.memory_space<vmem>>) dst(%dma_wait3A_190 : memref<10000x64xf32, #tpu.memory_space<vmem_shared>>)
          } else {
          }
          %add3A_176 = arith.constant 3 : i32
          %add3A_177 = arith.addi %add3A_129, %add3A_176 : i32
          %dma_start3A_178 = arith.constant 0 : i32
          %dma_start3A_179 = tpu.memref_slice %arg9[%add3A_177, %dma_start3A_178] : memref<160x125xi32, #tpu.memory_space<vmem>> -> memref<1x125xi32, #tpu.memory_space<vmem>>
          %dma_start3A_180 = tpu.memref_squeeze %dma_start3A_179 : memref<1x125xi32, #tpu.memory_space<vmem>> -> memref<125xi32, #tpu.memory_space<vmem>>
          %dma_start3A_181 = arith.constant 0 : i32
          %dma_start3A_182 = arith.constant 0 : i32
          %dma_start3A_183 = tpu.memref_slice %arg2[%dma_start3A_181, %dma_start3A_182] : memref<10000x64xf32, #tpu.memory_space<hbm>> -> memref<10000x64xf32, #tpu.memory_space<hbm>>
          tpu.enqueue_indirect_dma source(%dma_start3A_183 : memref<10000x64xf32, #tpu.memory_space<hbm>>) target(%arg12 : memref<125x64xf32, #tpu.memory_space<vmem>>) offsets(%dma_start3A_180 : memref<125xi32, #tpu.memory_space<vmem>>) semaphore(%arg17 : memref<!tpu.dma_semaphore, #tpu.memory_space<semaphore_mem>>)
        } else {
        }
        %mul3A_149 = arith.constant 4 : i32
        %mul3A_150 = arith.muli %mul3A_149, %scan3A_79 : i32
        %add3A_151 = arith.constant 3 : i32
        %add3A_152 = arith.addi %mul3A_150, %add3A_151 : i32
        %dma_wait3A_153 = arith.constant 0 : i32
        %dma_wait3A_154 = tpu.memref_slice %arg9[%add3A_152, %dma_wait3A_153] : memref<160x125xi32, #tpu.memory_space<vmem>> -> memref<1x125xi32, #tpu.memory_space<vmem>>
        %dma_wait3A_155 = tpu.memref_squeeze %dma_wait3A_154 : memref<1x125xi32, #tpu.memory_space<vmem>> -> memref<125xi32, #tpu.memory_space<vmem>>
        %dma_wait3A_156 = arith.constant 0 : i32
        %dma_wait3A_157 = arith.constant 0 : i32
        %dma_wait3A_158 = tpu.memref_slice %arg2[%dma_wait3A_156, %dma_wait3A_157] : memref<10000x64xf32, #tpu.memory_space<hbm>> -> memref<10000x64xf32, #tpu.memory_space<hbm>>
        tpu.wait_indirect_dma semaphore(%arg19 : memref<!tpu.dma_semaphore, #tpu.memory_space<semaphore_mem>>) src(%dma_wait3A_158 : memref<10000x64xf32, #tpu.memory_space<hbm>>) dst(%arg14 : memref<125x64xf32, #tpu.memory_space<vmem>>)
        %dma_start3A_159 = arith.constant 0 : i32
        %dma_start3A_160 = tpu.memref_slice %arg10[%add3A_152, %dma_start3A_159] : memref<160x125xi32, #tpu.memory_space<vmem>> -> memref<1x125xi32, #tpu.memory_space<vmem>>
        %dma_start3A_161 = tpu.memref_squeeze %dma_start3A_160 : memref<1x125xi32, #tpu.memory_space<vmem>> -> memref<125xi32, #tpu.memory_space<vmem>>
        %dma_start3A_162 = arith.constant 0 : i32
        %dma_start3A_163 = arith.constant 0 : i32
        %dma_start3A_164 = tpu.memref_slice %arg15[%dma_start3A_162, %dma_start3A_163] : memref<10000x64xf32, #tpu.memory_space<vmem_shared>> -> memref<10000x64xf32, #tpu.memory_space<vmem_shared>>
        tpu.enqueue_indirect_dma source(%arg14 : memref<125x64xf32, #tpu.memory_space<vmem>>) target(%dma_start3A_164 : memref<10000x64xf32, #tpu.memory_space<vmem_shared>>) offsets(%dma_start3A_161 : memref<125xi32, #tpu.memory_space<vmem>>) semaphore(%arg23 : memref<!tpu.dma_semaphore, #tpu.memory_space<semaphore_mem>>) {add = true}
        %add3A_165 = arith.constant 3 : i32
        %add3A_166 = arith.addi %add3A_152, %add3A_165 : i32
        %lt3A_167 = arith.constant 160 : i32
        %lt3A_168 = arith.cmpi slt, %add3A_166, %lt3A_167 : i32
        %convert_element_type3A_169 = arith.extui %lt3A_168 : i1 to i32
        %cond3A_170 = arith.constant 0 : i32
        %cond3A_171 = arith.cmpi ne, %convert_element_type3A_169, %cond3A_170 : i32
        scf.if %cond3A_171 {
          %ge3A = arith.constant 1 : i32
          %ge3A_172 = arith.cmpi sge, %add3A_152, %ge3A : i32
          %convert_element_type3A_173 = arith.extui %ge3A_172 : i1 to i32
          %cond3A_174 = arith.constant 0 : i32
          %cond3A_175 = arith.cmpi ne, %convert_element_type3A_173, %cond3A_174 : i32
          scf.if %cond3A_175 {
            %sub3A = arith.constant 1 : i32
            %sub3A_184 = arith.subi %add3A_152, %sub3A : i32
            %dma_wait3A_185 = arith.constant 0 : i32
            %dma_wait3A_186 = tpu.memref_slice %arg10[%sub3A_184, %dma_wait3A_185] : memref<160x125xi32, #tpu.memory_space<vmem>> -> memref<1x125xi32, #tpu.memory_space<vmem>>
            %dma_wait3A_187 = tpu.memref_squeeze %dma_wait3A_186 : memref<1x125xi32, #tpu.memory_space<vmem>> -> memref<125xi32, #tpu.memory_space<vmem>>
            %dma_wait3A_188 = arith.constant 0 : i32
            %dma_wait3A_189 = arith.constant 0 : i32
            %dma_wait3A_190 = tpu.memref_slice %arg15[%dma_wait3A_188, %dma_wait3A_189] : memref<10000x64xf32, #tpu.memory_space<vmem_shared>> -> memref<10000x64xf32, #tpu.memory_space<vmem_shared>>
            tpu.wait_indirect_dma semaphore(%arg22 : memref<!tpu.dma_semaphore, #tpu.memory_space<semaphore_mem>>) src(%arg13 : memref<125x64xf32, #tpu.memory_space<vmem>>) dst(%dma_wait3A_190 : memref<10000x64xf32, #tpu.memory_space<vmem_shared>>)
          } else {
          }
          %add3A_176 = arith.constant 3 : i32
          %add3A_177 = arith.addi %add3A_152, %add3A_176 : i32
          %dma_start3A_178 = arith.constant 0 : i32
          %dma_start3A_179 = tpu.memref_slice %arg9[%add3A_177, %dma_start3A_178] : memref<160x125xi32, #tpu.memory_space<vmem>> -> memref<1x125xi32, #tpu.memory_space<vmem>>
          %dma_start3A_180 = tpu.memref_squeeze %dma_start3A_179 : memref<1x125xi32, #tpu.memory_space<vmem>> -> memref<125xi32, #tpu.memory_space<vmem>>
          %dma_start3A_181 = arith.constant 0 : i32
          %dma_start3A_182 = arith.constant 0 : i32
          %dma_start3A_183 = tpu.memref_slice %arg2[%dma_start3A_181, %dma_start3A_182] : memref<10000x64xf32, #tpu.memory_space<hbm>> -> memref<10000x64xf32, #tpu.memory_space<hbm>>
          tpu.enqueue_indirect_dma source(%dma_start3A_183 : memref<10000x64xf32, #tpu.memory_space<hbm>>) target(%arg13 : memref<125x64xf32, #tpu.memory_space<vmem>>) offsets(%dma_start3A_180 : memref<125xi32, #tpu.memory_space<vmem>>) semaphore(%arg18 : memref<!tpu.dma_semaphore, #tpu.memory_space<semaphore_mem>>)
        } else {
        }
      }
      %scan3A_51 = arith.constant 40 : i32
      %dma_wait3A = arith.constant 156 : i32
      %dma_wait3A_52 = arith.constant 0 : i32
      %dma_wait3A_53 = tpu.memref_slice %arg10[%dma_wait3A, %dma_wait3A_52] : memref<160x125xi32, #tpu.memory_space<vmem>> -> memref<1x125xi32, #tpu.memory_space<vmem>>
      %dma_wait3A_54 = tpu.memref_squeeze %dma_wait3A_53 : memref<1x125xi32, #tpu.memory_space<vmem>> -> memref<125xi32, #tpu.memory_space<vmem>>
      %dma_wait3A_55 = arith.constant 0 : i32
      %dma_wait3A_56 = arith.constant 0 : i32
      %dma_wait3A_57 = tpu.memref_slice %arg15[%dma_wait3A_55, %dma_wait3A_56] : memref<10000x64xf32, #tpu.memory_space<vmem_shared>> -> memref<10000x64xf32, #tpu.memory_space<vmem_shared>>
      tpu.wait_indirect_dma semaphore(%arg20 : memref<!tpu.dma_semaphore, #tpu.memory_space<semaphore_mem>>) src(%arg11 : memref<125x64xf32, #tpu.memory_space<vmem>>) dst(%dma_wait3A_57 : memref<10000x64xf32, #tpu.memory_space<vmem_shared>>)
      %dma_wait3A_58 = arith.constant 157 : i32
      %dma_wait3A_59 = arith.constant 0 : i32
      %dma_wait3A_60 = tpu.memref_slice %arg10[%dma_wait3A_58, %dma_wait3A_59] : memref<160x125xi32, #tpu.memory_space<vmem>> -> memref<1x125xi32, #tpu.memory_space<vmem>>
      %dma_wait3A_61 = tpu.memref_squeeze %dma_wait3A_60 : memref<1x125xi32, #tpu.memory_space<vmem>> -> memref<125xi32, #tpu.memory_space<vmem>>
      %dma_wait3A_62 = arith.constant 0 : i32
      %dma_wait3A_63 = arith.constant 0 : i32
      %dma_wait3A_64 = tpu.memref_slice %arg15[%dma_wait3A_62, %dma_wait3A_63] : memref<10000x64xf32, #tpu.memory_space<vmem_shared>> -> memref<10000x64xf32, #tpu.memory_space<vmem_shared>>
      tpu.wait_indirect_dma semaphore(%arg21 : memref<!tpu.dma_semaphore, #tpu.memory_space<semaphore_mem>>) src(%arg12 : memref<125x64xf32, #tpu.memory_space<vmem>>) dst(%dma_wait3A_64 : memref<10000x64xf32, #tpu.memory_space<vmem_shared>>)
      %dma_wait3A_65 = arith.constant 158 : i32
      %dma_wait3A_66 = arith.constant 0 : i32
      %dma_wait3A_67 = tpu.memref_slice %arg10[%dma_wait3A_65, %dma_wait3A_66] : memref<160x125xi32, #tpu.memory_space<vmem>> -> memref<1x125xi32, #tpu.memory_space<vmem>>
      %dma_wait3A_68 = tpu.memref_squeeze %dma_wait3A_67 : memref<1x125xi32, #tpu.memory_space<vmem>> -> memref<125xi32, #tpu.memory_space<vmem>>
      %dma_wait3A_69 = arith.constant 0 : i32
      %dma_wait3A_70 = arith.constant 0 : i32
      %dma_wait3A_71 = tpu.memref_slice %arg15[%dma_wait3A_69, %dma_wait3A_70] : memref<10000x64xf32, #tpu.memory_space<vmem_shared>> -> memref<10000x64xf32, #tpu.memory_space<vmem_shared>>
      tpu.wait_indirect_dma semaphore(%arg22 : memref<!tpu.dma_semaphore, #tpu.memory_space<semaphore_mem>>) src(%arg13 : memref<125x64xf32, #tpu.memory_space<vmem>>) dst(%dma_wait3A_71 : memref<10000x64xf32, #tpu.memory_space<vmem_shared>>)
      %dma_wait3A_72 = arith.constant 159 : i32
      %dma_wait3A_73 = arith.constant 0 : i32
      %dma_wait3A_74 = tpu.memref_slice %arg10[%dma_wait3A_72, %dma_wait3A_73] : memref<160x125xi32, #tpu.memory_space<vmem>> -> memref<1x125xi32, #tpu.memory_space<vmem>>
      %dma_wait3A_75 = tpu.memref_squeeze %dma_wait3A_74 : memref<1x125xi32, #tpu.memory_space<vmem>> -> memref<125xi32, #tpu.memory_space<vmem>>
      %dma_wait3A_76 = arith.constant 0 : i32
      %dma_wait3A_77 = arith.constant 0 : i32
      %dma_wait3A_78 = tpu.memref_slice %arg15[%dma_wait3A_76, %dma_wait3A_77] : memref<10000x64xf32, #tpu.memory_space<vmem_shared>> -> memref<10000x64xf32, #tpu.memory_space<vmem_shared>>
      tpu.wait_indirect_dma semaphore(%arg23 : memref<!tpu.dma_semaphore, #tpu.memory_space<semaphore_mem>>) src(%arg14 : memref<125x64xf32, #tpu.memory_space<vmem>>) dst(%dma_wait3A_78 : memref<10000x64xf32, #tpu.memory_space<vmem_shared>>)
    } else {
    }
    %eq3A_12 = arith.constant 1 : i32
    %eq3A_13 = arith.cmpi eq, %arg0, %eq3A_12 : i32
    %convert_element_type3A_14 = arith.extui %eq3A_13 : i1 to i32
    %cond3A_15 = arith.constant 0 : i32
    %cond3A_16 = arith.cmpi ne, %convert_element_type3A_14, %cond3A_15 : i32
    scf.if %cond3A_16 {
      %dma_start3A = arith.constant 0 : i32
      %dma_start3A_28 = arith.constant 0 : i32
      %dma_start3A_29 = tpu.memref_slice %arg9[%dma_start3A, %dma_start3A_28] : memref<160x125xi32, #tpu.memory_space<vmem>> -> memref<1x125xi32, #tpu.memory_space<vmem>>
      %dma_start3A_30 = tpu.memref_squeeze %dma_start3A_29 : memref<1x125xi32, #tpu.memory_space<vmem>> -> memref<125xi32, #tpu.memory_space<vmem>>
      %dma_start3A_31 = arith.constant 0 : i32
      %dma_start3A_32 = arith.constant 0 : i32
      %dma_start3A_33 = tpu.memref_slice %arg3[%dma_start3A_31, %dma_start3A_32] : memref<10000x64xf32, #tpu.memory_space<hbm>> -> memref<10000x64xf32, #tpu.memory_space<hbm>>
      tpu.enqueue_indirect_dma source(%dma_start3A_33 : memref<10000x64xf32, #tpu.memory_space<hbm>>) target(%arg11 : memref<125x64xf32, #tpu.memory_space<vmem>>) offsets(%dma_start3A_30 : memref<125xi32, #tpu.memory_space<vmem>>) semaphore(%arg16 : memref<!tpu.dma_semaphore, #tpu.memory_space<semaphore_mem>>)
      %dma_start3A_34 = arith.constant 1 : i32
      %dma_start3A_35 = arith.constant 0 : i32
      %dma_start3A_36 = tpu.memref_slice %arg9[%dma_start3A_34, %dma_start3A_35] : memref<160x125xi32, #tpu.memory_space<vmem>> -> memref<1x125xi32, #tpu.memory_space<vmem>>
      %dma_start3A_37 = tpu.memref_squeeze %dma_start3A_36 : memref<1x125xi32, #tpu.memory_space<vmem>> -> memref<125xi32, #tpu.memory_space<vmem>>
      %dma_start3A_38 = arith.constant 0 : i32
      %dma_start3A_39 = arith.constant 0 : i32
      %dma_start3A_40 = tpu.memref_slice %arg3[%dma_start3A_38, %dma_start3A_39] : memref<10000x64xf32, #tpu.memory_space<hbm>> -> memref<10000x64xf32, #tpu.memory_space<hbm>>
      tpu.enqueue_indirect_dma source(%dma_start3A_40 : memref<10000x64xf32, #tpu.memory_space<hbm>>) target(%arg12 : memref<125x64xf32, #tpu.memory_space<vmem>>) offsets(%dma_start3A_37 : memref<125xi32, #tpu.memory_space<vmem>>) semaphore(%arg17 : memref<!tpu.dma_semaphore, #tpu.memory_space<semaphore_mem>>)
      %dma_start3A_41 = arith.constant 2 : i32
      %dma_start3A_42 = arith.constant 0 : i32
      %dma_start3A_43 = tpu.memref_slice %arg9[%dma_start3A_41, %dma_start3A_42] : memref<160x125xi32, #tpu.memory_space<vmem>> -> memref<1x125xi32, #tpu.memory_space<vmem>>
      %dma_start3A_44 = tpu.memref_squeeze %dma_start3A_43 : memref<1x125xi32, #tpu.memory_space<vmem>> -> memref<125xi32, #tpu.memory_space<vmem>>
      %dma_start3A_45 = arith.constant 0 : i32
      %dma_start3A_46 = arith.constant 0 : i32
      %dma_start3A_47 = tpu.memref_slice %arg3[%dma_start3A_45, %dma_start3A_46] : memref<10000x64xf32, #tpu.memory_space<hbm>> -> memref<10000x64xf32, #tpu.memory_space<hbm>>
      tpu.enqueue_indirect_dma source(%dma_start3A_47 : memref<10000x64xf32, #tpu.memory_space<hbm>>) target(%arg13 : memref<125x64xf32, #tpu.memory_space<vmem>>) offsets(%dma_start3A_44 : memref<125xi32, #tpu.memory_space<vmem>>) semaphore(%arg18 : memref<!tpu.dma_semaphore, #tpu.memory_space<semaphore_mem>>)
      %scan3A = arith.constant 0 : i32
      %scan3A_48 = arith.constant 40 : i32
      %scan3A_49 = arith.addi %scan3A, %scan3A_48 : i32
      %scan3A_50 = arith.constant 1 : i32
      scf.for %scan3A_79 = %scan3A to %scan3A_49 step %scan3A_50  : i32 {
        %mul3A_80 = arith.constant 4 : i32
        %mul3A_81 = arith.muli %mul3A_80, %scan3A_79 : i32
        %add3A_82 = arith.constant 0 : i32
        %add3A_83 = arith.addi %mul3A_81, %add3A_82 : i32
        %dma_wait3A_84 = arith.constant 0 : i32
        %dma_wait3A_85 = tpu.memref_slice %arg9[%add3A_83, %dma_wait3A_84] : memref<160x125xi32, #tpu.memory_space<vmem>> -> memref<1x125xi32, #tpu.memory_space<vmem>>
        %dma_wait3A_86 = tpu.memref_squeeze %dma_wait3A_85 : memref<1x125xi32, #tpu.memory_space<vmem>> -> memref<125xi32, #tpu.memory_space<vmem>>
        %dma_wait3A_87 = arith.constant 0 : i32
        %dma_wait3A_88 = arith.constant 0 : i32
        %dma_wait3A_89 = tpu.memref_slice %arg3[%dma_wait3A_87, %dma_wait3A_88] : memref<10000x64xf32, #tpu.memory_space<hbm>> -> memref<10000x64xf32, #tpu.memory_space<hbm>>
        tpu.wait_indirect_dma semaphore(%arg16 : memref<!tpu.dma_semaphore, #tpu.memory_space<semaphore_mem>>) src(%dma_wait3A_89 : memref<10000x64xf32, #tpu.memory_space<hbm>>) dst(%arg11 : memref<125x64xf32, #tpu.memory_space<vmem>>)
        %dma_start3A_90 = arith.constant 0 : i32
        %dma_start3A_91 = tpu.memref_slice %arg10[%add3A_83, %dma_start3A_90] : memref<160x125xi32, #tpu.memory_space<vmem>> -> memref<1x125xi32, #tpu.memory_space<vmem>>
        %dma_start3A_92 = tpu.memref_squeeze %dma_start3A_91 : memref<1x125xi32, #tpu.memory_space<vmem>> -> memref<125xi32, #tpu.memory_space<vmem>>
        %dma_start3A_93 = arith.constant 0 : i32
        %dma_start3A_94 = arith.constant 0 : i32
        %dma_start3A_95 = tpu.memref_slice %arg15[%dma_start3A_93, %dma_start3A_94] : memref<10000x64xf32, #tpu.memory_space<vmem_shared>> -> memref<10000x64xf32, #tpu.memory_space<vmem_shared>>
        tpu.enqueue_indirect_dma source(%arg11 : memref<125x64xf32, #tpu.memory_space<vmem>>) target(%dma_start3A_95 : memref<10000x64xf32, #tpu.memory_space<vmem_shared>>) offsets(%dma_start3A_92 : memref<125xi32, #tpu.memory_space<vmem>>) semaphore(%arg20 : memref<!tpu.dma_semaphore, #tpu.memory_space<semaphore_mem>>) {add = true}
        %add3A_96 = arith.constant 3 : i32
        %add3A_97 = arith.addi %add3A_83, %add3A_96 : i32
        %lt3A_98 = arith.constant 160 : i32
        %lt3A_99 = arith.cmpi slt, %add3A_97, %lt3A_98 : i32
        %convert_element_type3A_100 = arith.extui %lt3A_99 : i1 to i32
        %cond3A_101 = arith.constant 0 : i32
        %cond3A_102 = arith.cmpi ne, %convert_element_type3A_100, %cond3A_101 : i32
        scf.if %cond3A_102 {
          %ge3A = arith.constant 1 : i32
          %ge3A_172 = arith.cmpi sge, %add3A_83, %ge3A : i32
          %convert_element_type3A_173 = arith.extui %ge3A_172 : i1 to i32
          %cond3A_174 = arith.constant 0 : i32
          %cond3A_175 = arith.cmpi ne, %convert_element_type3A_173, %cond3A_174 : i32
          scf.if %cond3A_175 {
            %sub3A = arith.constant 1 : i32
            %sub3A_184 = arith.subi %add3A_83, %sub3A : i32
            %dma_wait3A_185 = arith.constant 0 : i32
            %dma_wait3A_186 = tpu.memref_slice %arg10[%sub3A_184, %dma_wait3A_185] : memref<160x125xi32, #tpu.memory_space<vmem>> -> memref<1x125xi32, #tpu.memory_space<vmem>>
            %dma_wait3A_187 = tpu.memref_squeeze %dma_wait3A_186 : memref<1x125xi32, #tpu.memory_space<vmem>> -> memref<125xi32, #tpu.memory_space<vmem>>
            %dma_wait3A_188 = arith.constant 0 : i32
            %dma_wait3A_189 = arith.constant 0 : i32
            %dma_wait3A_190 = tpu.memref_slice %arg15[%dma_wait3A_188, %dma_wait3A_189] : memref<10000x64xf32, #tpu.memory_space<vmem_shared>> -> memref<10000x64xf32, #tpu.memory_space<vmem_shared>>
            tpu.wait_indirect_dma semaphore(%arg23 : memref<!tpu.dma_semaphore, #tpu.memory_space<semaphore_mem>>) src(%arg14 : memref<125x64xf32, #tpu.memory_space<vmem>>) dst(%dma_wait3A_190 : memref<10000x64xf32, #tpu.memory_space<vmem_shared>>)
          } else {
          }
          %add3A_176 = arith.constant 3 : i32
          %add3A_177 = arith.addi %add3A_83, %add3A_176 : i32
          %dma_start3A_178 = arith.constant 0 : i32
          %dma_start3A_179 = tpu.memref_slice %arg9[%add3A_177, %dma_start3A_178] : memref<160x125xi32, #tpu.memory_space<vmem>> -> memref<1x125xi32, #tpu.memory_space<vmem>>
          %dma_start3A_180 = tpu.memref_squeeze %dma_start3A_179 : memref<1x125xi32, #tpu.memory_space<vmem>> -> memref<125xi32, #tpu.memory_space<vmem>>
          %dma_start3A_181 = arith.constant 0 : i32
          %dma_start3A_182 = arith.constant 0 : i32
          %dma_start3A_183 = tpu.memref_slice %arg3[%dma_start3A_181, %dma_start3A_182] : memref<10000x64xf32, #tpu.memory_space<hbm>> -> memref<10000x64xf32, #tpu.memory_space<hbm>>
          tpu.enqueue_indirect_dma source(%dma_start3A_183 : memref<10000x64xf32, #tpu.memory_space<hbm>>) target(%arg14 : memref<125x64xf32, #tpu.memory_space<vmem>>) offsets(%dma_start3A_180 : memref<125xi32, #tpu.memory_space<vmem>>) semaphore(%arg19 : memref<!tpu.dma_semaphore, #tpu.memory_space<semaphore_mem>>)
        } else {
        }
        %mul3A_103 = arith.constant 4 : i32
        %mul3A_104 = arith.muli %mul3A_103, %scan3A_79 : i32
        %add3A_105 = arith.constant 1 : i32
        %add3A_106 = arith.addi %mul3A_104, %add3A_105 : i32
        %dma_wait3A_107 = arith.constant 0 : i32
        %dma_wait3A_108 = tpu.memref_slice %arg9[%add3A_106, %dma_wait3A_107] : memref<160x125xi32, #tpu.memory_space<vmem>> -> memref<1x125xi32, #tpu.memory_space<vmem>>
        %dma_wait3A_109 = tpu.memref_squeeze %dma_wait3A_108 : memref<1x125xi32, #tpu.memory_space<vmem>> -> memref<125xi32, #tpu.memory_space<vmem>>
        %dma_wait3A_110 = arith.constant 0 : i32
        %dma_wait3A_111 = arith.constant 0 : i32
        %dma_wait3A_112 = tpu.memref_slice %arg3[%dma_wait3A_110, %dma_wait3A_111] : memref<10000x64xf32, #tpu.memory_space<hbm>> -> memref<10000x64xf32, #tpu.memory_space<hbm>>
        tpu.wait_indirect_dma semaphore(%arg17 : memref<!tpu.dma_semaphore, #tpu.memory_space<semaphore_mem>>) src(%dma_wait3A_112 : memref<10000x64xf32, #tpu.memory_space<hbm>>) dst(%arg12 : memref<125x64xf32, #tpu.memory_space<vmem>>)
        %dma_start3A_113 = arith.constant 0 : i32
        %dma_start3A_114 = tpu.memref_slice %arg10[%add3A_106, %dma_start3A_113] : memref<160x125xi32, #tpu.memory_space<vmem>> -> memref<1x125xi32, #tpu.memory_space<vmem>>
        %dma_start3A_115 = tpu.memref_squeeze %dma_start3A_114 : memref<1x125xi32, #tpu.memory_space<vmem>> -> memref<125xi32, #tpu.memory_space<vmem>>
        %dma_start3A_116 = arith.constant 0 : i32
        %dma_start3A_117 = arith.constant 0 : i32
        %dma_start3A_118 = tpu.memref_slice %arg15[%dma_start3A_116, %dma_start3A_117] : memref<10000x64xf32, #tpu.memory_space<vmem_shared>> -> memref<10000x64xf32, #tpu.memory_space<vmem_shared>>
        tpu.enqueue_indirect_dma source(%arg12 : memref<125x64xf32, #tpu.memory_space<vmem>>) target(%dma_start3A_118 : memref<10000x64xf32, #tpu.memory_space<vmem_shared>>) offsets(%dma_start3A_115 : memref<125xi32, #tpu.memory_space<vmem>>) semaphore(%arg21 : memref<!tpu.dma_semaphore, #tpu.memory_space<semaphore_mem>>) {add = true}
        %add3A_119 = arith.constant 3 : i32
        %add3A_120 = arith.addi %add3A_106, %add3A_119 : i32
        %lt3A_121 = arith.constant 160 : i32
        %lt3A_122 = arith.cmpi slt, %add3A_120, %lt3A_121 : i32
        %convert_element_type3A_123 = arith.extui %lt3A_122 : i1 to i32
        %cond3A_124 = arith.constant 0 : i32
        %cond3A_125 = arith.cmpi ne, %convert_element_type3A_123, %cond3A_124 : i32
        scf.if %cond3A_125 {
          %ge3A = arith.constant 1 : i32
          %ge3A_172 = arith.cmpi sge, %add3A_106, %ge3A : i32
          %convert_element_type3A_173 = arith.extui %ge3A_172 : i1 to i32
          %cond3A_174 = arith.constant 0 : i32
          %cond3A_175 = arith.cmpi ne, %convert_element_type3A_173, %cond3A_174 : i32
          scf.if %cond3A_175 {
            %sub3A = arith.constant 1 : i32
            %sub3A_184 = arith.subi %add3A_106, %sub3A : i32
            %dma_wait3A_185 = arith.constant 0 : i32
            %dma_wait3A_186 = tpu.memref_slice %arg10[%sub3A_184, %dma_wait3A_185] : memref<160x125xi32, #tpu.memory_space<vmem>> -> memref<1x125xi32, #tpu.memory_space<vmem>>
            %dma_wait3A_187 = tpu.memref_squeeze %dma_wait3A_186 : memref<1x125xi32, #tpu.memory_space<vmem>> -> memref<125xi32, #tpu.memory_space<vmem>>
            %dma_wait3A_188 = arith.constant 0 : i32
            %dma_wait3A_189 = arith.constant 0 : i32
            %dma_wait3A_190 = tpu.memref_slice %arg15[%dma_wait3A_188, %dma_wait3A_189] : memref<10000x64xf32, #tpu.memory_space<vmem_shared>> -> memref<10000x64xf32, #tpu.memory_space<vmem_shared>>
            tpu.wait_indirect_dma semaphore(%arg20 : memref<!tpu.dma_semaphore, #tpu.memory_space<semaphore_mem>>) src(%arg11 : memref<125x64xf32, #tpu.memory_space<vmem>>) dst(%dma_wait3A_190 : memref<10000x64xf32, #tpu.memory_space<vmem_shared>>)
          } else {
          }
          %add3A_176 = arith.constant 3 : i32
          %add3A_177 = arith.addi %add3A_106, %add3A_176 : i32
          %dma_start3A_178 = arith.constant 0 : i32
          %dma_start3A_179 = tpu.memref_slice %arg9[%add3A_177, %dma_start3A_178] : memref<160x125xi32, #tpu.memory_space<vmem>> -> memref<1x125xi32, #tpu.memory_space<vmem>>
          %dma_start3A_180 = tpu.memref_squeeze %dma_start3A_179 : memref<1x125xi32, #tpu.memory_space<vmem>> -> memref<125xi32, #tpu.memory_space<vmem>>
          %dma_start3A_181 = arith.constant 0 : i32
          %dma_start3A_182 = arith.constant 0 : i32
          %dma_start3A_183 = tpu.memref_slice %arg3[%dma_start3A_181, %dma_start3A_182] : memref<10000x64xf32, #tpu.memory_space<hbm>> -> memref<10000x64xf32, #tpu.memory_space<hbm>>
          tpu.enqueue_indirect_dma source(%dma_start3A_183 : memref<10000x64xf32, #tpu.memory_space<hbm>>) target(%arg11 : memref<125x64xf32, #tpu.memory_space<vmem>>) offsets(%dma_start3A_180 : memref<125xi32, #tpu.memory_space<vmem>>) semaphore(%arg16 : memref<!tpu.dma_semaphore, #tpu.memory_space<semaphore_mem>>)
        } else {
        }
        %mul3A_126 = arith.constant 4 : i32
        %mul3A_127 = arith.muli %mul3A_126, %scan3A_79 : i32
        %add3A_128 = arith.constant 2 : i32
        %add3A_129 = arith.addi %mul3A_127, %add3A_128 : i32
        %dma_wait3A_130 = arith.constant 0 : i32
        %dma_wait3A_131 = tpu.memref_slice %arg9[%add3A_129, %dma_wait3A_130] : memref<160x125xi32, #tpu.memory_space<vmem>> -> memref<1x125xi32, #tpu.memory_space<vmem>>
        %dma_wait3A_132 = tpu.memref_squeeze %dma_wait3A_131 : memref<1x125xi32, #tpu.memory_space<vmem>> -> memref<125xi32, #tpu.memory_space<vmem>>
        %dma_wait3A_133 = arith.constant 0 : i32
        %dma_wait3A_134 = arith.constant 0 : i32
        %dma_wait3A_135 = tpu.memref_slice %arg3[%dma_wait3A_133, %dma_wait3A_134] : memref<10000x64xf32, #tpu.memory_space<hbm>> -> memref<10000x64xf32, #tpu.memory_space<hbm>>
        tpu.wait_indirect_dma semaphore(%arg18 : memref<!tpu.dma_semaphore, #tpu.memory_space<semaphore_mem>>) src(%dma_wait3A_135 : memref<10000x64xf32, #tpu.memory_space<hbm>>) dst(%arg13 : memref<125x64xf32, #tpu.memory_space<vmem>>)
        %dma_start3A_136 = arith.constant 0 : i32
        %dma_start3A_137 = tpu.memref_slice %arg10[%add3A_129, %dma_start3A_136] : memref<160x125xi32, #tpu.memory_space<vmem>> -> memref<1x125xi32, #tpu.memory_space<vmem>>
        %dma_start3A_138 = tpu.memref_squeeze %dma_start3A_137 : memref<1x125xi32, #tpu.memory_space<vmem>> -> memref<125xi32, #tpu.memory_space<vmem>>
        %dma_start3A_139 = arith.constant 0 : i32
        %dma_start3A_140 = arith.constant 0 : i32
        %dma_start3A_141 = tpu.memref_slice %arg15[%dma_start3A_139, %dma_start3A_140] : memref<10000x64xf32, #tpu.memory_space<vmem_shared>> -> memref<10000x64xf32, #tpu.memory_space<vmem_shared>>
        tpu.enqueue_indirect_dma source(%arg13 : memref<125x64xf32, #tpu.memory_space<vmem>>) target(%dma_start3A_141 : memref<10000x64xf32, #tpu.memory_space<vmem_shared>>) offsets(%dma_start3A_138 : memref<125xi32, #tpu.memory_space<vmem>>) semaphore(%arg22 : memref<!tpu.dma_semaphore, #tpu.memory_space<semaphore_mem>>) {add = true}
        %add3A_142 = arith.constant 3 : i32
        %add3A_143 = arith.addi %add3A_129, %add3A_142 : i32
        %lt3A_144 = arith.constant 160 : i32
        %lt3A_145 = arith.cmpi slt, %add3A_143, %lt3A_144 : i32
        %convert_element_type3A_146 = arith.extui %lt3A_145 : i1 to i32
        %cond3A_147 = arith.constant 0 : i32
        %cond3A_148 = arith.cmpi ne, %convert_element_type3A_146, %cond3A_147 : i32
        scf.if %cond3A_148 {
          %ge3A = arith.constant 1 : i32
          %ge3A_172 = arith.cmpi sge, %add3A_129, %ge3A : i32
          %convert_element_type3A_173 = arith.extui %ge3A_172 : i1 to i32
          %cond3A_174 = arith.constant 0 : i32
          %cond3A_175 = arith.cmpi ne, %convert_element_type3A_173, %cond3A_174 : i32
          scf.if %cond3A_175 {
            %sub3A = arith.constant 1 : i32
            %sub3A_184 = arith.subi %add3A_129, %sub3A : i32
            %dma_wait3A_185 = arith.constant 0 : i32
            %dma_wait3A_186 = tpu.memref_slice %arg10[%sub3A_184, %dma_wait3A_185] : memref<160x125xi32, #tpu.memory_space<vmem>> -> memref<1x125xi32, #tpu.memory_space<vmem>>
            %dma_wait3A_187 = tpu.memref_squeeze %dma_wait3A_186 : memref<1x125xi32, #tpu.memory_space<vmem>> -> memref<125xi32, #tpu.memory_space<vmem>>
            %dma_wait3A_188 = arith.constant 0 : i32
            %dma_wait3A_189 = arith.constant 0 : i32
            %dma_wait3A_190 = tpu.memref_slice %arg15[%dma_wait3A_188, %dma_wait3A_189] : memref<10000x64xf32, #tpu.memory_space<vmem_shared>> -> memref<10000x64xf32, #tpu.memory_space<vmem_shared>>
            tpu.wait_indirect_dma semaphore(%arg21 : memref<!tpu.dma_semaphore, #tpu.memory_space<semaphore_mem>>) src(%arg12 : memref<125x64xf32, #tpu.memory_space<vmem>>) dst(%dma_wait3A_190 : memref<10000x64xf32, #tpu.memory_space<vmem_shared>>)
          } else {
          }
          %add3A_176 = arith.constant 3 : i32
          %add3A_177 = arith.addi %add3A_129, %add3A_176 : i32
          %dma_start3A_178 = arith.constant 0 : i32
          %dma_start3A_179 = tpu.memref_slice %arg9[%add3A_177, %dma_start3A_178] : memref<160x125xi32, #tpu.memory_space<vmem>> -> memref<1x125xi32, #tpu.memory_space<vmem>>
          %dma_start3A_180 = tpu.memref_squeeze %dma_start3A_179 : memref<1x125xi32, #tpu.memory_space<vmem>> -> memref<125xi32, #tpu.memory_space<vmem>>
          %dma_start3A_181 = arith.constant 0 : i32
          %dma_start3A_182 = arith.constant 0 : i32
          %dma_start3A_183 = tpu.memref_slice %arg3[%dma_start3A_181, %dma_start3A_182] : memref<10000x64xf32, #tpu.memory_space<hbm>> -> memref<10000x64xf32, #tpu.memory_space<hbm>>
          tpu.enqueue_indirect_dma source(%dma_start3A_183 : memref<10000x64xf32, #tpu.memory_space<hbm>>) target(%arg12 : memref<125x64xf32, #tpu.memory_space<vmem>>) offsets(%dma_start3A_180 : memref<125xi32, #tpu.memory_space<vmem>>) semaphore(%arg17 : memref<!tpu.dma_semaphore, #tpu.memory_space<semaphore_mem>>)
        } else {
        }
        %mul3A_149 = arith.constant 4 : i32
        %mul3A_150 = arith.muli %mul3A_149, %scan3A_79 : i32
        %add3A_151 = arith.constant 3 : i32
        %add3A_152 = arith.addi %mul3A_150, %add3A_151 : i32
        %dma_wait3A_153 = arith.constant 0 : i32
        %dma_wait3A_154 = tpu.memref_slice %arg9[%add3A_152, %dma_wait3A_153] : memref<160x125xi32, #tpu.memory_space<vmem>> -> memref<1x125xi32, #tpu.memory_space<vmem>>
        %dma_wait3A_155 = tpu.memref_squeeze %dma_wait3A_154 : memref<1x125xi32, #tpu.memory_space<vmem>> -> memref<125xi32, #tpu.memory_space<vmem>>
        %dma_wait3A_156 = arith.constant 0 : i32
        %dma_wait3A_157 = arith.constant 0 : i32
        %dma_wait3A_158 = tpu.memref_slice %arg3[%dma_wait3A_156, %dma_wait3A_157] : memref<10000x64xf32, #tpu.memory_space<hbm>> -> memref<10000x64xf32, #tpu.memory_space<hbm>>
        tpu.wait_indirect_dma semaphore(%arg19 : memref<!tpu.dma_semaphore, #tpu.memory_space<semaphore_mem>>) src(%dma_wait3A_158 : memref<10000x64xf32, #tpu.memory_space<hbm>>) dst(%arg14 : memref<125x64xf32, #tpu.memory_space<vmem>>)
        %dma_start3A_159 = arith.constant 0 : i32
        %dma_start3A_160 = tpu.memref_slice %arg10[%add3A_152, %dma_start3A_159] : memref<160x125xi32, #tpu.memory_space<vmem>> -> memref<1x125xi32, #tpu.memory_space<vmem>>
        %dma_start3A_161 = tpu.memref_squeeze %dma_start3A_160 : memref<1x125xi32, #tpu.memory_space<vmem>> -> memref<125xi32, #tpu.memory_space<vmem>>
        %dma_start3A_162 = arith.constant 0 : i32
        %dma_start3A_163 = arith.constant 0 : i32
        %dma_start3A_164 = tpu.memref_slice %arg15[%dma_start3A_162, %dma_start3A_163] : memref<10000x64xf32, #tpu.memory_space<vmem_shared>> -> memref<10000x64xf32, #tpu.memory_space<vmem_shared>>
        tpu.enqueue_indirect_dma source(%arg14 : memref<125x64xf32, #tpu.memory_space<vmem>>) target(%dma_start3A_164 : memref<10000x64xf32, #tpu.memory_space<vmem_shared>>) offsets(%dma_start3A_161 : memref<125xi32, #tpu.memory_space<vmem>>) semaphore(%arg23 : memref<!tpu.dma_semaphore, #tpu.memory_space<semaphore_mem>>) {add = true}
        %add3A_165 = arith.constant 3 : i32
        %add3A_166 = arith.addi %add3A_152, %add3A_165 : i32
        %lt3A_167 = arith.constant 160 : i32
        %lt3A_168 = arith.cmpi slt, %add3A_166, %lt3A_167 : i32
        %convert_element_type3A_169 = arith.extui %lt3A_168 : i1 to i32
        %cond3A_170 = arith.constant 0 : i32
        %cond3A_171 = arith.cmpi ne, %convert_element_type3A_169, %cond3A_170 : i32
        scf.if %cond3A_171 {
          %ge3A = arith.constant 1 : i32
          %ge3A_172 = arith.cmpi sge, %add3A_152, %ge3A : i32
          %convert_element_type3A_173 = arith.extui %ge3A_172 : i1 to i32
          %cond3A_174 = arith.constant 0 : i32
          %cond3A_175 = arith.cmpi ne, %convert_element_type3A_173, %cond3A_174 : i32
          scf.if %cond3A_175 {
            %sub3A = arith.constant 1 : i32
            %sub3A_184 = arith.subi %add3A_152, %sub3A : i32
            %dma_wait3A_185 = arith.constant 0 : i32
            %dma_wait3A_186 = tpu.memref_slice %arg10[%sub3A_184, %dma_wait3A_185] : memref<160x125xi32, #tpu.memory_space<vmem>> -> memref<1x125xi32, #tpu.memory_space<vmem>>
            %dma_wait3A_187 = tpu.memref_squeeze %dma_wait3A_186 : memref<1x125xi32, #tpu.memory_space<vmem>> -> memref<125xi32, #tpu.memory_space<vmem>>
            %dma_wait3A_188 = arith.constant 0 : i32
            %dma_wait3A_189 = arith.constant 0 : i32
            %dma_wait3A_190 = tpu.memref_slice %arg15[%dma_wait3A_188, %dma_wait3A_189] : memref<10000x64xf32, #tpu.memory_space<vmem_shared>> -> memref<10000x64xf32, #tpu.memory_space<vmem_shared>>
            tpu.wait_indirect_dma semaphore(%arg22 : memref<!tpu.dma_semaphore, #tpu.memory_space<semaphore_mem>>) src(%arg13 : memref<125x64xf32, #tpu.memory_space<vmem>>) dst(%dma_wait3A_190 : memref<10000x64xf32, #tpu.memory_space<vmem_shared>>)
          } else {
          }
          %add3A_176 = arith.constant 3 : i32
          %add3A_177 = arith.addi %add3A_152, %add3A_176 : i32
          %dma_start3A_178 = arith.constant 0 : i32
          %dma_start3A_179 = tpu.memref_slice %arg9[%add3A_177, %dma_start3A_178] : memref<160x125xi32, #tpu.memory_space<vmem>> -> memref<1x125xi32, #tpu.memory_space<vmem>>
          %dma_start3A_180 = tpu.memref_squeeze %dma_start3A_179 : memref<1x125xi32, #tpu.memory_space<vmem>> -> memref<125xi32, #tpu.memory_space<vmem>>
          %dma_start3A_181 = arith.constant 0 : i32
          %dma_start3A_182 = arith.constant 0 : i32
          %dma_start3A_183 = tpu.memref_slice %arg3[%dma_start3A_181, %dma_start3A_182] : memref<10000x64xf32, #tpu.memory_space<hbm>> -> memref<10000x64xf32, #tpu.memory_space<hbm>>
          tpu.enqueue_indirect_dma source(%dma_start3A_183 : memref<10000x64xf32, #tpu.memory_space<hbm>>) target(%arg13 : memref<125x64xf32, #tpu.memory_space<vmem>>) offsets(%dma_start3A_180 : memref<125xi32, #tpu.memory_space<vmem>>) semaphore(%arg18 : memref<!tpu.dma_semaphore, #tpu.memory_space<semaphore_mem>>)
        } else {
        }
      }
      %scan3A_51 = arith.constant 40 : i32
      %dma_wait3A = arith.constant 156 : i32
      %dma_wait3A_52 = arith.constant 0 : i32
      %dma_wait3A_53 = tpu.memref_slice %arg10[%dma_wait3A, %dma_wait3A_52] : memref<160x125xi32, #tpu.memory_space<vmem>> -> memref<1x125xi32, #tpu.memory_space<vmem>>
      %dma_wait3A_54 = tpu.memref_squeeze %dma_wait3A_53 : memref<1x125xi32, #tpu.memory_space<vmem>> -> memref<125xi32, #tpu.memory_space<vmem>>
      %dma_wait3A_55 = arith.constant 0 : i32
      %dma_wait3A_56 = arith.constant 0 : i32
      %dma_wait3A_57 = tpu.memref_slice %arg15[%dma_wait3A_55, %dma_wait3A_56] : memref<10000x64xf32, #tpu.memory_space<vmem_shared>> -> memref<10000x64xf32, #tpu.memory_space<vmem_shared>>
      tpu.wait_indirect_dma semaphore(%arg20 : memref<!tpu.dma_semaphore, #tpu.memory_space<semaphore_mem>>) src(%arg11 : memref<125x64xf32, #tpu.memory_space<vmem>>) dst(%dma_wait3A_57 : memref<10000x64xf32, #tpu.memory_space<vmem_shared>>)
      %dma_wait3A_58 = arith.constant 157 : i32
      %dma_wait3A_59 = arith.constant 0 : i32
      %dma_wait3A_60 = tpu.memref_slice %arg10[%dma_wait3A_58, %dma_wait3A_59] : memref<160x125xi32, #tpu.memory_space<vmem>> -> memref<1x125xi32, #tpu.memory_space<vmem>>
      %dma_wait3A_61 = tpu.memref_squeeze %dma_wait3A_60 : memref<1x125xi32, #tpu.memory_space<vmem>> -> memref<125xi32, #tpu.memory_space<vmem>>
      %dma_wait3A_62 = arith.constant 0 : i32
      %dma_wait3A_63 = arith.constant 0 : i32
      %dma_wait3A_64 = tpu.memref_slice %arg15[%dma_wait3A_62, %dma_wait3A_63] : memref<10000x64xf32, #tpu.memory_space<vmem_shared>> -> memref<10000x64xf32, #tpu.memory_space<vmem_shared>>
      tpu.wait_indirect_dma semaphore(%arg21 : memref<!tpu.dma_semaphore, #tpu.memory_space<semaphore_mem>>) src(%arg12 : memref<125x64xf32, #tpu.memory_space<vmem>>) dst(%dma_wait3A_64 : memref<10000x64xf32, #tpu.memory_space<vmem_shared>>)
      %dma_wait3A_65 = arith.constant 158 : i32
      %dma_wait3A_66 = arith.constant 0 : i32
      %dma_wait3A_67 = tpu.memref_slice %arg10[%dma_wait3A_65, %dma_wait3A_66] : memref<160x125xi32, #tpu.memory_space<vmem>> -> memref<1x125xi32, #tpu.memory_space<vmem>>
      %dma_wait3A_68 = tpu.memref_squeeze %dma_wait3A_67 : memref<1x125xi32, #tpu.memory_space<vmem>> -> memref<125xi32, #tpu.memory_space<vmem>>
      %dma_wait3A_69 = arith.constant 0 : i32
      %dma_wait3A_70 = arith.constant 0 : i32
      %dma_wait3A_71 = tpu.memref_slice %arg15[%dma_wait3A_69, %dma_wait3A_70] : memref<10000x64xf32, #tpu.memory_space<vmem_shared>> -> memref<10000x64xf32, #tpu.memory_space<vmem_shared>>
      tpu.wait_indirect_dma semaphore(%arg22 : memref<!tpu.dma_semaphore, #tpu.memory_space<semaphore_mem>>) src(%arg13 : memref<125x64xf32, #tpu.memory_space<vmem>>) dst(%dma_wait3A_71 : memref<10000x64xf32, #tpu.memory_space<vmem_shared>>)
      %dma_wait3A_72 = arith.constant 159 : i32
      %dma_wait3A_73 = arith.constant 0 : i32
      %dma_wait3A_74 = tpu.memref_slice %arg10[%dma_wait3A_72, %dma_wait3A_73] : memref<160x125xi32, #tpu.memory_space<vmem>> -> memref<1x125xi32, #tpu.memory_space<vmem>>
      %dma_wait3A_75 = tpu.memref_squeeze %dma_wait3A_74 : memref<1x125xi32, #tpu.memory_space<vmem>> -> memref<125xi32, #tpu.memory_space<vmem>>
      %dma_wait3A_76 = arith.constant 0 : i32
      %dma_wait3A_77 = arith.constant 0 : i32
      %dma_wait3A_78 = tpu.memref_slice %arg15[%dma_wait3A_76, %dma_wait3A_77] : memref<10000x64xf32, #tpu.memory_space<vmem_shared>> -> memref<10000x64xf32, #tpu.memory_space<vmem_shared>>
      tpu.wait_indirect_dma semaphore(%arg23 : memref<!tpu.dma_semaphore, #tpu.memory_space<semaphore_mem>>) src(%arg14 : memref<125x64xf32, #tpu.memory_space<vmem>>) dst(%dma_wait3A_78 : memref<10000x64xf32, #tpu.memory_space<vmem_shared>>)
    } else {
    }
    %barrier3A_17 = arith.constant 0 : index
    tpu.barrier barrier_id(%barrier3A_17)
    %eq3A_18 = arith.constant 0 : i32
    %eq3A_19 = arith.cmpi eq, %arg0, %eq3A_18 : i32
    %convert_element_type3A_20 = arith.extui %eq3A_19 : i1 to i32
    %cond3A_21 = arith.constant 0 : i32
    %cond3A_22 = arith.cmpi ne, %convert_element_type3A_20, %cond3A_21 : i32
    scf.if %cond3A_22 {
      %lt3A_28 = arith.constant 15 : i32
      %lt3A_29 = arith.cmpi slt, %arg1, %lt3A_28 : i32
      %convert_element_type3A_30 = arith.extui %lt3A_29 : i1 to i32
      %cond3A_31 = arith.constant 0 : i32
      %cond3A_32 = arith.cmpi ne, %convert_element_type3A_30, %cond3A_31 : i32
      scf.if %cond3A_32 {
        %mul3A_38 = arith.constant 624 : i32
        %mul3A_39 = arith.muli %arg1, %mul3A_38 : i32
        %multiple_of3A = tpu.assume_multiple %mul3A_39, 8 : i32
        "tpu.region"() ({
          %run_scoped3A = tpu.sem_alloc : memref<!tpu.dma_semaphore, #tpu.memory_space<semaphore_mem>>
          %dma_start3A = arith.constant 0 : i32
          %dma_start3A_40 = tpu.memref_slice %arg7[%multiple_of3A, %dma_start3A] : memref<10000x64xf32, #tpu.memory_space<hbm>> -> memref<624x64xf32, #tpu.memory_space<hbm>>
          %dma_start3A_41 = arith.constant 0 : i32
          %dma_start3A_42 = tpu.memref_slice %arg15[%multiple_of3A, %dma_start3A_41] : memref<10000x64xf32, #tpu.memory_space<vmem_shared>> -> memref<624x64xf32, #tpu.memory_space<vmem_shared>>
          tpu.enqueue_dma source(%dma_start3A_42 : memref<624x64xf32, #tpu.memory_space<vmem_shared>>) target(%dma_start3A_40 : memref<624x64xf32, #tpu.memory_space<hbm>>) target_semaphore(%run_scoped3A : memref<!tpu.dma_semaphore, #tpu.memory_space<semaphore_mem>>)
          %dma_wait3A = arith.constant 0 : i32
          %dma_wait3A_43 = tpu.memref_slice %arg7[%multiple_of3A, %dma_wait3A] : memref<10000x64xf32, #tpu.memory_space<hbm>> -> memref<624x64xf32, #tpu.memory_space<hbm>>
          %dma_wait3A_44 = arith.constant 0 : i32
          %dma_wait3A_45 = tpu.memref_slice %arg15[%multiple_of3A, %dma_wait3A_44] : memref<10000x64xf32, #tpu.memory_space<vmem_shared>> -> memref<624x64xf32, #tpu.memory_space<vmem_shared>>
          tpu.wait_dma2 semaphore(%run_scoped3A : memref<!tpu.dma_semaphore, #tpu.memory_space<semaphore_mem>>) src(%dma_wait3A_45 : memref<624x64xf32, #tpu.memory_space<vmem_shared>>) dst(%dma_wait3A_43 : memref<624x64xf32, #tpu.memory_space<hbm>>)
          tpu.yield
        }) : () -> ()
      } else {
      }
      %eq3A_33 = arith.constant 15 : i32
      %eq3A_34 = arith.cmpi eq, %arg1, %eq3A_33 : i32
      %convert_element_type3A_35 = arith.extui %eq3A_34 : i1 to i32
      %cond3A_36 = arith.constant 0 : i32
      %cond3A_37 = arith.cmpi ne, %convert_element_type3A_35, %cond3A_36 : i32
      scf.if %cond3A_37 {
        "tpu.region"() ({
          %run_scoped3A = tpu.sem_alloc : memref<!tpu.dma_semaphore, #tpu.memory_space<semaphore_mem>>
          %dma_start3A = arith.constant 9360 : i32
          %dma_start3A_38 = arith.constant 0 : i32
          %dma_start3A_39 = tpu.memref_slice %arg7[%dma_start3A, %dma_start3A_38] : memref<10000x64xf32, #tpu.memory_space<hbm>> -> memref<640x64xf32, #tpu.memory_space<hbm>>
          %dma_start3A_40 = arith.constant 9360 : i32
          %dma_start3A_41 = arith.constant 0 : i32
          %dma_start3A_42 = tpu.memref_slice %arg15[%dma_start3A_40, %dma_start3A_41] : memref<10000x64xf32, #tpu.memory_space<vmem_shared>> -> memref<640x64xf32, #tpu.memory_space<vmem_shared>>
          tpu.enqueue_dma source(%dma_start3A_42 : memref<640x64xf32, #tpu.memory_space<vmem_shared>>) target(%dma_start3A_39 : memref<640x64xf32, #tpu.memory_space<hbm>>) target_semaphore(%run_scoped3A : memref<!tpu.dma_semaphore, #tpu.memory_space<semaphore_mem>>)
          %dma_wait3A = arith.constant 9360 : i32
          %dma_wait3A_43 = arith.constant 0 : i32
          %dma_wait3A_44 = tpu.memref_slice %arg7[%dma_wait3A, %dma_wait3A_43] : memref<10000x64xf32, #tpu.memory_space<hbm>> -> memref<640x64xf32, #tpu.memory_space<hbm>>
          %dma_wait3A_45 = arith.constant 9360 : i32
          %dma_wait3A_46 = arith.constant 0 : i32
          %dma_wait3A_47 = tpu.memref_slice %arg15[%dma_wait3A_45, %dma_wait3A_46] : memref<10000x64xf32, #tpu.memory_space<vmem_shared>> -> memref<640x64xf32, #tpu.memory_space<vmem_shared>>
          tpu.wait_dma2 semaphore(%run_scoped3A : memref<!tpu.dma_semaphore, #tpu.memory_space<semaphore_mem>>) src(%dma_wait3A_47 : memref<640x64xf32, #tpu.memory_space<vmem_shared>>) dst(%dma_wait3A_44 : memref<640x64xf32, #tpu.memory_space<hbm>>)
          tpu.yield
        }) : () -> ()
      } else {
      }
    } else {
    }
    %eq3A_23 = arith.constant 1 : i32
    %eq3A_24 = arith.cmpi eq, %arg0, %eq3A_23 : i32
    %convert_element_type3A_25 = arith.extui %eq3A_24 : i1 to i32
    %cond3A_26 = arith.constant 0 : i32
    %cond3A_27 = arith.cmpi ne, %convert_element_type3A_25, %cond3A_26 : i32
    scf.if %cond3A_27 {
      %lt3A_28 = arith.constant 15 : i32
      %lt3A_29 = arith.cmpi slt, %arg1, %lt3A_28 : i32
      %convert_element_type3A_30 = arith.extui %lt3A_29 : i1 to i32
      %cond3A_31 = arith.constant 0 : i32
      %cond3A_32 = arith.cmpi ne, %convert_element_type3A_30, %cond3A_31 : i32
      scf.if %cond3A_32 {
        %mul3A_38 = arith.constant 624 : i32
        %mul3A_39 = arith.muli %arg1, %mul3A_38 : i32
        %multiple_of3A = tpu.assume_multiple %mul3A_39, 8 : i32
        "tpu.region"() ({
          %run_scoped3A = tpu.sem_alloc : memref<!tpu.dma_semaphore, #tpu.memory_space<semaphore_mem>>
          %dma_start3A = arith.constant 0 : i32
          %dma_start3A_40 = tpu.memref_slice %arg8[%multiple_of3A, %dma_start3A] : memref<10000x64xf32, #tpu.memory_space<hbm>> -> memref<624x64xf32, #tpu.memory_space<hbm>>
          %dma_start3A_41 = arith.constant 0 : i32
          %dma_start3A_42 = tpu.memref_slice %arg15[%multiple_of3A, %dma_start3A_41] : memref<10000x64xf32, #tpu.memory_space<vmem_shared>> -> memref<624x64xf32, #tpu.memory_space<vmem_shared>>
          tpu.enqueue_dma source(%dma_start3A_42 : memref<624x64xf32, #tpu.memory_space<vmem_shared>>) target(%dma_start3A_40 : memref<624x64xf32, #tpu.memory_space<hbm>>) target_semaphore(%run_scoped3A : memref<!tpu.dma_semaphore, #tpu.memory_space<semaphore_mem>>)
          %dma_wait3A = arith.constant 0 : i32
          %dma_wait3A_43 = tpu.memref_slice %arg8[%multiple_of3A, %dma_wait3A] : memref<10000x64xf32, #tpu.memory_space<hbm>> -> memref<624x64xf32, #tpu.memory_space<hbm>>
          %dma_wait3A_44 = arith.constant 0 : i32
          %dma_wait3A_45 = tpu.memref_slice %arg15[%multiple_of3A, %dma_wait3A_44] : memref<10000x64xf32, #tpu.memory_space<vmem_shared>> -> memref<624x64xf32, #tpu.memory_space<vmem_shared>>
          tpu.wait_dma2 semaphore(%run_scoped3A : memref<!tpu.dma_semaphore, #tpu.memory_space<semaphore_mem>>) src(%dma_wait3A_45 : memref<624x64xf32, #tpu.memory_space<vmem_shared>>) dst(%dma_wait3A_43 : memref<624x64xf32, #tpu.memory_space<hbm>>)
          tpu.yield
        }) : () -> ()
      } else {
      }
      %eq3A_33 = arith.constant 15 : i32
      %eq3A_34 = arith.cmpi eq, %arg1, %eq3A_33 : i32
      %convert_element_type3A_35 = arith.extui %eq3A_34 : i1 to i32
      %cond3A_36 = arith.constant 0 : i32
      %cond3A_37 = arith.cmpi ne, %convert_element_type3A_35, %cond3A_36 : i32
      scf.if %cond3A_37 {
        "tpu.region"() ({
          %run_scoped3A = tpu.sem_alloc : memref<!tpu.dma_semaphore, #tpu.memory_space<semaphore_mem>>
          %dma_start3A = arith.constant 9360 : i32
          %dma_start3A_38 = arith.constant 0 : i32
          %dma_start3A_39 = tpu.memref_slice %arg8[%dma_start3A, %dma_start3A_38] : memref<10000x64xf32, #tpu.memory_space<hbm>> -> memref<640x64xf32, #tpu.memory_space<hbm>>
          %dma_start3A_40 = arith.constant 9360 : i32
          %dma_start3A_41 = arith.constant 0 : i32
          %dma_start3A_42 = tpu.memref_slice %arg15[%dma_start3A_40, %dma_start3A_41] : memref<10000x64xf32, #tpu.memory_space<vmem_shared>> -> memref<640x64xf32, #tpu.memory_space<vmem_shared>>
          tpu.enqueue_dma source(%dma_start3A_42 : memref<640x64xf32, #tpu.memory_space<vmem_shared>>) target(%dma_start3A_39 : memref<640x64xf32, #tpu.memory_space<hbm>>) target_semaphore(%run_scoped3A : memref<!tpu.dma_semaphore, #tpu.memory_space<semaphore_mem>>)
          %dma_wait3A = arith.constant 9360 : i32
          %dma_wait3A_43 = arith.constant 0 : i32
          %dma_wait3A_44 = tpu.memref_slice %arg8[%dma_wait3A, %dma_wait3A_43] : memref<10000x64xf32, #tpu.memory_space<hbm>> -> memref<640x64xf32, #tpu.memory_space<hbm>>
          %dma_wait3A_45 = arith.constant 9360 : i32
          %dma_wait3A_46 = arith.constant 0 : i32
          %dma_wait3A_47 = tpu.memref_slice %arg15[%dma_wait3A_45, %dma_wait3A_46] : memref<10000x64xf32, #tpu.memory_space<vmem_shared>> -> memref<640x64xf32, #tpu.memory_space<vmem_shared>>
          tpu.wait_dma2 semaphore(%run_scoped3A : memref<!tpu.dma_semaphore, #tpu.memory_space<semaphore_mem>>) src(%dma_wait3A_47 : memref<640x64xf32, #tpu.memory_space<vmem_shared>>) dst(%dma_wait3A_44 : memref<640x64xf32, #tpu.memory_space<hbm>>)
          tpu.yield
        }) : () -> ()
      } else {
      }
    } else {
    }
    return
  }
}

module attributes {stable_mosaic.version = 14 : i64} {
  func.func @_tc1_body(%arg0: i32, %arg1: memref<1000x128xf32, #tpu.memory_space<vmem>>, %arg2: memref<128x128xf32, #tpu.memory_space<vmem>>, %arg3: memref<1000x16xf32, #tpu.memory_space<vmem>>, %arg4: memref<1000x16xf32, #tpu.memory_space<vmem>>, %arg5: memref<1000x64xf32, #tpu.memory_space<vmem>>, %arg6: memref<1000x64xf32, #tpu.memory_space<vmem>>, %arg7: memref<1000x128xf32, #tpu.memory_space<vmem>>) attributes {dimension_semantics = [#tpu.dimension_semantics<arbitrary>], iteration_bounds = array<i64: 10>, scalar_prefetch = 0 : i64, scratch_operands = 0 : i64, tpu.core_type = #tpu.core_type<tc>, window_params = [{transform_indices = @transform_0, window_bounds = array<i64: 1000, 128>}, {pipeline_mode = #tpu.pipeline_mode<synchronous>, transform_indices = @transform_1, window_bounds = array<i64: 128, 128>}, {transform_indices = @transform_2, window_bounds = array<i64: 1000, 16>}, {transform_indices = @transform_3, window_bounds = array<i64: 1000, 16>}, {transform_indices = @transform_4, window_bounds = array<i64: 1000, 64>}, {transform_indices = @transform_5, window_bounds = array<i64: 1000, 64>}, {transform_indices = @transform_6, window_bounds = array<i64: 1000, 128>}]} {
    %get3A = arith.constant 0 : index
    %get3A_0 = arith.constant 0 : index
    %get3A_1 = vector.load %arg3[%get3A, %get3A_0] : memref<1000x16xf32, #tpu.memory_space<vmem>>, vector<1000x1xf32>
    %add3A = arith.constant 1.000000e+00 : f32
    %add3A_2 = vector.broadcast %add3A : f32 to vector<1000x1xf32>
    %add3A_3 = arith.addf %add3A_2, %get3A_1 : vector<1000x1xf32>
    %get3A_4 = arith.constant 0 : index
    %get3A_5 = arith.constant 0 : index
    %get3A_6 = vector.load %arg4[%get3A_4, %get3A_5] : memref<1000x16xf32, #tpu.memory_space<vmem>>, vector<1000x1xf32>
    %add3A_7 = arith.addf %add3A_3, %get3A_6 : vector<1000x1xf32>
    %rsqrt3A = math.rsqrt %add3A_7 : vector<1000x1xf32>
    %get3A_8 = arith.constant 0 : index
    %get3A_9 = arith.constant 0 : index
    %get3A_10 = vector.load %arg1[%get3A_8, %get3A_9] : memref<1000x128xf32, #tpu.memory_space<vmem>>, vector<1000x128xf32>
    %get3A_11 = arith.constant 0 : index
    %get3A_12 = arith.constant 0 : index
    %get3A_13 = vector.load %arg2[%get3A_11, %get3A_12] : memref<128x128xf32, #tpu.memory_space<vmem>>, vector<128x128xf32>
    %dot_general3A = arith.constant dense<0.000000e+00> : vector<1000x128xf32>
    %dot_general3A_14 = tpu.matmul %get3A_10, %get3A_13, %dot_general3A {dimension_numbers = #tpu.dot_dimension_numbers<[1], [0], [0], [1], [0, 0, 1, 1], [], []>, transpose_lhs_hint = false} : vector<1000x128xf32>, vector<128x128xf32>, vector<1000x128xf32> -> vector<1000x128xf32>
    %mul3A = vector.broadcast %rsqrt3A : vector<1000x1xf32> to vector<1000x128xf32>
    %mul3A_15 = arith.mulf %dot_general3A_14, %mul3A : vector<1000x128xf32>
    %slice3A = vector.extract_strided_slice %mul3A_15 {offsets = [0, 0], sizes = [1000, 64], strides = [1, 1]} : vector<1000x128xf32> to vector<1000x64xf32>
    %swap3A = arith.constant 0 : index
    %swap3A_16 = arith.constant 0 : index
    %swap3A_17 = vector.load %arg5[%swap3A, %swap3A_16] : memref<1000x64xf32, #tpu.memory_space<vmem>>, vector<1000x64xf32>
    tpu.vector_store %arg5[%swap3A, %swap3A_16], %slice3A {strides = array<i32>} : memref<1000x64xf32, #tpu.memory_space<vmem>>, vector<1000x64xf32>,
    %slice3A_18 = vector.extract_strided_slice %mul3A_15 {offsets = [0, 64], sizes = [1000, 64], strides = [1, 1]} : vector<1000x128xf32> to vector<1000x64xf32>
    %swap3A_19 = arith.constant 0 : index
    %swap3A_20 = arith.constant 0 : index
    %swap3A_21 = vector.load %arg6[%swap3A_19, %swap3A_20] : memref<1000x64xf32, #tpu.memory_space<vmem>>, vector<1000x64xf32>
    tpu.vector_store %arg6[%swap3A_19, %swap3A_20], %slice3A_18 {strides = array<i32>} : memref<1000x64xf32, #tpu.memory_space<vmem>>, vector<1000x64xf32>,
    %broadcast_in_dim3A = vector.shape_cast %rsqrt3A : vector<1000x1xf32> to vector<1000x1xf32>
    %broadcast_in_dim3A_22 = vector.broadcast %broadcast_in_dim3A : vector<1000x1xf32> to vector<1000x128xf32>
    %swap3A_23 = arith.constant 0 : index
    %swap3A_24 = arith.constant 0 : index
    %swap3A_25 = vector.load %arg7[%swap3A_23, %swap3A_24] : memref<1000x128xf32, #tpu.memory_space<vmem>>, vector<1000x128xf32>
    tpu.vector_store %arg7[%swap3A_23, %swap3A_24], %broadcast_in_dim3A_22 {strides = array<i32>} : memref<1000x128xf32, #tpu.memory_space<vmem>>, vector<1000x128xf32>,
    return
  }
  func.func @transform_0(%arg0: i32) -> (i32, i32) {
    %c0_i32 = arith.constant 0 : i32
    %c0_i32_0 = arith.constant 0 : i32
    return %arg0, %c0_i32 : i32, i32
  }
  func.func @transform_1(%arg0: i32) -> (i32, i32) {
    %c0_i32 = arith.constant 0 : i32
    %c0_i32_0 = arith.constant 0 : i32
    %c0_i32_1 = arith.constant 0 : i32
    return %c0_i32, %c0_i32_0 : i32, i32
  }
  func.func @transform_2(%arg0: i32) -> (i32, i32) {
    %c0_i32 = arith.constant 0 : i32
    %c0_i32_0 = arith.constant 0 : i32
    return %arg0, %c0_i32 : i32, i32
  }
  func.func @transform_3(%arg0: i32) -> (i32, i32) {
    %c0_i32 = arith.constant 0 : i32
    %c0_i32_0 = arith.constant 0 : i32
    return %arg0, %c0_i32 : i32, i32
  }
  func.func @transform_4(%arg0: i32) -> (i32, i32) {
    %c0_i32 = arith.constant 0 : i32
    %c0_i32_0 = arith.constant 0 : i32
    return %arg0, %c0_i32 : i32, i32
  }
  func.func @transform_5(%arg0: i32) -> (i32, i32) {
    %c0_i32 = arith.constant 0 : i32
    %c0_i32_0 = arith.constant 0 : i32
    return %arg0, %c0_i32 : i32, i32
  }
  func.func @transform_6(%arg0: i32) -> (i32, i32) {
    %c0_i32 = arith.constant 0 : i32
    %c0_i32_0 = arith.constant 0 : i32
    return %arg0, %c0_i32 : i32, i32
  }
}

module attributes {stable_mosaic.version = 14 : i64} {
  func.func @_tc2_body(%arg0: i32, %arg1: memref<1000x64xf32, #tpu.memory_space<vmem>>, %arg2: memref<1000x64xf32, #tpu.memory_space<vmem>>, %arg3: memref<1000x64xf32, #tpu.memory_space<vmem>>, %arg4: memref<1000x64xf32, #tpu.memory_space<vmem>>, %arg5: memref<1000x128xf32, #tpu.memory_space<vmem>>, %arg6: memref<1x128xf32, #tpu.memory_space<vmem>>, %arg7: memref<128x64xf32, #tpu.memory_space<vmem>>, %arg8: memref<1000x32xf32, #tpu.memory_space<vmem>>, %arg9: memref<1000x32xf32, #tpu.memory_space<vmem>>) attributes {dimension_semantics = [#tpu.dimension_semantics<arbitrary>], iteration_bounds = array<i64: 10>, scalar_prefetch = 0 : i64, scratch_operands = 0 : i64, tpu.core_type = #tpu.core_type<tc>, window_params = [{transform_indices = @transform_0, window_bounds = array<i64: 1000, 64>}, {transform_indices = @transform_1, window_bounds = array<i64: 1000, 64>}, {transform_indices = @transform_2, window_bounds = array<i64: 1000, 64>}, {transform_indices = @transform_3, window_bounds = array<i64: 1000, 64>}, {transform_indices = @transform_4, window_bounds = array<i64: 1000, 128>}, {pipeline_mode = #tpu.pipeline_mode<synchronous>, transform_indices = @transform_5, window_bounds = array<i64: 1, 128>}, {pipeline_mode = #tpu.pipeline_mode<synchronous>, transform_indices = @transform_6, window_bounds = array<i64: 128, 64>}, {transform_indices = @transform_7, window_bounds = array<i64: 1000, 32>}, {transform_indices = @transform_8, window_bounds = array<i64: 1000, 32>}]} {
    %get3A = arith.constant 0 : index
    %get3A_0 = arith.constant 0 : index
    %get3A_1 = vector.load %arg1[%get3A, %get3A_0] : memref<1000x64xf32, #tpu.memory_space<vmem>>, vector<1000x64xf32>
    %get3A_2 = arith.constant 0 : index
    %get3A_3 = arith.constant 0 : index
    %get3A_4 = vector.load %arg2[%get3A_2, %get3A_3] : memref<1000x64xf32, #tpu.memory_space<vmem>>, vector<1000x64xf32>
    %concatenate3A = tpu.concatenate %get3A_1, %get3A_4 in 1 : vector<1000x64xf32>, vector<1000x64xf32> -> vector<1000x128xf32>
    %get3A_5 = arith.constant 0 : index
    %get3A_6 = arith.constant 0 : index
    %get3A_7 = vector.load %arg3[%get3A_5, %get3A_6] : memref<1000x64xf32, #tpu.memory_space<vmem>>, vector<1000x64xf32>
    %get3A_8 = arith.constant 0 : index
    %get3A_9 = arith.constant 0 : index
    %get3A_10 = vector.load %arg4[%get3A_8, %get3A_9] : memref<1000x64xf32, #tpu.memory_space<vmem>>, vector<1000x64xf32>
    %concatenate3A_11 = tpu.concatenate %get3A_7, %get3A_10 in 1 : vector<1000x64xf32>, vector<1000x64xf32> -> vector<1000x128xf32>
    %get3A_12 = arith.constant 0 : index
    %get3A_13 = arith.constant 0 : index
    %get3A_14 = vector.load %arg5[%get3A_12, %get3A_13] : memref<1000x128xf32, #tpu.memory_space<vmem>>, vector<1000x128xf32>
    %add3A = arith.addf %concatenate3A, %concatenate3A_11 : vector<1000x128xf32>
    %mul3A = arith.mulf %get3A_14, %add3A : vector<1000x128xf32>
    %get3A_15 = arith.constant 0 : index
    %get3A_16 = arith.constant 0 : index
    %get3A_17 = vector.load %arg6[%get3A_15, %get3A_16] : memref<1x128xf32, #tpu.memory_space<vmem>>, vector<1x128xf32>
    %add3A_18 = vector.broadcast %get3A_17 : vector<1x128xf32> to vector<1000x128xf32>
    %add3A_19 = arith.addf %mul3A, %add3A_18 : vector<1000x128xf32>
    %max3A = arith.constant 0.000000e+00 : f32
    %max3A_20 = vector.broadcast %max3A : f32 to vector<1000x128xf32>
    %max3A_21 = arith.maximumf %add3A_19, %max3A_20 : vector<1000x128xf32>
    %get3A_22 = arith.constant 0 : index
    %get3A_23 = arith.constant 0 : index
    %get3A_24 = vector.load %arg7[%get3A_22, %get3A_23] : memref<128x64xf32, #tpu.memory_space<vmem>>, vector<128x64xf32>
    %dot_general3A = arith.constant dense<0.000000e+00> : vector<1000x64xf32>
    %dot_general3A_25 = tpu.matmul %max3A_21, %get3A_24, %dot_general3A {dimension_numbers = #tpu.dot_dimension_numbers<[1], [0], [0], [1], [0, 0, 1, 1], [], []>, transpose_lhs_hint = false} : vector<1000x128xf32>, vector<128x64xf32>, vector<1000x64xf32> -> vector<1000x64xf32>
    %get3A_26 = arith.constant 0 : index
    %get3A_27 = arith.constant 0 : index
    %get3A_28 = vector.load %arg5[%get3A_26, %get3A_27] : memref<1000x128xf32, #tpu.memory_space<vmem>>, vector<1000x64xf32>
    %mul3A_29 = arith.mulf %dot_general3A_25, %get3A_28 : vector<1000x64xf32>
    %slice3A = vector.extract_strided_slice %mul3A_29 {offsets = [0, 0], sizes = [1000, 32], strides = [1, 1]} : vector<1000x64xf32> to vector<1000x32xf32>
    %swap3A = arith.constant 0 : index
    %swap3A_30 = arith.constant 0 : index
    %swap3A_31 = vector.load %arg8[%swap3A, %swap3A_30] : memref<1000x32xf32, #tpu.memory_space<vmem>>, vector<1000x32xf32>
    tpu.vector_store %arg8[%swap3A, %swap3A_30], %slice3A {strides = array<i32>} : memref<1000x32xf32, #tpu.memory_space<vmem>>, vector<1000x32xf32>,
    %slice3A_32 = vector.extract_strided_slice %mul3A_29 {offsets = [0, 32], sizes = [1000, 32], strides = [1, 1]} : vector<1000x64xf32> to vector<1000x32xf32>
    %swap3A_33 = arith.constant 0 : index
    %swap3A_34 = arith.constant 0 : index
    %swap3A_35 = vector.load %arg9[%swap3A_33, %swap3A_34] : memref<1000x32xf32, #tpu.memory_space<vmem>>, vector<1000x32xf32>
    tpu.vector_store %arg9[%swap3A_33, %swap3A_34], %slice3A_32 {strides = array<i32>} : memref<1000x32xf32, #tpu.memory_space<vmem>>, vector<1000x32xf32>,
    return
  }
  func.func @transform_0(%arg0: i32) -> (i32, i32) {
    %c0_i32 = arith.constant 0 : i32
    %c0_i32_0 = arith.constant 0 : i32
    return %arg0, %c0_i32 : i32, i32
  }
  func.func @transform_1(%arg0: i32) -> (i32, i32) {
    %c0_i32 = arith.constant 0 : i32
    %c0_i32_0 = arith.constant 0 : i32
    return %arg0, %c0_i32 : i32, i32
  }
  func.func @transform_2(%arg0: i32) -> (i32, i32) {
    %c0_i32 = arith.constant 0 : i32
    %c0_i32_0 = arith.constant 0 : i32
    return %arg0, %c0_i32 : i32, i32
  }
  func.func @transform_3(%arg0: i32) -> (i32, i32) {
    %c0_i32 = arith.constant 0 : i32
    %c0_i32_0 = arith.constant 0 : i32
    return %arg0, %c0_i32 : i32, i32
  }
  func.func @transform_4(%arg0: i32) -> (i32, i32) {
    %c0_i32 = arith.constant 0 : i32
    %c0_i32_0 = arith.constant 0 : i32
    return %arg0, %c0_i32 : i32, i32
  }
  func.func @transform_5(%arg0: i32) -> (i32, i32) {
    %c0_i32 = arith.constant 0 : i32
    %c0_i32_0 = arith.constant 0 : i32
    %c0_i32_1 = arith.constant 0 : i32
    return %c0_i32, %c0_i32_0 : i32, i32
  }
  func.func @transform_6(%arg0: i32) -> (i32, i32) {
    %c0_i32 = arith.constant 0 : i32
    %c0_i32_0 = arith.constant 0 : i32
    %c0_i32_1 = arith.constant 0 : i32
    return %c0_i32, %c0_i32_0 : i32, i32
  }
  func.func @transform_7(%arg0: i32) -> (i32, i32) {
    %c0_i32 = arith.constant 0 : i32
    %c0_i32_0 = arith.constant 0 : i32
    return %arg0, %c0_i32 : i32, i32
  }
  func.func @transform_8(%arg0: i32) -> (i32, i32) {
    %c0_i32 = arith.constant 0 : i32
    %c0_i32_0 = arith.constant 0 : i32
    return %arg0, %c0_i32 : i32, i32
  }
}

module attributes {stable_mosaic.version = 14 : i64} {
  func.func @_tc3_body(%arg0: i32, %arg1: memref<1000x32xf32, #tpu.memory_space<vmem>>, %arg2: memref<1000x32xf32, #tpu.memory_space<vmem>>, %arg3: memref<1000x32xf32, #tpu.memory_space<vmem>>, %arg4: memref<1000x32xf32, #tpu.memory_space<vmem>>, %arg5: memref<1000x128xf32, #tpu.memory_space<vmem>>, %arg6: memref<1x64xf32, #tpu.memory_space<vmem>>, %arg7: memref<64x128xf32, #tpu.memory_space<vmem>>, %arg8: memref<64x128xf32, #tpu.memory_space<vmem>>, %arg9: memref<1x128xf32, #tpu.memory_space<vmem>>, %arg10: memref<1000x128xf32, #tpu.memory_space<vmem>>, %arg11: memref<1000x128xf32, #tpu.memory_space<vmem>>) attributes {dimension_semantics = [#tpu.dimension_semantics<arbitrary>], iteration_bounds = array<i64: 10>, scalar_prefetch = 0 : i64, scratch_operands = 0 : i64, tpu.core_type = #tpu.core_type<tc>, window_params = [{transform_indices = @transform_0, window_bounds = array<i64: 1000, 32>}, {transform_indices = @transform_1, window_bounds = array<i64: 1000, 32>}, {transform_indices = @transform_2, window_bounds = array<i64: 1000, 32>}, {transform_indices = @transform_3, window_bounds = array<i64: 1000, 32>}, {transform_indices = @transform_4, window_bounds = array<i64: 1000, 128>}, {pipeline_mode = #tpu.pipeline_mode<synchronous>, transform_indices = @transform_5, window_bounds = array<i64: 1, 64>}, {pipeline_mode = #tpu.pipeline_mode<synchronous>, transform_indices = @transform_6, window_bounds = array<i64: 64, 128>}, {pipeline_mode = #tpu.pipeline_mode<synchronous>, transform_indices = @transform_7, window_bounds = array<i64: 64, 128>}, {pipeline_mode = #tpu.pipeline_mode<synchronous>, transform_indices = @transform_8, window_bounds = array<i64: 1, 128>}, {transform_indices = @transform_9, window_bounds = array<i64: 1000, 128>}, {transform_indices = @transform_10, window_bounds = array<i64: 1000, 128>}]} {
    %get3A = arith.constant 0 : index
    %get3A_0 = arith.constant 0 : index
    %get3A_1 = vector.load %arg1[%get3A, %get3A_0] : memref<1000x32xf32, #tpu.memory_space<vmem>>, vector<1000x32xf32>
    %get3A_2 = arith.constant 0 : index
    %get3A_3 = arith.constant 0 : index
    %get3A_4 = vector.load %arg2[%get3A_2, %get3A_3] : memref<1000x32xf32, #tpu.memory_space<vmem>>, vector<1000x32xf32>
    %concatenate3A = tpu.concatenate %get3A_1, %get3A_4 in 1 : vector<1000x32xf32>, vector<1000x32xf32> -> vector<1000x64xf32>
    %get3A_5 = arith.constant 0 : index
    %get3A_6 = arith.constant 0 : index
    %get3A_7 = vector.load %arg3[%get3A_5, %get3A_6] : memref<1000x32xf32, #tpu.memory_space<vmem>>, vector<1000x32xf32>
    %get3A_8 = arith.constant 0 : index
    %get3A_9 = arith.constant 0 : index
    %get3A_10 = vector.load %arg4[%get3A_8, %get3A_9] : memref<1000x32xf32, #tpu.memory_space<vmem>>, vector<1000x32xf32>
    %concatenate3A_11 = tpu.concatenate %get3A_7, %get3A_10 in 1 : vector<1000x32xf32>, vector<1000x32xf32> -> vector<1000x64xf32>
    %get3A_12 = arith.constant 0 : index
    %get3A_13 = arith.constant 0 : index
    %get3A_14 = vector.load %arg5[%get3A_12, %get3A_13] : memref<1000x128xf32, #tpu.memory_space<vmem>>, vector<1000x64xf32>
    %add3A = arith.addf %concatenate3A, %concatenate3A_11 : vector<1000x64xf32>
    %mul3A = arith.mulf %get3A_14, %add3A : vector<1000x64xf32>
    %get3A_15 = arith.constant 0 : index
    %get3A_16 = arith.constant 0 : index
    %get3A_17 = vector.load %arg6[%get3A_15, %get3A_16] : memref<1x64xf32, #tpu.memory_space<vmem>>, vector<1x64xf32>
    %add3A_18 = vector.broadcast %get3A_17 : vector<1x64xf32> to vector<1000x64xf32>
    %add3A_19 = arith.addf %mul3A, %add3A_18 : vector<1000x64xf32>
    %max3A = arith.constant 0.000000e+00 : f32
    %max3A_20 = vector.broadcast %max3A : f32 to vector<1000x64xf32>
    %max3A_21 = arith.maximumf %add3A_19, %max3A_20 : vector<1000x64xf32>
    %get3A_22 = arith.constant 0 : index
    %get3A_23 = arith.constant 0 : index
    %get3A_24 = vector.load %arg7[%get3A_22, %get3A_23] : memref<64x128xf32, #tpu.memory_space<vmem>>, vector<64x128xf32>
    %dot_general3A = arith.constant dense<0.000000e+00> : vector<1000x128xf32>
    %dot_general3A_25 = tpu.matmul %max3A_21, %get3A_24, %dot_general3A {dimension_numbers = #tpu.dot_dimension_numbers<[1], [0], [0], [1], [0, 0, 1, 1], [], []>, transpose_lhs_hint = false} : vector<1000x64xf32>, vector<64x128xf32>, vector<1000x128xf32> -> vector<1000x128xf32>
    %get3A_26 = arith.constant 0 : index
    %get3A_27 = arith.constant 0 : index
    %get3A_28 = vector.load %arg9[%get3A_26, %get3A_27] : memref<1x128xf32, #tpu.memory_space<vmem>>, vector<1x128xf32>
    %add3A_29 = vector.broadcast %get3A_28 : vector<1x128xf32> to vector<1000x128xf32>
    %add3A_30 = arith.addf %dot_general3A_25, %add3A_29 : vector<1000x128xf32>
    %swap3A = arith.constant 0 : index
    %swap3A_31 = arith.constant 0 : index
    %swap3A_32 = vector.load %arg10[%swap3A, %swap3A_31] : memref<1000x128xf32, #tpu.memory_space<vmem>>, vector<1000x128xf32>
    tpu.vector_store %arg10[%swap3A, %swap3A_31], %add3A_30 {strides = array<i32>} : memref<1000x128xf32, #tpu.memory_space<vmem>>, vector<1000x128xf32>,
    %get3A_33 = arith.constant 0 : index
    %get3A_34 = arith.constant 0 : index
    %get3A_35 = vector.load %arg8[%get3A_33, %get3A_34] : memref<64x128xf32, #tpu.memory_space<vmem>>, vector<64x128xf32>
    %dot_general3A_36 = arith.constant dense<0.000000e+00> : vector<1000x128xf32>
    %dot_general3A_37 = tpu.matmul %max3A_21, %get3A_35, %dot_general3A_36 {dimension_numbers = #tpu.dot_dimension_numbers<[1], [0], [0], [1], [0, 0, 1, 1], [], []>, transpose_lhs_hint = false} : vector<1000x64xf32>, vector<64x128xf32>, vector<1000x128xf32> -> vector<1000x128xf32>
    %swap3A_38 = arith.constant 0 : index
    %swap3A_39 = arith.constant 0 : index
    %swap3A_40 = vector.load %arg11[%swap3A_38, %swap3A_39] : memref<1000x128xf32, #tpu.memory_space<vmem>>, vector<1000x128xf32>
    tpu.vector_store %arg11[%swap3A_38, %swap3A_39], %dot_general3A_37 {strides = array<i32>} : memref<1000x128xf32, #tpu.memory_space<vmem>>, vector<1000x128xf32>,
    return
  }
  func.func @transform_0(%arg0: i32) -> (i32, i32) {
    %c0_i32 = arith.constant 0 : i32
    %c0_i32_0 = arith.constant 0 : i32
    return %arg0, %c0_i32 : i32, i32
  }
  func.func @transform_1(%arg0: i32) -> (i32, i32) {
    %c0_i32 = arith.constant 0 : i32
    %c0_i32_0 = arith.constant 0 : i32
    return %arg0, %c0_i32 : i32, i32
  }
  func.func @transform_2(%arg0: i32) -> (i32, i32) {
    %c0_i32 = arith.constant 0 : i32
    %c0_i32_0 = arith.constant 0 : i32
    return %arg0, %c0_i32 : i32, i32
  }
  func.func @transform_3(%arg0: i32) -> (i32, i32) {
    %c0_i32 = arith.constant 0 : i32
    %c0_i32_0 = arith.constant 0 : i32
    return %arg0, %c0_i32 : i32, i32
  }
  func.func @transform_4(%arg0: i32) -> (i32, i32) {
    %c0_i32 = arith.constant 0 : i32
    %c0_i32_0 = arith.constant 0 : i32
    return %arg0, %c0_i32 : i32, i32
  }
  func.func @transform_5(%arg0: i32) -> (i32, i32) {
    %c0_i32 = arith.constant 0 : i32
    %c0_i32_0 = arith.constant 0 : i32
    %c0_i32_1 = arith.constant 0 : i32
    return %c0_i32, %c0_i32_0 : i32, i32
  }
  func.func @transform_6(%arg0: i32) -> (i32, i32) {
    %c0_i32 = arith.constant 0 : i32
    %c0_i32_0 = arith.constant 0 : i32
    %c0_i32_1 = arith.constant 0 : i32
    return %c0_i32, %c0_i32_0 : i32, i32
  }
  func.func @transform_7(%arg0: i32) -> (i32, i32) {
    %c0_i32 = arith.constant 0 : i32
    %c0_i32_0 = arith.constant 0 : i32
    %c0_i32_1 = arith.constant 0 : i32
    return %c0_i32, %c0_i32_0 : i32, i32
  }
  func.func @transform_8(%arg0: i32) -> (i32, i32) {
    %c0_i32 = arith.constant 0 : i32
    %c0_i32_0 = arith.constant 0 : i32
    %c0_i32_1 = arith.constant 0 : i32
    return %c0_i32, %c0_i32_0 : i32, i32
  }
  func.func @transform_9(%arg0: i32) -> (i32, i32) {
    %c0_i32 = arith.constant 0 : i32
    %c0_i32_0 = arith.constant 0 : i32
    return %arg0, %c0_i32 : i32, i32
  }
  func.func @transform_10(%arg0: i32) -> (i32, i32) {
    %c0_i32 = arith.constant 0 : i32
    %c0_i32_0 = arith.constant 0 : i32
    return %arg0, %c0_i32 : i32, i32
  }
}

</mosaic_0001>

<sc_bundles>
// kernel: kernel.12.cloned.1.call-start
scs
__scs_entry_jumppad:
0x0: {  	(pc) =	sbr.rel $0x88, $3  }
0x1: {  	(tag) =	ssettag $0x0;
	lr =	simm.s32 $0x1  }
0x2: {  	[smem:$0x3F97] =	sst lr;
	_ =	strace $0xD0000000  }
0x3: {  	_ = 	snop  }
0x4: {  	_ = 	snop  }
0x5: {  	_ = 	snop  }
0x6: {  	_ = 	snop  }
0x7: {  	_ = 	snop  }
__scs_overlays_trampoline_lowered:
0x8: {  	[smem:$0x3FA6] =	sst s0  }
0x9: {  	[smem:$0x3FA7] =	sst s1  }
0xa: {  	[smem:$0x3FA8] =	sst s2  }
0xb: {  	[smem:$0x3FA9] =	sst s3  }
0xc: {  	[smem:$0x3FAA] =	sst s4  }
0xd: {  	[smem:$0x3FAB] =	sst s5  }
0xe: {  	[smem:$0x3FAC] =	sst s6  }
0xf: {  	[smem:$0x3FAD] =	sst s7  }
0x10: {  	[smem:$0x3FAE] =	sst s8  }
0x11: {  	[smem:$0x3FAF] =	sst s9;
	s0 =	simm.s32 @!p0 $0x0  }
0x12: {  	s1 =	sld [smem:$0x3F95];
	s0 =	simm.s32 @p0 $0x1  }
0x13: {  	[smem:$0x3FB0] =	sst s0;
	s0 =	simm.s32 @!p1 $0x0  }
0x14: {  	s2 =	sld [smem:$0x3F94];
	s0 =	simm.s32 @p1 $0x1  }
0x15: {  	[smem:$0x3FB1] =	sst s0;
	s0 =	simm.s32 @!p2 $0x0  }
0x16: {  	s3 =	sld [smem:$0x3FDB];
	s0 =	simm.s32 @p2 $0x1  }
0x17: {  	s4 =	simm.s32 $0x1BF5;
	[smem:$0x3FB3] =	sst s0  }
0x18: {  	s0 =	sld [smem:$0x3F96];
	_ =	swait.ge [sflag:s4], $0x0  }
0x19: {  	s7 =	sld [smem:$0x3F97]  }
0x1a: {  	s8 =	sadd.s32 $0xFFFFE003, lr  }
0x1b: {  	s9 =	sadd.s32 $0xFFFFFEF7, lr;
	s5 =	simm.s32 $0xFFFFFFFF;
	p2 =	slt.u32 s8, $0xFFFFF086  }
0x1c: {  	p1 =	slt.u32 s9, $0xF7A;
	s5 =	simm.s32 @!p2 $0x0  }
0x1d: {  	s5 =	simm.s32 @p1 $0x1;
	p0 =	seq.s32 s7, s2  }
0x1e: {  	s7 =	smul.u32 @!p0 $0xF7A, s2;
	p2 =	seq.s32 @!p0 s5, $0x0  }
0x1f: {  	s9 =	smul.u32 $0xF7A, s1;
	s8 =	simm.s32 @!p0 $0x1BF5;
	p2 =	por !p2, p0  }
0x20: {  	[sflag:s8] =	ssyncset.s32 @!p0 $0xFFFFF086;
	s6 =	sadd.s32 @!p0 s3, s7;
	s7 =	simm.s32 @!p0 $0x108  }
0x21: {  	s3 =	sadd.s32 s3, s9;
	s6 =	sadd.s32 @!p0 $0x88, s6;
	s7 =	simm.s32 @p2 $0x1082  }
0x22: {  	[simem:s7], [sflag:s8] =	dma.local @!p0 [hbm:s6], $0xF7A  }
0x23: {  	s9 =	sor.u32 $0xD0000000, s2;
	s6 =	simm.s32 $0x108;
	_ =	swait.ge @!p0 [sflag:s8], $0x0  }
0x24: {  	s3 =	sadd.s32 $0x88, s3;
	s6 =	simm.s32 @!p1 $0x1082;
	[sflag:s4] =	ssyncset.s32 $0xFFFFF086  }
0x25: {  	[simem:s6], [sflag:s4] =	dma.local [hbm:s3], $0xF7A  }
0x26: {  	[smem:$0x3F97] =	sst s1;
	(tag) =	ssettag s2;
	_ =	strace s9  }
0x27: {  	s1 =	sld [smem:$0x3FA7]  }
0x28: {  	s2 =	sld [smem:$0x3FA8]  }
0x29: {  	s4 =	sld [smem:$0x3FAA]  }
0x2a: {  	p0 =	seq.s32 s5, $0x0;
	s5 =	sld [smem:$0x3FAB]  }
0x2b: {  	s6 =	sld [smem:$0x3FAC]  }
0x2c: {  	s7 =	sld [smem:$0x3FAD]  }
0x2d: {  	s3 =	simm.s32 $0x108;
	s8 =	sld [smem:$0x3FAE]  }
0x2e: {  	s3 =	simm.s32 @!p0 $0x1082;
	s9 =	sld [smem:$0x3FAF]  }
0x2f: {  	lr =	sadd.s32 s0, s3;
	s0 =	sld [smem:$0x3FA6]  }
0x30: {  	s3 =	sld [smem:$0x3FA9]  }
0x31: {  	[smem:$0x3FB2] =	sst s10  }
0x32: {  	s10 =	sld [smem:$0x3FB0];
	_ =	sdelay $0x3  }
0x33: {  	p0 =	seq.s32 s10, $0x1;
	s10 =	sld [smem:$0x3FB2];
	_ =	sdelay $0x3  }
0x34: {  	[smem:$0x3FB2] =	sst s10  }
0x35: {  	s10 =	sld [smem:$0x3FB1];
	_ =	sdelay $0x3  }
0x36: {  	p1 =	seq.s32 s10, $0x1;
	s10 =	sld [smem:$0x3FB2];
	_ =	sdelay $0x3  }
0x37: {  	[smem:$0x3FB2] =	sst s10  }
0x38: {  	s10 =	sld [smem:$0x3FB3]  }
0x39: {  	_ = 	snop;
	(pc) =	sbr.ind lr, $3  }
0x3a: {  	_ = 	snop  }
0x3b: {  	_ = 	snop  }
0x3c: {  	p2 =	seq.s32 s10, $0x1;
	s10 =	sld [smem:$0x3FB2]  }
0x3d: {  	_ =	shalt  }
0x3e: {  	_ =	shalt  }
0x3f: {  	_ =	shalt  }
0x40: {  	_ =	shalt  }
0x41: {  	_ =	shalt  }
0x42: {  	_ =	shalt  }
0x43: {  	_ =	shalt  }
0x44: {  	_ =	shalt  }
0x45: {  	_ =	shalt  }
0x46: {  	_ =	shalt  }
0x47: {  	_ =	shalt  }
0x48: {  	_ =	shalt  }
0x49: {  	_ =	shalt  }
0x4a: {  	_ =	shalt  }
0x4b: {  	_ =	shalt  }
0x4c: {  	_ =	shalt  }
0x4d: {  	_ =	shalt  }
0x4e: {  	_ =	shalt  }
0x4f: {  	_ =	shalt  }
0x50: {  	_ =	shalt  }
0x51: {  	_ =	shalt  }
0x52: {  	_ =	shalt  }
0x53: {  	_ =	shalt  }
0x54: {  	_ =	shalt  }
0x55: {  	_ =	shalt  }
0x56: {  	_ =	shalt  }
0x57: {  	_ =	shalt  }
0x58: {  	_ =	shalt  }
0x59: {  	_ =	shalt  }
0x5a: {  	_ =	shalt  }
0x5b: {  	_ =	shalt  }
0x5c: {  	_ =	shalt  }
0x5d: {  	_ =	shalt  }
0x5e: {  	_ =	shalt  }
0x5f: {  	_ =	shalt  }
0x60: {  	_ =	shalt  }
0x61: {  	_ =	shalt  }
0x62: {  	_ =	shalt  }
0x63: {  	_ =	shalt  }
0x64: {  	_ =	shalt  }
0x65: {  	_ =	shalt  }
0x66: {  	_ =	shalt  }
0x67: {  	_ =	shalt  }
0x68: {  	_ =	shalt  }
0x69: {  	_ =	shalt  }
0x6a: {  	_ =	shalt  }
0x6b: {  	_ =	shalt  }
0x6c: {  	_ =	shalt  }
0x6d: {  	_ =	shalt  }
0x6e: {  	_ =	shalt  }
0x6f: {  	_ =	shalt  }
0x70: {  	_ =	shalt  }
0x71: {  	_ =	shalt  }
0x72: {  	_ =	shalt  }
0x73: {  	_ =	shalt  }
0x74: {  	_ =	shalt  }
0x75: {  	_ =	shalt  }
0x76: {  	_ =	shalt  }
0x77: {  	_ =	shalt  }
0x78: {  	_ =	shalt  }
0x79: {  	_ =	shalt  }
0x7a: {  	_ =	shalt  }
0x7b: {  	_ =	shalt  }
0x7c: {  	_ =	shalt  }
0x7d: {  	_ =	shalt  }
0x7e: {  	_ =	shalt  }
0x7f: {  	_ =	shalt  }
0x80: {  	_ =	shalt  }
0x81: {  	_ =	shalt  }
0x82: {  	_ =	shalt  }
0x83: {  	_ =	shalt  }
0x84: {  	_ =	shalt  }
0x85: {  	_ =	shalt  }
0x86: {  	_ =	shalt  }
0x87: {  	_ =	shalt  }
.Lfunc_end0:
.L_simem_size_0:
called_computation.2_lowered:
.L_overlay_start_0:
0x88: {  	s2 =	sld [smem:$0x3FD9]  }
0x89: {  	s3 =	sld [smem:$0x3FFE];
	_ =	sdelay $0x1  }
0x8a: {  	s1 =	srdreg.scid  }
0x8b: {  	s0 =	sand.u32 $0x1, s1  }
0x8c: {  	s16 =	sshll.u32 s0, $0xA;
	s2 =	sadd.s32 s3, s2  }
0x8d: {  	s2 =	sadd.s32 s2, s16  }
0x8e: {  	[smem:$0x3FBE] =	sst s2  }
0x8f: {  	_ = 	snop  }
0x90: {  	(tm) =	ssettm $0x1  }
0x91: {  	s17 =	sld [smem:$0x3FFB];
	_ =	sdelay $0x3  }
0x92: {  	_ =	strace s17  }
0x93: {  	s2 =	sld [smem:$0x3FFC];
	_ =	sdelay $0x3  }
0x94: {  	_ =	strace s2  }
0x95: {  	s2 =	sld [smem:$0x3FFD];
	_ =	sdelay $0x3  }
0x96: {  	_ =	strace s2  }
0x97: {  	_ =	strace $0x8FFFFFFF  }
0x98: {  	s18 =	sld [smem:$0x3FDB];
	_ =	sdelay $0x1  }
0x99: {  	s19 =	simm.s32 $_scs_section_size  }
0x9a: {  	s4 =	simm.s32 $_size__tile_overlayer_lowered;
	s5 =	simm.s32 $_tile_overlayer_lowered  }
0x9b: {  	s22 =	simm.s32 $0x1BFF;
	s21 =	sshll.u32 s5, $0x1;
	s2 =	sadd.s32 s19, s18  }
0x9c: {  	s6 =	simm.s32 $0x0;
	s20 =	sshll.u32 s4, $0x1;
	s4 =	sadd.s32 s21, s2  }
0x9d: {  	[timem:s6], [sflag:s22] =	dma.local [hbm:s4], s20  }
0x9e: {  	_ =	swait.ge [sflag:s22], s20  }
0x9f: {  	s3 =	ssub.s32 $0x0, s20;
	[sflag:s22] =	ssyncset.done $0x0  }
0xa0: {  	[sflag:s22] =	ssyncadd.s32 s3;
	_ =	sdelay $0x1  }
0xa1: {  	s23 =	simm.s32 $0x1B8B  }
0xa2: {  	_ =	swait.ge [sflag:s23], $0x1  }
0xa3: {  	[sflag:s23] =	ssyncset.done $0x0  }
0xa4: {  	s25 =	simm.s32 $0x1B8E;
	s24 =	sld [smem:$0x3FFE];
	[sflag:s23] =	ssyncadd.s32 $0xFFFFFFFF  }
0xa5: {  	s26 =	simm.s32 $execute0_lowered;
	[smem:$0x3FD2] =	sst s25  }
0xa6: {  	s4 =	sshll.u32 s26, $0x1;
	_ =	strace $0x80000049;
	[dreg:$0x1] =	wrdreg $0xFFFFFFFF  }
0xa7: {  	s28 =	simm.s32 $_size_execute0_lowered;
	s2 =	sadd.s32 s2, s4;
	[dreg:$0x0] =	wrdreg $0x0  }
0xa8: {  	s4 =	sshll.u32 s28, $0x1;
	[dreg:$0x2] =	wrdreg s2  }
0xa9: {  	[dreg:$0x3] =	wrdreg s4  }
0xaa: {  	[dreg:$0x4] =	wrdreg $0xC0  }
0xab: {  	_ =	task [dreg:s6], $0x5FFFF  }
0xac: {  	[dreg:$0x1] =	wrdreg $0xFFFFFFFF  }
0xad: {  	[dreg:$0x0] =	wrdreg $0x60  }
0xae: {  	[dreg:$0x2] =	wrdreg s24  }
0xaf: {  	[dreg:$0x3] =	wrdreg $0x11D000  }
0xb0: {  	[dreg:$0x4] =	wrdreg $0x9  }
0xb1: {  	_ =	task.clear_ibuf [dreg:s6], $0x5FFFF;
	_ =	strace $0x90000049  }
0xb2: {  	s29 =	simm.s32 $0x9;
	_ =	strace $0x8000004B  }
0xb3: {  	_ =	swait.ge [sflag:s29], $0x1  }
0xb4: {  	[sflag:s29] =	ssyncadd.s32 $0xFFFFFFFF  }
0xb5: {  	_ =	strace $0x9000004B  }
0xb6: {  	_ =	sfence  }
0xb7: {  	s30 =	sld [smem:$0x0];
	_ =	sdelay $0x2  }
0xb8: {  	s31 =	sshll.u32 s1, $0xD;
	s1 =	sshrl.u32 s1, $0x2  }
0xb9: {  	s3 =	sand.u32 $0x4000, s31;
	s1 =	sadd.s32 s1, s30  }
0xba: {  	s0 =	sor.u32 s3, s0;
	s1 =	sshll.u32 s1, $0x11  }
0xbb: {  	s0 =	sor.u32 s1, s0  }
0xbc: {  	s0 =	sadd.s32 $0x8F2B, s0  }
0xbd: {  	[sflag:s0] =	ssyncadd.remote.s32 $0x1  }
0xbe: {  	_ =	sfence.sel $0xFFFF  }
0xbf: {  	[dreg:$0x0] =	wrdreg $0xFFFFFFFF;
	(pc) =	sbr.abs _section_cstart, $3  }
0xc0: {  	[dreg:$0x1] =	wrdreg $0xFFFFFFFF  }
0xc1: {  	_ =	task.clear_ibuf [dreg:s6], $0x2FFFF;
	_ =	strace $0x9FFFFFFF  }
0xc2: {  	(tm) =	ssettm $0x7FFFFFFF  }
0xc3: {  	_ =	shalt  }
tec
execute0_lowered:
.L_overlay_start_1:
0x0: {  	(tag) =	ssettag $0x1  }
0x1: {  	s0 =	rddreg [dreg:$0x0]  }
0x2: {  	s2 =	rddreg [dreg:$0x1];
	s1 =	simm.s32 $0x0;
	s3 =	stileid.u32  }
0x3: {  	s22 =	srdreg.scid;
	s18 =	simm.s32 $0x9;
	s19 =	simm.s32 $0x5000  }
0x4: {  	s20 =	simm.s32 $0x7D;
	s21 =	simm.s32 $0xA000;
	s29 =	simm.s32 $0xFDC0  }
0x5: {  	s30 =	simm.s32 $0x2;
	s28 =	simm.s32 $0x7;
	[smem:$0x7FF] =	sst s1  }
0x6: {  	s6 =	smul.u32 $0x9C00, s3;
	s1 =	sand.u32 $0x1, s22;
	s4 =	sadd.s32 $0x76000, s0  }
0x7: {  	s7 =	smul.u32 $0xA00, s3;
	s5 =	sadd.s32 $0x89A00, s0;
	s15 =	sadd.s32 $0x92400, s2  }
0x8: {  	s24 =	sadd.s32 $0xAF880, s0;
	s26 =	sadd.s32 $0xC3280, s0;
	p0 =	seq.s32 s3, $0xF  }
0x9: {  	s22 =	simm.s32 $0x4;
	_ =	strace $0x8000004A;
	[dreg:$0x4] =	wrdreg s24  }
0xa: {  	s8 =	ssub.s32 $0x2, s1;
	[dreg:$0x6] =	wrdreg s26;
	s15 =	sshrl.u32 @p0 s15, $0x3  }
0xb: {  	p1 =	sne.s32 s1, $0x0;
	s26 =	simm.s32 $0x1;
	s1 =	simm.s32 $0x8  }
0xc: {  	s9 =	sshrl.u32 s6, $0x3;
	s10 =	sshrl.u32 s8, $0x1;
	s11 =	sadd.s32 s7, s0  }
0xd: {  	s13 =	sadd.s32 s6, s2;
	s12 =	sadd.s32 s9, s0;
	s10 =	ssub.s32 s8, s10  }
0xe: {  	s8 =	sadd.s32 $0x13C00, s11;
	s9 =	sadd.s32 $0x1DC00, s11;
	s0 =	sadd.s32 $0xD6C80, s0  }
0xf: {  	s17 =	sshrl.u32 @!p0 s13, $0x3;
	s11 =	simm.s32 $0x0;
	s23 =	sadd.s32 $0x9D400, s12  }
.Ltmp0:
0x10: {  	s25 =	sadd.s32 $0xB0E00, s12;
	[dreg:$0x8] =	wrdreg s0;
	(pc) =	sbr.rel .LBB2_1-.Ltmp0, $4  }
0x11: {  	s31 =	sadd.s32 $0xC4800, s12;
	s0 =	sshll.u32 @!p0 s3, $0x6;
	[dreg:$0x3] =	wrdreg s23  }
0x12: {  	s14 =	smax.u32 s10, $0x1;
	s10 =	simm.s32 $0x3;
	[dreg:$0x5] =	wrdreg s25  }
0x13: {  	s12 =	simm.s32 $0x6;
	[dreg:$0x7] =	wrdreg s31;
	s16 =	sor.u32 @!p0 $0x1C09, s0  }
0x14: {  	s23 =	simm.s32 $0xBF40;
	s25 =	simm.s32 $0xDE80;
	s0 =	simm.s32 $0x5  }
.LBB2_9:
0x15: {  	_ =	swait.ge [sflag:s0], $0x1F40  }
0x16: {  	[sflag:s0] =	ssyncset.done $0x0  }
0x17: {  	[sflag:s0] =	ssyncadd.s32 $0xFFFFE0C0  }
0x18: {  	_ =	swait.ge [sflag:s12], $0x1F40  }
0x19: {  	[sflag:s12] =	ssyncset.done $0x0  }
0x1a: {  	[sflag:s12] =	ssyncadd.s32 $0xFFFFE0C0  }
0x1b: {  	_ =	swait.ge [sflag:s28], $0x1F40  }
0x1c: {  	[sflag:s28] =	ssyncset.done $0x0  }
0x1d: {  	[sflag:s28] =	ssyncadd.s32 $0xFFFFE0C0  }
0x1e: {  	_ =	swait.ge [sflag:s1], $0x1F40  }
0x1f: {  	[sflag:s1] =	ssyncset.done $0x0  }
0x20: {  	[sflag:s1] =	ssyncadd.s32 $0xFFFFE0C0  }
0x21: {  	[bflag:$0x0] =	sbarrier.arrive $0xFFFF  }
0x22: {  	s3 =	simm.s32 @p0 $0x1FC9;
	s6 =	rddreg [dreg:$0x6]  }
0x23: {  	[hbm:s6], [sflag:s3] =	dma.local @p0 [spmem:s15], $0x1400  }
0x24: {  	s3 =	simm.s32 @p0 $0x9  }
0x25: {  	_ =	swait.ge @p0 [sflag:s3], $0x1400  }
0x26: {  	[sflag:s3] =	ssyncset.done @p0 $0x0  }
0x27: {  	[sflag:s3] =	ssyncadd.s32 @p0 $0xFFFFEC00;
	s3 =	rddreg [dreg:$0x5]  }
0x28: {  	[hbm:s3], [sflag:s16] =	dma.local @!p0 [spmem:s17], $0x1380  }
0x29: {  	s3 =	simm.s32 @!p0 $0x9  }
0x2a: {  	_ =	swait.ge @!p0 [sflag:s3], $0x1380  }
0x2b: {  	[sflag:s3] =	ssyncset.done @!p0 $0x0  }
0x2c: {  	[sflag:s3] =	ssyncadd.s32 @!p0 $0xFFFFEC80  }
.LBB2_10:
0x2d: {  	s11 =	sadd.s32 $0x1, s11  }
0x2e: {  	p2 =	sne.s32 s11, s14  }
.Ltmp1:
0x2f: {  	_ = 	snop;
	(pc) =	sbr.rel @!p2 .LBB2_11-.Ltmp1, $1  }
0x30: {  	_ =	sdelay $0x3  }
.LBB2_1:
0x31: {  	s13 =	simm.s32 @p0 $0x1FC9;
	s3 =	rddreg [dreg:$0x4]  }
0x32: {  	[spmem:s15], [sflag:s13] =	dma.local @p0 [hbm:s3], $0x1400  }
0x33: {  	s13 =	simm.s32 @p0 $0x9  }
0x34: {  	_ =	swait.ge @p0 [sflag:s13], $0x1400  }
0x35: {  	[sflag:s13] =	ssyncset.done @p0 $0x0  }
0x36: {  	s3 =	rddreg [dreg:$0x3];
	[sflag:s13] =	ssyncadd.s32 @p0 $0xFFFFEC00;
	s13 =	simm.s32 @!p0 $0x9  }
0x37: {  	[spmem:s17], [sflag:s16] =	dma.local @!p0 [hbm:s3], $0x1380  }
0x38: {  	_ =	swait.ge @!p0 [sflag:s13], $0x1380  }
0x39: {  	[sflag:s13] =	ssyncset.done @!p0 $0x0  }
0x3a: {  	s31 =	simm.s32 $0x0;
	[sflag:s13] =	ssyncadd.s32 @!p0 $0xFFFFEC80  }
0x3b: {  	[tilespmem:s31], [sflag:$0x9] =	stream.linear.gather [hbm4b:s8+s31], $0x5000, $0x38;
	[tilespmem:$0x1B940] =	vst v63  }
0x3c: {  	_ =	swait.ge [sflag:s18], $0x5000  }
0x3d: {  	[sflag:s18] =	ssyncset.done $0x0  }
0x3e: {  	[sflag:s18] =	ssyncadd.s32 $0xFFFFB000  }
0x3f: {  	[tilespmem:s19], [sflag:$0x9] =	stream.linear.gather [hbm4b:s9+s31], $0x5000, $0x38;
	[tilespmem:$0x1B940] =	vst v63  }
.Ltmp2:
0x40: {  	_ =	swait.ge [sflag:s18], $0x5000;
	(pc) =	sbr.rel @p1 .LBB2_6-.Ltmp2, $4  }
0x41: {  	[sflag:s18] =	ssyncset.done $0x0  }
0x42: {  	[sflag:s18] =	ssyncadd.s32 $0xFFFFB000  }
0x43: {  	[bflag:$0x0] =	sbarrier.arrive $0xFFFF  }
0x44: {  	s13 =	simm.s32 $0x0  }
0x45: {  	[tilespmem:s21], [sflag:$0x1] =	stream.indirect.gather [hbm4b:s4+s20], $0x40, s13, s20, $0xb8;
	[tilespmem:$0x1B940] =	vst v63  }
0x46: {  	s3 =	simm.s32 $0x80  }
0x47: {  	[tilespmem:s23], [sflag:$0x2] =	stream.indirect.gather [hbm4b:s4+s20], $0x40, s3, s20, $0xb8;
	[tilespmem:$0x1B940] =	vst v63  }
0x48: {  	s6 =	simm.s32 $0x100  }
0x49: {  	[tilespmem:s25], [sflag:$0x3] =	stream.indirect.gather [hbm4b:s4+s20], $0x40, s6, s20, $0xb8;
	[tilespmem:$0x1B940] =	vst v63  }
0x4a: {  	_ =	swait.ge [sflag:s26], $0x1F40  }
0x4b: {  	[sflag:s26] =	ssyncset.done $0x0  }
0x4c: {  	[sflag:s26] =	ssyncadd.s32 $0xFFFFE0C0  }
0x4d: {  	[spmem:s2] =	stream.indirect.scatter.add.f32 [tilespmem:s21], [sflag:$0x5], $0x40, s19, s20, $0xb8;
	[tilespmem:$0x1B940] =	vst v63  }
0x4e: {  	s7 =	simm.s32 $0x180  }
0x4f: {  	[tilespmem:s29], [sflag:$0x4] =	stream.indirect.gather [hbm4b:s4+s20], $0x40, s7, s20, $0xb8;
	[tilespmem:$0x1B940] =	vst v63  }
0x50: {  	_ =	swait.ge [sflag:s30], $0x1F40  }
0x51: {  	[sflag:s30] =	ssyncset.done $0x0  }
0x52: {  	s24 =	simm.s32 $0x5080;
	[sflag:s30] =	ssyncadd.s32 $0xFFFFE0C0  }
0x53: {  	[spmem:s2] =	stream.indirect.scatter.add.f32 [tilespmem:s23], [sflag:$0x6], $0x40, s24, s20, $0xb8;
	[tilespmem:$0x1B940] =	vst v63  }
0x54: {  	_ =	swait.ge [sflag:s0], $0x1F40  }
0x55: {  	[sflag:s0] =	ssyncset.done $0x0  }
0x56: {  	s31 =	simm.s32 $0x200;
	[sflag:s0] =	ssyncadd.s32 $0xFFFFE0C0  }
0x57: {  	[tilespmem:s21], [sflag:$0x1] =	stream.indirect.gather [hbm4b:s4+s20], $0x40, s31, s20, $0xb8;
	[tilespmem:$0x1B940] =	vst v63  }
0x58: {  	_ =	swait.ge [sflag:s10], $0x1F40  }
0x59: {  	[sflag:s10] =	ssyncset.done $0x0  }
0x5a: {  	s6 =	simm.s32 $0x5100;
	[sflag:s10] =	ssyncadd.s32 $0xFFFFE0C0  }
0x5b: {  	[spmem:s2] =	stream.indirect.scatter.add.f32 [tilespmem:s25], [sflag:$0x7], $0x40, s6, s20, $0xb8;
	[tilespmem:$0x1B940] =	vst v63  }
0x5c: {  	_ =	swait.ge [sflag:s12], $0x1F40  }
0x5d: {  	[sflag:s12] =	ssyncset.done $0x0  }
0x5e: {  	s7 =	simm.s32 $0x280;
	[sflag:s12] =	ssyncadd.s32 $0xFFFFE0C0  }
0x5f: {  	[tilespmem:s23], [sflag:$0x2] =	stream.indirect.gather [hbm4b:s4+s20], $0x40, s7, s20, $0xb8;
	[tilespmem:$0x1B940] =	vst v63  }
0x60: {  	_ =	swait.ge [sflag:s22], $0x1F40  }
0x61: {  	[sflag:s22] =	ssyncset.done $0x0  }
0x62: {  	s24 =	simm.s32 $0x5180;
	[sflag:s22] =	ssyncadd.s32 $0xFFFFE0C0  }
0x63: {  	[spmem:s2] =	stream.indirect.scatter.add.f32 [tilespmem:s29], [sflag:$0x8], $0x40, s24, s20, $0xb8;
	[tilespmem:$0x1B940] =	vst v63  }
0x64: {  	_ =	swait.ge [sflag:s28], $0x1F40  }
0x65: {  	[sflag:s28] =	ssyncset.done $0x0  }
0x66: {  	s31 =	simm.s32 $0x300;
	[sflag:s28] =	ssyncadd.s32 $0xFFFFE0C0  }
0x67: {  	[tilespmem:s25], [sflag:$0x3] =	stream.indirect.gather [hbm4b:s4+s20], $0x40, s31, s20, $0xb8;
	[tilespmem:$0x1B940] =	vst v63  }
.LBB2_3:
0x68: {  	_ =	swait.ge [sflag:s26], $0x1F40  }
0x69: {  	s24 =	sshra.s32 s13, $0x2;
	[sflag:s26] =	ssyncset.done $0x0  }
0x6a: {  	s31 =	sadd.s32 $0x5200, s24;
	[sflag:s26] =	ssyncadd.s32 $0xFFFFE0C0  }
0x6b: {  	[spmem:s2] =	stream.indirect.scatter.add.f32 [tilespmem:s21], [sflag:$0x5], $0x40, s31, s20, $0xb8;
	[tilespmem:$0x1B940] =	vst v63  }
0x6c: {  	_ =	swait.ge [sflag:s1], $0x1F40  }
0x6d: {  	[sflag:s1] =	ssyncset.done $0x0  }
0x6e: {  	s6 =	sadd.s32 $0x380, s24;
	[sflag:s1] =	ssyncadd.s32 $0xFFFFE0C0  }
0x6f: {  	[tilespmem:s29], [sflag:$0x4] =	stream.indirect.gather [hbm4b:s4+s20], $0x40, s6, s20, $0xb8;
	[tilespmem:$0x1B940] =	vst v63  }
0x70: {  	_ =	swait.ge [sflag:s30], $0x1F40  }
0x71: {  	p2 =	seq.s32 s13, $0x13000;
	[sflag:s30] =	ssyncset.done $0x0  }
0x72: {  	s7 =	sadd.s32 $0x5280, s24;
	s31 =	simm.s32 @p2 $0x3;
	[sflag:s30] =	ssyncadd.s32 $0xFFFFE0C0  }
0x73: {  	[spmem:s2] =	stream.indirect.scatter.add.f32 [tilespmem:s23], [sflag:$0x6], $0x40, s7, s20, $0xb8;
	[tilespmem:$0x1B940] =	vst v63  }
0x74: {  	_ =	swait.ge @p2 [sflag:s31], $0x1F40  }
0x75: {  	[sflag:s31] =	ssyncset.done @p2 $0x0  }
0x76: {  	[sflag:s31] =	ssyncadd.s32 @p2 $0xFFFFE0C0;
	s31 =	sshra.s32 @p2 s13, $0x2  }
0x77: {  	s3 =	simm.s32 @p2 $0x7D;
	s6 =	simm.s32 @p2 $0xDE80;
	s31 =	sadd.s32 @p2 $0x5300, s31  }
0x78: {  	[spmem:s2] =	stream.indirect.scatter.add.f32 @p2 [tilespmem:s6], [sflag:$0x7], $0x40, s31, s3, $0xb8;
	[tilespmem:$0x1B940] =	vst v63  }
0x79: {  	s3 =	simm.s32 @!p2 $0x5  }
0x7a: {  	_ =	swait.ge @!p2 [sflag:s3], $0x1F40  }
0x7b: {  	[sflag:s3] =	ssyncset.done @!p2 $0x0  }
0x7c: {  	[sflag:s3] =	ssyncadd.s32 @!p2 $0xFFFFE0C0;
	s3 =	sshra.s32 @!p2 s13, $0x2  }
0x7d: {  	s7 =	simm.s32 @!p2 $0xA000;
	s31 =	simm.s32 @!p2 $0x7D;
	s6 =	sadd.s32 @!p2 $0x400, s3  }
0x7e: {  	[tilespmem:s7], [sflag:$0x1] =	stream.indirect.gather @!p2 [hbm4b:s4+s31], $0x40, s6, s31, $0xb8;
	[tilespmem:$0x1B940] =	vst v63  }
0x7f: {  	s6 =	simm.s32 @!p2 $0x3  }
0x80: {  	_ =	swait.ge @!p2 [sflag:s6], $0x1F40  }
0x81: {  	[sflag:s6] =	ssyncset.done @!p2 $0x0  }
0x82: {  	s7 =	simm.s32 @!p2 $0xDE80;
	[sflag:s6] =	ssyncadd.s32 @!p2 $0xFFFFE0C0;
	s6 =	sadd.s32 @!p2 $0x5300, s3  }
0x83: {  	[spmem:s2] =	stream.indirect.scatter.add.f32 @!p2 [tilespmem:s7], [sflag:$0x7], $0x40, s6, s31, $0xb8;
	[tilespmem:$0x1B940] =	vst v63  }
0x84: {  	s6 =	simm.s32 @!p2 $0x6  }
0x85: {  	_ =	swait.ge @!p2 [sflag:s6], $0x1F40  }
0x86: {  	[sflag:s6] =	ssyncset.done @!p2 $0x0  }
0x87: {  	s3 =	sadd.s32 @!p2 $0x480, s3;
	[sflag:s6] =	ssyncadd.s32 @!p2 $0xFFFFE0C0;
	s6 =	simm.s32 @!p2 $0xBF40  }
0x88: {  	[tilespmem:s6], [sflag:$0x2] =	stream.indirect.gather @!p2 [hbm4b:s4+s31], $0x40, s3, s31, $0xb8;
	[tilespmem:$0x1B940] =	vst v63  }
.Ltmp3:
0x89: {  	_ = 	snop;
	(pc) =	sbr.rel @p2 .LBB2_5-.Ltmp3, $4  }
0x8a: {  	_ =	swait.ge [sflag:s22], $0x1F40  }
0x8b: {  	[sflag:s22] =	ssyncset.done $0x0  }
0x8c: {  	s31 =	sadd.s32 $0x5380, s24;
	[sflag:s22] =	ssyncadd.s32 $0xFFFFE0C0  }
0x8d: {  	[spmem:s2] =	stream.indirect.scatter.add.f32 [tilespmem:s29], [sflag:$0x8], $0x40, s31, s20, $0xb8;
	[tilespmem:$0x1B940] =	vst v63  }
.Ltmp4:
0x8e: {  	(pc) =	sbr.rel .LBB2_3-.Ltmp4, $4  }
0x8f: {  	_ =	swait.ge [sflag:s28], $0x1F40  }
0x90: {  	[sflag:s28] =	ssyncset.done $0x0  }
0x91: {  	s3 =	sadd.s32 $0x500, s24;
	s13 =	sadd.s32 $0x800, s13;
	[sflag:s28] =	ssyncadd.s32 $0xFFFFE0C0  }
0x92: {  	[tilespmem:s25], [sflag:$0x3] =	stream.indirect.gather [hbm4b:s4+s20], $0x40, s3, s20, $0xb8;
	[tilespmem:$0x1B940] =	vst v63  }
.LBB2_6:
0x93: {  	[tilespmem:s21], [sflag:$0x1] =	stream.indirect.gather [hbm4b:s5+s20], $0x40, s13, s20, $0xb8;
	[tilespmem:$0x1B940] =	vst v63  }
0x94: {  	s3 =	simm.s32 $0x80  }
0x95: {  	[tilespmem:s23], [sflag:$0x2] =	stream.indirect.gather [hbm4b:s5+s20], $0x40, s3, s20, $0xb8;
	[tilespmem:$0x1B940] =	vst v63  }
0x96: {  	s6 =	simm.s32 $0x100  }
0x97: {  	[tilespmem:s25], [sflag:$0x3] =	stream.indirect.gather [hbm4b:s5+s20], $0x40, s6, s20, $0xb8;
	[tilespmem:$0x1B940] =	vst v63  }
0x98: {  	_ =	swait.ge [sflag:s26], $0x1F40  }
0x99: {  	[sflag:s26] =	ssyncset.done $0x0  }
0x9a: {  	[sflag:s26] =	ssyncadd.s32 $0xFFFFE0C0  }
0x9b: {  	[spmem:s2] =	stream.indirect.scatter.add.f32 [tilespmem:s21], [sflag:$0x5], $0x40, s19, s20, $0xb8;
	[tilespmem:$0x1B940] =	vst v63  }
0x9c: {  	s7 =	simm.s32 $0x180  }
0x9d: {  	[tilespmem:s29], [sflag:$0x4] =	stream.indirect.gather [hbm4b:s5+s20], $0x40, s7, s20, $0xb8;
	[tilespmem:$0x1B940] =	vst v63  }
0x9e: {  	_ =	swait.ge [sflag:s30], $0x1F40  }
0x9f: {  	[sflag:s30] =	ssyncset.done $0x0  }
0xa0: {  	s24 =	simm.s32 $0x5080;
	[sflag:s30] =	ssyncadd.s32 $0xFFFFE0C0  }
0xa1: {  	[spmem:s2] =	stream.indirect.scatter.add.f32 [tilespmem:s23], [sflag:$0x6], $0x40, s24, s20, $0xb8;
	[tilespmem:$0x1B940] =	vst v63  }
0xa2: {  	_ =	swait.ge [sflag:s0], $0x1F40  }
0xa3: {  	[sflag:s0] =	ssyncset.done $0x0  }
0xa4: {  	s31 =	simm.s32 $0x200;
	[sflag:s0] =	ssyncadd.s32 $0xFFFFE0C0  }
0xa5: {  	[tilespmem:s21], [sflag:$0x1] =	stream.indirect.gather [hbm4b:s5+s20], $0x40, s31, s20, $0xb8;
	[tilespmem:$0x1B940] =	vst v63  }
0xa6: {  	_ =	swait.ge [sflag:s10], $0x1F40  }
0xa7: {  	[sflag:s10] =	ssyncset.done $0x0  }
0xa8: {  	s6 =	simm.s32 $0x5100;
	[sflag:s10] =	ssyncadd.s32 $0xFFFFE0C0  }
0xa9: {  	[spmem:s2] =	stream.indirect.scatter.add.f32 [tilespmem:s25], [sflag:$0x7], $0x40, s6, s20, $0xb8;
	[tilespmem:$0x1B940] =	vst v63  }
0xaa: {  	_ =	swait.ge [sflag:s12], $0x1F40  }
0xab: {  	[sflag:s12] =	ssyncset.done $0x0  }
0xac: {  	s7 =	simm.s32 $0x280;
	[sflag:s12] =	ssyncadd.s32 $0xFFFFE0C0  }
0xad: {  	[tilespmem:s23], [sflag:$0x2] =	stream.indirect.gather [hbm4b:s5+s20], $0x40, s7, s20, $0xb8;
	[tilespmem:$0x1B940] =	vst v63  }
0xae: {  	_ =	swait.ge [sflag:s22], $0x1F40  }
0xaf: {  	[sflag:s22] =	ssyncset.done $0x0  }
0xb0: {  	s24 =	simm.s32 $0x5180;
	[sflag:s22] =	ssyncadd.s32 $0xFFFFE0C0  }
0xb1: {  	[spmem:s2] =	stream.indirect.scatter.add.f32 [tilespmem:s29], [sflag:$0x8], $0x40, s24, s20, $0xb8;
	[tilespmem:$0x1B940] =	vst v63  }
0xb2: {  	_ =	swait.ge [sflag:s28], $0x1F40  }
0xb3: {  	[sflag:s28] =	ssyncset.done $0x0  }
0xb4: {  	s31 =	simm.s32 $0x300;
	[sflag:s28] =	ssyncadd.s32 $0xFFFFE0C0  }
0xb5: {  	[tilespmem:s25], [sflag:$0x3] =	stream.indirect.gather [hbm4b:s5+s20], $0x40, s31, s20, $0xb8;
	[tilespmem:$0x1B940] =	vst v63  }
.LBB2_7:
0xb6: {  	_ =	swait.ge [sflag:s26], $0x1F40  }
0xb7: {  	s24 =	sshra.s32 s13, $0x2;
	[sflag:s26] =	ssyncset.done $0x0  }
0xb8: {  	s3 =	sadd.s32 $0x5200, s24;
	[sflag:s26] =	ssyncadd.s32 $0xFFFFE0C0  }
0xb9: {  	[spmem:s2] =	stream.indirect.scatter.add.f32 [tilespmem:s21], [sflag:$0x5], $0x40, s3, s20, $0xb8;
	[tilespmem:$0x1B940] =	vst v63  }
0xba: {  	_ =	swait.ge [sflag:s1], $0x1F40  }
0xbb: {  	[sflag:s1] =	ssyncset.done $0x0  }
0xbc: {  	s6 =	sadd.s32 $0x380, s24;
	[sflag:s1] =	ssyncadd.s32 $0xFFFFE0C0  }
0xbd: {  	[tilespmem:s29], [sflag:$0x4] =	stream.indirect.gather [hbm4b:s5+s20], $0x40, s6, s20, $0xb8;
	[tilespmem:$0x1B940] =	vst v63  }
0xbe: {  	_ =	swait.ge [sflag:s30], $0x1F40  }
0xbf: {  	p2 =	seq.s32 s13, $0x13000;
	[sflag:s30] =	ssyncset.done $0x0  }
0xc0: {  	s7 =	sadd.s32 $0x5280, s24;
	s3 =	simm.s32 @p2 $0x3;
	[sflag:s30] =	ssyncadd.s32 $0xFFFFE0C0  }
0xc1: {  	[spmem:s2] =	stream.indirect.scatter.add.f32 [tilespmem:s23], [sflag:$0x6], $0x40, s7, s20, $0xb8;
	[tilespmem:$0x1B940] =	vst v63  }
0xc2: {  	_ =	swait.ge @p2 [sflag:s3], $0x1F40  }
0xc3: {  	[sflag:s3] =	ssyncset.done @p2 $0x0  }
0xc4: {  	[sflag:s3] =	ssyncadd.s32 @p2 $0xFFFFE0C0;
	s3 =	sshra.s32 @p2 s13, $0x2  }
0xc5: {  	s6 =	simm.s32 @p2 $0x7D;
	s7 =	simm.s32 @p2 $0xDE80;
	s3 =	sadd.s32 @p2 $0x5300, s3  }
0xc6: {  	[spmem:s2] =	stream.indirect.scatter.add.f32 @p2 [tilespmem:s7], [sflag:$0x7], $0x40, s3, s6, $0xb8;
	[tilespmem:$0x1B940] =	vst v63  }
0xc7: {  	s3 =	simm.s32 @!p2 $0x5  }
0xc8: {  	_ =	swait.ge @!p2 [sflag:s3], $0x1F40  }
0xc9: {  	[sflag:s3] =	ssyncset.done @!p2 $0x0  }
0xca: {  	[sflag:s3] =	ssyncadd.s32 @!p2 $0xFFFFE0C0;
	s3 =	sshra.s32 @!p2 s13, $0x2  }
0xcb: {  	s31 =	simm.s32 @!p2 $0xA000;
	s7 =	simm.s32 @!p2 $0x7D;
	s6 =	sadd.s32 @!p2 $0x400, s3  }
0xcc: {  	[tilespmem:s31], [sflag:$0x1] =	stream.indirect.gather @!p2 [hbm4b:s5+s7], $0x40, s6, s7, $0xb8;
	[tilespmem:$0x1B940] =	vst v63  }
0xcd: {  	s6 =	simm.s32 @!p2 $0x3  }
0xce: {  	_ =	swait.ge @!p2 [sflag:s6], $0x1F40  }
0xcf: {  	[sflag:s6] =	ssyncset.done @!p2 $0x0  }
0xd0: {  	s31 =	simm.s32 @!p2 $0xDE80;
	[sflag:s6] =	ssyncadd.s32 @!p2 $0xFFFFE0C0;
	s6 =	sadd.s32 @!p2 $0x5300, s3  }
0xd1: {  	[spmem:s2] =	stream.indirect.scatter.add.f32 @!p2 [tilespmem:s31], [sflag:$0x7], $0x40, s6, s7, $0xb8;
	[tilespmem:$0x1B940] =	vst v63  }
0xd2: {  	s6 =	simm.s32 @!p2 $0x6  }
0xd3: {  	_ =	swait.ge @!p2 [sflag:s6], $0x1F40  }
0xd4: {  	[sflag:s6] =	ssyncset.done @!p2 $0x0  }
0xd5: {  	s3 =	sadd.s32 @!p2 $0x480, s3;
	[sflag:s6] =	ssyncadd.s32 @!p2 $0xFFFFE0C0;
	s6 =	simm.s32 @!p2 $0xBF40  }
0xd6: {  	[tilespmem:s6], [sflag:$0x2] =	stream.indirect.gather @!p2 [hbm4b:s5+s7], $0x40, s3, s7, $0xb8;
	[tilespmem:$0x1B940] =	vst v63  }
.Ltmp5:
0xd7: {  	_ = 	snop;
	(pc) =	sbr.rel @p2 .LBB2_9-.Ltmp5, $4  }
0xd8: {  	_ =	swait.ge [sflag:s22], $0x1F40  }
0xd9: {  	[sflag:s22] =	ssyncset.done $0x0  }
0xda: {  	s31 =	sadd.s32 $0x5380, s24;
	[sflag:s22] =	ssyncadd.s32 $0xFFFFE0C0  }
0xdb: {  	[spmem:s2] =	stream.indirect.scatter.add.f32 [tilespmem:s29], [sflag:$0x8], $0x40, s31, s20, $0xb8;
	[tilespmem:$0x1B940] =	vst v63  }
.Ltmp6:
0xdc: {  	(pc) =	sbr.rel .LBB2_7-.Ltmp6, $4  }
0xdd: {  	_ =	swait.ge [sflag:s28], $0x1F40  }
0xde: {  	[sflag:s28] =	ssyncset.done $0x0  }
0xdf: {  	s3 =	sadd.s32 $0x500, s24;
	s13 =	sadd.s32 $0x800, s13;
	[sflag:s28] =	ssyncadd.s32 $0xFFFFE0C0  }
0xe0: {  	[tilespmem:s25], [sflag:$0x3] =	stream.indirect.gather [hbm4b:s5+s20], $0x40, s3, s20, $0xb8;
	[tilespmem:$0x1B940] =	vst v63  }
.LBB2_5:
0xe1: {  	_ =	swait.ge [sflag:s0], $0x1F40  }
0xe2: {  	[sflag:s0] =	ssyncset.done $0x0  }
0xe3: {  	[sflag:s0] =	ssyncadd.s32 $0xFFFFE0C0  }
0xe4: {  	_ =	swait.ge [sflag:s12], $0x1F40  }
0xe5: {  	[sflag:s12] =	ssyncset.done $0x0  }
0xe6: {  	[sflag:s12] =	ssyncadd.s32 $0xFFFFE0C0  }
0xe7: {  	_ =	swait.ge [sflag:s28], $0x1F40  }
0xe8: {  	[sflag:s28] =	ssyncset.done $0x0  }
0xe9: {  	[sflag:s28] =	ssyncadd.s32 $0xFFFFE0C0  }
0xea: {  	_ =	swait.ge [sflag:s1], $0x1F40  }
0xeb: {  	[sflag:s1] =	ssyncset.done $0x0  }
0xec: {  	[sflag:s1] =	ssyncadd.s32 $0xFFFFE0C0  }
0xed: {  	[bflag:$0x0] =	sbarrier.arrive $0xFFFF  }
0xee: {  	s3 =	simm.s32 @p0 $0x1FC9;
	s6 =	rddreg [dreg:$0x8]  }
0xef: {  	[hbm:s6], [sflag:s3] =	dma.local @p0 [spmem:s15], $0x1400  }
0xf0: {  	s3 =	simm.s32 @p0 $0x9  }
0xf1: {  	_ =	swait.ge @p0 [sflag:s3], $0x1400  }
0xf2: {  	[sflag:s3] =	ssyncset.done @p0 $0x0  }
0xf3: {  	[sflag:s3] =	ssyncadd.s32 @p0 $0xFFFFEC00;
	s3 =	rddreg [dreg:$0x7]  }
0xf4: {  	[hbm:s3], [sflag:s16] =	dma.local @!p0 [spmem:s17], $0x1380  }
.Ltmp7:
0xf5: {  	_ = 	snop;
	(pc) =	sbr.rel .LBB2_10-.Ltmp7, $4  }
0xf6: {  	s3 =	simm.s32 @!p0 $0x9  }
0xf7: {  	_ =	swait.ge @!p0 [sflag:s3], $0x1380  }
0xf8: {  	[sflag:s3] =	ssyncset.done @!p0 $0x0  }
0xf9: {  	[sflag:s3] =	ssyncadd.s32 @!p0 $0xFFFFEC80  }
.LBB2_11:
0xfa: {  	_ =	sfence.sel $0x180000  }
0xfb: {  	[bflag:$0x0] =	sbarrier.arrive $0xFFFF  }
0xfc: {  	_ =	strace $0x9000004A  }
0xfd: {  	s0 =	stileid.u32;
	[bflag:$0x2] =	sbarrier.arrive $0xFFFF  }
0xfe: {  	p0 =	sne.s32 s0, $0x0;
	s0 =	rddreg [dreg:$0x2]  }
0xff: {  	s0 =	sadd.s32 @!p0 $0x100000, s0  }
0x100: {  	[sflag:s0] =	ssyncadd.tile.s32 @!p0 $0x1;
	_ =	shalt  }
.Lfunc_end2:
_tile_overlayer_lowered:
.L_overlay_start_2:
0x101: {  	(tag) =	ssettag $0x2  }
0x102: {  	s0 =	rddreg [dreg:$0x0];
	s2 =	stileid.u32  }
0x103: {  	s1 =	rddreg [dreg:$0x1];
	p0 =	sne.s32 s2, $0x0  }
0x104: {  	s3 =	rddreg [dreg:$0x2];
	[bflag:$0x3] =	sbarrier.arrive $0xFFFF;
	s2 =	simm.s32 @!p0 $0x1C09  }
0x105: {  	[timem:s3], [sflag:s2] =	dma.local @!p0 [hbm:s0], s1  }
0x106: {  	s0 =	simm.s32 @!p0 $0x9  }
0x107: {  	_ =	swait.ge @!p0 [sflag:s0], s1  }
0x108: {  	s1 =	ssub.s32 @!p0 $0x0, s1;
	[sflag:s0] =	ssyncset.done @!p0 $0x0  }
0x109: {  	[sflag:s0] =	ssyncadd.s32 @!p0 s1  }
0x10a: {  	[bflag:$0x3] =	sbarrier.arrive $0xFFFF  }
0x10b: {  	_ =	shalt  }

// kernel: kernel.15.cloned.1.call-start
scs
__scs_entry_jumppad:
0x0: {  	(pc) =	sbr.rel $0x88, $3  }
0x1: {  	(tag) =	ssettag $0x0;
	lr =	simm.s32 $0x1  }
0x2: {  	[smem:$0x3F97] =	sst lr;
	_ =	strace $0xD0000000  }
0x3: {  	_ = 	snop  }
0x4: {  	_ = 	snop  }
0x5: {  	_ = 	snop  }
0x6: {  	_ = 	snop  }
0x7: {  	_ = 	snop  }
__scs_overlays_trampoline_lowered:
0x8: {  	[smem:$0x3FA6] =	sst s0  }
0x9: {  	[smem:$0x3FA7] =	sst s1  }
0xa: {  	[smem:$0x3FA8] =	sst s2  }
0xb: {  	[smem:$0x3FA9] =	sst s3  }
0xc: {  	[smem:$0x3FAA] =	sst s4  }
0xd: {  	[smem:$0x3FAB] =	sst s5  }
0xe: {  	[smem:$0x3FAC] =	sst s6  }
0xf: {  	[smem:$0x3FAD] =	sst s7  }
0x10: {  	[smem:$0x3FAE] =	sst s8  }
0x11: {  	[smem:$0x3FAF] =	sst s9;
	s0 =	simm.s32 @!p0 $0x0  }
0x12: {  	s1 =	sld [smem:$0x3F95];
	s0 =	simm.s32 @p0 $0x1  }
0x13: {  	[smem:$0x3FB0] =	sst s0;
	s0 =	simm.s32 @!p1 $0x0  }
0x14: {  	s2 =	sld [smem:$0x3F94];
	s0 =	simm.s32 @p1 $0x1  }
0x15: {  	[smem:$0x3FB1] =	sst s0;
	s0 =	simm.s32 @!p2 $0x0  }
0x16: {  	s3 =	sld [smem:$0x3FDB];
	s0 =	simm.s32 @p2 $0x1  }
0x17: {  	s4 =	simm.s32 $0x1BF5;
	[smem:$0x3FB3] =	sst s0  }
0x18: {  	s0 =	sld [smem:$0x3F96];
	_ =	swait.ge [sflag:s4], $0x0  }
0x19: {  	s7 =	sld [smem:$0x3F97]  }
0x1a: {  	s8 =	sadd.s32 $0xFFFFE003, lr  }
0x1b: {  	s9 =	sadd.s32 $0xFFFFFEF7, lr;
	s5 =	simm.s32 $0xFFFFFFFF;
	p2 =	slt.u32 s8, $0xFFFFF086  }
0x1c: {  	p1 =	slt.u32 s9, $0xF7A;
	s5 =	simm.s32 @!p2 $0x0  }
0x1d: {  	s5 =	simm.s32 @p1 $0x1;
	p0 =	seq.s32 s7, s2  }
0x1e: {  	s7 =	smul.u32 @!p0 $0xF7A, s2;
	p2 =	seq.s32 @!p0 s5, $0x0  }
0x1f: {  	s9 =	smul.u32 $0xF7A, s1;
	s8 =	simm.s32 @!p0 $0x1BF5;
	p2 =	por !p2, p0  }
0x20: {  	[sflag:s8] =	ssyncset.s32 @!p0 $0xFFFFF086;
	s6 =	sadd.s32 @!p0 s3, s7;
	s7 =	simm.s32 @!p0 $0x108  }
0x21: {  	s3 =	sadd.s32 s3, s9;
	s6 =	sadd.s32 @!p0 $0x88, s6;
	s7 =	simm.s32 @p2 $0x1082  }
0x22: {  	[simem:s7], [sflag:s8] =	dma.local @!p0 [hbm:s6], $0xF7A  }
0x23: {  	s9 =	sor.u32 $0xD0000000, s2;
	s6 =	simm.s32 $0x108;
	_ =	swait.ge @!p0 [sflag:s8], $0x0  }
0x24: {  	s3 =	sadd.s32 $0x88, s3;
	s6 =	simm.s32 @!p1 $0x1082;
	[sflag:s4] =	ssyncset.s32 $0xFFFFF086  }
0x25: {  	[simem:s6], [sflag:s4] =	dma.local [hbm:s3], $0xF7A  }
0x26: {  	[smem:$0x3F97] =	sst s1;
	(tag) =	ssettag s2;
	_ =	strace s9  }
0x27: {  	s1 =	sld [smem:$0x3FA7]  }
0x28: {  	s2 =	sld [smem:$0x3FA8]  }
0x29: {  	s4 =	sld [smem:$0x3FAA]  }
0x2a: {  	p0 =	seq.s32 s5, $0x0;
	s5 =	sld [smem:$0x3FAB]  }
0x2b: {  	s6 =	sld [smem:$0x3FAC]  }
0x2c: {  	s7 =	sld [smem:$0x3FAD]  }
0x2d: {  	s3 =	simm.s32 $0x108;
	s8 =	sld [smem:$0x3FAE]  }
0x2e: {  	s3 =	simm.s32 @!p0 $0x1082;
	s9 =	sld [smem:$0x3FAF]  }
0x2f: {  	lr =	sadd.s32 s0, s3;
	s0 =	sld [smem:$0x3FA6]  }
0x30: {  	s3 =	sld [smem:$0x3FA9]  }
0x31: {  	[smem:$0x3FB2] =	sst s10  }
0x32: {  	s10 =	sld [smem:$0x3FB0];
	_ =	sdelay $0x3  }
0x33: {  	p0 =	seq.s32 s10, $0x1;
	s10 =	sld [smem:$0x3FB2];
	_ =	sdelay $0x3  }
0x34: {  	[smem:$0x3FB2] =	sst s10  }
0x35: {  	s10 =	sld [smem:$0x3FB1];
	_ =	sdelay $0x3  }
0x36: {  	p1 =	seq.s32 s10, $0x1;
	s10 =	sld [smem:$0x3FB2];
	_ =	sdelay $0x3  }
0x37: {  	[smem:$0x3FB2] =	sst s10  }
0x38: {  	s10 =	sld [smem:$0x3FB3]  }
0x39: {  	_ = 	snop;
	(pc) =	sbr.ind lr, $3  }
0x3a: {  	_ = 	snop  }
0x3b: {  	_ = 	snop  }
0x3c: {  	p2 =	seq.s32 s10, $0x1;
	s10 =	sld [smem:$0x3FB2]  }
0x3d: {  	_ =	shalt  }
0x3e: {  	_ =	shalt  }
0x3f: {  	_ =	shalt  }
0x40: {  	_ =	shalt  }
0x41: {  	_ =	shalt  }
0x42: {  	_ =	shalt  }
0x43: {  	_ =	shalt  }
0x44: {  	_ =	shalt  }
0x45: {  	_ =	shalt  }
0x46: {  	_ =	shalt  }
0x47: {  	_ =	shalt  }
0x48: {  	_ =	shalt  }
0x49: {  	_ =	shalt  }
0x4a: {  	_ =	shalt  }
0x4b: {  	_ =	shalt  }
0x4c: {  	_ =	shalt  }
0x4d: {  	_ =	shalt  }
0x4e: {  	_ =	shalt  }
0x4f: {  	_ =	shalt  }
0x50: {  	_ =	shalt  }
0x51: {  	_ =	shalt  }
0x52: {  	_ =	shalt  }
0x53: {  	_ =	shalt  }
0x54: {  	_ =	shalt  }
0x55: {  	_ =	shalt  }
0x56: {  	_ =	shalt  }
0x57: {  	_ =	shalt  }
0x58: {  	_ =	shalt  }
0x59: {  	_ =	shalt  }
0x5a: {  	_ =	shalt  }
0x5b: {  	_ =	shalt  }
0x5c: {  	_ =	shalt  }
0x5d: {  	_ =	shalt  }
0x5e: {  	_ =	shalt  }
0x5f: {  	_ =	shalt  }
0x60: {  	_ =	shalt  }
0x61: {  	_ =	shalt  }
0x62: {  	_ =	shalt  }
0x63: {  	_ =	shalt  }
0x64: {  	_ =	shalt  }
0x65: {  	_ =	shalt  }
0x66: {  	_ =	shalt  }
0x67: {  	_ =	shalt  }
0x68: {  	_ =	shalt  }
0x69: {  	_ =	shalt  }
0x6a: {  	_ =	shalt  }
0x6b: {  	_ =	shalt  }
0x6c: {  	_ =	shalt  }
0x6d: {  	_ =	shalt  }
0x6e: {  	_ =	shalt  }
0x6f: {  	_ =	shalt  }
0x70: {  	_ =	shalt  }
0x71: {  	_ =	shalt  }
0x72: {  	_ =	shalt  }
0x73: {  	_ =	shalt  }
0x74: {  	_ =	shalt  }
0x75: {  	_ =	shalt  }
0x76: {  	_ =	shalt  }
0x77: {  	_ =	shalt  }
0x78: {  	_ =	shalt  }
0x79: {  	_ =	shalt  }
0x7a: {  	_ =	shalt  }
0x7b: {  	_ =	shalt  }
0x7c: {  	_ =	shalt  }
0x7d: {  	_ =	shalt  }
0x7e: {  	_ =	shalt  }
0x7f: {  	_ =	shalt  }
0x80: {  	_ =	shalt  }
0x81: {  	_ =	shalt  }
0x82: {  	_ =	shalt  }
0x83: {  	_ =	shalt  }
0x84: {  	_ =	shalt  }
0x85: {  	_ =	shalt  }
0x86: {  	_ =	shalt  }
0x87: {  	_ =	shalt  }
.Lfunc_end0:
.L_simem_size_0:
called_computation.3_lowered:
.L_overlay_start_0:
0x88: {  	s2 =	sld [smem:$0x3FD9]  }
0x89: {  	s3 =	sld [smem:$0x3FFE];
	_ =	sdelay $0x1  }
0x8a: {  	s1 =	srdreg.scid  }
0x8b: {  	s0 =	sand.u32 $0x1, s1  }
0x8c: {  	s16 =	sshll.u32 s0, $0xA;
	s2 =	sadd.s32 s3, s2  }
0x8d: {  	s2 =	sadd.s32 s2, s16  }
0x8e: {  	[smem:$0x3FBE] =	sst s2  }
0x8f: {  	_ = 	snop  }
0x90: {  	(tm) =	ssettm $0x1  }
0x91: {  	s17 =	sld [smem:$0x3FFB];
	_ =	sdelay $0x3  }
0x92: {  	_ =	strace s17  }
0x93: {  	s2 =	sld [smem:$0x3FFC];
	_ =	sdelay $0x3  }
0x94: {  	_ =	strace s2  }
0x95: {  	s2 =	sld [smem:$0x3FFD];
	_ =	sdelay $0x3  }
0x96: {  	_ =	strace s2  }
0x97: {  	_ =	strace $0x8FFFFFFF  }
0x98: {  	s18 =	sld [smem:$0x3FDB];
	_ =	sdelay $0x1  }
0x99: {  	s19 =	simm.s32 $_scs_section_size  }
0x9a: {  	s4 =	simm.s32 $_size__tile_overlayer_lowered;
	s5 =	simm.s32 $_tile_overlayer_lowered  }
0x9b: {  	s22 =	simm.s32 $0x1BFF;
	s21 =	sshll.u32 s5, $0x1;
	s2 =	sadd.s32 s19, s18  }
0x9c: {  	s6 =	simm.s32 $0x0;
	s20 =	sshll.u32 s4, $0x1;
	s4 =	sadd.s32 s21, s2  }
0x9d: {  	[timem:s6], [sflag:s22] =	dma.local [hbm:s4], s20  }
0x9e: {  	_ =	swait.ge [sflag:s22], s20  }
0x9f: {  	s3 =	ssub.s32 $0x0, s20;
	[sflag:s22] =	ssyncset.done $0x0  }
0xa0: {  	[sflag:s22] =	ssyncadd.s32 s3;
	_ =	sdelay $0x1  }
0xa1: {  	s23 =	simm.s32 $0x1B8B  }
0xa2: {  	_ =	swait.ge [sflag:s23], $0x1  }
0xa3: {  	[sflag:s23] =	ssyncset.done $0x0  }
0xa4: {  	s25 =	simm.s32 $0x1B8E;
	s24 =	sld [smem:$0x3FFE];
	[sflag:s23] =	ssyncadd.s32 $0xFFFFFFFF  }
0xa5: {  	s26 =	simm.s32 $execute0_lowered;
	[smem:$0x3FD2] =	sst s25  }
0xa6: {  	s4 =	sshll.u32 s26, $0x1;
	_ =	strace $0x8000004C;
	[dreg:$0x1] =	wrdreg $0xFFFFFFFF  }
0xa7: {  	s28 =	simm.s32 $_size_execute0_lowered;
	s2 =	sadd.s32 s2, s4;
	[dreg:$0x0] =	wrdreg $0x0  }
0xa8: {  	s4 =	sshll.u32 s28, $0x1;
	[dreg:$0x2] =	wrdreg s2  }
0xa9: {  	[dreg:$0x3] =	wrdreg s4  }
0xaa: {  	[dreg:$0x4] =	wrdreg $0xC0  }
0xab: {  	_ =	task [dreg:s6], $0x5FFFF  }
0xac: {  	[dreg:$0x1] =	wrdreg $0xFFFFFFFF  }
0xad: {  	[dreg:$0x0] =	wrdreg $0x60  }
0xae: {  	[dreg:$0x2] =	wrdreg s24  }
0xaf: {  	[dreg:$0x3] =	wrdreg $0xDE800  }
0xb0: {  	[dreg:$0x4] =	wrdreg $0x9  }
0xb1: {  	_ =	task.clear_ibuf [dreg:s6], $0x5FFFF;
	_ =	strace $0x9000004C  }
0xb2: {  	s29 =	simm.s32 $0x9;
	_ =	strace $0x8000004E  }
0xb3: {  	_ =	swait.ge [sflag:s29], $0x1  }
0xb4: {  	[sflag:s29] =	ssyncadd.s32 $0xFFFFFFFF  }
0xb5: {  	_ =	strace $0x9000004E  }
0xb6: {  	_ =	sfence  }
0xb7: {  	s30 =	sld [smem:$0x0];
	_ =	sdelay $0x2  }
0xb8: {  	s31 =	sshll.u32 s1, $0xD;
	s1 =	sshrl.u32 s1, $0x2  }
0xb9: {  	s3 =	sand.u32 $0x4000, s31;
	s1 =	sadd.s32 s1, s30  }
0xba: {  	s0 =	sor.u32 s3, s0;
	s1 =	sshll.u32 s1, $0x11  }
0xbb: {  	s0 =	sor.u32 s1, s0  }
0xbc: {  	s0 =	sadd.s32 $0x8F2B, s0  }
0xbd: {  	[sflag:s0] =	ssyncadd.remote.s32 $0x1  }
0xbe: {  	_ =	sfence.sel $0xFFFF  }
0xbf: {  	[dreg:$0x0] =	wrdreg $0xFFFFFFFF;
	(pc) =	sbr.abs _section_cstart, $3  }
0xc0: {  	[dreg:$0x1] =	wrdreg $0xFFFFFFFF  }
0xc1: {  	_ =	task.clear_ibuf [dreg:s6], $0x2FFFF;
	_ =	strace $0x9FFFFFFF  }
0xc2: {  	(tm) =	ssettm $0x7FFFFFFF  }
0xc3: {  	_ =	shalt  }
tec
execute0_lowered:
.L_overlay_start_1:
0x0: {  	(tag) =	ssettag $0x1  }
0x1: {  	s0 =	rddreg [dreg:$0x0]  }
0x2: {  	s2 =	rddreg [dreg:$0x1];
	s1 =	simm.s32 $0x0;
	s3 =	stileid.u32  }
0x3: {  	s22 =	srdreg.scid;
	s18 =	simm.s32 $0x9;
	s19 =	simm.s32 $0x5000  }
0x4: {  	s20 =	simm.s32 $0x7D;
	s21 =	simm.s32 $0xA000;
	s29 =	simm.s32 $0xCEE0  }
0x5: {  	s30 =	simm.s32 $0x2;
	s28 =	simm.s32 $0x7;
	[smem:$0x7FF] =	sst s1  }
0x6: {  	s6 =	smul.u32 $0x4E00, s3;
	s1 =	sand.u32 $0x1, s22;
	s4 =	sadd.s32 $0x4C00, s0  }
0x7: {  	s7 =	smul.u32 $0xA00, s3;
	s5 =	sadd.s32 $0x76000, s0;
	s15 =	sadd.s32 $0x49200, s2  }
0x8: {  	s24 =	sadd.s32 $0x89040, s0;
	s26 =	sadd.s32 $0x92E40, s0;
	p0 =	seq.s32 s3, $0xF  }
0x9: {  	s22 =	simm.s32 $0x4;
	_ =	strace $0x8000004D;
	[dreg:$0x4] =	wrdreg s24  }
0xa: {  	s8 =	ssub.s32 $0x2, s1;
	[dreg:$0x6] =	wrdreg s26;
	s15 =	sshrl.u32 @p0 s15, $0x3  }
0xb: {  	p1 =	sne.s32 s1, $0x0;
	s26 =	simm.s32 $0x1;
	s1 =	simm.s32 $0x8  }
0xc: {  	s9 =	sshrl.u32 s6, $0x3;
	s10 =	sshrl.u32 s8, $0x1;
	s11 =	sadd.s32 s7, s0  }
0xd: {  	s13 =	sadd.s32 s6, s2;
	s12 =	sadd.s32 s9, s0;
	s10 =	ssub.s32 s8, s10  }
0xe: {  	s8 =	sadd.s32 $0x13C00, s11;
	s9 =	sadd.s32 $0x1DC00, s11;
	s0 =	sadd.s32 $0x9CC40, s0  }
0xf: {  	s17 =	sshrl.u32 @!p0 s13, $0x3;
	s11 =	simm.s32 $0x0;
	s23 =	sadd.s32 $0x7FE00, s12  }
.Ltmp0:
0x10: {  	s25 =	sadd.s32 $0x89C00, s12;
	[dreg:$0x8] =	wrdreg s0;
	(pc) =	sbr.rel .LBB2_1-.Ltmp0, $4  }
0x11: {  	s31 =	sadd.s32 $0x93A00, s12;
	s0 =	sshll.u32 @!p0 s3, $0x6;
	[dreg:$0x3] =	wrdreg s23  }
0x12: {  	s14 =	smax.u32 s10, $0x1;
	s10 =	simm.s32 $0x3;
	[dreg:$0x5] =	wrdreg s25  }
0x13: {  	s12 =	simm.s32 $0x6;
	[dreg:$0x7] =	wrdreg s31;
	s16 =	sor.u32 @!p0 $0x1C09, s0  }
0x14: {  	s23 =	simm.s32 $0xAFA0;
	s25 =	simm.s32 $0xBF40;
	s0 =	simm.s32 $0x5  }
.LBB2_9:
0x15: {  	_ =	swait.ge [sflag:s0], $0xFA0  }
0x16: {  	[sflag:s0] =	ssyncset.done $0x0  }
0x17: {  	[sflag:s0] =	ssyncadd.s32 $0xFFFFF060  }
0x18: {  	_ =	swait.ge [sflag:s12], $0xFA0  }
0x19: {  	[sflag:s12] =	ssyncset.done $0x0  }
0x1a: {  	[sflag:s12] =	ssyncadd.s32 $0xFFFFF060  }
0x1b: {  	_ =	swait.ge [sflag:s28], $0xFA0  }
0x1c: {  	[sflag:s28] =	ssyncset.done $0x0  }
0x1d: {  	[sflag:s28] =	ssyncadd.s32 $0xFFFFF060  }
0x1e: {  	_ =	swait.ge [sflag:s1], $0xFA0  }
0x1f: {  	[sflag:s1] =	ssyncset.done $0x0  }
0x20: {  	[sflag:s1] =	ssyncadd.s32 $0xFFFFF060  }
0x21: {  	[bflag:$0x0] =	sbarrier.arrive $0xFFFF  }
0x22: {  	s3 =	simm.s32 @p0 $0x1FC9;
	s6 =	rddreg [dreg:$0x6]  }
0x23: {  	[hbm:s6], [sflag:s3] =	dma.local @p0 [spmem:s15], $0xA00  }
0x24: {  	s3 =	simm.s32 @p0 $0x9  }
0x25: {  	_ =	swait.ge @p0 [sflag:s3], $0xA00  }
0x26: {  	[sflag:s3] =	ssyncset.done @p0 $0x0  }
0x27: {  	[sflag:s3] =	ssyncadd.s32 @p0 $0xFFFFF600;
	s3 =	rddreg [dreg:$0x5]  }
0x28: {  	[hbm:s3], [sflag:s16] =	dma.local @!p0 [spmem:s17], $0x9C0  }
0x29: {  	s3 =	simm.s32 @!p0 $0x9  }
0x2a: {  	_ =	swait.ge @!p0 [sflag:s3], $0x9C0  }
0x2b: {  	[sflag:s3] =	ssyncset.done @!p0 $0x0  }
0x2c: {  	[sflag:s3] =	ssyncadd.s32 @!p0 $0xFFFFF640  }
.LBB2_10:
0x2d: {  	s11 =	sadd.s32 $0x1, s11  }
0x2e: {  	p2 =	sne.s32 s11, s14  }
.Ltmp1:
0x2f: {  	_ = 	snop;
	(pc) =	sbr.rel @!p2 .LBB2_11-.Ltmp1, $1  }
0x30: {  	_ =	sdelay $0x3  }
.LBB2_1:
0x31: {  	s13 =	simm.s32 @p0 $0x1FC9;
	s3 =	rddreg [dreg:$0x4]  }
0x32: {  	[spmem:s15], [sflag:s13] =	dma.local @p0 [hbm:s3], $0xA00  }
0x33: {  	s13 =	simm.s32 @p0 $0x9  }
0x34: {  	_ =	swait.ge @p0 [sflag:s13], $0xA00  }
0x35: {  	[sflag:s13] =	ssyncset.done @p0 $0x0  }
0x36: {  	s3 =	rddreg [dreg:$0x3];
	[sflag:s13] =	ssyncadd.s32 @p0 $0xFFFFF600;
	s13 =	simm.s32 @!p0 $0x9  }
0x37: {  	[spmem:s17], [sflag:s16] =	dma.local @!p0 [hbm:s3], $0x9C0  }
0x38: {  	_ =	swait.ge @!p0 [sflag:s13], $0x9C0  }
0x39: {  	[sflag:s13] =	ssyncset.done @!p0 $0x0  }
0x3a: {  	s31 =	simm.s32 $0x0;
	[sflag:s13] =	ssyncadd.s32 @!p0 $0xFFFFF640  }
0x3b: {  	[tilespmem:s31], [sflag:$0x9] =	stream.linear.gather [hbm4b:s8+s31], $0x5000, $0x38;
	[tilespmem:$0x12CA0] =	vst v63  }
0x3c: {  	_ =	swait.ge [sflag:s18], $0x5000  }
0x3d: {  	[sflag:s18] =	ssyncset.done $0x0  }
0x3e: {  	[sflag:s18] =	ssyncadd.s32 $0xFFFFB000  }
0x3f: {  	[tilespmem:s19], [sflag:$0x9] =	stream.linear.gather [hbm4b:s9+s31], $0x5000, $0x38;
	[tilespmem:$0x12CA0] =	vst v63  }
.Ltmp2:
0x40: {  	_ =	swait.ge [sflag:s18], $0x5000;
	(pc) =	sbr.rel @p1 .LBB2_6-.Ltmp2, $4  }
0x41: {  	[sflag:s18] =	ssyncset.done $0x0  }
0x42: {  	[sflag:s18] =	ssyncadd.s32 $0xFFFFB000  }
0x43: {  	[bflag:$0x0] =	sbarrier.arrive $0xFFFF  }
0x44: {  	s13 =	simm.s32 $0x0  }
0x45: {  	[tilespmem:s21], [sflag:$0x1] =	stream.indirect.gather [hbm4b:s4+s20], $0x20, s13, s20, $0xb8;
	[tilespmem:$0x12CA0] =	vst v63  }
0x46: {  	s3 =	simm.s32 $0x80  }
0x47: {  	[tilespmem:s23], [sflag:$0x2] =	stream.indirect.gather [hbm4b:s4+s20], $0x20, s3, s20, $0xb8;
	[tilespmem:$0x12CA0] =	vst v63  }
0x48: {  	s6 =	simm.s32 $0x100  }
0x49: {  	[tilespmem:s25], [sflag:$0x3] =	stream.indirect.gather [hbm4b:s4+s20], $0x20, s6, s20, $0xb8;
	[tilespmem:$0x12CA0] =	vst v63  }
0x4a: {  	_ =	swait.ge [sflag:s26], $0xFA0  }
0x4b: {  	[sflag:s26] =	ssyncset.done $0x0  }
0x4c: {  	[sflag:s26] =	ssyncadd.s32 $0xFFFFF060  }
0x4d: {  	[spmem:s2] =	stream.indirect.scatter.add.f32 [tilespmem:s21], [sflag:$0x5], $0x20, s19, s20, $0xb8;
	[tilespmem:$0x12CA0] =	vst v63  }
0x4e: {  	s7 =	simm.s32 $0x180  }
0x4f: {  	[tilespmem:s29], [sflag:$0x4] =	stream.indirect.gather [hbm4b:s4+s20], $0x20, s7, s20, $0xb8;
	[tilespmem:$0x12CA0] =	vst v63  }
0x50: {  	_ =	swait.ge [sflag:s30], $0xFA0  }
0x51: {  	[sflag:s30] =	ssyncset.done $0x0  }
0x52: {  	s24 =	simm.s32 $0x5080;
	[sflag:s30] =	ssyncadd.s32 $0xFFFFF060  }
0x53: {  	[spmem:s2] =	stream.indirect.scatter.add.f32 [tilespmem:s23], [sflag:$0x6], $0x20, s24, s20, $0xb8;
	[tilespmem:$0x12CA0] =	vst v63  }
0x54: {  	_ =	swait.ge [sflag:s0], $0xFA0  }
0x55: {  	[sflag:s0] =	ssyncset.done $0x0  }
0x56: {  	s31 =	simm.s32 $0x200;
	[sflag:s0] =	ssyncadd.s32 $0xFFFFF060  }
0x57: {  	[tilespmem:s21], [sflag:$0x1] =	stream.indirect.gather [hbm4b:s4+s20], $0x20, s31, s20, $0xb8;
	[tilespmem:$0x12CA0] =	vst v63  }
0x58: {  	_ =	swait.ge [sflag:s10], $0xFA0  }
0x59: {  	[sflag:s10] =	ssyncset.done $0x0  }
0x5a: {  	s6 =	simm.s32 $0x5100;
	[sflag:s10] =	ssyncadd.s32 $0xFFFFF060  }
0x5b: {  	[spmem:s2] =	stream.indirect.scatter.add.f32 [tilespmem:s25], [sflag:$0x7], $0x20, s6, s20, $0xb8;
	[tilespmem:$0x12CA0] =	vst v63  }
0x5c: {  	_ =	swait.ge [sflag:s12], $0xFA0  }
0x5d: {  	[sflag:s12] =	ssyncset.done $0x0  }
0x5e: {  	s7 =	simm.s32 $0x280;
	[sflag:s12] =	ssyncadd.s32 $0xFFFFF060  }
0x5f: {  	[tilespmem:s23], [sflag:$0x2] =	stream.indirect.gather [hbm4b:s4+s20], $0x20, s7, s20, $0xb8;
	[tilespmem:$0x12CA0] =	vst v63  }
0x60: {  	_ =	swait.ge [sflag:s22], $0xFA0  }
0x61: {  	[sflag:s22] =	ssyncset.done $0x0  }
0x62: {  	s24 =	simm.s32 $0x5180;
	[sflag:s22] =	ssyncadd.s32 $0xFFFFF060  }
0x63: {  	[spmem:s2] =	stream.indirect.scatter.add.f32 [tilespmem:s29], [sflag:$0x8], $0x20, s24, s20, $0xb8;
	[tilespmem:$0x12CA0] =	vst v63  }
0x64: {  	_ =	swait.ge [sflag:s28], $0xFA0  }
0x65: {  	[sflag:s28] =	ssyncset.done $0x0  }
0x66: {  	s31 =	simm.s32 $0x300;
	[sflag:s28] =	ssyncadd.s32 $0xFFFFF060  }
0x67: {  	[tilespmem:s25], [sflag:$0x3] =	stream.indirect.gather [hbm4b:s4+s20], $0x20, s31, s20, $0xb8;
	[tilespmem:$0x12CA0] =	vst v63  }
.LBB2_3:
0x68: {  	_ =	swait.ge [sflag:s26], $0xFA0  }
0x69: {  	s24 =	sshra.s32 s13, $0x2;
	[sflag:s26] =	ssyncset.done $0x0  }
0x6a: {  	s31 =	sadd.s32 $0x5200, s24;
	[sflag:s26] =	ssyncadd.s32 $0xFFFFF060  }
0x6b: {  	[spmem:s2] =	stream.indirect.scatter.add.f32 [tilespmem:s21], [sflag:$0x5], $0x20, s31, s20, $0xb8;
	[tilespmem:$0x12CA0] =	vst v63  }
0x6c: {  	_ =	swait.ge [sflag:s1], $0xFA0  }
0x6d: {  	[sflag:s1] =	ssyncset.done $0x0  }
0x6e: {  	s6 =	sadd.s32 $0x380, s24;
	[sflag:s1] =	ssyncadd.s32 $0xFFFFF060  }
0x6f: {  	[tilespmem:s29], [sflag:$0x4] =	stream.indirect.gather [hbm4b:s4+s20], $0x20, s6, s20, $0xb8;
	[tilespmem:$0x12CA0] =	vst v63  }
0x70: {  	_ =	swait.ge [sflag:s30], $0xFA0  }
0x71: {  	p2 =	seq.s32 s13, $0x13000;
	[sflag:s30] =	ssyncset.done $0x0  }
0x72: {  	s7 =	sadd.s32 $0x5280, s24;
	s31 =	simm.s32 @p2 $0x3;
	[sflag:s30] =	ssyncadd.s32 $0xFFFFF060  }
0x73: {  	[spmem:s2] =	stream.indirect.scatter.add.f32 [tilespmem:s23], [sflag:$0x6], $0x20, s7, s20, $0xb8;
	[tilespmem:$0x12CA0] =	vst v63  }
0x74: {  	_ =	swait.ge @p2 [sflag:s31], $0xFA0  }
0x75: {  	[sflag:s31] =	ssyncset.done @p2 $0x0  }
0x76: {  	[sflag:s31] =	ssyncadd.s32 @p2 $0xFFFFF060;
	s31 =	sshra.s32 @p2 s13, $0x2  }
0x77: {  	s3 =	simm.s32 @p2 $0x7D;
	s6 =	simm.s32 @p2 $0xBF40;
	s31 =	sadd.s32 @p2 $0x5300, s31  }
0x78: {  	[spmem:s2] =	stream.indirect.scatter.add.f32 @p2 [tilespmem:s6], [sflag:$0x7], $0x20, s31, s3, $0xb8;
	[tilespmem:$0x12CA0] =	vst v63  }
0x79: {  	s3 =	simm.s32 @!p2 $0x5  }
0x7a: {  	_ =	swait.ge @!p2 [sflag:s3], $0xFA0  }
0x7b: {  	[sflag:s3] =	ssyncset.done @!p2 $0x0  }
0x7c: {  	[sflag:s3] =	ssyncadd.s32 @!p2 $0xFFFFF060;
	s3 =	sshra.s32 @!p2 s13, $0x2  }
0x7d: {  	s7 =	simm.s32 @!p2 $0xA000;
	s31 =	simm.s32 @!p2 $0x7D;
	s6 =	sadd.s32 @!p2 $0x400, s3  }
0x7e: {  	[tilespmem:s7], [sflag:$0x1] =	stream.indirect.gather @!p2 [hbm4b:s4+s31], $0x20, s6, s31, $0xb8;
	[tilespmem:$0x12CA0] =	vst v63  }
0x7f: {  	s6 =	simm.s32 @!p2 $0x3  }
0x80: {  	_ =	swait.ge @!p2 [sflag:s6], $0xFA0  }
0x81: {  	[sflag:s6] =	ssyncset.done @!p2 $0x0  }
0x82: {  	s7 =	simm.s32 @!p2 $0xBF40;
	[sflag:s6] =	ssyncadd.s32 @!p2 $0xFFFFF060;
	s6 =	sadd.s32 @!p2 $0x5300, s3  }
0x83: {  	[spmem:s2] =	stream.indirect.scatter.add.f32 @!p2 [tilespmem:s7], [sflag:$0x7], $0x20, s6, s31, $0xb8;
	[tilespmem:$0x12CA0] =	vst v63  }
0x84: {  	s6 =	simm.s32 @!p2 $0x6  }
0x85: {  	_ =	swait.ge @!p2 [sflag:s6], $0xFA0  }
0x86: {  	[sflag:s6] =	ssyncset.done @!p2 $0x0  }
0x87: {  	s3 =	sadd.s32 @!p2 $0x480, s3;
	[sflag:s6] =	ssyncadd.s32 @!p2 $0xFFFFF060;
	s6 =	simm.s32 @!p2 $0xAFA0  }
0x88: {  	[tilespmem:s6], [sflag:$0x2] =	stream.indirect.gather @!p2 [hbm4b:s4+s31], $0x20, s3, s31, $0xb8;
	[tilespmem:$0x12CA0] =	vst v63  }
.Ltmp3:
0x89: {  	_ = 	snop;
	(pc) =	sbr.rel @p2 .LBB2_5-.Ltmp3, $4  }
0x8a: {  	_ =	swait.ge [sflag:s22], $0xFA0  }
0x8b: {  	[sflag:s22] =	ssyncset.done $0x0  }
0x8c: {  	s31 =	sadd.s32 $0x5380, s24;
	[sflag:s22] =	ssyncadd.s32 $0xFFFFF060  }
0x8d: {  	[spmem:s2] =	stream.indirect.scatter.add.f32 [tilespmem:s29], [sflag:$0x8], $0x20, s31, s20, $0xb8;
	[tilespmem:$0x12CA0] =	vst v63  }
.Ltmp4:
0x8e: {  	(pc) =	sbr.rel .LBB2_3-.Ltmp4, $4  }
0x8f: {  	_ =	swait.ge [sflag:s28], $0xFA0  }
0x90: {  	[sflag:s28] =	ssyncset.done $0x0  }
0x91: {  	s3 =	sadd.s32 $0x500, s24;
	s13 =	sadd.s32 $0x800, s13;
	[sflag:s28] =	ssyncadd.s32 $0xFFFFF060  }
0x92: {  	[tilespmem:s25], [sflag:$0x3] =	stream.indirect.gather [hbm4b:s4+s20], $0x20, s3, s20, $0xb8;
	[tilespmem:$0x12CA0] =	vst v63  }
.LBB2_6:
0x93: {  	[tilespmem:s21], [sflag:$0x1] =	stream.indirect.gather [hbm4b:s5+s20], $0x20, s13, s20, $0xb8;
	[tilespmem:$0x12CA0] =	vst v63  }
0x94: {  	s3 =	simm.s32 $0x80  }
0x95: {  	[tilespmem:s23], [sflag:$0x2] =	stream.indirect.gather [hbm4b:s5+s20], $0x20, s3, s20, $0xb8;
	[tilespmem:$0x12CA0] =	vst v63  }
0x96: {  	s6 =	simm.s32 $0x100  }
0x97: {  	[tilespmem:s25], [sflag:$0x3] =	stream.indirect.gather [hbm4b:s5+s20], $0x20, s6, s20, $0xb8;
	[tilespmem:$0x12CA0] =	vst v63  }
0x98: {  	_ =	swait.ge [sflag:s26], $0xFA0  }
0x99: {  	[sflag:s26] =	ssyncset.done $0x0  }
0x9a: {  	[sflag:s26] =	ssyncadd.s32 $0xFFFFF060  }
0x9b: {  	[spmem:s2] =	stream.indirect.scatter.add.f32 [tilespmem:s21], [sflag:$0x5], $0x20, s19, s20, $0xb8;
	[tilespmem:$0x12CA0] =	vst v63  }
0x9c: {  	s7 =	simm.s32 $0x180  }
0x9d: {  	[tilespmem:s29], [sflag:$0x4] =	stream.indirect.gather [hbm4b:s5+s20], $0x20, s7, s20, $0xb8;
	[tilespmem:$0x12CA0] =	vst v63  }
0x9e: {  	_ =	swait.ge [sflag:s30], $0xFA0  }
0x9f: {  	[sflag:s30] =	ssyncset.done $0x0  }
0xa0: {  	s24 =	simm.s32 $0x5080;
	[sflag:s30] =	ssyncadd.s32 $0xFFFFF060  }
0xa1: {  	[spmem:s2] =	stream.indirect.scatter.add.f32 [tilespmem:s23], [sflag:$0x6], $0x20, s24, s20, $0xb8;
	[tilespmem:$0x12CA0] =	vst v63  }
0xa2: {  	_ =	swait.ge [sflag:s0], $0xFA0  }
0xa3: {  	[sflag:s0] =	ssyncset.done $0x0  }
0xa4: {  	s31 =	simm.s32 $0x200;
	[sflag:s0] =	ssyncadd.s32 $0xFFFFF060  }
0xa5: {  	[tilespmem:s21], [sflag:$0x1] =	stream.indirect.gather [hbm4b:s5+s20], $0x20, s31, s20, $0xb8;
	[tilespmem:$0x12CA0] =	vst v63  }
0xa6: {  	_ =	swait.ge [sflag:s10], $0xFA0  }
0xa7: {  	[sflag:s10] =	ssyncset.done $0x0  }
0xa8: {  	s6 =	simm.s32 $0x5100;
	[sflag:s10] =	ssyncadd.s32 $0xFFFFF060  }
0xa9: {  	[spmem:s2] =	stream.indirect.scatter.add.f32 [tilespmem:s25], [sflag:$0x7], $0x20, s6, s20, $0xb8;
	[tilespmem:$0x12CA0] =	vst v63  }
0xaa: {  	_ =	swait.ge [sflag:s12], $0xFA0  }
0xab: {  	[sflag:s12] =	ssyncset.done $0x0  }
0xac: {  	s7 =	simm.s32 $0x280;
	[sflag:s12] =	ssyncadd.s32 $0xFFFFF060  }
0xad: {  	[tilespmem:s23], [sflag:$0x2] =	stream.indirect.gather [hbm4b:s5+s20], $0x20, s7, s20, $0xb8;
	[tilespmem:$0x12CA0] =	vst v63  }
0xae: {  	_ =	swait.ge [sflag:s22], $0xFA0  }
0xaf: {  	[sflag:s22] =	ssyncset.done $0x0  }
0xb0: {  	s24 =	simm.s32 $0x5180;
	[sflag:s22] =	ssyncadd.s32 $0xFFFFF060  }
0xb1: {  	[spmem:s2] =	stream.indirect.scatter.add.f32 [tilespmem:s29], [sflag:$0x8], $0x20, s24, s20, $0xb8;
	[tilespmem:$0x12CA0] =	vst v63  }
0xb2: {  	_ =	swait.ge [sflag:s28], $0xFA0  }
0xb3: {  	[sflag:s28] =	ssyncset.done $0x0  }
0xb4: {  	s31 =	simm.s32 $0x300;
	[sflag:s28] =	ssyncadd.s32 $0xFFFFF060  }
0xb5: {  	[tilespmem:s25], [sflag:$0x3] =	stream.indirect.gather [hbm4b:s5+s20], $0x20, s31, s20, $0xb8;
	[tilespmem:$0x12CA0] =	vst v63  }
.LBB2_7:
0xb6: {  	_ =	swait.ge [sflag:s26], $0xFA0  }
0xb7: {  	s24 =	sshra.s32 s13, $0x2;
	[sflag:s26] =	ssyncset.done $0x0  }
0xb8: {  	s3 =	sadd.s32 $0x5200, s24;
	[sflag:s26] =	ssyncadd.s32 $0xFFFFF060  }
0xb9: {  	[spmem:s2] =	stream.indirect.scatter.add.f32 [tilespmem:s21], [sflag:$0x5], $0x20, s3, s20, $0xb8;
	[tilespmem:$0x12CA0] =	vst v63  }
0xba: {  	_ =	swait.ge [sflag:s1], $0xFA0  }
0xbb: {  	[sflag:s1] =	ssyncset.done $0x0  }
0xbc: {  	s6 =	sadd.s32 $0x380, s24;
	[sflag:s1] =	ssyncadd.s32 $0xFFFFF060  }
0xbd: {  	[tilespmem:s29], [sflag:$0x4] =	stream.indirect.gather [hbm4b:s5+s20], $0x20, s6, s20, $0xb8;
	[tilespmem:$0x12CA0] =	vst v63  }
0xbe: {  	_ =	swait.ge [sflag:s30], $0xFA0  }
0xbf: {  	p2 =	seq.s32 s13, $0x13000;
	[sflag:s30] =	ssyncset.done $0x0  }
0xc0: {  	s7 =	sadd.s32 $0x5280, s24;
	s3 =	simm.s32 @p2 $0x3;
	[sflag:s30] =	ssyncadd.s32 $0xFFFFF060  }
0xc1: {  	[spmem:s2] =	stream.indirect.scatter.add.f32 [tilespmem:s23], [sflag:$0x6], $0x20, s7, s20, $0xb8;
	[tilespmem:$0x12CA0] =	vst v63  }
0xc2: {  	_ =	swait.ge @p2 [sflag:s3], $0xFA0  }
0xc3: {  	[sflag:s3] =	ssyncset.done @p2 $0x0  }
0xc4: {  	[sflag:s3] =	ssyncadd.s32 @p2 $0xFFFFF060;
	s3 =	sshra.s32 @p2 s13, $0x2  }
0xc5: {  	s6 =	simm.s32 @p2 $0x7D;
	s7 =	simm.s32 @p2 $0xBF40;
	s3 =	sadd.s32 @p2 $0x5300, s3  }
0xc6: {  	[spmem:s2] =	stream.indirect.scatter.add.f32 @p2 [tilespmem:s7], [sflag:$0x7], $0x20, s3, s6, $0xb8;
	[tilespmem:$0x12CA0] =	vst v63  }
0xc7: {  	s3 =	simm.s32 @!p2 $0x5  }
0xc8: {  	_ =	swait.ge @!p2 [sflag:s3], $0xFA0  }
0xc9: {  	[sflag:s3] =	ssyncset.done @!p2 $0x0  }
0xca: {  	[sflag:s3] =	ssyncadd.s32 @!p2 $0xFFFFF060;
	s3 =	sshra.s32 @!p2 s13, $0x2  }
0xcb: {  	s31 =	simm.s32 @!p2 $0xA000;
	s7 =	simm.s32 @!p2 $0x7D;
	s6 =	sadd.s32 @!p2 $0x400, s3  }
0xcc: {  	[tilespmem:s31], [sflag:$0x1] =	stream.indirect.gather @!p2 [hbm4b:s5+s7], $0x20, s6, s7, $0xb8;
	[tilespmem:$0x12CA0] =	vst v63  }
0xcd: {  	s6 =	simm.s32 @!p2 $0x3  }
0xce: {  	_ =	swait.ge @!p2 [sflag:s6], $0xFA0  }
0xcf: {  	[sflag:s6] =	ssyncset.done @!p2 $0x0  }
0xd0: {  	s31 =	simm.s32 @!p2 $0xBF40;
	[sflag:s6] =	ssyncadd.s32 @!p2 $0xFFFFF060;
	s6 =	sadd.s32 @!p2 $0x5300, s3  }
0xd1: {  	[spmem:s2] =	stream.indirect.scatter.add.f32 @!p2 [tilespmem:s31], [sflag:$0x7], $0x20, s6, s7, $0xb8;
	[tilespmem:$0x12CA0] =	vst v63  }
0xd2: {  	s6 =	simm.s32 @!p2 $0x6  }
0xd3: {  	_ =	swait.ge @!p2 [sflag:s6], $0xFA0  }
0xd4: {  	[sflag:s6] =	ssyncset.done @!p2 $0x0  }
0xd5: {  	s3 =	sadd.s32 @!p2 $0x480, s3;
	[sflag:s6] =	ssyncadd.s32 @!p2 $0xFFFFF060;
	s6 =	simm.s32 @!p2 $0xAFA0  }
0xd6: {  	[tilespmem:s6], [sflag:$0x2] =	stream.indirect.gather @!p2 [hbm4b:s5+s7], $0x20, s3, s7, $0xb8;
	[tilespmem:$0x12CA0] =	vst v63  }
.Ltmp5:
0xd7: {  	_ = 	snop;
	(pc) =	sbr.rel @p2 .LBB2_9-.Ltmp5, $4  }
0xd8: {  	_ =	swait.ge [sflag:s22], $0xFA0  }
0xd9: {  	[sflag:s22] =	ssyncset.done $0x0  }
0xda: {  	s31 =	sadd.s32 $0x5380, s24;
	[sflag:s22] =	ssyncadd.s32 $0xFFFFF060  }
0xdb: {  	[spmem:s2] =	stream.indirect.scatter.add.f32 [tilespmem:s29], [sflag:$0x8], $0x20, s31, s20, $0xb8;
	[tilespmem:$0x12CA0] =	vst v63  }
.Ltmp6:
0xdc: {  	(pc) =	sbr.rel .LBB2_7-.Ltmp6, $4  }
0xdd: {  	_ =	swait.ge [sflag:s28], $0xFA0  }
0xde: {  	[sflag:s28] =	ssyncset.done $0x0  }
0xdf: {  	s3 =	sadd.s32 $0x500, s24;
	s13 =	sadd.s32 $0x800, s13;
	[sflag:s28] =	ssyncadd.s32 $0xFFFFF060  }
0xe0: {  	[tilespmem:s25], [sflag:$0x3] =	stream.indirect.gather [hbm4b:s5+s20], $0x20, s3, s20, $0xb8;
	[tilespmem:$0x12CA0] =	vst v63  }
.LBB2_5:
0xe1: {  	_ =	swait.ge [sflag:s0], $0xFA0  }
0xe2: {  	[sflag:s0] =	ssyncset.done $0x0  }
0xe3: {  	[sflag:s0] =	ssyncadd.s32 $0xFFFFF060  }
0xe4: {  	_ =	swait.ge [sflag:s12], $0xFA0  }
0xe5: {  	[sflag:s12] =	ssyncset.done $0x0  }
0xe6: {  	[sflag:s12] =	ssyncadd.s32 $0xFFFFF060  }
0xe7: {  	_ =	swait.ge [sflag:s28], $0xFA0  }
0xe8: {  	[sflag:s28] =	ssyncset.done $0x0  }
0xe9: {  	[sflag:s28] =	ssyncadd.s32 $0xFFFFF060  }
0xea: {  	_ =	swait.ge [sflag:s1], $0xFA0  }
0xeb: {  	[sflag:s1] =	ssyncset.done $0x0  }
0xec: {  	[sflag:s1] =	ssyncadd.s32 $0xFFFFF060  }
0xed: {  	[bflag:$0x0] =	sbarrier.arrive $0xFFFF  }
0xee: {  	s3 =	simm.s32 @p0 $0x1FC9;
	s6 =	rddreg [dreg:$0x8]  }
0xef: {  	[hbm:s6], [sflag:s3] =	dma.local @p0 [spmem:s15], $0xA00  }
0xf0: {  	s3 =	simm.s32 @p0 $0x9  }
0xf1: {  	_ =	swait.ge @p0 [sflag:s3], $0xA00  }
0xf2: {  	[sflag:s3] =	ssyncset.done @p0 $0x0  }
0xf3: {  	[sflag:s3] =	ssyncadd.s32 @p0 $0xFFFFF600;
	s3 =	rddreg [dreg:$0x7]  }
0xf4: {  	[hbm:s3], [sflag:s16] =	dma.local @!p0 [spmem:s17], $0x9C0  }
.Ltmp7:
0xf5: {  	_ = 	snop;
	(pc) =	sbr.rel .LBB2_10-.Ltmp7, $4  }
0xf6: {  	s3 =	simm.s32 @!p0 $0x9  }
0xf7: {  	_ =	swait.ge @!p0 [sflag:s3], $0x9C0  }
0xf8: {  	[sflag:s3] =	ssyncset.done @!p0 $0x0  }
0xf9: {  	[sflag:s3] =	ssyncadd.s32 @!p0 $0xFFFFF640  }
.LBB2_11:
0xfa: {  	_ =	sfence.sel $0x180000  }
0xfb: {  	[bflag:$0x0] =	sbarrier.arrive $0xFFFF  }
0xfc: {  	_ =	strace $0x9000004D  }
0xfd: {  	s0 =	stileid.u32;
	[bflag:$0x2] =	sbarrier.arrive $0xFFFF  }
0xfe: {  	p0 =	sne.s32 s0, $0x0;
	s0 =	rddreg [dreg:$0x2]  }
0xff: {  	s0 =	sadd.s32 @!p0 $0x100000, s0  }
0x100: {  	[sflag:s0] =	ssyncadd.tile.s32 @!p0 $0x1;
	_ =	shalt  }
.Lfunc_end2:
_tile_overlayer_lowered:
.L_overlay_start_2:
0x101: {  	(tag) =	ssettag $0x2  }
0x102: {  	s0 =	rddreg [dreg:$0x0];
	s2 =	stileid.u32  }
0x103: {  	s1 =	rddreg [dreg:$0x1];
	p0 =	sne.s32 s2, $0x0  }
0x104: {  	s3 =	rddreg [dreg:$0x2];
	[bflag:$0x3] =	sbarrier.arrive $0xFFFF;
	s2 =	simm.s32 @!p0 $0x1C09  }
0x105: {  	[timem:s3], [sflag:s2] =	dma.local @!p0 [hbm:s0], s1  }
0x106: {  	s0 =	simm.s32 @!p0 $0x9  }
0x107: {  	_ =	swait.ge @!p0 [sflag:s0], s1  }
0x108: {  	s1 =	ssub.s32 @!p0 $0x0, s1;
	[sflag:s0] =	ssyncset.done @!p0 $0x0  }
0x109: {  	[sflag:s0] =	ssyncadd.s32 @!p0 s1  }
0x10a: {  	[bflag:$0x3] =	sbarrier.arrive $0xFFFF  }
0x10b: {  	_ =	shalt  }

// kernel: kernel.18.cloned.1.call-start
scs
__scs_entry_jumppad:
0x0: {  	(pc) =	sbr.rel $0x88, $3  }
0x1: {  	(tag) =	ssettag $0x0;
	lr =	simm.s32 $0x1  }
0x2: {  	[smem:$0x3F97] =	sst lr;
	_ =	strace $0xD0000000  }
0x3: {  	_ = 	snop  }
0x4: {  	_ = 	snop  }
0x5: {  	_ = 	snop  }
0x6: {  	_ = 	snop  }
0x7: {  	_ = 	snop  }
__scs_overlays_trampoline_lowered:
0x8: {  	[smem:$0x3FA6] =	sst s0  }
0x9: {  	[smem:$0x3FA7] =	sst s1  }
0xa: {  	[smem:$0x3FA8] =	sst s2  }
0xb: {  	[smem:$0x3FA9] =	sst s3  }
0xc: {  	[smem:$0x3FAA] =	sst s4  }
0xd: {  	[smem:$0x3FAB] =	sst s5  }
0xe: {  	[smem:$0x3FAC] =	sst s6  }
0xf: {  	[smem:$0x3FAD] =	sst s7  }
0x10: {  	[smem:$0x3FAE] =	sst s8  }
0x11: {  	[smem:$0x3FAF] =	sst s9;
	s0 =	simm.s32 @!p0 $0x0  }
0x12: {  	s1 =	sld [smem:$0x3F95];
	s0 =	simm.s32 @p0 $0x1  }
0x13: {  	[smem:$0x3FB0] =	sst s0;
	s0 =	simm.s32 @!p1 $0x0  }
0x14: {  	s2 =	sld [smem:$0x3F94];
	s0 =	simm.s32 @p1 $0x1  }
0x15: {  	[smem:$0x3FB1] =	sst s0;
	s0 =	simm.s32 @!p2 $0x0  }
0x16: {  	s3 =	sld [smem:$0x3FDB];
	s0 =	simm.s32 @p2 $0x1  }
0x17: {  	s4 =	simm.s32 $0x1BF5;
	[smem:$0x3FB3] =	sst s0  }
0x18: {  	s0 =	sld [smem:$0x3F96];
	_ =	swait.ge [sflag:s4], $0x0  }
0x19: {  	s7 =	sld [smem:$0x3F97]  }
0x1a: {  	s8 =	sadd.s32 $0xFFFFE003, lr  }
0x1b: {  	s9 =	sadd.s32 $0xFFFFFEF7, lr;
	s5 =	simm.s32 $0xFFFFFFFF;
	p2 =	slt.u32 s8, $0xFFFFF086  }
0x1c: {  	p1 =	slt.u32 s9, $0xF7A;
	s5 =	simm.s32 @!p2 $0x0  }
0x1d: {  	s5 =	simm.s32 @p1 $0x1;
	p0 =	seq.s32 s7, s2  }
0x1e: {  	s7 =	smul.u32 @!p0 $0xF7A, s2;
	p2 =	seq.s32 @!p0 s5, $0x0  }
0x1f: {  	s9 =	smul.u32 $0xF7A, s1;
	s8 =	simm.s32 @!p0 $0x1BF5;
	p2 =	por !p2, p0  }
0x20: {  	[sflag:s8] =	ssyncset.s32 @!p0 $0xFFFFF086;
	s6 =	sadd.s32 @!p0 s3, s7;
	s7 =	simm.s32 @!p0 $0x108  }
0x21: {  	s3 =	sadd.s32 s3, s9;
	s6 =	sadd.s32 @!p0 $0x88, s6;
	s7 =	simm.s32 @p2 $0x1082  }
0x22: {  	[simem:s7], [sflag:s8] =	dma.local @!p0 [hbm:s6], $0xF7A  }
0x23: {  	s9 =	sor.u32 $0xD0000000, s2;
	s6 =	simm.s32 $0x108;
	_ =	swait.ge @!p0 [sflag:s8], $0x0  }
0x24: {  	s3 =	sadd.s32 $0x88, s3;
	s6 =	simm.s32 @!p1 $0x1082;
	[sflag:s4] =	ssyncset.s32 $0xFFFFF086  }
0x25: {  	[simem:s6], [sflag:s4] =	dma.local [hbm:s3], $0xF7A  }
0x26: {  	[smem:$0x3F97] =	sst s1;
	(tag) =	ssettag s2;
	_ =	strace s9  }
0x27: {  	s1 =	sld [smem:$0x3FA7]  }
0x28: {  	s2 =	sld [smem:$0x3FA8]  }
0x29: {  	s4 =	sld [smem:$0x3FAA]  }
0x2a: {  	p0 =	seq.s32 s5, $0x0;
	s5 =	sld [smem:$0x3FAB]  }
0x2b: {  	s6 =	sld [smem:$0x3FAC]  }
0x2c: {  	s7 =	sld [smem:$0x3FAD]  }
0x2d: {  	s3 =	simm.s32 $0x108;
	s8 =	sld [smem:$0x3FAE]  }
0x2e: {  	s3 =	simm.s32 @!p0 $0x1082;
	s9 =	sld [smem:$0x3FAF]  }
0x2f: {  	lr =	sadd.s32 s0, s3;
	s0 =	sld [smem:$0x3FA6]  }
0x30: {  	s3 =	sld [smem:$0x3FA9]  }
0x31: {  	[smem:$0x3FB2] =	sst s10  }
0x32: {  	s10 =	sld [smem:$0x3FB0];
	_ =	sdelay $0x3  }
0x33: {  	p0 =	seq.s32 s10, $0x1;
	s10 =	sld [smem:$0x3FB2];
	_ =	sdelay $0x3  }
0x34: {  	[smem:$0x3FB2] =	sst s10  }
0x35: {  	s10 =	sld [smem:$0x3FB1];
	_ =	sdelay $0x3  }
0x36: {  	p1 =	seq.s32 s10, $0x1;
	s10 =	sld [smem:$0x3FB2];
	_ =	sdelay $0x3  }
0x37: {  	[smem:$0x3FB2] =	sst s10  }
0x38: {  	s10 =	sld [smem:$0x3FB3]  }
0x39: {  	_ = 	snop;
	(pc) =	sbr.ind lr, $3  }
0x3a: {  	_ = 	snop  }
0x3b: {  	_ = 	snop  }
0x3c: {  	p2 =	seq.s32 s10, $0x1;
	s10 =	sld [smem:$0x3FB2]  }
0x3d: {  	_ =	shalt  }
0x3e: {  	_ =	shalt  }
0x3f: {  	_ =	shalt  }
0x40: {  	_ =	shalt  }
0x41: {  	_ =	shalt  }
0x42: {  	_ =	shalt  }
0x43: {  	_ =	shalt  }
0x44: {  	_ =	shalt  }
0x45: {  	_ =	shalt  }
0x46: {  	_ =	shalt  }
0x47: {  	_ =	shalt  }
0x48: {  	_ =	shalt  }
0x49: {  	_ =	shalt  }
0x4a: {  	_ =	shalt  }
0x4b: {  	_ =	shalt  }
0x4c: {  	_ =	shalt  }
0x4d: {  	_ =	shalt  }
0x4e: {  	_ =	shalt  }
0x4f: {  	_ =	shalt  }
0x50: {  	_ =	shalt  }
0x51: {  	_ =	shalt  }
0x52: {  	_ =	shalt  }
0x53: {  	_ =	shalt  }
0x54: {  	_ =	shalt  }
0x55: {  	_ =	shalt  }
0x56: {  	_ =	shalt  }
0x57: {  	_ =	shalt  }
0x58: {  	_ =	shalt  }
0x59: {  	_ =	shalt  }
0x5a: {  	_ =	shalt  }
0x5b: {  	_ =	shalt  }
0x5c: {  	_ =	shalt  }
0x5d: {  	_ =	shalt  }
0x5e: {  	_ =	shalt  }
0x5f: {  	_ =	shalt  }
0x60: {  	_ =	shalt  }
0x61: {  	_ =	shalt  }
0x62: {  	_ =	shalt  }
0x63: {  	_ =	shalt  }
0x64: {  	_ =	shalt  }
0x65: {  	_ =	shalt  }
0x66: {  	_ =	shalt  }
0x67: {  	_ =	shalt  }
0x68: {  	_ =	shalt  }
0x69: {  	_ =	shalt  }
0x6a: {  	_ =	shalt  }
0x6b: {  	_ =	shalt  }
0x6c: {  	_ =	shalt  }
0x6d: {  	_ =	shalt  }
0x6e: {  	_ =	shalt  }
0x6f: {  	_ =	shalt  }
0x70: {  	_ =	shalt  }
0x71: {  	_ =	shalt  }
0x72: {  	_ =	shalt  }
0x73: {  	_ =	shalt  }
0x74: {  	_ =	shalt  }
0x75: {  	_ =	shalt  }
0x76: {  	_ =	shalt  }
0x77: {  	_ =	shalt  }
0x78: {  	_ =	shalt  }
0x79: {  	_ =	shalt  }
0x7a: {  	_ =	shalt  }
0x7b: {  	_ =	shalt  }
0x7c: {  	_ =	shalt  }
0x7d: {  	_ =	shalt  }
0x7e: {  	_ =	shalt  }
0x7f: {  	_ =	shalt  }
0x80: {  	_ =	shalt  }
0x81: {  	_ =	shalt  }
0x82: {  	_ =	shalt  }
0x83: {  	_ =	shalt  }
0x84: {  	_ =	shalt  }
0x85: {  	_ =	shalt  }
0x86: {  	_ =	shalt  }
0x87: {  	_ =	shalt  }
.Lfunc_end0:
.L_simem_size_0:
called_computation.4_lowered:
.L_overlay_start_0:
0x88: {  	s2 =	sld [smem:$0x3FD9]  }
0x89: {  	s3 =	sld [smem:$0x3FFE];
	_ =	sdelay $0x1  }
0x8a: {  	s1 =	srdreg.scid  }
0x8b: {  	s0 =	sand.u32 $0x1, s1  }
0x8c: {  	s17 =	sshll.u32 s0, $0xA;
	s2 =	sadd.s32 s3, s2  }
0x8d: {  	s2 =	sadd.s32 s2, s17  }
0x8e: {  	[smem:$0x3FBE] =	sst s2  }
0x8f: {  	_ = 	snop  }
0x90: {  	s2 =	sld [smem:$0x3FD0];
	(tm) =	ssettm $0x1  }
0x91: {  	s18 =	sld [smem:$0x3FFB];
	_ =	sdelay $0x3  }
0x92: {  	_ =	strace s18  }
0x93: {  	s3 =	sld [smem:$0x3FFC];
	_ =	sdelay $0x3  }
0x94: {  	_ =	strace s3  }
0x95: {  	s3 =	sld [smem:$0x3FFD];
	_ =	sdelay $0x3  }
0x96: {  	_ =	strace s3  }
0x97: {  	_ =	strace $0x8FFFFFFF  }
0x98: {  	s19 =	sld [smem:$0x3FDB];
	_ =	sdelay $0x1  }
0x99: {  	s4 =	simm.s32 $_scs_section_size  }
0x9a: {  	s5 =	simm.s32 $_size__tile_overlayer_lowered;
	s6 =	simm.s32 $_tile_overlayer_lowered  }
0x9b: {  	s22 =	simm.s32 $0x1BFF;
	s21 =	sshll.u32 s6, $0x1;
	s3 =	sadd.s32 s4, s19  }
0x9c: {  	s7 =	simm.s32 $0x0;
	s20 =	sshll.u32 s5, $0x1;
	s5 =	sadd.s32 s21, s3  }
0x9d: {  	[timem:s7], [sflag:s22] =	dma.local [hbm:s5], s20  }
0x9e: {  	_ =	swait.ge [sflag:s22], s20  }
0x9f: {  	s4 =	ssub.s32 $0x0, s20;
	[sflag:s22] =	ssyncset.done $0x0  }
0xa0: {  	[sflag:s22] =	ssyncadd.s32 s4;
	_ =	sdelay $0x1  }
0xa1: {  	s23 =	simm.s32 $0x1B8B  }
0xa2: {  	_ =	swait.ge [sflag:s23], $0x1  }
0xa3: {  	[sflag:s23] =	ssyncset.done $0x0  }
0xa4: {  	s25 =	simm.s32 $0x1B8E;
	s24 =	sld [smem:$0x3FFE];
	[sflag:s23] =	ssyncadd.s32 $0xFFFFFFFF  }
0xa5: {  	s26 =	simm.s32 $execute0_lowered;
	[smem:$0x3FD2] =	sst s25  }
0xa6: {  	s5 =	sshll.u32 s26, $0x1;
	_ =	strace $0x8000004F;
	[dreg:$0x1] =	wrdreg $0xFFFFFFFF  }
0xa7: {  	s28 =	simm.s32 $_size_execute0_lowered;
	s3 =	sadd.s32 s3, s5;
	[dreg:$0x0] =	wrdreg $0x0  }
0xa8: {  	s5 =	sshll.u32 s28, $0x1;
	[dreg:$0x2] =	wrdreg s3  }
0xa9: {  	[dreg:$0x3] =	wrdreg s5  }
0xaa: {  	[dreg:$0x4] =	wrdreg $0xC0  }
0xab: {  	_ =	task [dreg:s7], $0x5FFFF  }
0xac: {  	[dreg:$0x1] =	wrdreg $0xFFFFFFFF  }
0xad: {  	[dreg:$0x0] =	wrdreg $0x60  }
0xae: {  	[dreg:$0x2] =	wrdreg s2  }
0xaf: {  	[dreg:$0x3] =	wrdreg s24  }
0xb0: {  	[dreg:$0x4] =	wrdreg $0x9  }
0xb1: {  	_ =	task.clear_ibuf [dreg:s7], $0x5FFFF;
	_ =	strace $0x9000004F  }
0xb2: {  	s29 =	simm.s32 $0x9;
	_ =	strace $0x80000051  }
0xb3: {  	_ =	swait.ge [sflag:s29], $0x1  }
0xb4: {  	[sflag:s29] =	ssyncadd.s32 $0xFFFFFFFF  }
0xb5: {  	_ =	strace $0x90000051  }
0xb6: {  	_ =	sfence  }
0xb7: {  	s30 =	sld [smem:$0x0];
	_ =	sdelay $0x2  }
0xb8: {  	s31 =	sshll.u32 s1, $0xD;
	s1 =	sshrl.u32 s1, $0x2  }
0xb9: {  	s3 =	sand.u32 $0x4000, s31;
	s1 =	sadd.s32 s1, s30  }
0xba: {  	s0 =	sor.u32 s3, s0;
	s1 =	sshll.u32 s1, $0x11  }
0xbb: {  	s0 =	sor.u32 s1, s0  }
0xbc: {  	s0 =	sadd.s32 $0x8F2B, s0  }
0xbd: {  	[sflag:s0] =	ssyncadd.remote.s32 $0x1  }
0xbe: {  	_ =	sfence.sel $0xFFFF  }
0xbf: {  	[dreg:$0x0] =	wrdreg $0xFFFFFFFF;
	(pc) =	sbr.abs _section_cstart, $3  }
0xc0: {  	[dreg:$0x1] =	wrdreg $0xFFFFFFFF  }
0xc1: {  	_ =	task.clear_ibuf [dreg:s7], $0x2FFFF;
	_ =	strace $0x9FFFFFFF  }
0xc2: {  	(tm) =	ssettm $0x7FFFFFFF  }
0xc3: {  	_ =	shalt  }
tec
execute0_lowered:
.L_overlay_start_1:
0x0: {  	(tag) =	ssettag $0x1  }
0x1: {  	s1 =	rddreg [dreg:$0x0]  }
0x2: {  	s0 =	rddreg [dreg:$0x1];
	s2 =	srdreg.scid;
	s3 =	simm.s32 $0x0  }
0x3: {  	s6 =	stileid.u32;
	s11 =	simm.s32 $0x7;
	s13 =	simm.s32 $0x78  }
0x4: {  	s14 =	simm.s32 $0x2000;
	s15 =	simm.s32 $0x5C00;
	s16 =	simm.s32 $0x1  }
0x5: {  	s17 =	simm.s32 $0x2;
	s18 =	simm.s32 $0x9800;
	s19 =	simm.s32 $0xD400  }
0x6: {  	s20 =	simm.s32 $0x11000;
	s21 =	simm.s32 $0x3;
	s22 =	simm.s32 $0x4  }
0x7: {  	s23 =	simm.s32 $0x14C00;
	s24 =	simm.s32 $0x5;
	s2 =	sand.u32 $0x1, s2  }
0x8: {  	s25 =	simm.s32 $0x6;
	s26 =	simm.s32 $0x0;
	s5 =	sshll.u32 s2, $0x4  }
0x9: {  	[smem:$0x7FF] =	sst s3;
	s4 =	sadd.s32 $0x12A00, s0;
	s8 =	sor.u32 s6, s5  }
0xa: {  	_ =	strace $0x80000050;
	s2 =	ssub.s32 $0x2, s2;
	s7 =	smul.u32 $0x65400, s8  }
0xb: {  	s30 =	sshrl.u32 s2, $0x1;
	s5 =	sshll.u32 s8, $0x9;
	s8 =	smul.u32 $0xCA8, s8  }
0xc: {  	s9 =	sadd.s32 s5, s0;
	s5 =	sadd.s32 $0xA1800, s0;
	s31 =	sshrl.u32 s7, $0x3  }
0xd: {  	s0 =	ssub.s32 s2, s30;
	s6 =	sadd.s32 $0x9D800, s9;
	s2 =	sadd.s32 s5, s31  }
0xe: {  	s7 =	sadd.s32 $0xEA00, s9;
	s10 =	smax.u32 s0, $0x1;
	s9 =	sadd.s32 $0xC300, s2  }
.LBB2_1:
0xf: {  	[tilespmem:s3], [sflag:$0x7] =	stream.linear.gather [hbm4b:s6+s3], $0xD80, $0x38;
	[tilespmem:$0x18800] =	vst v63  }
0x10: {  	_ =	swait.ge [sflag:s11], $0xD80  }
0x11: {  	[sflag:s11] =	ssyncset.done $0x0  }
0x12: {  	s0 =	simm.s32 $0x1000;
	[sflag:s11] =	ssyncadd.s32 $0xFFFFF280  }
0x13: {  	[tilespmem:s0], [sflag:$0x7] =	stream.linear.gather [hbm4b:s7+s3], $0xD80, $0x38;
	[tilespmem:$0x18800] =	vst v63  }
0x14: {  	_ =	swait.ge [sflag:s11], $0xD80  }
0x15: {  	[sflag:s11] =	ssyncset.done $0x0  }
0x16: {  	[sflag:s11] =	ssyncadd.s32 $0xFFFFF280  }
0x17: {  	[tilespmem:s14], [sflag:$0x1] =	stream.indirect.gather [hbm4b:s1+s13], $0x80, s3, s13, $0xb8;
	[tilespmem:$0x18800] =	vst v63  }
0x18: {  	s28 =	simm.s32 $0x0  }
0x19: {  	[tilespmem:s15], [sflag:$0x2] =	stream.indirect.gather [hbm4b:s4+s13], $0x80, s0, s13, $0xb8;
	[tilespmem:$0x18800] =	vst v63  }
.LBB2_2:
0x1a: {  	_ =	swait.ge [sflag:s16], $0x3C00  }
0x1b: {  	[sflag:s16] =	ssyncset.done $0x0  }
0x1c: {  	[sflag:s16] =	ssyncadd.s32 $0xFFFFC400  }
0x1d: {  	_ =	swait.ge [sflag:s17], $0x3C00  }
0x1e: {  	s29 =	sshllo.u32 s28, $0x1;
	[sflag:s17] =	ssyncset.done $0x0  }
0x1f: {  	s0 =	sshll.u32 s29, $0x7;
	[sflag:s17] =	ssyncadd.s32 $0xFFFFC400  }
0x20: {  	[tilespmem:s18], [sflag:$0x3] =	stream.indirect.gather [hbm4b:s1+s13], $0x80, s0, s13, $0xb8;
	[tilespmem:$0x18800] =	vst v63  }
0x21: {  	p0 =	seq.s32 s28, $0x0;
	s0 =	sadd.s32 $0x1000, s0  }
0x22: {  	[tilespmem:s19], [sflag:$0x4] =	stream.indirect.gather [hbm4b:s4+s13], $0x80, s0, s13, $0xb8;
	[tilespmem:$0x18800] =	vst v63  }
0x23: {  	s0 =	simm.s32 @!p0 $0x5  }
0x24: {  	_ =	swait.ge @!p0 [sflag:s0], $0x3C00  }
0x25: {  	[sflag:s0] =	ssyncset.done @!p0 $0x0  }
0x26: {  	s30 =	simm.s32 $0x0;
	[sflag:s0] =	ssyncadd.s32 @!p0 $0xFFFFC400  }
0x27: {  	v0 =	vld [tilespmem:s30+$0x5C00]  }
0x28: {  	v1 =	vld [tilespmem:s30+$0x5C20]  }
0x29: {  	v2 =	vld [tilespmem:s30+$0x5C10]  }
0x2a: {  	v3 =	vld [tilespmem:s30+$0x2010]  }
0x2b: {  	v4 =	vld [tilespmem:s30+$0x2020]  }
0x2c: {  	v5 =	vld [tilespmem:s30+$0x2000]  }
0x2d: {  	v6 =	vld [tilespmem:s30+$0x2040]  }
0x2e: {  	v7 =	vld [tilespmem:s30+$0x5C40]  }
0x2f: {  	s31 =	simm.s32 $0x80;
	v8 =	vld [tilespmem:s30+$0x2030];
	v2 =	vadd.f32 v2, v3  }
0x30: {  	v9 =	vld [tilespmem:s31+$0x5C00];
	v1 =	vadd.f32 v1, v4  }
0x31: {  	v0 =	vadd.f32 v0, v5;
	v5 =	vld [tilespmem:s30+$0x5C30];
	v2 =	vsub.f32 $0.0e+00, v2  }
0x32: {  	v3 =	vld [tilespmem:s30+$0x2050];
	v1 =	vsub.f32 $0.0e+00, v1  }
0x33: {  	v4 =	vld [tilespmem:s30+$0x5C50];
	v6 =	vadd.f32 v7, v6;
	v0 =	vsub.f32 $0.0e+00, v0;
	v2 =	vmul.f32 $1.442695020e+00, v2  }
0x34: {  	v10 =	vld [tilespmem:s31+$0x2020];
	v1 =	vmul.f32 $1.442695020e+00, v1  }
0x35: {  	v6 =	vsub.f32 $0.0e+00, v6;
	v0 =	vmul.f32 $1.442695020e+00, v0;
	(erf) = vpow2.f32 v2;
	v2 =	vld [tilespmem:s31+$0x5C10]  }
0x36: {  	v5 =	vadd.f32 v5, v8;
	(erf) = vpow2.f32 v1;
	v1 =	vld [tilespmem:s31+$0x2010]  }
0x37: {  	v7 =	vld [tilespmem:s31+$0x5C20];
	v6 =	vmul.f32 $1.442695020e+00, v6;
	(erf) = vpow2.f32 v0  }
0x38: {  	s0 =	simm.s32 $0x100;
	v5 =	vsub.f32 $0.0e+00, v5;
	v0 =	vadd.f32 v4, v3;
	v3 =	vld [tilespmem:s31+$0x2000]  }
0x39: {  	v12 =	vld [tilespmem:s0+$0x5C00];
	(erf) = vpow2.f32 v6  }
0x3a: {  	v6 =	vld [tilespmem:s31+$0x2040];
	v5 =	vmul.f32 $1.442695020e+00, v5  }
0x3b: {  	v0 =	vsub.f32 $0.0e+00, v0;
	v1 =	vadd.f32 v2, v1;
	v2 =	vld [tilespmem:s31+$0x5C40]  }
0x3c: {  	v7 =	vadd.f32 v7, v10;
	v4 =	vld [tilespmem:s31+$0x2030];
	(erf) = vpow2.f32 v5  }
0x3d: {  	v0 =	vmul.f32 $1.442695020e+00, v0;
	v3 =	vadd.f32 v9, v3;
	v9 =	vld [tilespmem:s31+$0x5C30];
	v1 =	vsub.f32 $0.0e+00, v1  }
0x3e: {  	v8 =	vld [tilespmem:s31+$0x2050];
	v7 =	vsub.f32 $0.0e+00, v7;
	v10 =	vpop (erf)  }
0x3f: {  	v5 =	vld [tilespmem:s31+$0x5C50];
	(erf) = vpow2.f32 v0;
	v0 =	vsub.f32 $0.0e+00, v3;
	v11 =	vpop (erf);
	v1 =	vmul.f32 $1.442695020e+00, v1  }
0x40: {  	v13 =	vld [tilespmem:s0+$0x2020];
	v7 =	vmul.f32 $1.442695020e+00, v7;
	v2 =	vadd.f32 v2, v6;
	v6 =	vpop (erf)  }
0x41: {  	v3 =	vld [tilespmem:s0+$0x5C20];
	v14 =	vmul.f32 $1.442695020e+00, v0;
	(erf) = vpow2.f32 v1;
	v0 =	vadd.f32 $1.000000000e+00, v6  }
0x42: {  	v6 =	vld [tilespmem:s0+$0x5C10];
	v1 =	vadd.f32 v9, v4;
	v4 =	vpop (erf);
	v2 =	vsub.f32 $0.0e+00, v2;
	(erf) = vpow2.f32 v7  }
0x43: {  	v9 =	vld [tilespmem:s0+$0x2010];
	v4 =	vadd.f32 $1.000000000e+00, v4;
	(erf) = vrcp.f32 v0  }
0x44: {  	v5 =	vadd.f32 v5, v8;
	v0 =	vld [tilespmem:s0+$0x2030];
	v2 =	vmul.f32 $1.442695020e+00, v2;
	(erf) = vpow2.f32 v14  }
0x45: {  	v7 =	vsub.f32 $0.0e+00, v1;
	v14 =	vld [tilespmem:s0+$0x2000];
	(erf) = vrcp.f32 v4  }
0x46: {  	v5 =	vsub.f32 $0.0e+00, v5;
	v1 =	vld [tilespmem:s0+$0x2050];
	v8 =	vpop (erf);
	(erf) = vpow2.f32 v2;
	v2 =	vadd.f32 $1.000000000e+00, v10  }
0x47: {  	v11 =	vadd.f32 $1.000000000e+00, v11;
	v8 =	vadd.f32 $1.000000000e+00, v8;
	v4 =	vld [tilespmem:s0+$0x2040];
	v15 =	vmul.f32 $1.442695020e+00, v7  }
0x48: {  	v7 =	vmul.f32 $1.442695020e+00, v5;
	v5 =	vld [tilespmem:s0+$0x5C40];
	v10 =	vpop (erf);
	v6 =	vadd.f32 v6, v9;
	(erf) = vrcp.f32 v2  }
0x49: {  	v9 =	vadd.f32 $1.000000000e+00, v10;
	v10 =	vadd.f32 v3, v13;
	v3 =	vld [tilespmem:s0+$0x5C50];
	(erf) = vrcp.f32 v11  }
0x4a: {  	s2 =	simm.s32 $0x600;
	v11 =	vadd.f32 v12, v14;
	v12 =	vsub.f32 $0.0e+00, v6;
	v6 =	vld [tilespmem:s0+$0x5C30];
	v2 =	vpop (erf);
	(erf) = vpow2.f32 v15  }
.LBB2_3:
0x4b: {  	s12 =	sshra.s32 s2, $0x2;
	p1 =	sne.s32 s2, $0xEE00;
	s2 =	sadd.s32 $0x200, s2;
	v16 =	vsub.f32 $0.0e+00, v10;
	v13 =	vpop (erf);
	(erf) = vpow2.f32 v7  }
0x4c: {  	v14 =	vld [tilespmem:s12+$0x5C00];
	v7 =	vsub.f32 $0.0e+00, v11;
	v11 =	vmul.f32 $1.442695020e+00, v12;
	v12 =	vpop (erf);
	(erf) = vrcp.f32 v9  }
0x4d: {  	v15 =	vld [tilespmem:s12+$0x5C20];
	v9 =	vmul.f32 $1.442695020e+00, v16;
	v4 =	vadd.f32 v5, v4;
	v5 =	vpop (erf);
	[tilespmem:s30+$0x11000] =	vst v12;
	(erf) = vrcp.f32 v8  }
0x4e: {  	v8 =	vld [tilespmem:s12+$0x2020];
	v7 =	vmul.f32 $1.442695020e+00, v7;
	(erf) = vpow2.f32 v11;
	v12 =	vadd.f32 $1.000000000e+00, v5;
	v10 =	vpop (erf)  }
0x4f: {  	v11 =	vld [tilespmem:s12+$0x5C10];
	v6 =	vadd.f32 v6, v0;
	v4 =	vsub.f32 $0.0e+00, v4;
	(erf) = vpow2.f32 v9;
	v0 =	vpop (erf);
	[tilespmem:s30+$0x11040] =	vst v10  }
0x50: {  	v1 =	vadd.f32 v3, v1;
	v9 =	vld [tilespmem:s12+$0x2010];
	v10 =	vadd.f32 $1.000000000e+00, v0;
	(erf) = vrcp.f32 v12  }
0x51: {  	v0 =	vld [tilespmem:s12+$0x2030];
	v4 =	vmul.f32 $1.442695020e+00, v4;
	(erf) = vpow2.f32 v7;
	v5 =	vpop (erf)  }
0x52: {  	v6 =	vsub.f32 $0.0e+00, v6;
	v7 =	vsub.f32 $0.0e+00, v1;
	v12 =	vld [tilespmem:s12+$0x2000];
	(erf) = vrcp.f32 v10;
	[tilespmem:s30+$0x11010] =	vst v5;
	v3 =	vpop (erf)  }
.Ltmp0:
0x53: {  	v10 =	vadd.f32 $1.000000000e+00, v2;
	v1 =	vld [tilespmem:s12+$0x2050];
	(erf) = vpow2.f32 v4;
	v16 =	vpop (erf);
	[tilespmem:s30+$0x11020] =	vst v3;
	(pc) =	sbr.rel @p1 .LBB2_3-.Ltmp0, $4  }
0x54: {  	v17 =	vmul.f32 $1.442695020e+00, v6;
	v7 =	vmul.f32 $1.442695020e+00, v7;
	v6 =	vadd.f32 $1.000000000e+00, v13;
	v4 =	vld [tilespmem:s12+$0x2040];
	v3 =	vpop (erf)  }
0x55: {  	v13 =	vadd.f32 v11, v9;
	v5 =	vld [tilespmem:s12+$0x5C40];
	v9 =	vadd.f32 $1.000000000e+00, v3;
	(erf) = vrcp.f32 v10;
	v2 =	vpop (erf)  }
0x56: {  	v10 =	vadd.f32 v15, v8;
	v8 =	vadd.f32 $1.000000000e+00, v16;
	v3 =	vld [tilespmem:s12+$0x5C50];
	(erf) = vrcp.f32 v6;
	[tilespmem:s30+$0x11050] =	vst v2;
	v15 =	vpop (erf)  }
0x57: {  	v11 =	vadd.f32 v14, v12;
	v12 =	vsub.f32 $0.0e+00, v13;
	v6 =	vld [tilespmem:s12+$0x5C30];
	v2 =	vpop (erf);
	(erf) = vpow2.f32 v17;
	[tilespmem:s30+$0x11030] =	vst v15;
	s30 =	smov.u32 s31;
	s31 =	smov.u32 s0;
	s0 =	smov.u32 s12  }
0x58: {  	v10 =	vsub.f32 $0.0e+00, v10  }
0x59: {  	v13 =	vpop (erf);
	(erf) = vpow2.f32 v7;
	v7 =	vsub.f32 $0.0e+00, v11;
	v11 =	vmul.f32 $1.442695020e+00, v12  }
0x5a: {  	v12 =	vpop (erf);
	(erf) = vrcp.f32 v9;
	v9 =	vmul.f32 $1.442695020e+00, v10;
	v4 =	vadd.f32 v5, v4  }
0x5b: {  	v5 =	vpop (erf);
	(erf) = vrcp.f32 v8  }
0x5c: {  	(erf) = vpow2.f32 v11;
	v4 =	vsub.f32 $0.0e+00, v4  }
0x5d: {  	v5 =	vadd.f32 $1.000000000e+00, v5;
	v8 =	vpop (erf);
	v7 =	vmul.f32 $1.442695020e+00, v7;
	v1 =	vadd.f32 v3, v1  }
0x5e: {  	(erf) = vpow2.f32 v9;
	v0 =	vadd.f32 v6, v0;
	v9 =	vpop (erf);
	v3 =	vmul.f32 $1.442695020e+00, v4  }
0x5f: {  	(erf) = vrcp.f32 v5;
	v6 =	vadd.f32 $1.000000000e+00, v9  }
0x60: {  	v2 =	vadd.f32 $1.000000000e+00, v2;
	v0 =	vsub.f32 $0.0e+00, v0;
	(erf) = vpow2.f32 v7;
	v4 =	vpop (erf)  }
0x61: {  	v1 =	vsub.f32 $0.0e+00, v1;
	(erf) = vrcp.f32 v6;
	v5 =	vpop (erf);
	v6 =	vadd.f32 $1.000000000e+00, v13  }
0x62: {  	v0 =	vmul.f32 $1.442695020e+00, v0;
	(erf) = vpow2.f32 v3;
	v3 =	vpop (erf)  }
0x63: {  	v1 =	vmul.f32 $1.442695020e+00, v1;
	v7 =	vpop (erf)  }
0x64: {  	(erf) = vrcp.f32 v2;
	v2 =	vpop (erf)  }
0x65: {  	(erf) = vrcp.f32 v6;
	v6 =	vpop (erf)  }
0x66: {  	(erf) = vpow2.f32 v0;
	v0 =	vpop (erf)  }
0x67: {  	(erf) = vpow2.f32 v1;
	v1 =	vpop (erf)  }
0x68: {  	v9 =	vpop (erf)  }
0x69: {  	v7 =	vadd.f32 $1.000000000e+00, v7;
	v10 =	vpop (erf)  }
0x6a: {  	v3 =	vadd.f32 $1.000000000e+00, v3;
	v11 =	vpop (erf)  }
0x6b: {  	(erf) = vrcp.f32 v7;
	v13 =	vpop (erf)  }
0x6c: {  	(erf) = vrcp.f32 v3;
	v3 =	vadd.f32 $1.000000000e+00, v13  }
0x6d: {  	[tilespmem:s30+$0x11000] =	vst v12;
	v7 =	vadd.f32 $1.000000000e+00, v10;
	v10 =	vpop (erf)  }
0x6e: {  	[tilespmem:s30+$0x11040] =	vst v8;
	v8 =	vpop (erf)  }
0x6f: {  	[tilespmem:s30+$0x11010] =	vst v4;
	v0 =	vadd.f32 $1.000000000e+00, v0;
	(erf) = vrcp.f32 v7;
	v4 =	vpop (erf)  }
0x70: {  	[tilespmem:s30+$0x11020] =	vst v5;
	v1 =	vadd.f32 $1.000000000e+00, v1;
	(erf) = vrcp.f32 v3;
	v3 =	vpop (erf)  }
0x71: {  	[tilespmem:s30+$0x11050] =	vst v2;
	(erf) = vrcp.f32 v0;
	v2 =	vadd.f32 $1.000000000e+00, v3  }
0x72: {  	[tilespmem:s30+$0x11030] =	vst v6;
	v0 =	vadd.f32 $1.000000000e+00, v4;
	(erf) = vrcp.f32 v1  }
0x73: {  	[tilespmem:s31+$0x11000] =	vst v9;
	(erf) = vrcp.f32 v2  }
0x74: {  	[tilespmem:s31+$0x11040] =	vst v11;
	(erf) = vrcp.f32 v0  }
0x75: {  	[tilespmem:s31+$0x11010] =	vst v10  }
0x76: {  	[tilespmem:s31+$0x11020] =	vst v8;
	v0 =	vpop (erf)  }
0x77: {  	[tilespmem:s31+$0x11050] =	vst v0;
	v0 =	vpop (erf)  }
0x78: {  	[tilespmem:s31+$0x11030] =	vst v0;
	v0 =	vpop (erf)  }
0x79: {  	[tilespmem:s0+$0x11000] =	vst v0;
	v0 =	vpop (erf)  }
0x7a: {  	s2 =	smul.u32 $0xF0, s28;
	[tilespmem:s0+$0x11040] =	vst v0;
	v0 =	vpop (erf)  }
0x7b: {  	[tilespmem:s0+$0x11010] =	vst v0;
	v0 =	vpop (erf)  }
0x7c: {  	s2 =	sadd.s32 s8, s2;
	[tilespmem:s0+$0x11020] =	vst v0;
	v0 =	vpop (erf)  }
0x7d: {  	s2 =	sshll.u32 s2, $0x4;
	[tilespmem:s0+$0x11050] =	vst v0;
	v0 =	vpop (erf)  }
0x7e: {  	s2 =	sadd.s32 s5, s2;
	[tilespmem:s0+$0x11030] =	vst v0  }
0x7f: {  	[hbm4b:s2+s3] =	stream.linear.scatter [tilespmem:s20], [sflag:$0x5], $0x3C00, $0x38;
	[tilespmem:$0x18800] =	vst v63  }
0x80: {  	_ =	swait.ge [sflag:s21], $0x3C00  }
0x81: {  	[sflag:s21] =	ssyncset.done $0x0  }
0x82: {  	[sflag:s21] =	ssyncadd.s32 $0xFFFFC400  }
0x83: {  	_ =	swait.ge [sflag:s22], $0x3C00  }
0x84: {  	s0 =	sshll.u32 s28, $0x8;
	[sflag:s22] =	ssyncset.done $0x0  }
0x85: {  	s12 =	sadd.s32 $0x100, s0;
	[sflag:s22] =	ssyncadd.s32 $0xFFFFC400  }
0x86: {  	[tilespmem:s14], [sflag:$0x1] =	stream.indirect.gather [hbm4b:s1+s13], $0x80, s12, s13, $0xb8;
	[tilespmem:$0x18800] =	vst v63  }
0x87: {  	s0 =	sadd.s32 $0x1100, s0  }
0x88: {  	[tilespmem:s15], [sflag:$0x2] =	stream.indirect.gather [hbm4b:s4+s13], $0x80, s0, s13, $0xb8;
	[tilespmem:$0x18800] =	vst v63  }
0x89: {  	s0 =	simm.s32 @!p0 $0x6  }
0x8a: {  	_ =	swait.ge @!p0 [sflag:s0], $0x3C00  }
0x8b: {  	[sflag:s0] =	ssyncset.done @!p0 $0x0  }
0x8c: {  	s30 =	simm.s32 $0x0;
	[sflag:s0] =	ssyncadd.s32 @!p0 $0xFFFFC400  }
0x8d: {  	v0 =	vld [tilespmem:s30+$0xD400]  }
0x8e: {  	v1 =	vld [tilespmem:s30+$0xD420]  }
0x8f: {  	v2 =	vld [tilespmem:s30+$0xD410]  }
0x90: {  	v3 =	vld [tilespmem:s30+$0x9810]  }
0x91: {  	v4 =	vld [tilespmem:s30+$0x9820]  }
0x92: {  	v5 =	vld [tilespmem:s30+$0x9800]  }
0x93: {  	v6 =	vld [tilespmem:s30+$0x9840]  }
0x94: {  	v7 =	vld [tilespmem:s30+$0xD440]  }
0x95: {  	s31 =	simm.s32 $0x80;
	v8 =	vld [tilespmem:s30+$0x9830];
	v2 =	vadd.f32 v2, v3  }
0x96: {  	v9 =	vld [tilespmem:s31+$0xD400];
	v1 =	vadd.f32 v1, v4  }
0x97: {  	v0 =	vadd.f32 v0, v5;
	v5 =	vld [tilespmem:s30+$0xD430];
	v2 =	vsub.f32 $0.0e+00, v2  }
0x98: {  	v3 =	vld [tilespmem:s30+$0x9850];
	v1 =	vsub.f32 $0.0e+00, v1  }
0x99: {  	v4 =	vld [tilespmem:s30+$0xD450];
	v6 =	vadd.f32 v7, v6;
	v0 =	vsub.f32 $0.0e+00, v0;
	v2 =	vmul.f32 $1.442695020e+00, v2  }
0x9a: {  	v10 =	vld [tilespmem:s31+$0x9820];
	v1 =	vmul.f32 $1.442695020e+00, v1  }
0x9b: {  	v6 =	vsub.f32 $0.0e+00, v6;
	v0 =	vmul.f32 $1.442695020e+00, v0;
	(erf) = vpow2.f32 v2;
	v2 =	vld [tilespmem:s31+$0xD410]  }
0x9c: {  	v5 =	vadd.f32 v5, v8;
	(erf) = vpow2.f32 v1;
	v1 =	vld [tilespmem:s31+$0x9810]  }
0x9d: {  	v7 =	vld [tilespmem:s31+$0xD420];
	v6 =	vmul.f32 $1.442695020e+00, v6;
	(erf) = vpow2.f32 v0  }
0x9e: {  	s0 =	simm.s32 $0x100;
	v5 =	vsub.f32 $0.0e+00, v5;
	v0 =	vadd.f32 v4, v3;
	v3 =	vld [tilespmem:s31+$0x9800]  }
0x9f: {  	v12 =	vld [tilespmem:s0+$0xD400];
	(erf) = vpow2.f32 v6  }
0xa0: {  	v6 =	vld [tilespmem:s31+$0x9840];
	v5 =	vmul.f32 $1.442695020e+00, v5  }
0xa1: {  	v0 =	vsub.f32 $0.0e+00, v0;
	v1 =	vadd.f32 v2, v1;
	v2 =	vld [tilespmem:s31+$0xD440]  }
0xa2: {  	v7 =	vadd.f32 v7, v10;
	v4 =	vld [tilespmem:s31+$0x9830];
	(erf) = vpow2.f32 v5  }
0xa3: {  	v0 =	vmul.f32 $1.442695020e+00, v0;
	v3 =	vadd.f32 v9, v3;
	v9 =	vld [tilespmem:s31+$0xD430];
	v1 =	vsub.f32 $0.0e+00, v1  }
0xa4: {  	v8 =	vld [tilespmem:s31+$0x9850];
	v7 =	vsub.f32 $0.0e+00, v7;
	v10 =	vpop (erf)  }
0xa5: {  	v5 =	vld [tilespmem:s31+$0xD450];
	(erf) = vpow2.f32 v0;
	v0 =	vsub.f32 $0.0e+00, v3;
	v11 =	vpop (erf);
	v1 =	vmul.f32 $1.442695020e+00, v1  }
0xa6: {  	v13 =	vld [tilespmem:s0+$0x9820];
	v7 =	vmul.f32 $1.442695020e+00, v7;
	v2 =	vadd.f32 v2, v6;
	v6 =	vpop (erf)  }
0xa7: {  	v3 =	vld [tilespmem:s0+$0xD420];
	v14 =	vmul.f32 $1.442695020e+00, v0;
	(erf) = vpow2.f32 v1;
	v0 =	vadd.f32 $1.000000000e+00, v6  }
0xa8: {  	v6 =	vld [tilespmem:s0+$0xD410];
	v1 =	vadd.f32 v9, v4;
	v4 =	vpop (erf);
	v2 =	vsub.f32 $0.0e+00, v2;
	(erf) = vpow2.f32 v7  }
0xa9: {  	v9 =	vld [tilespmem:s0+$0x9810];
	v4 =	vadd.f32 $1.000000000e+00, v4;
	(erf) = vrcp.f32 v0  }
0xaa: {  	v5 =	vadd.f32 v5, v8;
	v0 =	vld [tilespmem:s0+$0x9830];
	v2 =	vmul.f32 $1.442695020e+00, v2;
	(erf) = vpow2.f32 v14  }
0xab: {  	v7 =	vsub.f32 $0.0e+00, v1;
	v14 =	vld [tilespmem:s0+$0x9800];
	(erf) = vrcp.f32 v4  }
0xac: {  	v5 =	vsub.f32 $0.0e+00, v5;
	v1 =	vld [tilespmem:s0+$0x9850];
	v8 =	vpop (erf);
	(erf) = vpow2.f32 v2;
	v2 =	vadd.f32 $1.000000000e+00, v10  }
0xad: {  	v11 =	vadd.f32 $1.000000000e+00, v11;
	v8 =	vadd.f32 $1.000000000e+00, v8;
	v4 =	vld [tilespmem:s0+$0x9840];
	v15 =	vmul.f32 $1.442695020e+00, v7  }
0xae: {  	v7 =	vmul.f32 $1.442695020e+00, v5;
	v5 =	vld [tilespmem:s0+$0xD440];
	v10 =	vpop (erf);
	v6 =	vadd.f32 v6, v9;
	(erf) = vrcp.f32 v2  }
0xaf: {  	v9 =	vadd.f32 $1.000000000e+00, v10;
	v10 =	vadd.f32 v3, v13;
	v3 =	vld [tilespmem:s0+$0xD450];
	(erf) = vrcp.f32 v11  }
0xb0: {  	s2 =	simm.s32 $0x600;
	v11 =	vadd.f32 v12, v14;
	v12 =	vsub.f32 $0.0e+00, v6;
	v6 =	vld [tilespmem:s0+$0xD430];
	v2 =	vpop (erf);
	(erf) = vpow2.f32 v15  }
.LBB2_5:
0xb1: {  	s12 =	sshra.s32 s2, $0x2;
	p0 =	sne.s32 s2, $0xEE00;
	s2 =	sadd.s32 $0x200, s2;
	v16 =	vsub.f32 $0.0e+00, v10;
	v13 =	vpop (erf);
	(erf) = vpow2.f32 v7  }
0xb2: {  	v14 =	vld [tilespmem:s12+$0xD400];
	v7 =	vsub.f32 $0.0e+00, v11;
	v11 =	vmul.f32 $1.442695020e+00, v12;
	v12 =	vpop (erf);
	(erf) = vrcp.f32 v9  }
0xb3: {  	v15 =	vld [tilespmem:s12+$0xD420];
	v9 =	vmul.f32 $1.442695020e+00, v16;
	v4 =	vadd.f32 v5, v4;
	v5 =	vpop (erf);
	[tilespmem:s30+$0x14C00] =	vst v12;
	(erf) = vrcp.f32 v8  }
0xb4: {  	v8 =	vld [tilespmem:s12+$0x9820];
	v7 =	vmul.f32 $1.442695020e+00, v7;
	(erf) = vpow2.f32 v11;
	v12 =	vadd.f32 $1.000000000e+00, v5;
	v10 =	vpop (erf)  }
0xb5: {  	v11 =	vld [tilespmem:s12+$0xD410];
	v6 =	vadd.f32 v6, v0;
	v4 =	vsub.f32 $0.0e+00, v4;
	(erf) = vpow2.f32 v9;
	v0 =	vpop (erf);
	[tilespmem:s30+$0x14C40] =	vst v10  }
0xb6: {  	v1 =	vadd.f32 v3, v1;
	v9 =	vld [tilespmem:s12+$0x9810];
	v10 =	vadd.f32 $1.000000000e+00, v0;
	(erf) = vrcp.f32 v12  }
0xb7: {  	v0 =	vld [tilespmem:s12+$0x9830];
	v4 =	vmul.f32 $1.442695020e+00, v4;
	(erf) = vpow2.f32 v7;
	v5 =	vpop (erf)  }
0xb8: {  	v6 =	vsub.f32 $0.0e+00, v6;
	v7 =	vsub.f32 $0.0e+00, v1;
	v12 =	vld [tilespmem:s12+$0x9800];
	(erf) = vrcp.f32 v10;
	[tilespmem:s30+$0x14C10] =	vst v5;
	v3 =	vpop (erf)  }
.Ltmp1:
0xb9: {  	v10 =	vadd.f32 $1.000000000e+00, v2;
	v1 =	vld [tilespmem:s12+$0x9850];
	(erf) = vpow2.f32 v4;
	v16 =	vpop (erf);
	[tilespmem:s30+$0x14C20] =	vst v3;
	(pc) =	sbr.rel @p0 .LBB2_5-.Ltmp1, $4  }
0xba: {  	v17 =	vmul.f32 $1.442695020e+00, v6;
	v7 =	vmul.f32 $1.442695020e+00, v7;
	v6 =	vadd.f32 $1.000000000e+00, v13;
	v4 =	vld [tilespmem:s12+$0x9840];
	v3 =	vpop (erf)  }
0xbb: {  	v13 =	vadd.f32 v11, v9;
	v5 =	vld [tilespmem:s12+$0xD440];
	v9 =	vadd.f32 $1.000000000e+00, v3;
	(erf) = vrcp.f32 v10;
	v2 =	vpop (erf)  }
0xbc: {  	v10 =	vadd.f32 v15, v8;
	v8 =	vadd.f32 $1.000000000e+00, v16;
	v3 =	vld [tilespmem:s12+$0xD450];
	(erf) = vrcp.f32 v6;
	[tilespmem:s30+$0x14C50] =	vst v2;
	v15 =	vpop (erf)  }
0xbd: {  	v11 =	vadd.f32 v14, v12;
	v12 =	vsub.f32 $0.0e+00, v13;
	v6 =	vld [tilespmem:s12+$0xD430];
	v2 =	vpop (erf);
	(erf) = vpow2.f32 v17;
	[tilespmem:s30+$0x14C30] =	vst v15;
	s30 =	smov.u32 s31;
	s31 =	smov.u32 s0;
	s0 =	smov.u32 s12  }
0xbe: {  	v10 =	vsub.f32 $0.0e+00, v10;
	v13 =	vpop (erf);
	(erf) = vpow2.f32 v7  }
0xbf: {  	v26 =	vsub.f32 $0.0e+00, v11;
	v27 =	vmul.f32 $1.442695020e+00, v12;
	v28 =	vpop (erf);
	(erf) = vrcp.f32 v9  }
0xc0: {  	v29 =	vmul.f32 $1.442695020e+00, v10;
	v4 =	vadd.f32 v5, v4;
	v30 =	vpop (erf);
	(erf) = vrcp.f32 v8  }
0xc1: {  	(erf) = vpow2.f32 v27;
	v5 =	vadd.f32 $1.000000000e+00, v30;
	v31 =	vpop (erf)  }
0xc2: {  	v7 =	vmul.f32 $1.442695020e+00, v26;
	v4 =	vsub.f32 $0.0e+00, v4;
	(erf) = vpow2.f32 v29;
	v32 =	vpop (erf)  }
0xc3: {  	v0 =	vadd.f32 v6, v0;
	v33 =	vadd.f32 $1.000000000e+00, v32;
	(erf) = vrcp.f32 v5  }
0xc4: {  	v1 =	vadd.f32 v3, v1;
	v34 =	vmul.f32 $1.442695020e+00, v4;
	(erf) = vpow2.f32 v7;
	v35 =	vpop (erf)  }
0xc5: {  	v2 =	vadd.f32 $1.000000000e+00, v2;
	v0 =	vsub.f32 $0.0e+00, v0;
	(erf) = vrcp.f32 v33;
	v36 =	vpop (erf)  }
0xc6: {  	v38 =	vadd.f32 $1.000000000e+00, v13;
	v1 =	vsub.f32 $0.0e+00, v1;
	(erf) = vpow2.f32 v34;
	v37 =	vpop (erf)  }
0xc7: {  	v0 =	vmul.f32 $1.442695020e+00, v0;
	v39 =	vpop (erf);
	(erf) = vrcp.f32 v2  }
0xc8: {  	v1 =	vmul.f32 $1.442695020e+00, v1;
	v40 =	vpop (erf);
	(erf) = vrcp.f32 v38  }
0xc9: {  	v41 =	vpop (erf);
	(erf) = vpow2.f32 v0  }
0xca: {  	v42 =	vpop (erf);
	(erf) = vpow2.f32 v1  }
0xcb: {  	v43 =	vpop (erf)  }
0xcc: {  	v44 =	vpop (erf)  }
0xcd: {  	v45 =	vpop (erf)  }
0xce: {  	v7 =	vadd.f32 $1.000000000e+00, v39;
	v46 =	vpop (erf)  }
0xcf: {  	v3 =	vadd.f32 $1.000000000e+00, v37;
	v47 =	vpop (erf)  }
0xd0: {  	[tilespmem:s30+$0x14C00] =	vst v28;
	(erf) = vrcp.f32 v7;
	v48 =	vadd.f32 $1.000000000e+00, v45;
	v49 =	vpop (erf)  }
0xd1: {  	[tilespmem:s30+$0x14C40] =	vst v31;
	(erf) = vrcp.f32 v3;
	v50 =	vadd.f32 $1.000000000e+00, v47;
	v51 =	vpop (erf)  }
0xd2: {  	[tilespmem:s30+$0x14C10] =	vst v35;
	v0 =	vadd.f32 $1.000000000e+00, v42;
	(erf) = vrcp.f32 v48;
	v52 =	vpop (erf)  }
0xd3: {  	[tilespmem:s30+$0x14C20] =	vst v36;
	v1 =	vadd.f32 $1.000000000e+00, v43;
	(erf) = vrcp.f32 v50;
	v53 =	vpop (erf)  }
0xd4: {  	[tilespmem:s30+$0x14C50] =	vst v40;
	(erf) = vrcp.f32 v0;
	v54 =	vadd.f32 $1.000000000e+00, v53  }
0xd5: {  	[tilespmem:s30+$0x14C30] =	vst v41;
	v55 =	vadd.f32 $1.000000000e+00, v52;
	(erf) = vrcp.f32 v1  }
0xd6: {  	[tilespmem:s31+$0x14C00] =	vst v44;
	(erf) = vrcp.f32 v54  }
0xd7: {  	[tilespmem:s31+$0x14C40] =	vst v46;
	(erf) = vrcp.f32 v55  }
0xd8: {  	[tilespmem:s31+$0x14C10] =	vst v49  }
0xd9: {  	[tilespmem:s31+$0x14C20] =	vst v51;
	v56 =	vpop (erf)  }
0xda: {  	[tilespmem:s31+$0x14C50] =	vst v56;
	v57 =	vpop (erf)  }
0xdb: {  	[tilespmem:s31+$0x14C30] =	vst v57;
	v58 =	vpop (erf)  }
0xdc: {  	s28 =	sadd.s32 $0x1, s28;
	[tilespmem:s0+$0x14C00] =	vst v58;
	v59 =	vpop (erf)  }
0xdd: {  	s2 =	smul.u32 $0x78, s29;
	p0 =	sne.s32 s28, $0xD;
	[tilespmem:s0+$0x14C40] =	vst v59;
	v60 =	vpop (erf)  }
.Ltmp2:
0xde: {  	[tilespmem:s0+$0x14C10] =	vst v60;
	v61 =	vpop (erf);
	(pc) =	sbr.rel @p0 .LBB2_2-.Ltmp2, $4  }
0xdf: {  	s2 =	sadd.s32 s8, s2;
	[tilespmem:s0+$0x14C20] =	vst v61;
	v62 =	vpop (erf)  }
0xe0: {  	s2 =	sshll.u32 s2, $0x4;
	[tilespmem:s0+$0x14C50] =	vst v62;
	v63 =	vpop (erf)  }
0xe1: {  	s31 =	sadd.s32 s5, s2;
	[tilespmem:s0+$0x14C30] =	vst v63  }
0xe2: {  	[hbm4b:s31+s3] =	stream.linear.scatter [tilespmem:s23], [sflag:$0x6], $0x3C00, $0x38;
	[tilespmem:$0x18800] =	vst v63  }
0xe3: {  	_ =	swait.ge [sflag:s16], $0x3C00  }
0xe4: {  	[sflag:s16] =	ssyncset.done $0x0  }
0xe5: {  	[sflag:s16] =	ssyncadd.s32 $0xFFFFC400  }
0xe6: {  	_ =	swait.ge [sflag:s17], $0x3C00  }
0xe7: {  	[sflag:s17] =	ssyncset.done $0x0  }
0xe8: {  	[sflag:s17] =	ssyncadd.s32 $0xFFFFC400  }
0xe9: {  	_ =	swait.ge [sflag:s24], $0x3C00  }
0xea: {  	[sflag:s24] =	ssyncset.done $0x0  }
0xeb: {  	s28 =	simm.s32 $0x0;
	[sflag:s24] =	ssyncadd.s32 $0xFFFFC400  }
0xec: {  	v0 =	vld [tilespmem:s28+$0x5C00]  }
0xed: {  	v1 =	vld [tilespmem:s28+$0x5C20]  }
0xee: {  	v2 =	vld [tilespmem:s28+$0x5C10]  }
0xef: {  	v3 =	vld [tilespmem:s28+$0x2010]  }
0xf0: {  	v4 =	vld [tilespmem:s28+$0x2020]  }
0xf1: {  	v5 =	vld [tilespmem:s28+$0x2000]  }
0xf2: {  	v6 =	vld [tilespmem:s28+$0x2040]  }
0xf3: {  	v7 =	vld [tilespmem:s28+$0x5C40]  }
0xf4: {  	s29 =	simm.s32 $0x80;
	v8 =	vld [tilespmem:s28+$0x2030];
	v2 =	vadd.f32 v2, v3  }
0xf5: {  	v9 =	vld [tilespmem:s29+$0x5C00];
	v1 =	vadd.f32 v1, v4  }
0xf6: {  	v0 =	vadd.f32 v0, v5;
	v5 =	vld [tilespmem:s28+$0x5C30];
	v2 =	vsub.f32 $0.0e+00, v2  }
0xf7: {  	v3 =	vld [tilespmem:s28+$0x2050];
	v1 =	vsub.f32 $0.0e+00, v1  }
0xf8: {  	v4 =	vld [tilespmem:s28+$0x5C50];
	v6 =	vadd.f32 v7, v6;
	v0 =	vsub.f32 $0.0e+00, v0;
	v2 =	vmul.f32 $1.442695020e+00, v2  }
0xf9: {  	v10 =	vld [tilespmem:s29+$0x2020];
	v1 =	vmul.f32 $1.442695020e+00, v1  }
0xfa: {  	v6 =	vsub.f32 $0.0e+00, v6;
	v0 =	vmul.f32 $1.442695020e+00, v0;
	(erf) = vpow2.f32 v2;
	v2 =	vld [tilespmem:s29+$0x5C10]  }
0xfb: {  	v5 =	vadd.f32 v5, v8;
	(erf) = vpow2.f32 v1;
	v1 =	vld [tilespmem:s29+$0x2010]  }
0xfc: {  	v7 =	vld [tilespmem:s29+$0x5C20];
	v6 =	vmul.f32 $1.442695020e+00, v6;
	(erf) = vpow2.f32 v0  }
0xfd: {  	s0 =	simm.s32 $0x100;
	v5 =	vsub.f32 $0.0e+00, v5;
	v0 =	vadd.f32 v4, v3;
	v3 =	vld [tilespmem:s29+$0x2000]  }
0xfe: {  	v12 =	vld [tilespmem:s0+$0x5C00];
	(erf) = vpow2.f32 v6  }
0xff: {  	v6 =	vld [tilespmem:s29+$0x2040];
	v5 =	vmul.f32 $1.442695020e+00, v5  }
0x100: {  	v0 =	vsub.f32 $0.0e+00, v0;
	v1 =	vadd.f32 v2, v1;
	v2 =	vld [tilespmem:s29+$0x5C40]  }
0x101: {  	v7 =	vadd.f32 v7, v10;
	v4 =	vld [tilespmem:s29+$0x2030];
	(erf) = vpow2.f32 v5  }
0x102: {  	v0 =	vmul.f32 $1.442695020e+00, v0;
	v3 =	vadd.f32 v9, v3;
	v9 =	vld [tilespmem:s29+$0x5C30];
	v1 =	vsub.f32 $0.0e+00, v1  }
0x103: {  	v8 =	vld [tilespmem:s29+$0x2050];
	v7 =	vsub.f32 $0.0e+00, v7;
	v10 =	vpop (erf)  }
0x104: {  	v5 =	vld [tilespmem:s29+$0x5C50];
	(erf) = vpow2.f32 v0;
	v0 =	vsub.f32 $0.0e+00, v3;
	v11 =	vpop (erf);
	v1 =	vmul.f32 $1.442695020e+00, v1  }
0x105: {  	v13 =	vld [tilespmem:s0+$0x2020];
	v7 =	vmul.f32 $1.442695020e+00, v7;
	v2 =	vadd.f32 v2, v6;
	v6 =	vpop (erf)  }
0x106: {  	v3 =	vld [tilespmem:s0+$0x5C20];
	v14 =	vmul.f32 $1.442695020e+00, v0;
	(erf) = vpow2.f32 v1;
	v0 =	vadd.f32 $1.000000000e+00, v6  }
0x107: {  	v6 =	vld [tilespmem:s0+$0x5C10];
	v1 =	vadd.f32 v9, v4;
	v4 =	vpop (erf);
	v2 =	vsub.f32 $0.0e+00, v2;
	(erf) = vpow2.f32 v7  }
0x108: {  	v9 =	vld [tilespmem:s0+$0x2010];
	v4 =	vadd.f32 $1.000000000e+00, v4;
	(erf) = vrcp.f32 v0  }
0x109: {  	v5 =	vadd.f32 v5, v8;
	v0 =	vld [tilespmem:s0+$0x2030];
	v2 =	vmul.f32 $1.442695020e+00, v2;
	(erf) = vpow2.f32 v14  }
0x10a: {  	v7 =	vsub.f32 $0.0e+00, v1;
	v14 =	vld [tilespmem:s0+$0x2000];
	(erf) = vrcp.f32 v4  }
0x10b: {  	v5 =	vsub.f32 $0.0e+00, v5;
	v1 =	vld [tilespmem:s0+$0x2050];
	v8 =	vpop (erf);
	(erf) = vpow2.f32 v2;
	v2 =	vadd.f32 $1.000000000e+00, v10  }
0x10c: {  	v11 =	vadd.f32 $1.000000000e+00, v11;
	v8 =	vadd.f32 $1.000000000e+00, v8;
	v4 =	vld [tilespmem:s0+$0x2040];
	v15 =	vmul.f32 $1.442695020e+00, v7  }
0x10d: {  	v7 =	vmul.f32 $1.442695020e+00, v5;
	v5 =	vld [tilespmem:s0+$0x5C40];
	v10 =	vpop (erf);
	v6 =	vadd.f32 v6, v9;
	(erf) = vrcp.f32 v2  }
0x10e: {  	v9 =	vadd.f32 $1.000000000e+00, v10;
	v10 =	vadd.f32 v3, v13;
	v3 =	vld [tilespmem:s0+$0x5C50];
	(erf) = vrcp.f32 v11  }
0x10f: {  	s2 =	simm.s32 $0x600;
	v11 =	vadd.f32 v12, v14;
	v12 =	vsub.f32 $0.0e+00, v6;
	v6 =	vld [tilespmem:s0+$0x5C30];
	v2 =	vpop (erf);
	(erf) = vpow2.f32 v15  }
.LBB2_8:
0x110: {  	s12 =	sshra.s32 s2, $0x2;
	p0 =	sne.s32 s2, $0xEE00;
	s2 =	sadd.s32 $0x200, s2;
	v16 =	vsub.f32 $0.0e+00, v10;
	v13 =	vpop (erf);
	(erf) = vpow2.f32 v7  }
0x111: {  	v14 =	vld [tilespmem:s12+$0x5C00];
	v7 =	vsub.f32 $0.0e+00, v11;
	v11 =	vmul.f32 $1.442695020e+00, v12;
	v12 =	vpop (erf);
	(erf) = vrcp.f32 v9  }
0x112: {  	v15 =	vld [tilespmem:s12+$0x5C20];
	v9 =	vmul.f32 $1.442695020e+00, v16;
	v4 =	vadd.f32 v5, v4;
	v5 =	vpop (erf);
	[tilespmem:s28+$0x11000] =	vst v12;
	(erf) = vrcp.f32 v8  }
0x113: {  	v8 =	vld [tilespmem:s12+$0x2020];
	v7 =	vmul.f32 $1.442695020e+00, v7;
	(erf) = vpow2.f32 v11;
	v12 =	vadd.f32 $1.000000000e+00, v5;
	v10 =	vpop (erf)  }
0x114: {  	v11 =	vld [tilespmem:s12+$0x5C10];
	v6 =	vadd.f32 v6, v0;
	v4 =	vsub.f32 $0.0e+00, v4;
	(erf) = vpow2.f32 v9;
	v0 =	vpop (erf);
	[tilespmem:s28+$0x11040] =	vst v10  }
0x115: {  	v1 =	vadd.f32 v3, v1;
	v9 =	vld [tilespmem:s12+$0x2010];
	v10 =	vadd.f32 $1.000000000e+00, v0;
	(erf) = vrcp.f32 v12  }
0x116: {  	v0 =	vld [tilespmem:s12+$0x2030];
	v4 =	vmul.f32 $1.442695020e+00, v4;
	(erf) = vpow2.f32 v7;
	v5 =	vpop (erf)  }
0x117: {  	v6 =	vsub.f32 $0.0e+00, v6;
	v7 =	vsub.f32 $0.0e+00, v1;
	v12 =	vld [tilespmem:s12+$0x2000];
	(erf) = vrcp.f32 v10;
	[tilespmem:s28+$0x11010] =	vst v5;
	v3 =	vpop (erf)  }
.Ltmp3:
0x118: {  	v10 =	vadd.f32 $1.000000000e+00, v2;
	v1 =	vld [tilespmem:s12+$0x2050];
	(erf) = vpow2.f32 v4;
	v16 =	vpop (erf);
	[tilespmem:s28+$0x11020] =	vst v3;
	(pc) =	sbr.rel @p0 .LBB2_8-.Ltmp3, $4  }
0x119: {  	v17 =	vmul.f32 $1.442695020e+00, v6;
	v7 =	vmul.f32 $1.442695020e+00, v7;
	v6 =	vadd.f32 $1.000000000e+00, v13;
	v4 =	vld [tilespmem:s12+$0x2040];
	v3 =	vpop (erf)  }
0x11a: {  	v13 =	vadd.f32 v11, v9;
	v5 =	vld [tilespmem:s12+$0x5C40];
	v9 =	vadd.f32 $1.000000000e+00, v3;
	(erf) = vrcp.f32 v10;
	v2 =	vpop (erf)  }
0x11b: {  	v10 =	vadd.f32 v15, v8;
	v8 =	vadd.f32 $1.000000000e+00, v16;
	v3 =	vld [tilespmem:s12+$0x5C50];
	(erf) = vrcp.f32 v6;
	[tilespmem:s28+$0x11050] =	vst v2;
	v15 =	vpop (erf)  }
0x11c: {  	v11 =	vadd.f32 v14, v12;
	v12 =	vsub.f32 $0.0e+00, v13;
	v6 =	vld [tilespmem:s12+$0x5C30];
	v2 =	vpop (erf);
	(erf) = vpow2.f32 v17;
	[tilespmem:s28+$0x11030] =	vst v15;
	s28 =	smov.u32 s29;
	s29 =	smov.u32 s0;
	s0 =	smov.u32 s12  }
0x11d: {  	v10 =	vsub.f32 $0.0e+00, v10;
	v13 =	vpop (erf);
	(erf) = vpow2.f32 v7  }
0x11e: {  	v26 =	vsub.f32 $0.0e+00, v11;
	v27 =	vmul.f32 $1.442695020e+00, v12;
	v28 =	vpop (erf);
	(erf) = vrcp.f32 v9  }
0x11f: {  	v29 =	vmul.f32 $1.442695020e+00, v10;
	v4 =	vadd.f32 v5, v4;
	v30 =	vpop (erf);
	(erf) = vrcp.f32 v8  }
0x120: {  	(erf) = vpow2.f32 v27;
	v5 =	vadd.f32 $1.000000000e+00, v30;
	v31 =	vpop (erf)  }
0x121: {  	v7 =	vmul.f32 $1.442695020e+00, v26;
	v4 =	vsub.f32 $0.0e+00, v4;
	(erf) = vpow2.f32 v29;
	v32 =	vpop (erf)  }
0x122: {  	v0 =	vadd.f32 v6, v0;
	v33 =	vadd.f32 $1.000000000e+00, v32;
	(erf) = vrcp.f32 v5  }
0x123: {  	v1 =	vadd.f32 v3, v1;
	v34 =	vmul.f32 $1.442695020e+00, v4;
	(erf) = vpow2.f32 v7;
	v35 =	vpop (erf)  }
0x124: {  	v2 =	vadd.f32 $1.000000000e+00, v2;
	v0 =	vsub.f32 $0.0e+00, v0;
	(erf) = vrcp.f32 v33;
	v36 =	vpop (erf)  }
0x125: {  	v38 =	vadd.f32 $1.000000000e+00, v13;
	v1 =	vsub.f32 $0.0e+00, v1;
	(erf) = vpow2.f32 v34;
	v37 =	vpop (erf)  }
0x126: {  	v0 =	vmul.f32 $1.442695020e+00, v0;
	v39 =	vpop (erf);
	(erf) = vrcp.f32 v2  }
0x127: {  	v1 =	vmul.f32 $1.442695020e+00, v1;
	v40 =	vpop (erf);
	(erf) = vrcp.f32 v38  }
0x128: {  	v41 =	vpop (erf);
	(erf) = vpow2.f32 v0  }
0x129: {  	v42 =	vpop (erf);
	(erf) = vpow2.f32 v1  }
0x12a: {  	v43 =	vpop (erf)  }
0x12b: {  	v44 =	vpop (erf)  }
0x12c: {  	v45 =	vpop (erf)  }
0x12d: {  	v7 =	vadd.f32 $1.000000000e+00, v39;
	v46 =	vpop (erf)  }
0x12e: {  	v3 =	vadd.f32 $1.000000000e+00, v37;
	v47 =	vpop (erf)  }
0x12f: {  	[tilespmem:s28+$0x11000] =	vst v28;
	(erf) = vrcp.f32 v7;
	v48 =	vadd.f32 $1.000000000e+00, v45;
	v49 =	vpop (erf)  }
0x130: {  	[tilespmem:s28+$0x11040] =	vst v31;
	(erf) = vrcp.f32 v3;
	v50 =	vadd.f32 $1.000000000e+00, v47;
	v51 =	vpop (erf)  }
0x131: {  	[tilespmem:s28+$0x11010] =	vst v35;
	v0 =	vadd.f32 $1.000000000e+00, v42;
	(erf) = vrcp.f32 v48;
	v52 =	vpop (erf)  }
0x132: {  	[tilespmem:s28+$0x11020] =	vst v36;
	v1 =	vadd.f32 $1.000000000e+00, v43;
	(erf) = vrcp.f32 v50;
	v53 =	vpop (erf)  }
0x133: {  	[tilespmem:s28+$0x11050] =	vst v40;
	(erf) = vrcp.f32 v0;
	v54 =	vadd.f32 $1.000000000e+00, v53  }
0x134: {  	[tilespmem:s28+$0x11030] =	vst v41;
	v55 =	vadd.f32 $1.000000000e+00, v52;
	(erf) = vrcp.f32 v1  }
0x135: {  	[tilespmem:s29+$0x11000] =	vst v44;
	(erf) = vrcp.f32 v54  }
0x136: {  	[tilespmem:s29+$0x11040] =	vst v46;
	(erf) = vrcp.f32 v55  }
0x137: {  	[tilespmem:s29+$0x11010] =	vst v49  }
0x138: {  	[tilespmem:s29+$0x11020] =	vst v51;
	v56 =	vpop (erf)  }
0x139: {  	[tilespmem:s29+$0x11050] =	vst v56;
	v57 =	vpop (erf)  }
0x13a: {  	[tilespmem:s29+$0x11030] =	vst v57;
	v58 =	vpop (erf)  }
0x13b: {  	[tilespmem:s0+$0x11000] =	vst v58;
	v59 =	vpop (erf)  }
0x13c: {  	[tilespmem:s0+$0x11040] =	vst v59;
	v60 =	vpop (erf)  }
0x13d: {  	[tilespmem:s0+$0x11010] =	vst v60;
	v61 =	vpop (erf)  }
0x13e: {  	[tilespmem:s0+$0x11020] =	vst v61;
	v62 =	vpop (erf)  }
0x13f: {  	[tilespmem:s0+$0x11050] =	vst v62;
	v63 =	vpop (erf)  }
0x140: {  	s26 =	sadd.s32 $0x1, s26;
	[tilespmem:s0+$0x11030] =	vst v63  }
0x141: {  	[hbm4b:s9+s3] =	stream.linear.scatter [tilespmem:s20], [sflag:$0x5], $0x3C00, $0x38;
	[tilespmem:$0x18800] =	vst v63  }
0x142: {  	p0 =	sne.s32 s26, s10;
	_ =	swait.ge [sflag:s25], $0x3C00  }
.Ltmp4:
0x143: {  	[sflag:s25] =	ssyncset.done $0x0;
	(pc) =	sbr.rel @p0 .LBB2_1-.Ltmp4, $4  }
0x144: {  	[sflag:s25] =	ssyncadd.s32 $0xFFFFC400  }
0x145: {  	_ =	swait.ge [sflag:s24], $0x3C00  }
0x146: {  	[sflag:s24] =	ssyncset.done $0x0  }
0x147: {  	[sflag:s24] =	ssyncadd.s32 $0xFFFFC400  }
0x148: {  	_ =	sfence.sel $0x180000  }
0x149: {  	[bflag:$0x0] =	sbarrier.arrive $0xFFFF  }
0x14a: {  	_ =	strace $0x90000050  }
0x14b: {  	s0 =	stileid.u32;
	[bflag:$0x2] =	sbarrier.arrive $0xFFFF  }
0x14c: {  	p0 =	sne.s32 s0, $0x0;
	s0 =	rddreg [dreg:$0x2]  }
0x14d: {  	s0 =	sadd.s32 @!p0 $0x100000, s0  }
0x14e: {  	[sflag:s0] =	ssyncadd.tile.s32 @!p0 $0x1;
	_ =	shalt  }
.Lfunc_end2:
_tile_overlayer_lowered:
.L_overlay_start_2:
0x14f: {  	(tag) =	ssettag $0x2  }
0x150: {  	s0 =	rddreg [dreg:$0x0];
	s2 =	stileid.u32  }
0x151: {  	s1 =	rddreg [dreg:$0x1];
	p0 =	sne.s32 s2, $0x0  }
0x152: {  	s3 =	rddreg [dreg:$0x2];
	[bflag:$0x3] =	sbarrier.arrive $0xFFFF;
	s2 =	simm.s32 @!p0 $0x1C07  }
0x153: {  	[timem:s3], [sflag:s2] =	dma.local @!p0 [hbm:s0], s1  }
0x154: {  	s0 =	simm.s32 @!p0 $0x7  }
0x155: {  	_ =	swait.ge @!p0 [sflag:s0], s1  }
0x156: {  	s1 =	ssub.s32 @!p0 $0x0, s1;
	[sflag:s0] =	ssyncset.done @!p0 $0x0  }
0x157: {  	[sflag:s0] =	ssyncadd.s32 @!p0 s1  }
0x158: {  	[bflag:$0x3] =	sbarrier.arrive $0xFFFF  }
0x159: {  	_ =	shalt  }

// kernel: kernel.9.cloned.1.call-start
scs
__scs_entry_jumppad:
0x0: {  	(pc) =	sbr.rel $0x88, $3  }
0x1: {  	(tag) =	ssettag $0x0;
	lr =	simm.s32 $0x1  }
0x2: {  	[smem:$0x3F97] =	sst lr;
	_ =	strace $0xD0000000  }
0x3: {  	_ = 	snop  }
0x4: {  	_ = 	snop  }
0x5: {  	_ = 	snop  }
0x6: {  	_ = 	snop  }
0x7: {  	_ = 	snop  }
__scs_overlays_trampoline_lowered:
0x8: {  	[smem:$0x3FA6] =	sst s0  }
0x9: {  	[smem:$0x3FA7] =	sst s1  }
0xa: {  	[smem:$0x3FA8] =	sst s2  }
0xb: {  	[smem:$0x3FA9] =	sst s3  }
0xc: {  	[smem:$0x3FAA] =	sst s4  }
0xd: {  	[smem:$0x3FAB] =	sst s5  }
0xe: {  	[smem:$0x3FAC] =	sst s6  }
0xf: {  	[smem:$0x3FAD] =	sst s7  }
0x10: {  	[smem:$0x3FAE] =	sst s8  }
0x11: {  	[smem:$0x3FAF] =	sst s9;
	s0 =	simm.s32 @!p0 $0x0  }
0x12: {  	s1 =	sld [smem:$0x3F95];
	s0 =	simm.s32 @p0 $0x1  }
0x13: {  	[smem:$0x3FB0] =	sst s0;
	s0 =	simm.s32 @!p1 $0x0  }
0x14: {  	s2 =	sld [smem:$0x3F94];
	s0 =	simm.s32 @p1 $0x1  }
0x15: {  	[smem:$0x3FB1] =	sst s0;
	s0 =	simm.s32 @!p2 $0x0  }
0x16: {  	s3 =	sld [smem:$0x3FDB];
	s0 =	simm.s32 @p2 $0x1  }
0x17: {  	s4 =	simm.s32 $0x1BF5;
	[smem:$0x3FB3] =	sst s0  }
0x18: {  	s0 =	sld [smem:$0x3F96];
	_ =	swait.ge [sflag:s4], $0x0  }
0x19: {  	s7 =	sld [smem:$0x3F97]  }
0x1a: {  	s8 =	sadd.s32 $0xFFFFE003, lr  }
0x1b: {  	s9 =	sadd.s32 $0xFFFFFEF7, lr;
	s5 =	simm.s32 $0xFFFFFFFF;
	p2 =	slt.u32 s8, $0xFFFFF086  }
0x1c: {  	p1 =	slt.u32 s9, $0xF7A;
	s5 =	simm.s32 @!p2 $0x0  }
0x1d: {  	s5 =	simm.s32 @p1 $0x1;
	p0 =	seq.s32 s7, s2  }
0x1e: {  	s7 =	smul.u32 @!p0 $0xF7A, s2;
	p2 =	seq.s32 @!p0 s5, $0x0  }
0x1f: {  	s9 =	smul.u32 $0xF7A, s1;
	s8 =	simm.s32 @!p0 $0x1BF5;
	p2 =	por !p2, p0  }
0x20: {  	[sflag:s8] =	ssyncset.s32 @!p0 $0xFFFFF086;
	s6 =	sadd.s32 @!p0 s3, s7;
	s7 =	simm.s32 @!p0 $0x108  }
0x21: {  	s3 =	sadd.s32 s3, s9;
	s6 =	sadd.s32 @!p0 $0x88, s6;
	s7 =	simm.s32 @p2 $0x1082  }
0x22: {  	[simem:s7], [sflag:s8] =	dma.local @!p0 [hbm:s6], $0xF7A  }
0x23: {  	s9 =	sor.u32 $0xD0000000, s2;
	s6 =	simm.s32 $0x108;
	_ =	swait.ge @!p0 [sflag:s8], $0x0  }
0x24: {  	s3 =	sadd.s32 $0x88, s3;
	s6 =	simm.s32 @!p1 $0x1082;
	[sflag:s4] =	ssyncset.s32 $0xFFFFF086  }
0x25: {  	[simem:s6], [sflag:s4] =	dma.local [hbm:s3], $0xF7A  }
0x26: {  	[smem:$0x3F97] =	sst s1;
	(tag) =	ssettag s2;
	_ =	strace s9  }
0x27: {  	s1 =	sld [smem:$0x3FA7]  }
0x28: {  	s2 =	sld [smem:$0x3FA8]  }
0x29: {  	s4 =	sld [smem:$0x3FAA]  }
0x2a: {  	p0 =	seq.s32 s5, $0x0;
	s5 =	sld [smem:$0x3FAB]  }
0x2b: {  	s6 =	sld [smem:$0x3FAC]  }
0x2c: {  	s7 =	sld [smem:$0x3FAD]  }
0x2d: {  	s3 =	simm.s32 $0x108;
	s8 =	sld [smem:$0x3FAE]  }
0x2e: {  	s3 =	simm.s32 @!p0 $0x1082;
	s9 =	sld [smem:$0x3FAF]  }
0x2f: {  	lr =	sadd.s32 s0, s3;
	s0 =	sld [smem:$0x3FA6]  }
0x30: {  	s3 =	sld [smem:$0x3FA9]  }
0x31: {  	[smem:$0x3FB2] =	sst s10  }
0x32: {  	s10 =	sld [smem:$0x3FB0];
	_ =	sdelay $0x3  }
0x33: {  	p0 =	seq.s32 s10, $0x1;
	s10 =	sld [smem:$0x3FB2];
	_ =	sdelay $0x3  }
0x34: {  	[smem:$0x3FB2] =	sst s10  }
0x35: {  	s10 =	sld [smem:$0x3FB1];
	_ =	sdelay $0x3  }
0x36: {  	p1 =	seq.s32 s10, $0x1;
	s10 =	sld [smem:$0x3FB2];
	_ =	sdelay $0x3  }
0x37: {  	[smem:$0x3FB2] =	sst s10  }
0x38: {  	s10 =	sld [smem:$0x3FB3]  }
0x39: {  	_ = 	snop;
	(pc) =	sbr.ind lr, $3  }
0x3a: {  	_ = 	snop  }
0x3b: {  	_ = 	snop  }
0x3c: {  	p2 =	seq.s32 s10, $0x1;
	s10 =	sld [smem:$0x3FB2]  }
0x3d: {  	_ =	shalt  }
0x3e: {  	_ =	shalt  }
0x3f: {  	_ =	shalt  }
0x40: {  	_ =	shalt  }
0x41: {  	_ =	shalt  }
0x42: {  	_ =	shalt  }
0x43: {  	_ =	shalt  }
0x44: {  	_ =	shalt  }
0x45: {  	_ =	shalt  }
0x46: {  	_ =	shalt  }
0x47: {  	_ =	shalt  }
0x48: {  	_ =	shalt  }
0x49: {  	_ =	shalt  }
0x4a: {  	_ =	shalt  }
0x4b: {  	_ =	shalt  }
0x4c: {  	_ =	shalt  }
0x4d: {  	_ =	shalt  }
0x4e: {  	_ =	shalt  }
0x4f: {  	_ =	shalt  }
0x50: {  	_ =	shalt  }
0x51: {  	_ =	shalt  }
0x52: {  	_ =	shalt  }
0x53: {  	_ =	shalt  }
0x54: {  	_ =	shalt  }
0x55: {  	_ =	shalt  }
0x56: {  	_ =	shalt  }
0x57: {  	_ =	shalt  }
0x58: {  	_ =	shalt  }
0x59: {  	_ =	shalt  }
0x5a: {  	_ =	shalt  }
0x5b: {  	_ =	shalt  }
0x5c: {  	_ =	shalt  }
0x5d: {  	_ =	shalt  }
0x5e: {  	_ =	shalt  }
0x5f: {  	_ =	shalt  }
0x60: {  	_ =	shalt  }
0x61: {  	_ =	shalt  }
0x62: {  	_ =	shalt  }
0x63: {  	_ =	shalt  }
0x64: {  	_ =	shalt  }
0x65: {  	_ =	shalt  }
0x66: {  	_ =	shalt  }
0x67: {  	_ =	shalt  }
0x68: {  	_ =	shalt  }
0x69: {  	_ =	shalt  }
0x6a: {  	_ =	shalt  }
0x6b: {  	_ =	shalt  }
0x6c: {  	_ =	shalt  }
0x6d: {  	_ =	shalt  }
0x6e: {  	_ =	shalt  }
0x6f: {  	_ =	shalt  }
0x70: {  	_ =	shalt  }
0x71: {  	_ =	shalt  }
0x72: {  	_ =	shalt  }
0x73: {  	_ =	shalt  }
0x74: {  	_ =	shalt  }
0x75: {  	_ =	shalt  }
0x76: {  	_ =	shalt  }
0x77: {  	_ =	shalt  }
0x78: {  	_ =	shalt  }
0x79: {  	_ =	shalt  }
0x7a: {  	_ =	shalt  }
0x7b: {  	_ =	shalt  }
0x7c: {  	_ =	shalt  }
0x7d: {  	_ =	shalt  }
0x7e: {  	_ =	shalt  }
0x7f: {  	_ =	shalt  }
0x80: {  	_ =	shalt  }
0x81: {  	_ =	shalt  }
0x82: {  	_ =	shalt  }
0x83: {  	_ =	shalt  }
0x84: {  	_ =	shalt  }
0x85: {  	_ =	shalt  }
0x86: {  	_ =	shalt  }
0x87: {  	_ =	shalt  }
.Lfunc_end0:
.L_simem_size_0:
called_computation.1_lowered:
.L_overlay_start_0:
0x88: {  	s2 =	sld [smem:$0x3FD9]  }
0x89: {  	s3 =	sld [smem:$0x3FFE];
	_ =	sdelay $0x1  }
0x8a: {  	s1 =	srdreg.scid  }
0x8b: {  	s0 =	sand.u32 $0x1, s1  }
0x8c: {  	s17 =	sshll.u32 s0, $0xA;
	s2 =	sadd.s32 s3, s2  }
0x8d: {  	s2 =	sadd.s32 s2, s17  }
0x8e: {  	[smem:$0x3FBE] =	sst s2  }
0x8f: {  	_ = 	snop  }
0x90: {  	s2 =	sld [smem:$0x3FD0];
	(tm) =	ssettm $0x1  }
0x91: {  	s18 =	sld [smem:$0x3FFB];
	_ =	sdelay $0x3  }
0x92: {  	_ =	strace s18  }
0x93: {  	s3 =	sld [smem:$0x3FFC];
	_ =	sdelay $0x3  }
0x94: {  	_ =	strace s3  }
0x95: {  	s3 =	sld [smem:$0x3FFD];
	_ =	sdelay $0x3  }
0x96: {  	_ =	strace s3  }
0x97: {  	_ =	strace $0x8FFFFFFF  }
0x98: {  	s19 =	sld [smem:$0x3FDB];
	_ =	sdelay $0x1  }
0x99: {  	s4 =	simm.s32 $_scs_section_size  }
0x9a: {  	s5 =	simm.s32 $_size__tile_overlayer_lowered;
	s6 =	simm.s32 $_tile_overlayer_lowered  }
0x9b: {  	s22 =	simm.s32 $0x1BFF;
	s21 =	sshll.u32 s6, $0x1;
	s3 =	sadd.s32 s4, s19  }
0x9c: {  	s7 =	simm.s32 $0x0;
	s20 =	sshll.u32 s5, $0x1;
	s5 =	sadd.s32 s21, s3  }
0x9d: {  	[timem:s7], [sflag:s22] =	dma.local [hbm:s5], s20  }
0x9e: {  	_ =	swait.ge [sflag:s22], s20  }
0x9f: {  	s4 =	ssub.s32 $0x0, s20;
	[sflag:s22] =	ssyncset.done $0x0  }
0xa0: {  	[sflag:s22] =	ssyncadd.s32 s4;
	_ =	sdelay $0x1  }
0xa1: {  	s23 =	simm.s32 $0x1B8B  }
0xa2: {  	_ =	swait.ge [sflag:s23], $0x1  }
0xa3: {  	[sflag:s23] =	ssyncset.done $0x0  }
0xa4: {  	s25 =	simm.s32 $0x1B8E;
	s24 =	sld [smem:$0x3FFE];
	[sflag:s23] =	ssyncadd.s32 $0xFFFFFFFF  }
0xa5: {  	s26 =	simm.s32 $execute0_lowered;
	[smem:$0x3FD2] =	sst s25  }
0xa6: {  	s5 =	sshll.u32 s26, $0x1;
	_ =	strace $0x80000046;
	[dreg:$0x1] =	wrdreg $0xFFFFFFFF  }
0xa7: {  	s28 =	simm.s32 $_size_execute0_lowered;
	s3 =	sadd.s32 s3, s5;
	[dreg:$0x0] =	wrdreg $0x0  }
0xa8: {  	s5 =	sshll.u32 s28, $0x1;
	[dreg:$0x2] =	wrdreg s3  }
0xa9: {  	[dreg:$0x3] =	wrdreg s5  }
0xaa: {  	[dreg:$0x4] =	wrdreg $0xC0  }
0xab: {  	_ =	task [dreg:s7], $0x5FFFF  }
0xac: {  	[dreg:$0x1] =	wrdreg $0xFFFFFFFF  }
0xad: {  	[dreg:$0x0] =	wrdreg $0x60  }
0xae: {  	[dreg:$0x2] =	wrdreg s2  }
0xaf: {  	[dreg:$0x3] =	wrdreg s24  }
0xb0: {  	[dreg:$0x4] =	wrdreg $0x2FD00  }
0xb1: {  	[dreg:$0x5] =	wrdreg $0x9  }
0xb2: {  	_ =	task.clear_ibuf [dreg:s7], $0x6FFFF;
	_ =	strace $0x90000046  }
0xb3: {  	s29 =	simm.s32 $0x9;
	_ =	strace $0x80000048  }
0xb4: {  	_ =	swait.ge [sflag:s29], $0x1  }
0xb5: {  	[sflag:s29] =	ssyncadd.s32 $0xFFFFFFFF  }
0xb6: {  	_ =	strace $0x90000048  }
0xb7: {  	_ =	sfence  }
0xb8: {  	s30 =	sld [smem:$0x0];
	_ =	sdelay $0x2  }
0xb9: {  	s31 =	sshll.u32 s1, $0xD;
	s1 =	sshrl.u32 s1, $0x2  }
0xba: {  	s3 =	sand.u32 $0x4000, s31;
	s1 =	sadd.s32 s1, s30  }
0xbb: {  	s0 =	sor.u32 s3, s0;
	s1 =	sshll.u32 s1, $0x11  }
0xbc: {  	s0 =	sor.u32 s1, s0  }
0xbd: {  	s0 =	sadd.s32 $0x8F2B, s0  }
0xbe: {  	[sflag:s0] =	ssyncadd.remote.s32 $0x1  }
0xbf: {  	_ =	sfence.sel $0xFFFF  }
0xc0: {  	[dreg:$0x0] =	wrdreg $0xFFFFFFFF;
	(pc) =	sbr.abs _section_cstart, $3  }
0xc1: {  	[dreg:$0x1] =	wrdreg $0xFFFFFFFF  }
0xc2: {  	_ =	task.clear_ibuf [dreg:s7], $0x2FFFF;
	_ =	strace $0x9FFFFFFF  }
0xc3: {  	(tm) =	ssettm $0x7FFFFFFF  }
tec
execute0_lowered:
.L_overlay_start_1:
0x0: {  	(tag) =	ssettag $0x1  }
0x1: {  	s7 =	rddreg [dreg:$0x0]  }
0x2: {  	s6 =	rddreg [dreg:$0x1]  }
0x3: {  	s2 =	rddreg [dreg:$0x2]  }
0x4: {  	s0 =	rddreg [dreg:$0x3]  }
0x5: {  	s3 =	simm.s32 $0x0;
	s1 =	stileid.u32;
	s8 =	srdreg.scid  }
0x6: {  	s13 =	simm.s32 $0x1;
	s14 =	simm.s32 $0x7D;
	[smem:$0x7FF] =	sst s3  }
0x7: {  	s5 =	smul.u32 $0x2700, s1;
	s4 =	sadd.s32 $0x4C00, s6;
	s8 =	sand.u32 $0x1, s8  }
0x8: {  	p0 =	seq.s32 s1, $0xF;
	_ =	strace $0x80000047;
	s9 =	smul.u32 $0x4E20, s8  }
0x9: {  	s10 =	ssub.s32 $0x2, s8;
	s8 =	sshll.u32 s8, $0x4;
	s16 =	sshrl.u32 s5, $0x3  }
0xa: {  	s12 =	sshrl.u32 s10, $0x1;
	s8 =	sor.u32 s1, s8;
	s11 =	sadd.s32 s16, s6  }
0xb: {  	s9 =	sadd.s32 s9, s6;
	s10 =	ssub.s32 s10, s12;
	s8 =	smul.u32 $0x500, s8  }
0xc: {  	s12 =	sadd.s32 s5, s2;
	s6 =	sadd.s32 $0x9720, s6;
	s5 =	sadd.s32 $0x4E00, s11  }
0xd: {  	s11 =	sadd.s32 $0x24900, s2;
	s17 =	sadd.s32 $0x9E00, s9;
	s7 =	sadd.s32 s7, s8  }
0xe: {  	s8 =	smax.u32 s10, $0x1;
	s10 =	sshll.u32 @!p0 s1, $0x6;
	s9 =	sshrl.u32 @p0 s11, $0x3  }
0xf: {  	s11 =	sshrl.u32 @!p0 s12, $0x3;
	s12 =	simm.s32 $0x2800;
	s15 =	sadd.s32 @p0 $0x4920, s17  }
0x10: {  	s16 =	sadd.s32 @!p0 s16, s17;
	s17 =	simm.s32 $0x0;
	s10 =	sor.u32 @!p0 $0x1C01, s10  }
.LBB2_1:
0x11: {  	s18 =	simm.s32 @p0 $0x1FC1  }
0x12: {  	[spmem:s9], [sflag:s18] =	dma.local @p0 [hbm:s6], $0x500  }
0x13: {  	s18 =	simm.s32 @p0 $0x1  }
0x14: {  	_ =	swait.ge @p0 [sflag:s18], $0x500  }
0x15: {  	[sflag:s18] =	ssyncset.done @p0 $0x0  }
0x16: {  	[sflag:s18] =	ssyncadd.s32 @p0 $0xFFFFFB00;
	s18 =	simm.s32 @!p0 $0x1  }
0x17: {  	[spmem:s11], [sflag:s10] =	dma.local @!p0 [hbm:s5], $0x4E0  }
0x18: {  	_ =	swait.ge @!p0 [sflag:s18], $0x4E0  }
0x19: {  	[sflag:s18] =	ssyncset.done @!p0 $0x0  }
0x1a: {  	[sflag:s18] =	ssyncadd.s32 @!p0 $0xFFFFFB20  }
0x1b: {  	[tilespmem:s12], [sflag:$0x1] =	stream.linear.gather [hbm4b:s4+s3], $0x7D0, $0x38;
	[tilespmem:$0x56E0] =	vst v63  }
0x1c: {  	_ =	swait.ge [sflag:s13], $0x7D0  }
0x1d: {  	[sflag:s13] =	ssyncset.done $0x0  }
0x1e: {  	[sflag:s13] =	ssyncadd.s32 $0xFFFFF830  }
0x1f: {  	[tilespmem:s3], [sflag:$0x1] =	stream.linear.gather [hbm4b:s7+s3], $0x2800, $0x38;
	[tilespmem:$0x56E0] =	vst v63  }
0x20: {  	_ =	swait.ge [sflag:s13], $0x2800  }
0x21: {  	[sflag:s13] =	ssyncset.done $0x0  }
0x22: {  	[sflag:s13] =	ssyncadd.s32 $0xFFFFD800  }
0x23: {  	s31 =	simm.s32 $0x0;
	[bflag:$0x0] =	sbarrier.arrive $0xFFFF  }
0x24: {  	[spmem:s2] =	stream.indirect.scatter.add.f32 [tilespmem:s12], [sflag:$0x1], $0x10, s31, s14, $0xb8;
	[tilespmem:$0x56E0] =	vst v63  }
0x25: {  	_ =	swait.ge [sflag:s13], $0x7D0  }
0x26: {  	s18 =	simm.s32 $0x200;
	[sflag:s13] =	ssyncset.done $0x0  }
.LBB2_2:
0x27: {  	s19 =	sshra.s32 s18, $0x2;
	[sflag:s13] =	ssyncadd.s32 $0xFFFFF830;
	p1 =	sne.s32 s18, $0x9E00  }
0x28: {  	[spmem:s2] =	stream.indirect.scatter.add.f32 [tilespmem:s12], [sflag:$0x1], $0x10, s19, s14, $0xb8;
	[tilespmem:$0x56E0] =	vst v63  }
.Ltmp0:
0x29: {  	_ = 	snop;
	(pc) =	sbr.rel @p1 .LBB2_2-.Ltmp0, $4  }
0x2a: {  	_ = 	snop  }
0x2b: {  	s18 =	sadd.s32 $0x200, s18  }
0x2c: {  	_ =	swait.ge [sflag:s13], $0x7D0  }
0x2d: {  	[sflag:s13] =	ssyncset.done $0x0  }
0x2e: {  	[sflag:s13] =	ssyncadd.s32 $0xFFFFF830  }
0x2f: {  	s18 =	simm.s32 @p0 $0x1FC1;
	[bflag:$0x0] =	sbarrier.arrive $0xFFFF  }
0x30: {  	[hbm:s15], [sflag:s18] =	dma.local @p0 [spmem:s9], $0x500  }
0x31: {  	s18 =	simm.s32 @p0 $0x1  }
0x32: {  	s17 =	sadd.s32 $0x1, s17;
	_ =	swait.ge @p0 [sflag:s18], $0x500  }
0x33: {  	p1 =	sne.s32 s17, s8;
	[sflag:s18] =	ssyncset.done @p0 $0x0  }
.Ltmp1:
0x34: {  	[sflag:s18] =	ssyncadd.s32 @p0 $0xFFFFFB00;
	s18 =	simm.s32 @!p0 $0x1;
	(pc) =	sbr.rel @p1 .LBB2_1-.Ltmp1, $4  }
0x35: {  	[hbm:s16], [sflag:s10] =	dma.local @!p0 [spmem:s11], $0x4E0  }
0x36: {  	_ =	swait.ge @!p0 [sflag:s18], $0x4E0  }
0x37: {  	[sflag:s18] =	ssyncset.done @!p0 $0x0  }
0x38: {  	[sflag:s18] =	ssyncadd.s32 @!p0 $0xFFFFFB20  }
0x39: {  	_ =	sfence.sel $0x180000  }
0x3a: {  	[bflag:$0x0] =	sbarrier.arrive $0xFFFF  }
0x3b: {  	p0 =	sne.s32 s1, $0x0;
	_ =	strace $0x90000047  }
0x3c: {  	s0 =	sadd.s32 @!p0 $0x100000, s0;
	[bflag:$0x2] =	sbarrier.arrive $0xFFFF  }
0x3d: {  	[sflag:s0] =	ssyncadd.tile.s32 @!p0 $0x1;
	_ =	shalt  }
.Lfunc_end2:
_tile_overlayer_lowered:
.L_overlay_start_2:
0x3e: {  	(tag) =	ssettag $0x2  }
0x3f: {  	s0 =	rddreg [dreg:$0x0];
	s2 =	stileid.u32  }
0x40: {  	s1 =	rddreg [dreg:$0x1];
	p0 =	sne.s32 s2, $0x0  }
0x41: {  	s3 =	rddreg [dreg:$0x2];
	[bflag:$0x3] =	sbarrier.arrive $0xFFFF;
	s2 =	simm.s32 @!p0 $0x1C01  }
0x42: {  	[timem:s3], [sflag:s2] =	dma.local @!p0 [hbm:s0], s1  }
0x43: {  	s0 =	simm.s32 @!p0 $0x1  }
0x44: {  	_ =	swait.ge @!p0 [sflag:s0], s1  }
0x45: {  	s1 =	ssub.s32 @!p0 $0x0, s1;
	[sflag:s0] =	ssyncset.done @!p0 $0x0  }
0x46: {  	[sflag:s0] =	ssyncadd.s32 @!p0 s1  }
0x47: {  	[bflag:$0x3] =	sbarrier.arrive $0xFFFF  }
0x48: {  	_ =	shalt  }

// kernel: sparse-core-data-format-call.cloned.1.call-start
scs
called_computation_lowered:
.L_overlay_start_0:
0x0: {  	s2 =	sld [smem:$0x3FD9]  }
0x1: {  	s3 =	sld [smem:$0x3FFE];
	_ =	sdelay $0x1  }
0x2: {  	s1 =	srdreg.scid  }
0x3: {  	s0 =	sand.u32 $0x1, s1  }
0x4: {  	s18 =	sshll.u32 s0, $0xA;
	s2 =	sadd.s32 s3, s2  }
0x5: {  	s2 =	sadd.s32 s2, s18  }
0x6: {  	[smem:$0x3FBE] =	sst s2  }
0x7: {  	_ = 	snop  }
0x8: {  	s2 =	sld [smem:$0x3FD0];
	(tm) =	ssettm $0x1  }
0x9: {  	s19 =	sld [smem:$0x3FFB];
	_ =	sdelay $0x3  }
0xa: {  	_ =	strace s19  }
0xb: {  	s3 =	sld [smem:$0x3FFC];
	_ =	sdelay $0x3  }
0xc: {  	_ =	strace s3  }
0xd: {  	s3 =	sld [smem:$0x3FFD];
	_ =	sdelay $0x3  }
0xe: {  	_ =	strace s3  }
0xf: {  	_ =	strace $0x8FFFFFFF  }
0x10: {  	s20 =	sld [smem:$0x3FDB];
	_ =	sdelay $0x1  }
0x11: {  	s4 =	simm.s32 $_scs_section_size  }
0x12: {  	s5 =	simm.s32 $_size__tile_overlayer_lowered;
	s6 =	simm.s32 $_tile_overlayer_lowered  }
0x13: {  	s23 =	simm.s32 $0x1BFF;
	s22 =	sshll.u32 s6, $0x1;
	s3 =	sadd.s32 s4, s20  }
0x14: {  	s7 =	simm.s32 $0x0;
	s21 =	sshll.u32 s5, $0x1;
	s5 =	sadd.s32 s22, s3  }
0x15: {  	[timem:s7], [sflag:s23] =	dma.local [hbm:s5], s21  }
0x16: {  	_ =	swait.ge [sflag:s23], s21  }
0x17: {  	s4 =	ssub.s32 $0x0, s21;
	[sflag:s23] =	ssyncset.done $0x0  }
0x18: {  	[sflag:s23] =	ssyncadd.s32 s4;
	_ =	sdelay $0x1  }
0x19: {  	s24 =	simm.s32 $0x1B8B  }
0x1a: {  	_ =	swait.ge [sflag:s24], $0x1  }
0x1b: {  	[sflag:s24] =	ssyncset.done $0x0  }
0x1c: {  	s26 =	simm.s32 $0x1B8E;
	s25 =	sld [smem:$0x3FFE];
	[sflag:s24] =	ssyncadd.s32 $0xFFFFFFFF  }
0x1d: {  	s27 =	simm.s32 $execute0_lowered;
	[smem:$0x3FD2] =	sst s26  }
0x1e: {  	s5 =	sshll.u32 s27, $0x1;
	_ =	strace $0x80000052;
	[dreg:$0x1] =	wrdreg $0xFFFFFFFF  }
0x1f: {  	s28 =	simm.s32 $_size_execute0_lowered;
	s3 =	sadd.s32 s3, s5;
	[dreg:$0x0] =	wrdreg $0x0  }
0x20: {  	s5 =	sshll.u32 s28, $0x1;
	[dreg:$0x2] =	wrdreg s3  }
0x21: {  	[dreg:$0x3] =	wrdreg s5  }
0x22: {  	[dreg:$0x4] =	wrdreg $0xC0  }
0x23: {  	_ =	task [dreg:s7], $0x5FFFF  }
0x24: {  	[dreg:$0x1] =	wrdreg $0xFFFFFFFF  }
0x25: {  	[dreg:$0x0] =	wrdreg $0x60  }
0x26: {  	[dreg:$0x2] =	wrdreg s25  }
0x27: {  	[dreg:$0x3] =	wrdreg s2  }
0x28: {  	[dreg:$0x4] =	wrdreg $0x9  }
0x29: {  	_ =	task.clear_ibuf [dreg:s7], $0x5FFFF;
	_ =	strace $0x90000052  }
0x2a: {  	s29 =	simm.s32 $0x9;
	_ =	strace $0x80000054  }
0x2b: {  	_ =	swait.ge [sflag:s29], $0x1  }
0x2c: {  	[sflag:s29] =	ssyncadd.s32 $0xFFFFFFFF  }
0x2d: {  	_ =	strace $0x90000054  }
0x2e: {  	_ =	sfence  }
0x2f: {  	s30 =	sld [smem:$0x0];
	_ =	sdelay $0x2  }
0x30: {  	s31 =	sshll.u32 s1, $0xD;
	s1 =	sshrl.u32 s1, $0x2  }
0x31: {  	s3 =	sand.u32 $0x4000, s31;
	s1 =	sadd.s32 s1, s30  }
0x32: {  	s0 =	sor.u32 s3, s0;
	s1 =	sshll.u32 s1, $0x11  }
0x33: {  	s0 =	sor.u32 s1, s0  }
0x34: {  	s0 =	sadd.s32 $0x8F2B, s0  }
0x35: {  	[sflag:s0] =	ssyncadd.remote.s32 $0x1  }
0x36: {  	_ =	sfence.sel $0xFFFF  }
0x37: {  	[dreg:$0x0] =	wrdreg $0xFFFFFFFF;
	(pc) =	sbr.abs _section_cstart, $3  }
0x38: {  	[dreg:$0x1] =	wrdreg $0xFFFFFFFF  }
0x39: {  	_ =	task.clear_ibuf [dreg:s7], $0x2FFFF;
	_ =	strace $0x9FFFFFFF  }
0x3a: {  	(tm) =	ssettm $0x7FFFFFFF  }
0x3b: {  	_ =	shalt  }
tec
execute0_lowered:
.L_overlay_start_1:
0x0: {  	(tag) =	ssettag $0x1  }
0x1: {  	s4 =	rddreg [dreg:$0x0]  }
0x2: {  	s0 =	srdreg.scid;
	s2 =	rddreg [dreg:$0x1]  }
0x3: {  	s1 =	stileid.u32;
	s5 =	simm.s32 $0x1;
	s0 =	sshll.u32 s0, $0x4  }
0x4: {  	s7 =	simm.s32 $0x2;
	s12 =	simm.s32 $0x0;
	s3 =	sand.u32 $0x10, s0  }
.Ltmp0:
0x5: {  	s8 =	simm.s32 $0xC3800;
	s3 =	sor.u32 s1, s3;
	(pc) =	sbr.rel .LBB1_1-.Ltmp0, $4  }
0x6: {  	s10 =	simm.s32 $0x0;
	s11 =	simm.s32 $0x0;
	s3 =	sshll.u32 s3, $0x7  }
0x7: {  	s0 =	rddreg [dreg:$0x2];
	_ =	strace $0x80000053;
	s6 =	ssub.s32 $0x18680, s3  }
0x8: {  	s4 =	sadd.s32 $0x236800, s4;
	[sflag:s5] =	ssyncpa.u1 $0x0;
	s6 =	sshrl.u32 s6, $0xC  }
0x9: {  	[sflag:s7] =	ssyncpa.u1 $0x0;
	s9 =	smov.u32 s3;
	s7 =	sadd.s32 $0x2, s6  }
.LBB1_5:
0xa: {  	[tilespmem:s20+$0x0 ss:$0x81] =	vst.msk $0xffff, v1  }
0xb: {  	[tilespmem:s19+$0x0 ss:$0x81] =	vst.msk $0xffff, v2  }
.LBB1_6:
0xc: {  	s15 =	sshll.u32 s10, $0x3  }
0xd: {  	s15 =	sand.u32 $0xFFFFFC00, s15  }
0xe: {  	s17 =	smulhi.u32 $0xA79C7B17, s15;
	_ =	sdelay $0x1  }
0xf: {  	s16 =	sand.u32 $0x7F, s10;
	s17 =	sshrl.u32 s17, $0x10  }
0x10: {  	s15 =	sor.u32 s16, s15;
	s18 =	smul.u32 $0xBA2F, s17  }
0x11: {  	p0 =	sgt.s32 s10, $0x18680;
	s19 =	smov.u32 s10;
	s16 =	smulhi.u32 $0xA79C7B17, s15  }
0x12: {  	s19 =	simm.s32 @!p0 $0x18680;
	s18 =	sshrl.u32 s18, $0x16  }
0x13: {  	s13 =	sadd.s32 s13, s19;
	s16 =	sshrl.u32 s16, $0x10;
	s18 =	smul.u32 $0x58, s18  }
0x14: {  	s30 =	sadd.s32 $0xFFFE7980, s13;
	s16 =	smul.u32 $0x18700, s16  }
0x15: {  	s13 =	ssub.s32 $0x18700, s13;
	p0 =	sgt.s32 s30, $0x7F;
	s29 =	ssub.s32 s17, s18  }
0x16: {  	s13 =	smul.u32 $0x160, s13;
	s15 =	ssub.s32 s15, s16;
	s16 =	sand.u32 $0xFFFF, s29  }
0x17: {  	s31 =	sshrl.u32 s15, $0x3;
	s15 =	sand.u32 $0x7, s15;
	s16 =	smul.u32 $0x30E0, s16  }
0x18: {  	s13 =	sshrl.u32 s13, $0x2;
	s17 =	sadd.s32 s2, s31;
	s15 =	sshll.u32 s15, $0x12  }
0x19: {  	s13 =	simm.s32 @p0 $0x0;
	s15 =	sor.u32 $0x400, s15;
	s16 =	sadd.s32 s16, s17  }
0x1a: {  	[hbm4b:s16+s15] =	stream.strided.scatter [tilespmem:s14], [sflag:$0x2], s13, s8, s15, $0x20;
	[tilespmem:$0x10100] =	vst v63  }
.LBB1_7:
0x1b: {  	p0 =	slt.u32 s11, $0x2  }
0x1c: {  	p1 =	sgt.s32 @!p0 s12, $0x18680  }
0x1d: {  	s13 =	smov.u32 s12;
	s14 =	sshra.s32 @!p0 s12, $0x1F;
	p1 =	por !p1, p0  }
0x1e: {  	s12 =	sand.u32 @!p0 s14, s12;
	s13 =	simm.s32 @p1 $0x18680  }
0x1f: {  	s12 =	ssub.s32 @!p0 s13, s12  }
0x20: {  	s13 =	ssub.s32 @!p0 $0x18700, s12  }
0x21: {  	s12 =	sadd.s32 @!p0 $0xFFFE7980, s12;
	s13 =	smul.u32 @!p0 $0x160, s13  }
0x22: {  	p1 =	sgt.s32 @!p0 s12, $0x7F  }
0x23: {  	s14 =	sadd.s32 $0x1000, s9;
	p1 =	por !p1, p0;
	s12 =	sshrl.u32 @!p0 s13, $0x2  }
0x24: {  	s12 =	simm.s32 @!p1 $0x0;
	p1 =	sgt.s32 s14, $0x1869F  }
0x25: {  	s14 =	smov.u32 @p1 s3;
	p1 =	sne.s32 s11, s7  }
.Ltmp1:
0x26: {  	_ = 	snop;
	(pc) =	sbr.rel @!p1 .LBB1_8-.Ltmp1, $4  }
0x27: {  	s13 =	simm.s32 @!p0 $0x2  }
0x28: {  	_ =	swait.ge @!p0 [sflag:s13], s12;
	s15 =	ssub.s32 @!p0 $0x0, s12  }
0x29: {  	s12 =	smov.u32 s10;
	s11 =	sadd.s32 $0x1, s11;
	[sflag:s13] =	ssyncset.done @!p0 $0x0  }
0x2a: {  	s10 =	smov.u32 s9;
	s9 =	smov.u32 s14;
	[sflag:s13] =	ssyncadd.s32 @!p0 s15  }
.LBB1_1:
0x2b: {  	p0 =	sgt.u32 s11, s6  }
0x2c: {  	s13 =	sand.u32 @!p0 $0x1FFFFFF, s9  }
0x2d: {  	p1 =	sgt.s32 @!p0 s9, $0x18620;
	s14 =	smulhi.u32 @!p0 $0x14F8B59, s13  }
0x2e: {  	s15 =	smov.u32 s9;
	s16 =	sshra.s32 @!p0 s9, $0x1F;
	p1 =	por !p1, p0  }
0x2f: {  	s16 =	sand.u32 @!p0 s16, s9;
	s15 =	simm.s32 @p1 $0x18620;
	s14 =	sshrl.u32 @!p0 s14, $0x9  }
0x30: {  	s15 =	ssub.s32 @!p0 s15, s16;
	s14 =	smul.u32 @!p0 $0x186A0, s14  }
0x31: {  	s16 =	sxor.u32 @!p0 $0xFFFFFFFF, s11;
	s15 =	sadd.s32 @!p0 $0xFFFE79E0, s15  }
0x32: {  	s16 =	sshll.u32 @!p0 s16, $0xE;
	s13 =	ssub.s32 @!p0 s13, s14;
	s14 =	sshll.u32 @!p0 s15, $0x9  }
0x33: {  	s16 =	sand.u32 @!p0 $0x4000, s16;
	p1 =	sgt.s32 @!p0 s15, $0x7F;
	s14 =	ssub.s32 @!p0 $0x10000, s14  }
0x34: {  	p1 =	por !p1, p0;
	s13 =	sshll.u32 @!p0 s13, $0x4;
	s14 =	sshrl.u32 @!p0 s14, $0x2  }
0x35: {  	s15 =	simm.s32 @!p0 $0x0;
	s13 =	sadd.s32 @!p0 s4, s13;
	s14 =	simm.s32 @!p1 $0x0  }
0x36: {  	[tilespmem:s16], [sflag:$0x1] =	stream.linear.gather @!p0 [hbm4b:s13+s15], s14, $0x38;
	[tilespmem:$0x10100] =	vst v63  }
0x37: {  	p0 =	seq.s32 s11, $0x0  }
0x38: {  	p1 =	sge.u32 @!p0 s11, s7  }
0x39: {  	p0 =	por p0, p1  }
.Ltmp2:
0x3a: {  	_ = 	snop;
	(pc) =	sbr.rel @p0 .LBB1_7-.Ltmp2, $1  }
0x3b: {  	_ =	sdelay $0x3  }
0x3c: {  	s13 =	ssub.s32 $0x0, s10  }
0x3d: {  	s14 =	sshra.s32 s10, $0x1F;
	p0 =	sgt.s32 s10, $0x18620;
	s15 =	smov.u32 s10  }
0x3e: {  	s13 =	sand.u32 s13, s14;
	s15 =	simm.s32 @!p0 $0x18620  }
0x3f: {  	s14 =	sadd.s32 s13, s15  }
0x40: {  	s17 =	sadd.s32 $0x80, s10;
	s14 =	sadd.s32 $0xFFFE79E0, s14  }
0x41: {  	p1 =	slt.s32 s17, $0x186A0;
	s31 =	sshll.u32 s14, $0x9  }
0x42: {  	s17 =	simm.s32 @!p1 $0x186A0;
	s15 =	ssub.s32 $0x10000, s31  }
0x43: {  	p0 =	sgt.s32 s14, $0x7F;
	s14 =	sshrl.u32 s15, $0x2;
	s15 =	ssub.s32 s17, s10  }
0x44: {  	s14 =	simm.s32 @p0 $0x0;
	p0 =	slt.s32 s15, $0x1  }
.Ltmp3:
0x45: {  	_ = 	snop;
	(pc) =	sbr.rel @p0 .LBB1_6-.Ltmp3, $4  }
0x46: {  	s16 =	sand.u32 $0x1, s11  }
0x47: {  	s18 =	smul.u32 $0x4080, s16;
	_ =	swait.ge [sflag:s5], s14  }
0x48: {  	s14 =	ssub.s32 $0x0, s14;
	[sflag:s5] =	ssyncset.done $0x0  }
0x49: {  	[sflag:s5] =	ssyncadd.s32 s14;
	s14 =	sor.u32 $0x8000, s18  }
0x4a: {  	s17 =	sshll.u32 s16, $0xE  }
0x4b: {  	v0 =	vmov s17  }
0x4c: {  	s16 =	simm.s32 $0x0;
	s18 =	simm.s32 $0x0;
	p0 =	sne.s32 s15, $0x1  }
0x4d: {  	s20 =	simm.s32 $0x10;
	s22 =	simm.s32 $0x20;
	s23 =	simm.s32 $0x30  }
0x4e: {  	s24 =	simm.s32 $0x50;
	s17 =	simm.s32 $0x1;
	s18 =	sand.u32 $0x78, s18  }
0x4f: {  	s19 =	sand.u32 $0x3F80, s16;
	s21 =	sxor.u32 $0x40, s18;
	s18 =	smul.u32 $0x204, s18  }
0x50: {  	s20 =	sand.u32 $0x78, s20;
	s22 =	sand.u32 $0x78, s22;
	s21 =	smul.u32 $0x204, s21;
	v1 =	vld.idx.msk [tilespmem:v0+s19+$0x40 ss:$0x1], $0xffff  }
0x51: {  	s23 =	sand.u32 $0x78, s23;
	s24 =	sand.u32 $0x78, s24;
	s20 =	smul.u32 $0x204, s20;
	v2 =	vld.idx.msk [tilespmem:v0+s19+$0x0 ss:$0x1], $0xffff  }
0x52: {  	s25 =	sand.u32 $0x7F, s16;
	s22 =	smul.u32 $0x204, s22;
	s21 =	sshrl.u32 s21, $0x2  }
0x53: {  	s23 =	smul.u32 $0x204, s23;
	s18 =	sshrl.u32 s18, $0x2;
	v3 =	vld.idx.msk [tilespmem:v0+s19+$0x10 ss:$0x1], $0xffff;
	s21 =	sadd.s32 s21, s14  }
0x54: {  	s24 =	smul.u32 $0x204, s24;
	s18 =	sadd.s32 s18, s14;
	v4 =	vld.idx.msk [tilespmem:v0+s19+$0x20 ss:$0x1], $0xffff;
	s21 =	sadd.s32 s25, s21  }
.Ltmp4:
0x55: {  	s20 =	sshrl.u32 s20, $0x2;
	s18 =	sadd.s32 s25, s18;
	[tilespmem:s21+$0x0 ss:$0x81] =	vst.msk $0xffff, v1;
	v1 =	vld.idx.msk [tilespmem:v0+s19+$0x30 ss:$0x1], $0xffff;
	(pc) =	sbr.rel @!p0 .LBB1_5-.Ltmp4, $4  }
0x56: {  	s22 =	sshrl.u32 s22, $0x2;
	s27 =	sshrl.u32 s23, $0x2;
	s20 =	sadd.s32 s20, s14;
	[tilespmem:s18+$0x0 ss:$0x81] =	vst.msk $0xffff, v2;
	v2 =	vld.idx.msk [tilespmem:v0+s19+$0x50 ss:$0x1], $0xffff  }
0x57: {  	s29 =	sshrl.u32 s24, $0x2;
	s26 =	sadd.s32 s22, s14;
	s28 =	sadd.s32 s25, s20  }
0x58: {  	s22 =	sadd.s32 s27, s14;
	s31 =	sadd.s32 s29, s14;
	s30 =	sadd.s32 s25, s26;
	[tilespmem:s28+$0x0 ss:$0x81] =	vst.msk $0xffff, v3  }
0x59: {  	s20 =	sadd.s32 s25, s22;
	[tilespmem:s30+$0x0 ss:$0x81] =	vst.msk $0xffff, v4;
	s19 =	sadd.s32 s25, s31;
	s18 =	simm.s32 $0x2808  }
.LBB1_4:
0x5a: {  	s21 =	sadd.s32 $0xFFFFD800, s18;
	s22 =	sadd.s32 $0xFFFFE000, s18;
	[tilespmem:s20+$0x0 ss:$0x81] =	vst.msk $0xffff, v1;
	s20 =	smov.u32 s17  }
0x5b: {  	s17 =	sadd.s32 $0x1, s17;
	s16 =	sadd.s32 $0x80, s16;
	s23 =	sadd.s32 $0xFFFFE800, s18  }
0x5c: {  	s24 =	sadd.s32 $0xFFFFF000, s18;
	s21 =	sshrl.u32 s21, $0x7;
	p0 =	sne.s32 s15, s17;
	[tilespmem:s19+$0x0 ss:$0x81] =	vst.msk $0xffff, v2  }
0x5d: {  	s26 =	sshrl.u32 s18, $0x7;
	s19 =	sand.u32 $0x3F80, s16;
	s21 =	sand.u32 $0x78, s21  }
0x5e: {  	s22 =	sshrl.u32 s22, $0x7;
	s23 =	sshrl.u32 s23, $0x7;
	v3 =	vld.idx.msk [tilespmem:v0+s19+$0x40 ss:$0x1], $0xffff;
	s25 =	sxor.u32 $0x40, s21  }
0x5f: {  	s24 =	sshrl.u32 s24, $0x7;
	s26 =	sand.u32 $0x78, s26;
	v4 =	vld.idx.msk [tilespmem:v0+s19+$0x0 ss:$0x1], $0xffff;
	s25 =	smul.u32 $0x204, s25  }
0x60: {  	s27 =	sand.u32 $0x7F, s20;
	s22 =	sand.u32 $0x78, s22;
	s23 =	sand.u32 $0x78, s23;
	v5 =	vld.idx.msk [tilespmem:v0+s19+$0x10 ss:$0x1], $0xffff  }
0x61: {  	s24 =	sand.u32 $0x78, s24;
	s20 =	smul.u32 $0x204, s21;
	v6 =	vld.idx.msk [tilespmem:v0+s19+$0x20 ss:$0x1], $0xffff;
	s25 =	sshrl.u32 s25, $0x2  }
0x62: {  	s22 =	smul.u32 $0x204, s22;
	v1 =	vld.idx.msk [tilespmem:v0+s19+$0x30 ss:$0x1], $0xffff;
	s21 =	sadd.s32 s25, s14  }
0x63: {  	s21 =	sadd.s32 s27, s21;
	v2 =	vld.idx.msk [tilespmem:v0+s19+$0x50 ss:$0x1], $0xffff;
	s19 =	sshrl.u32 s20, $0x2;
	s20 =	smul.u32 $0x204, s23  }
0x64: {  	s23 =	smul.u32 $0x204, s26;
	[tilespmem:s21+$0x0 ss:$0x81] =	vst.msk $0xffff, v3  }
0x65: {  	s19 =	sadd.s32 s19, s14;
	s21 =	sshrl.u32 s22, $0x2;
	s22 =	smul.u32 $0x204, s24  }
.Ltmp5:
0x66: {  	s21 =	sadd.s32 s21, s14;
	s20 =	sshrl.u32 s20, $0x2;
	(pc) =	sbr.rel @p0 .LBB1_4-.Ltmp5, $4  }
0x67: {  	s19 =	sadd.s32 s27, s19;
	s20 =	sadd.s32 s20, s14;
	s22 =	sshrl.u32 s22, $0x2  }
0x68: {  	[tilespmem:s19+$0x0 ss:$0x81] =	vst.msk $0xffff, v4;
	s19 =	sadd.s32 s27, s21;
	s21 =	sadd.s32 s22, s14;
	s22 =	sshrl.u32 s23, $0x2  }
0x69: {  	[tilespmem:s19+$0x0 ss:$0x81] =	vst.msk $0xffff, v5;
	s19 =	sadd.s32 s27, s20;
	s20 =	sadd.s32 s27, s21;
	s21 =	sadd.s32 s22, s14  }
0x6a: {  	s18 =	sadd.s32 $0x8, s18;
	[tilespmem:s19+$0x0 ss:$0x81] =	vst.msk $0xffff, v6;
	s19 =	sadd.s32 s27, s21  }
.Ltmp6:
0x6b: {  	_ = 	snop;
	(pc) =	sbr.rel .LBB1_5-.Ltmp6, $1  }
0x6c: {  	_ =	sdelay $0x3  }
.LBB1_8:
0x6d: {  	_ =	sfence.sel $0x180000  }
0x6e: {  	s2 =	simm.s32 $0x1;
	[bflag:$0x0] =	sbarrier.arrive $0xFFFF  }
0x6f: {  	s31 =	simm.s32 $0x2;
	[sflag:s2] =	ssyncpa.u1 $0x1  }
0x70: {  	[sflag:s31] =	ssyncpa.u1 $0x1  }
0x71: {  	p0 =	sne.s32 s1, $0x0;
	_ =	strace $0x90000053  }
0x72: {  	s0 =	sadd.s32 @!p0 $0x100000, s0;
	[bflag:$0x2] =	sbarrier.arrive $0xFFFF  }
0x73: {  	[sflag:s0] =	ssyncadd.tile.s32 @!p0 $0x1;
	_ =	shalt  }
.Lfunc_end1:
_tile_overlayer_lowered:
.L_overlay_start_2:
0x74: {  	(tag) =	ssettag $0x2  }
0x75: {  	s0 =	rddreg [dreg:$0x0];
	s2 =	stileid.u32  }
0x76: {  	s1 =	rddreg [dreg:$0x1];
	p0 =	sne.s32 s2, $0x0  }
0x77: {  	s3 =	rddreg [dreg:$0x2];
	[bflag:$0x3] =	sbarrier.arrive $0xFFFF;
	s2 =	simm.s32 @!p0 $0x1C01  }
0x78: {  	[timem:s3], [sflag:s2] =	dma.local @!p0 [hbm:s0], s1  }
0x79: {  	s0 =	simm.s32 @!p0 $0x1  }
0x7a: {  	_ =	swait.ge @!p0 [sflag:s0], s1  }
0x7b: {  	s1 =	ssub.s32 @!p0 $0x0, s1;
	[sflag:s0] =	ssyncset.done @!p0 $0x0  }
0x7c: {  	[sflag:s0] =	ssyncadd.s32 @!p0 s1  }
0x7d: {  	[bflag:$0x3] =	sbarrier.arrive $0xFFFF  }
0x7e: {  	_ =	shalt  }

</sc_bundles>
